<compile_context>
chip_gen: v7x
topology: tpu7x:2x2x1
jax: 0.10.2.dev20260603
libtpu: 0.0.44.dev20260713+nightly
codegen_flags: <defaults>
</compile_context>

<pallas_src>
import functools

import jax
import jax.numpy as jnp
from jax import lax
from jax.experimental import pallas as pl
from jax.experimental.pallas import tpu as pltpu
from jax.experimental.pallas import tpu_sc as plsc

_B, _D, _H, _A = 16384, 500, 500, 8
_BT = 1024
_NC, _NS, _L = 2, 16, 16
_NW = _NC * _NS
_RPW = _B // _NW


def _dense_body(xt_ref, w1_ref, b1_ref, w2t_ref, b2_ref, pdf_ref):
    xt = xt_ref[...]
    ht = jax.lax.dot_general(
        w1_ref[...], xt, (((0,), (0,)), ((), ())),
        preferred_element_type=jnp.float32)
    ht = jnp.maximum(ht + b1_ref[...], 0.0)
    zt = jnp.dot(w2t_ref[...], ht,
                 preferred_element_type=jnp.float32)
    zt = zt + b2_ref[...]
    m = jnp.max(zt, axis=0, keepdims=True)
    e = jnp.exp(zt - m)
    prob = e / jnp.sum(e, axis=0, keepdims=True)
    logits = jnp.log(prob + 1e-20)
    m2 = jnp.max(logits, axis=0, keepdims=True)
    pdf_ref[...] = jnp.exp(logits - m2)


_sc_mesh = plsc.VectorSubcoreMesh(core_axis_name="c", subcore_axis_name="s")


@functools.partial(
    pl.kernel,
    mesh=_sc_mesh,
    out_type=jax.ShapeDtypeStruct((_B,), jnp.int32),
    scratch_types=[
        pltpu.VMEM((_A, _RPW), jnp.float32),
        pltpu.VMEM((_RPW,), jnp.float32),
        pltpu.VMEM((_RPW,), jnp.int32),
    ],
)
def _sample_sc(pdf_hbm, ut_hbm, out_hbm, pdf_v, u_v, out_v):
    wid = lax.axis_index("s") * _NC + lax.axis_index("c")
    base = wid * _RPW
    for a in range(_A):
        pltpu.sync_copy(pdf_hbm.at[a, pl.ds(base, _RPW)], pdf_v.at[a])
    pltpu.sync_copy(ut_hbm.at[0, pl.ds(base, _RPW)], u_v)
    for j in range(_RPW // _L):
        sl = pl.ds(j * _L, _L)
        run = pdf_v[0, sl]
        cdfs = [run]
        for a in range(1, _A):
            run = run + pdf_v[a, sl]
            cdfs.append(run)
        us = u_v[sl] * run
        cnt = jnp.where(cdfs[0] <= us, 1.0, 0.0)
        for a in range(1, _A):
            cnt = cnt + jnp.where(cdfs[a] <= us, 1.0, 0.0)
        out_v[sl] = cnt.astype(jnp.int32)
    pltpu.sync_copy(out_v, out_hbm.at[pl.ds(base, _RPW)])


def kernel(inputs, u, W1, b1, W2, b2):
    xt = inputs.T
    ut = u.T
    w2t = W2.T
    b1r = b1.reshape(_H, 1)
    b2r = b2.reshape(_A, 1)
    grid = (_B // _BT,)
    pdf = pl.pallas_call(
        _dense_body,
        grid=grid,
        in_specs=[
            pl.BlockSpec((_D, _BT), lambda i: (0, i)),
            pl.BlockSpec((_D, _H), lambda i: (0, 0)),
            pl.BlockSpec((_H, 1), lambda i: (0, 0)),
            pl.BlockSpec((_A, _D), lambda i: (0, 0)),
            pl.BlockSpec((_A, 1), lambda i: (0, 0)),
        ],
        out_specs=pl.BlockSpec((_A, _BT), lambda i: (0, i)),
        out_shape=jax.ShapeDtypeStruct((_A, _B), jnp.float32),
    )(xt, W1, b1r, w2t, b2r)
    samples = _sample_sc(pdf, ut)
    return samples.astype(jnp.int64)

# --- scband reference (transcript-rebuilt; emitter-appended) ---
"""Pipeline reference for scband-my-model-87522843560705 (READ-ONLY COPY).

The authoritative reference and input builder live on the scoring server;
editing this copy changes nothing except your own understanding.
"""

import jax, jax.numpy as jnp
import numpy as np

B = 16384
D = 500
H = 500
A = 8

def setup_inputs(seed: int = 0) -> dict:
    key = jax.random.key(seed)
    k1, k2, k3, k4 = jax.random.split(key, 4)
    x = jax.random.normal(k1, (B, D), dtype=jnp.float32)
    # explicit uniform randomness input replacing tf.random.uniform inside categorical()
    u = jax.random.uniform(k2, (B, 1), dtype=jnp.float32)
    W1 = jax.random.normal(k3, (D, H), dtype=jnp.float32) * (1.0 / np.sqrt(D))
    b1 = jnp.zeros((H,), dtype=jnp.float32)
    W2 = jax.random.normal(k4, (H, A), dtype=jnp.float32) * (1.0 / np.sqrt(H))
    b2 = jnp.zeros((A,), dtype=jnp.float32)
    return {"inputs": x, "u": u, "W1": W1, "b1": b1, "W2": W2, "b2": b2}

def reference(inputs, u, W1, b1, W2, b2):
    # dense1: relu
    h = jax.nn.relu(inputs @ W1 + b1)
    # dense2: softmax
    prob = jax.nn.softmax(h @ W2 + b2, axis=-1)
    logits = jnp.log(prob + 1e-20)
    # inverse-CDF categorical sampling (faithful to the custom sampler)
    max_logit = jnp.max(logits, axis=1, keepdims=True)
    shifted = logits - max_logit
    pdf = jnp.exp(shifted)
    cdf = jnp.cumsum(pdf, axis=1)
    cdf_last = cdf[:, -1:]
    u_scaled = u * cdf_last
    samples = jax.vmap(lambda c, uu: jnp.searchsorted(c, uu, side='right'))(cdf, u_scaled)
    samples = samples[:, 0].astype(jnp.int64)
    return samples

if __name__ == "__main__":
    import jax
    _d = setup_inputs()
    print(jax.jit(kernel)(*tuple(_d.values())))

</pallas_src>

<mosaic_0001>
#map = affine_map<(d0, d1) -> (0, 0)>
#map1 = affine_map<(d0, d1) -> (0)>
module attributes {stable_mosaic.version = 14 : i64} {
  func.func @_sample_sc(%arg0: i32, %arg1: i32, %arg2: memref<8x16384xf32, #tpu.memory_space<hbm>>, %arg3: memref<1x16384xf32, #tpu.memory_space<hbm>>, %arg4: memref<16384xi32, #tpu.memory_space<hbm>>, %arg5: memref<8x512xf32, #tpu.memory_space<vmem>>, %arg6: memref<512xf32, #tpu.memory_space<vmem>>, %arg7: memref<512xi32, #tpu.memory_space<vmem>>) attributes {dimension_semantics = [#tpu.dimension_semantics<core_parallel>, #tpu.dimension_semantics<subcore_parallel>], iteration_bounds = array<i64: 2, 16>, scalar_prefetch = 0 : i64, scratch_operands = 3 : i64, tpu.core_type = #tpu.core_type<sc_vector_subcore>, window_params = [{transform_indices = #map}, {transform_indices = #map}, {transform_indices = #map1}]} {
    %mul3A = arith.constant 2 : i32
    %mul3A_0 = arith.muli %arg1, %mul3A : i32
    %add3A = arith.addi %mul3A_0, %arg0 : i32
    %mul3A_1 = arith.constant 512 : i32
    %mul3A_2 = arith.muli %add3A, %mul3A_1 : i32
    %run_scoped3A = arith.constant 0 : i32
    %run_scoped3A_3 = arith.constant 0 : i32
    "tpu.region"() ({
      %run_scoped3A_3564 = tpu.sem_alloc : memref<!tpu.dma_semaphore, #tpu.memory_space<semaphore_mem>>
      %dma_start3A = arith.constant 0 : i32
      %dma_start3A_3565 = tpu.memref_slice %arg5[%run_scoped3A_3, %dma_start3A] : memref<8x512xf32, #tpu.memory_space<vmem>> -> memref<1x512xf32, #tpu.memory_space<vmem>>
      %dma_start3A_3566 = tpu.memref_squeeze %dma_start3A_3565 : memref<1x512xf32, #tpu.memory_space<vmem>> -> memref<512xf32, #tpu.memory_space<vmem>>
      %dma_start3A_3567 = tpu.memref_slice %arg2[%run_scoped3A, %mul3A_2] : memref<8x16384xf32, #tpu.memory_space<hbm>> -> memref<1x512xf32, #tpu.memory_space<hbm>>
      %dma_start3A_3568 = tpu.memref_squeeze %dma_start3A_3567 : memref<1x512xf32, #tpu.memory_space<hbm>> -> memref<512xf32, #tpu.memory_space<hbm>>
      %dma_start3A_3569 = arith.constant 0 : i32
      %dma_start3A_3570 = tpu.memref_slice %arg5[%run_scoped3A_3, %dma_start3A_3569] : memref<8x512xf32, #tpu.memory_space<vmem>> -> memref<1x512xf32, #tpu.memory_space<vmem>>
      %dma_start3A_3571 = tpu.memref_squeeze %dma_start3A_3570 : memref<1x512xf32, #tpu.memory_space<vmem>> -> memref<512xf32, #tpu.memory_space<vmem>>
      %dma_start3A_3572 = tpu.memref_slice %arg2[%run_scoped3A, %mul3A_2] : memref<8x16384xf32, #tpu.memory_space<hbm>> -> memref<1x512xf32, #tpu.memory_space<hbm>>
      %dma_start3A_3573 = tpu.memref_squeeze %dma_start3A_3572 : memref<1x512xf32, #tpu.memory_space<hbm>> -> memref<512xf32, #tpu.memory_space<hbm>>
      tpu.enqueue_dma source(%dma_start3A_3573 : memref<512xf32, #tpu.memory_space<hbm>>) target(%dma_start3A_3571 : memref<512xf32, #tpu.memory_space<vmem>>) target_semaphore(%run_scoped3A_3564 : memref<!tpu.dma_semaphore, #tpu.memory_space<semaphore_mem>>)
      %dma_wait3A = arith.constant 0 : i32
      %dma_wait3A_3574 = tpu.memref_slice %arg5[%run_scoped3A_3, %dma_wait3A] : memref<8x512xf32, #tpu.memory_space<vmem>> -> memref<1x512xf32, #tpu.memory_space<vmem>>
      %dma_wait3A_3575 = tpu.memref_squeeze %dma_wait3A_3574 : memref<1x512xf32, #tpu.memory_space<vmem>> -> memref<512xf32, #tpu.memory_space<vmem>>
      %dma_wait3A_3576 = tpu.memref_slice %arg2[%run_scoped3A, %mul3A_2] : memref<8x16384xf32, #tpu.memory_space<hbm>> -> memref<1x512xf32, #tpu.memory_space<hbm>>
      %dma_wait3A_3577 = tpu.memref_squeeze %dma_wait3A_3576 : memref<1x512xf32, #tpu.memory_space<hbm>> -> memref<512xf32, #tpu.memory_space<hbm>>
      %dma_wait3A_3578 = arith.constant 0 : i32
      %dma_wait3A_3579 = tpu.memref_slice %arg5[%run_scoped3A_3, %dma_wait3A_3578] : memref<8x512xf32, #tpu.memory_space<vmem>> -> memref<1x512xf32, #tpu.memory_space<vmem>>
      %dma_wait3A_3580 = tpu.memref_squeeze %dma_wait3A_3579 : memref<1x512xf32, #tpu.memory_space<vmem>> -> memref<512xf32, #tpu.memory_space<vmem>>
      %dma_wait3A_3581 = tpu.memref_slice %arg2[%run_scoped3A, %mul3A_2] : memref<8x16384xf32, #tpu.memory_space<hbm>> -> memref<1x512xf32, #tpu.memory_space<hbm>>
      %dma_wait3A_3582 = tpu.memref_squeeze %dma_wait3A_3581 : memref<1x512xf32, #tpu.memory_space<hbm>> -> memref<512xf32, #tpu.memory_space<hbm>>
      tpu.wait_dma2 semaphore(%run_scoped3A_3564 : memref<!tpu.dma_semaphore, #tpu.memory_space<semaphore_mem>>) src(%dma_wait3A_3582 : memref<512xf32, #tpu.memory_space<hbm>>) dst(%dma_wait3A_3580 : memref<512xf32, #tpu.memory_space<vmem>>)
      tpu.yield
    }) : () -> ()
    %run_scoped3A_4 = arith.constant 1 : i32
    %run_scoped3A_5 = arith.constant 1 : i32
    "tpu.region"() ({
      %run_scoped3A_3564 = tpu.sem_alloc : memref<!tpu.dma_semaphore, #tpu.memory_space<semaphore_mem>>
      %dma_start3A = arith.constant 0 : i32
      %dma_start3A_3565 = tpu.memref_slice %arg5[%run_scoped3A_5, %dma_start3A] : memref<8x512xf32, #tpu.memory_space<vmem>> -> memref<1x512xf32, #tpu.memory_space<vmem>>
      %dma_start3A_3566 = tpu.memref_squeeze %dma_start3A_3565 : memref<1x512xf32, #tpu.memory_space<vmem>> -> memref<512xf32, #tpu.memory_space<vmem>>
      %dma_start3A_3567 = tpu.memref_slice %arg2[%run_scoped3A_4, %mul3A_2] : memref<8x16384xf32, #tpu.memory_space<hbm>> -> memref<1x512xf32, #tpu.memory_space<hbm>>
      %dma_start3A_3568 = tpu.memref_squeeze %dma_start3A_3567 : memref<1x512xf32, #tpu.memory_space<hbm>> -> memref<512xf32, #tpu.memory_space<hbm>>
      %dma_start3A_3569 = arith.constant 0 : i32
      %dma_start3A_3570 = tpu.memref_slice %arg5[%run_scoped3A_5, %dma_start3A_3569] : memref<8x512xf32, #tpu.memory_space<vmem>> -> memref<1x512xf32, #tpu.memory_space<vmem>>
      %dma_start3A_3571 = tpu.memref_squeeze %dma_start3A_3570 : memref<1x512xf32, #tpu.memory_space<vmem>> -> memref<512xf32, #tpu.memory_space<vmem>>
      %dma_start3A_3572 = tpu.memref_slice %arg2[%run_scoped3A_4, %mul3A_2] : memref<8x16384xf32, #tpu.memory_space<hbm>> -> memref<1x512xf32, #tpu.memory_space<hbm>>
      %dma_start3A_3573 = tpu.memref_squeeze %dma_start3A_3572 : memref<1x512xf32, #tpu.memory_space<hbm>> -> memref<512xf32, #tpu.memory_space<hbm>>
      tpu.enqueue_dma source(%dma_start3A_3573 : memref<512xf32, #tpu.memory_space<hbm>>) target(%dma_start3A_3571 : memref<512xf32, #tpu.memory_space<vmem>>) target_semaphore(%run_scoped3A_3564 : memref<!tpu.dma_semaphore, #tpu.memory_space<semaphore_mem>>)
      %dma_wait3A = arith.constant 0 : i32
      %dma_wait3A_3574 = tpu.memref_slice %arg5[%run_scoped3A_5, %dma_wait3A] : memref<8x512xf32, #tpu.memory_space<vmem>> -> memref<1x512xf32, #tpu.memory_space<vmem>>
      %dma_wait3A_3575 = tpu.memref_squeeze %dma_wait3A_3574 : memref<1x512xf32, #tpu.memory_space<vmem>> -> memref<512xf32, #tpu.memory_space<vmem>>
      %dma_wait3A_3576 = tpu.memref_slice %arg2[%run_scoped3A_4, %mul3A_2] : memref<8x16384xf32, #tpu.memory_space<hbm>> -> memref<1x512xf32, #tpu.memory_space<hbm>>
      %dma_wait3A_3577 = tpu.memref_squeeze %dma_wait3A_3576 : memref<1x512xf32, #tpu.memory_space<hbm>> -> memref<512xf32, #tpu.memory_space<hbm>>
      %dma_wait3A_3578 = arith.constant 0 : i32
      %dma_wait3A_3579 = tpu.memref_slice %arg5[%run_scoped3A_5, %dma_wait3A_3578] : memref<8x512xf32, #tpu.memory_space<vmem>> -> memref<1x512xf32, #tpu.memory_space<vmem>>
      %dma_wait3A_3580 = tpu.memref_squeeze %dma_wait3A_3579 : memref<1x512xf32, #tpu.memory_space<vmem>> -> memref<512xf32, #tpu.memory_space<vmem>>
      %dma_wait3A_3581 = tpu.memref_slice %arg2[%run_scoped3A_4, %mul3A_2] : memref<8x16384xf32, #tpu.memory_space<hbm>> -> memref<1x512xf32, #tpu.memory_space<hbm>>
      %dma_wait3A_3582 = tpu.memref_squeeze %dma_wait3A_3581 : memref<1x512xf32, #tpu.memory_space<hbm>> -> memref<512xf32, #tpu.memory_space<hbm>>
      tpu.wait_dma2 semaphore(%run_scoped3A_3564 : memref<!tpu.dma_semaphore, #tpu.memory_space<semaphore_mem>>) src(%dma_wait3A_3582 : memref<512xf32, #tpu.memory_space<hbm>>) dst(%dma_wait3A_3580 : memref<512xf32, #tpu.memory_space<vmem>>)
      tpu.yield
    }) : () -> ()
    %run_scoped3A_6 = arith.constant 2 : i32
    %run_scoped3A_7 = arith.constant 2 : i32
    "tpu.region"() ({
      %run_scoped3A_3564 = tpu.sem_alloc : memref<!tpu.dma_semaphore, #tpu.memory_space<semaphore_mem>>
      %dma_start3A = arith.constant 0 : i32
      %dma_start3A_3565 = tpu.memref_slice %arg5[%run_scoped3A_7, %dma_start3A] : memref<8x512xf32, #tpu.memory_space<vmem>> -> memref<1x512xf32, #tpu.memory_space<vmem>>
      %dma_start3A_3566 = tpu.memref_squeeze %dma_start3A_3565 : memref<1x512xf32, #tpu.memory_space<vmem>> -> memref<512xf32, #tpu.memory_space<vmem>>
      %dma_start3A_3567 = tpu.memref_slice %arg2[%run_scoped3A_6, %mul3A_2] : memref<8x16384xf32, #tpu.memory_space<hbm>> -> memref<1x512xf32, #tpu.memory_space<hbm>>
      %dma_start3A_3568 = tpu.memref_squeeze %dma_start3A_3567 : memref<1x512xf32, #tpu.memory_space<hbm>> -> memref<512xf32, #tpu.memory_space<hbm>>
      %dma_start3A_3569 = arith.constant 0 : i32
      %dma_start3A_3570 = tpu.memref_slice %arg5[%run_scoped3A_7, %dma_start3A_3569] : memref<8x512xf32, #tpu.memory_space<vmem>> -> memref<1x512xf32, #tpu.memory_space<vmem>>
      %dma_start3A_3571 = tpu.memref_squeeze %dma_start3A_3570 : memref<1x512xf32, #tpu.memory_space<vmem>> -> memref<512xf32, #tpu.memory_space<vmem>>
      %dma_start3A_3572 = tpu.memref_slice %arg2[%run_scoped3A_6, %mul3A_2] : memref<8x16384xf32, #tpu.memory_space<hbm>> -> memref<1x512xf32, #tpu.memory_space<hbm>>
      %dma_start3A_3573 = tpu.memref_squeeze %dma_start3A_3572 : memref<1x512xf32, #tpu.memory_space<hbm>> -> memref<512xf32, #tpu.memory_space<hbm>>
      tpu.enqueue_dma source(%dma_start3A_3573 : memref<512xf32, #tpu.memory_space<hbm>>) target(%dma_start3A_3571 : memref<512xf32, #tpu.memory_space<vmem>>) target_semaphore(%run_scoped3A_3564 : memref<!tpu.dma_semaphore, #tpu.memory_space<semaphore_mem>>)
      %dma_wait3A = arith.constant 0 : i32
      %dma_wait3A_3574 = tpu.memref_slice %arg5[%run_scoped3A_7, %dma_wait3A] : memref<8x512xf32, #tpu.memory_space<vmem>> -> memref<1x512xf32, #tpu.memory_space<vmem>>
      %dma_wait3A_3575 = tpu.memref_squeeze %dma_wait3A_3574 : memref<1x512xf32, #tpu.memory_space<vmem>> -> memref<512xf32, #tpu.memory_space<vmem>>
      %dma_wait3A_3576 = tpu.memref_slice %arg2[%run_scoped3A_6, %mul3A_2] : memref<8x16384xf32, #tpu.memory_space<hbm>> -> memref<1x512xf32, #tpu.memory_space<hbm>>
      %dma_wait3A_3577 = tpu.memref_squeeze %dma_wait3A_3576 : memref<1x512xf32, #tpu.memory_space<hbm>> -> memref<512xf32, #tpu.memory_space<hbm>>
      %dma_wait3A_3578 = arith.constant 0 : i32
      %dma_wait3A_3579 = tpu.memref_slice %arg5[%run_scoped3A_7, %dma_wait3A_3578] : memref<8x512xf32, #tpu.memory_space<vmem>> -> memref<1x512xf32, #tpu.memory_space<vmem>>
      %dma_wait3A_3580 = tpu.memref_squeeze %dma_wait3A_3579 : memref<1x512xf32, #tpu.memory_space<vmem>> -> memref<512xf32, #tpu.memory_space<vmem>>
      %dma_wait3A_3581 = tpu.memref_slice %arg2[%run_scoped3A_6, %mul3A_2] : memref<8x16384xf32, #tpu.memory_space<hbm>> -> memref<1x512xf32, #tpu.memory_space<hbm>>
      %dma_wait3A_3582 = tpu.memref_squeeze %dma_wait3A_3581 : memref<1x512xf32, #tpu.memory_space<hbm>> -> memref<512xf32, #tpu.memory_space<hbm>>
      tpu.wait_dma2 semaphore(%run_scoped3A_3564 : memref<!tpu.dma_semaphore, #tpu.memory_space<semaphore_mem>>) src(%dma_wait3A_3582 : memref<512xf32, #tpu.memory_space<hbm>>) dst(%dma_wait3A_3580 : memref<512xf32, #tpu.memory_space<vmem>>)
      tpu.yield
    }) : () -> ()
    %run_scoped3A_8 = arith.constant 3 : i32
    %run_scoped3A_9 = arith.constant 3 : i32
    "tpu.region"() ({
      %run_scoped3A_3564 = tpu.sem_alloc : memref<!tpu.dma_semaphore, #tpu.memory_space<semaphore_mem>>
      %dma_start3A = arith.constant 0 : i32
      %dma_start3A_3565 = tpu.memref_slice %arg5[%run_scoped3A_9, %dma_start3A] : memref<8x512xf32, #tpu.memory_space<vmem>> -> memref<1x512xf32, #tpu.memory_space<vmem>>
      %dma_start3A_3566 = tpu.memref_squeeze %dma_start3A_3565 : memref<1x512xf32, #tpu.memory_space<vmem>> -> memref<512xf32, #tpu.memory_space<vmem>>
      %dma_start3A_3567 = tpu.memref_slice %arg2[%run_scoped3A_8, %mul3A_2] : memref<8x16384xf32, #tpu.memory_space<hbm>> -> memref<1x512xf32, #tpu.memory_space<hbm>>
      %dma_start3A_3568 = tpu.memref_squeeze %dma_start3A_3567 : memref<1x512xf32, #tpu.memory_space<hbm>> -> memref<512xf32, #tpu.memory_space<hbm>>
      %dma_start3A_3569 = arith.constant 0 : i32
      %dma_start3A_3570 = tpu.memref_slice %arg5[%run_scoped3A_9, %dma_start3A_3569] : memref<8x512xf32, #tpu.memory_space<vmem>> -> memref<1x512xf32, #tpu.memory_space<vmem>>
      %dma_start3A_3571 = tpu.memref_squeeze %dma_start3A_3570 : memref<1x512xf32, #tpu.memory_space<vmem>> -> memref<512xf32, #tpu.memory_space<vmem>>
      %dma_start3A_3572 = tpu.memref_slice %arg2[%run_scoped3A_8, %mul3A_2] : memref<8x16384xf32, #tpu.memory_space<hbm>> -> memref<1x512xf32, #tpu.memory_space<hbm>>
      %dma_start3A_3573 = tpu.memref_squeeze %dma_start3A_3572 : memref<1x512xf32, #tpu.memory_space<hbm>> -> memref<512xf32, #tpu.memory_space<hbm>>
      tpu.enqueue_dma source(%dma_start3A_3573 : memref<512xf32, #tpu.memory_space<hbm>>) target(%dma_start3A_3571 : memref<512xf32, #tpu.memory_space<vmem>>) target_semaphore(%run_scoped3A_3564 : memref<!tpu.dma_semaphore, #tpu.memory_space<semaphore_mem>>)
      %dma_wait3A = arith.constant 0 : i32
      %dma_wait3A_3574 = tpu.memref_slice %arg5[%run_scoped3A_9, %dma_wait3A] : memref<8x512xf32, #tpu.memory_space<vmem>> -> memref<1x512xf32, #tpu.memory_space<vmem>>
      %dma_wait3A_3575 = tpu.memref_squeeze %dma_wait3A_3574 : memref<1x512xf32, #tpu.memory_space<vmem>> -> memref<512xf32, #tpu.memory_space<vmem>>
      %dma_wait3A_3576 = tpu.memref_slice %arg2[%run_scoped3A_8, %mul3A_2] : memref<8x16384xf32, #tpu.memory_space<hbm>> -> memref<1x512xf32, #tpu.memory_space<hbm>>
      %dma_wait3A_3577 = tpu.memref_squeeze %dma_wait3A_3576 : memref<1x512xf32, #tpu.memory_space<hbm>> -> memref<512xf32, #tpu.memory_space<hbm>>
      %dma_wait3A_3578 = arith.constant 0 : i32
      %dma_wait3A_3579 = tpu.memref_slice %arg5[%run_scoped3A_9, %dma_wait3A_3578] : memref<8x512xf32, #tpu.memory_space<vmem>> -> memref<1x512xf32, #tpu.memory_space<vmem>>
      %dma_wait3A_3580 = tpu.memref_squeeze %dma_wait3A_3579 : memref<1x512xf32, #tpu.memory_space<vmem>> -> memref<512xf32, #tpu.memory_space<vmem>>
      %dma_wait3A_3581 = tpu.memref_slice %arg2[%run_scoped3A_8, %mul3A_2] : memref<8x16384xf32, #tpu.memory_space<hbm>> -> memref<1x512xf32, #tpu.memory_space<hbm>>
      %dma_wait3A_3582 = tpu.memref_squeeze %dma_wait3A_3581 : memref<1x512xf32, #tpu.memory_space<hbm>> -> memref<512xf32, #tpu.memory_space<hbm>>
      tpu.wait_dma2 semaphore(%run_scoped3A_3564 : memref<!tpu.dma_semaphore, #tpu.memory_space<semaphore_mem>>) src(%dma_wait3A_3582 : memref<512xf32, #tpu.memory_space<hbm>>) dst(%dma_wait3A_3580 : memref<512xf32, #tpu.memory_space<vmem>>)
      tpu.yield
    }) : () -> ()
    %run_scoped3A_10 = arith.constant 4 : i32
    %run_scoped3A_11 = arith.constant 4 : i32
    "tpu.region"() ({
      %run_scoped3A_3564 = tpu.sem_alloc : memref<!tpu.dma_semaphore, #tpu.memory_space<semaphore_mem>>
      %dma_start3A = arith.constant 0 : i32
      %dma_start3A_3565 = tpu.memref_slice %arg5[%run_scoped3A_11, %dma_start3A] : memref<8x512xf32, #tpu.memory_space<vmem>> -> memref<1x512xf32, #tpu.memory_space<vmem>>
      %dma_start3A_3566 = tpu.memref_squeeze %dma_start3A_3565 : memref<1x512xf32, #tpu.memory_space<vmem>> -> memref<512xf32, #tpu.memory_space<vmem>>
      %dma_start3A_3567 = tpu.memref_slice %arg2[%run_scoped3A_10, %mul3A_2] : memref<8x16384xf32, #tpu.memory_space<hbm>> -> memref<1x512xf32, #tpu.memory_space<hbm>>
      %dma_start3A_3568 = tpu.memref_squeeze %dma_start3A_3567 : memref<1x512xf32, #tpu.memory_space<hbm>> -> memref<512xf32, #tpu.memory_space<hbm>>
      %dma_start3A_3569 = arith.constant 0 : i32
      %dma_start3A_3570 = tpu.memref_slice %arg5[%run_scoped3A_11, %dma_start3A_3569] : memref<8x512xf32, #tpu.memory_space<vmem>> -> memref<1x512xf32, #tpu.memory_space<vmem>>
      %dma_start3A_3571 = tpu.memref_squeeze %dma_start3A_3570 : memref<1x512xf32, #tpu.memory_space<vmem>> -> memref<512xf32, #tpu.memory_space<vmem>>
      %dma_start3A_3572 = tpu.memref_slice %arg2[%run_scoped3A_10, %mul3A_2] : memref<8x16384xf32, #tpu.memory_space<hbm>> -> memref<1x512xf32, #tpu.memory_space<hbm>>
      %dma_start3A_3573 = tpu.memref_squeeze %dma_start3A_3572 : memref<1x512xf32, #tpu.memory_space<hbm>> -> memref<512xf32, #tpu.memory_space<hbm>>
      tpu.enqueue_dma source(%dma_start3A_3573 : memref<512xf32, #tpu.memory_space<hbm>>) target(%dma_start3A_3571 : memref<512xf32, #tpu.memory_space<vmem>>) target_semaphore(%run_scoped3A_3564 : memref<!tpu.dma_semaphore, #tpu.memory_space<semaphore_mem>>)
      %dma_wait3A = arith.constant 0 : i32
      %dma_wait3A_3574 = tpu.memref_slice %arg5[%run_scoped3A_11, %dma_wait3A] : memref<8x512xf32, #tpu.memory_space<vmem>> -> memref<1x512xf32, #tpu.memory_space<vmem>>
      %dma_wait3A_3575 = tpu.memref_squeeze %dma_wait3A_3574 : memref<1x512xf32, #tpu.memory_space<vmem>> -> memref<512xf32, #tpu.memory_space<vmem>>
      %dma_wait3A_3576 = tpu.memref_slice %arg2[%run_scoped3A_10, %mul3A_2] : memref<8x16384xf32, #tpu.memory_space<hbm>> -> memref<1x512xf32, #tpu.memory_space<hbm>>
      %dma_wait3A_3577 = tpu.memref_squeeze %dma_wait3A_3576 : memref<1x512xf32, #tpu.memory_space<hbm>> -> memref<512xf32, #tpu.memory_space<hbm>>
      %dma_wait3A_3578 = arith.constant 0 : i32
      %dma_wait3A_3579 = tpu.memref_slice %arg5[%run_scoped3A_11, %dma_wait3A_3578] : memref<8x512xf32, #tpu.memory_space<vmem>> -> memref<1x512xf32, #tpu.memory_space<vmem>>
      %dma_wait3A_3580 = tpu.memref_squeeze %dma_wait3A_3579 : memref<1x512xf32, #tpu.memory_space<vmem>> -> memref<512xf32, #tpu.memory_space<vmem>>
      %dma_wait3A_3581 = tpu.memref_slice %arg2[%run_scoped3A_10, %mul3A_2] : memref<8x16384xf32, #tpu.memory_space<hbm>> -> memref<1x512xf32, #tpu.memory_space<hbm>>
      %dma_wait3A_3582 = tpu.memref_squeeze %dma_wait3A_3581 : memref<1x512xf32, #tpu.memory_space<hbm>> -> memref<512xf32, #tpu.memory_space<hbm>>
      tpu.wait_dma2 semaphore(%run_scoped3A_3564 : memref<!tpu.dma_semaphore, #tpu.memory_space<semaphore_mem>>) src(%dma_wait3A_3582 : memref<512xf32, #tpu.memory_space<hbm>>) dst(%dma_wait3A_3580 : memref<512xf32, #tpu.memory_space<vmem>>)
      tpu.yield
    }) : () -> ()
    %run_scoped3A_12 = arith.constant 5 : i32
    %run_scoped3A_13 = arith.constant 5 : i32
    "tpu.region"() ({
      %run_scoped3A_3564 = tpu.sem_alloc : memref<!tpu.dma_semaphore, #tpu.memory_space<semaphore_mem>>
      %dma_start3A = arith.constant 0 : i32
      %dma_start3A_3565 = tpu.memref_slice %arg5[%run_scoped3A_13, %dma_start3A] : memref<8x512xf32, #tpu.memory_space<vmem>> -> memref<1x512xf32, #tpu.memory_space<vmem>>
      %dma_start3A_3566 = tpu.memref_squeeze %dma_start3A_3565 : memref<1x512xf32, #tpu.memory_space<vmem>> -> memref<512xf32, #tpu.memory_space<vmem>>
      %dma_start3A_3567 = tpu.memref_slice %arg2[%run_scoped3A_12, %mul3A_2] : memref<8x16384xf32, #tpu.memory_space<hbm>> -> memref<1x512xf32, #tpu.memory_space<hbm>>
      %dma_start3A_3568 = tpu.memref_squeeze %dma_start3A_3567 : memref<1x512xf32, #tpu.memory_space<hbm>> -> memref<512xf32, #tpu.memory_space<hbm>>
      %dma_start3A_3569 = arith.constant 0 : i32
      %dma_start3A_3570 = tpu.memref_slice %arg5[%run_scoped3A_13, %dma_start3A_3569] : memref<8x512xf32, #tpu.memory_space<vmem>> -> memref<1x512xf32, #tpu.memory_space<vmem>>
      %dma_start3A_3571 = tpu.memref_squeeze %dma_start3A_3570 : memref<1x512xf32, #tpu.memory_space<vmem>> -> memref<512xf32, #tpu.memory_space<vmem>>
      %dma_start3A_3572 = tpu.memref_slice %arg2[%run_scoped3A_12, %mul3A_2] : memref<8x16384xf32, #tpu.memory_space<hbm>> -> memref<1x512xf32, #tpu.memory_space<hbm>>
      %dma_start3A_3573 = tpu.memref_squeeze %dma_start3A_3572 : memref<1x512xf32, #tpu.memory_space<hbm>> -> memref<512xf32, #tpu.memory_space<hbm>>
      tpu.enqueue_dma source(%dma_start3A_3573 : memref<512xf32, #tpu.memory_space<hbm>>) target(%dma_start3A_3571 : memref<512xf32, #tpu.memory_space<vmem>>) target_semaphore(%run_scoped3A_3564 : memref<!tpu.dma_semaphore, #tpu.memory_space<semaphore_mem>>)
      %dma_wait3A = arith.constant 0 : i32
      %dma_wait3A_3574 = tpu.memref_slice %arg5[%run_scoped3A_13, %dma_wait3A] : memref<8x512xf32, #tpu.memory_space<vmem>> -> memref<1x512xf32, #tpu.memory_space<vmem>>
      %dma_wait3A_3575 = tpu.memref_squeeze %dma_wait3A_3574 : memref<1x512xf32, #tpu.memory_space<vmem>> -> memref<512xf32, #tpu.memory_space<vmem>>
      %dma_wait3A_3576 = tpu.memref_slice %arg2[%run_scoped3A_12, %mul3A_2] : memref<8x16384xf32, #tpu.memory_space<hbm>> -> memref<1x512xf32, #tpu.memory_space<hbm>>
      %dma_wait3A_3577 = tpu.memref_squeeze %dma_wait3A_3576 : memref<1x512xf32, #tpu.memory_space<hbm>> -> memref<512xf32, #tpu.memory_space<hbm>>
      %dma_wait3A_3578 = arith.constant 0 : i32
      %dma_wait3A_3579 = tpu.memref_slice %arg5[%run_scoped3A_13, %dma_wait3A_3578] : memref<8x512xf32, #tpu.memory_space<vmem>> -> memref<1x512xf32, #tpu.memory_space<vmem>>
      %dma_wait3A_3580 = tpu.memref_squeeze %dma_wait3A_3579 : memref<1x512xf32, #tpu.memory_space<vmem>> -> memref<512xf32, #tpu.memory_space<vmem>>
      %dma_wait3A_3581 = tpu.memref_slice %arg2[%run_scoped3A_12, %mul3A_2] : memref<8x16384xf32, #tpu.memory_space<hbm>> -> memref<1x512xf32, #tpu.memory_space<hbm>>
      %dma_wait3A_3582 = tpu.memref_squeeze %dma_wait3A_3581 : memref<1x512xf32, #tpu.memory_space<hbm>> -> memref<512xf32, #tpu.memory_space<hbm>>
      tpu.wait_dma2 semaphore(%run_scoped3A_3564 : memref<!tpu.dma_semaphore, #tpu.memory_space<semaphore_mem>>) src(%dma_wait3A_3582 : memref<512xf32, #tpu.memory_space<hbm>>) dst(%dma_wait3A_3580 : memref<512xf32, #tpu.memory_space<vmem>>)
      tpu.yield
    }) : () -> ()
    %run_scoped3A_14 = arith.constant 6 : i32
    %run_scoped3A_15 = arith.constant 6 : i32
    "tpu.region"() ({
      %run_scoped3A_3564 = tpu.sem_alloc : memref<!tpu.dma_semaphore, #tpu.memory_space<semaphore_mem>>
      %dma_start3A = arith.constant 0 : i32
      %dma_start3A_3565 = tpu.memref_slice %arg5[%run_scoped3A_15, %dma_start3A] : memref<8x512xf32, #tpu.memory_space<vmem>> -> memref<1x512xf32, #tpu.memory_space<vmem>>
      %dma_start3A_3566 = tpu.memref_squeeze %dma_start3A_3565 : memref<1x512xf32, #tpu.memory_space<vmem>> -> memref<512xf32, #tpu.memory_space<vmem>>
      %dma_start3A_3567 = tpu.memref_slice %arg2[%run_scoped3A_14, %mul3A_2] : memref<8x16384xf32, #tpu.memory_space<hbm>> -> memref<1x512xf32, #tpu.memory_space<hbm>>
      %dma_start3A_3568 = tpu.memref_squeeze %dma_start3A_3567 : memref<1x512xf32, #tpu.memory_space<hbm>> -> memref<512xf32, #tpu.memory_space<hbm>>
      %dma_start3A_3569 = arith.constant 0 : i32
      %dma_start3A_3570 = tpu.memref_slice %arg5[%run_scoped3A_15, %dma_start3A_3569] : memref<8x512xf32, #tpu.memory_space<vmem>> -> memref<1x512xf32, #tpu.memory_space<vmem>>
      %dma_start3A_3571 = tpu.memref_squeeze %dma_start3A_3570 : memref<1x512xf32, #tpu.memory_space<vmem>> -> memref<512xf32, #tpu.memory_space<vmem>>
      %dma_start3A_3572 = tpu.memref_slice %arg2[%run_scoped3A_14, %mul3A_2] : memref<8x16384xf32, #tpu.memory_space<hbm>> -> memref<1x512xf32, #tpu.memory_space<hbm>>
      %dma_start3A_3573 = tpu.memref_squeeze %dma_start3A_3572 : memref<1x512xf32, #tpu.memory_space<hbm>> -> memref<512xf32, #tpu.memory_space<hbm>>
      tpu.enqueue_dma source(%dma_start3A_3573 : memref<512xf32, #tpu.memory_space<hbm>>) target(%dma_start3A_3571 : memref<512xf32, #tpu.memory_space<vmem>>) target_semaphore(%run_scoped3A_3564 : memref<!tpu.dma_semaphore, #tpu.memory_space<semaphore_mem>>)
      %dma_wait3A = arith.constant 0 : i32
      %dma_wait3A_3574 = tpu.memref_slice %arg5[%run_scoped3A_15, %dma_wait3A] : memref<8x512xf32, #tpu.memory_space<vmem>> -> memref<1x512xf32, #tpu.memory_space<vmem>>
      %dma_wait3A_3575 = tpu.memref_squeeze %dma_wait3A_3574 : memref<1x512xf32, #tpu.memory_space<vmem>> -> memref<512xf32, #tpu.memory_space<vmem>>
      %dma_wait3A_3576 = tpu.memref_slice %arg2[%run_scoped3A_14, %mul3A_2] : memref<8x16384xf32, #tpu.memory_space<hbm>> -> memref<1x512xf32, #tpu.memory_space<hbm>>
      %dma_wait3A_3577 = tpu.memref_squeeze %dma_wait3A_3576 : memref<1x512xf32, #tpu.memory_space<hbm>> -> memref<512xf32, #tpu.memory_space<hbm>>
      %dma_wait3A_3578 = arith.constant 0 : i32
      %dma_wait3A_3579 = tpu.memref_slice %arg5[%run_scoped3A_15, %dma_wait3A_3578] : memref<8x512xf32, #tpu.memory_space<vmem>> -> memref<1x512xf32, #tpu.memory_space<vmem>>
      %dma_wait3A_3580 = tpu.memref_squeeze %dma_wait3A_3579 : memref<1x512xf32, #tpu.memory_space<vmem>> -> memref<512xf32, #tpu.memory_space<vmem>>
      %dma_wait3A_3581 = tpu.memref_slice %arg2[%run_scoped3A_14, %mul3A_2] : memref<8x16384xf32, #tpu.memory_space<hbm>> -> memref<1x512xf32, #tpu.memory_space<hbm>>
      %dma_wait3A_3582 = tpu.memref_squeeze %dma_wait3A_3581 : memref<1x512xf32, #tpu.memory_space<hbm>> -> memref<512xf32, #tpu.memory_space<hbm>>
      tpu.wait_dma2 semaphore(%run_scoped3A_3564 : memref<!tpu.dma_semaphore, #tpu.memory_space<semaphore_mem>>) src(%dma_wait3A_3582 : memref<512xf32, #tpu.memory_space<hbm>>) dst(%dma_wait3A_3580 : memref<512xf32, #tpu.memory_space<vmem>>)
      tpu.yield
    }) : () -> ()
    %run_scoped3A_16 = arith.constant 7 : i32
    %run_scoped3A_17 = arith.constant 7 : i32
    "tpu.region"() ({
      %run_scoped3A_3564 = tpu.sem_alloc : memref<!tpu.dma_semaphore, #tpu.memory_space<semaphore_mem>>
      %dma_start3A = arith.constant 0 : i32
      %dma_start3A_3565 = tpu.memref_slice %arg5[%run_scoped3A_17, %dma_start3A] : memref<8x512xf32, #tpu.memory_space<vmem>> -> memref<1x512xf32, #tpu.memory_space<vmem>>
      %dma_start3A_3566 = tpu.memref_squeeze %dma_start3A_3565 : memref<1x512xf32, #tpu.memory_space<vmem>> -> memref<512xf32, #tpu.memory_space<vmem>>
      %dma_start3A_3567 = tpu.memref_slice %arg2[%run_scoped3A_16, %mul3A_2] : memref<8x16384xf32, #tpu.memory_space<hbm>> -> memref<1x512xf32, #tpu.memory_space<hbm>>
      %dma_start3A_3568 = tpu.memref_squeeze %dma_start3A_3567 : memref<1x512xf32, #tpu.memory_space<hbm>> -> memref<512xf32, #tpu.memory_space<hbm>>
      %dma_start3A_3569 = arith.constant 0 : i32
      %dma_start3A_3570 = tpu.memref_slice %arg5[%run_scoped3A_17, %dma_start3A_3569] : memref<8x512xf32, #tpu.memory_space<vmem>> -> memref<1x512xf32, #tpu.memory_space<vmem>>
      %dma_start3A_3571 = tpu.memref_squeeze %dma_start3A_3570 : memref<1x512xf32, #tpu.memory_space<vmem>> -> memref<512xf32, #tpu.memory_space<vmem>>
      %dma_start3A_3572 = tpu.memref_slice %arg2[%run_scoped3A_16, %mul3A_2] : memref<8x16384xf32, #tpu.memory_space<hbm>> -> memref<1x512xf32, #tpu.memory_space<hbm>>
      %dma_start3A_3573 = tpu.memref_squeeze %dma_start3A_3572 : memref<1x512xf32, #tpu.memory_space<hbm>> -> memref<512xf32, #tpu.memory_space<hbm>>
      tpu.enqueue_dma source(%dma_start3A_3573 : memref<512xf32, #tpu.memory_space<hbm>>) target(%dma_start3A_3571 : memref<512xf32, #tpu.memory_space<vmem>>) target_semaphore(%run_scoped3A_3564 : memref<!tpu.dma_semaphore, #tpu.memory_space<semaphore_mem>>)
      %dma_wait3A = arith.constant 0 : i32
      %dma_wait3A_3574 = tpu.memref_slice %arg5[%run_scoped3A_17, %dma_wait3A] : memref<8x512xf32, #tpu.memory_space<vmem>> -> memref<1x512xf32, #tpu.memory_space<vmem>>
      %dma_wait3A_3575 = tpu.memref_squeeze %dma_wait3A_3574 : memref<1x512xf32, #tpu.memory_space<vmem>> -> memref<512xf32, #tpu.memory_space<vmem>>
      %dma_wait3A_3576 = tpu.memref_slice %arg2[%run_scoped3A_16, %mul3A_2] : memref<8x16384xf32, #tpu.memory_space<hbm>> -> memref<1x512xf32, #tpu.memory_space<hbm>>
      %dma_wait3A_3577 = tpu.memref_squeeze %dma_wait3A_3576 : memref<1x512xf32, #tpu.memory_space<hbm>> -> memref<512xf32, #tpu.memory_space<hbm>>
      %dma_wait3A_3578 = arith.constant 0 : i32
      %dma_wait3A_3579 = tpu.memref_slice %arg5[%run_scoped3A_17, %dma_wait3A_3578] : memref<8x512xf32, #tpu.memory_space<vmem>> -> memref<1x512xf32, #tpu.memory_space<vmem>>
      %dma_wait3A_3580 = tpu.memref_squeeze %dma_wait3A_3579 : memref<1x512xf32, #tpu.memory_space<vmem>> -> memref<512xf32, #tpu.memory_space<vmem>>
      %dma_wait3A_3581 = tpu.memref_slice %arg2[%run_scoped3A_16, %mul3A_2] : memref<8x16384xf32, #tpu.memory_space<hbm>> -> memref<1x512xf32, #tpu.memory_space<hbm>>
      %dma_wait3A_3582 = tpu.memref_squeeze %dma_wait3A_3581 : memref<1x512xf32, #tpu.memory_space<hbm>> -> memref<512xf32, #tpu.memory_space<hbm>>
      tpu.wait_dma2 semaphore(%run_scoped3A_3564 : memref<!tpu.dma_semaphore, #tpu.memory_space<semaphore_mem>>) src(%dma_wait3A_3582 : memref<512xf32, #tpu.memory_space<hbm>>) dst(%dma_wait3A_3580 : memref<512xf32, #tpu.memory_space<vmem>>)
      tpu.yield
    }) : () -> ()
    %run_scoped3A_18 = arith.constant 0 : i32
    "tpu.region"() ({
      %run_scoped3A_3564 = tpu.sem_alloc : memref<!tpu.dma_semaphore, #tpu.memory_space<semaphore_mem>>
      %dma_start3A = tpu.memref_slice %arg3[%run_scoped3A_18, %mul3A_2] : memref<1x16384xf32, #tpu.memory_space<hbm>> -> memref<1x512xf32, #tpu.memory_space<hbm>>
      %dma_start3A_3565 = tpu.memref_squeeze %dma_start3A : memref<1x512xf32, #tpu.memory_space<hbm>> -> memref<512xf32, #tpu.memory_space<hbm>>
      %dma_start3A_3566 = tpu.memref_slice %arg3[%run_scoped3A_18, %mul3A_2] : memref<1x16384xf32, #tpu.memory_space<hbm>> -> memref<1x512xf32, #tpu.memory_space<hbm>>
      %dma_start3A_3567 = tpu.memref_squeeze %dma_start3A_3566 : memref<1x512xf32, #tpu.memory_space<hbm>> -> memref<512xf32, #tpu.memory_space<hbm>>
      tpu.enqueue_dma source(%dma_start3A_3567 : memref<512xf32, #tpu.memory_space<hbm>>) target(%arg6 : memref<512xf32, #tpu.memory_space<vmem>>) target_semaphore(%run_scoped3A_3564 : memref<!tpu.dma_semaphore, #tpu.memory_space<semaphore_mem>>)
      %dma_wait3A = tpu.memref_slice %arg3[%run_scoped3A_18, %mul3A_2] : memref<1x16384xf32, #tpu.memory_space<hbm>> -> memref<1x512xf32, #tpu.memory_space<hbm>>
      %dma_wait3A_3568 = tpu.memref_squeeze %dma_wait3A : memref<1x512xf32, #tpu.memory_space<hbm>> -> memref<512xf32, #tpu.memory_space<hbm>>
      %dma_wait3A_3569 = tpu.memref_slice %arg3[%run_scoped3A_18, %mul3A_2] : memref<1x16384xf32, #tpu.memory_space<hbm>> -> memref<1x512xf32, #tpu.memory_space<hbm>>
      %dma_wait3A_3570 = tpu.memref_squeeze %dma_wait3A_3569 : memref<1x512xf32, #tpu.memory_space<hbm>> -> memref<512xf32, #tpu.memory_space<hbm>>
      tpu.wait_dma2 semaphore(%run_scoped3A_3564 : memref<!tpu.dma_semaphore, #tpu.memory_space<semaphore_mem>>) src(%dma_wait3A_3570 : memref<512xf32, #tpu.memory_space<hbm>>) dst(%arg6 : memref<512xf32, #tpu.memory_space<vmem>>)
      tpu.yield
    }) : () -> ()
    %get3A = arith.constant 0 : i32
    %get3A_19 = arith.index_cast %get3A : i32 to index
    %get3A_20 = arith.constant 0 : index
    %get3A_21 = tpu.vector_load %arg5[%get3A_19, %get3A_20] {strides = array<i32>} : memref<8x512xf32, #tpu.memory_space<vmem>>, vector<1x16xf32>,
    %get3A_22 = vector.shape_cast %get3A_21 : vector<1x16xf32> to vector<16xf32>
    %get3A_23 = arith.constant 1 : i32
    %get3A_24 = arith.index_cast %get3A_23 : i32 to index
    %get3A_25 = arith.constant 0 : index
    %get3A_26 = tpu.vector_load %arg5[%get3A_24, %get3A_25] {strides = array<i32>} : memref<8x512xf32, #tpu.memory_space<vmem>>, vector<1x16xf32>,
    %get3A_27 = vector.shape_cast %get3A_26 : vector<1x16xf32> to vector<16xf32>
    %add3A_28 = arith.addf %get3A_22, %get3A_27 : vector<16xf32>
    %get3A_29 = arith.constant 2 : i32
    %get3A_30 = arith.index_cast %get3A_29 : i32 to index
    %get3A_31 = arith.constant 0 : index
    %get3A_32 = tpu.vector_load %arg5[%get3A_30, %get3A_31] {strides = array<i32>} : memref<8x512xf32, #tpu.memory_space<vmem>>, vector<1x16xf32>,
    %get3A_33 = vector.shape_cast %get3A_32 : vector<1x16xf32> to vector<16xf32>
    %add3A_34 = arith.addf %add3A_28, %get3A_33 : vector<16xf32>
    %get3A_35 = arith.constant 3 : i32
    %get3A_36 = arith.index_cast %get3A_35 : i32 to index
    %get3A_37 = arith.constant 0 : index
    %get3A_38 = tpu.vector_load %arg5[%get3A_36, %get3A_37] {strides = array<i32>} : memref<8x512xf32, #tpu.memory_space<vmem>>, vector<1x16xf32>,
    %get3A_39 = vector.shape_cast %get3A_38 : vector<1x16xf32> to vector<16xf32>
    %add3A_40 = arith.addf %add3A_34, %get3A_39 : vector<16xf32>
    %get3A_41 = arith.constant 4 : i32
    %get3A_42 = arith.index_cast %get3A_41 : i32 to index
    %get3A_43 = arith.constant 0 : index
    %get3A_44 = tpu.vector_load %arg5[%get3A_42, %get3A_43] {strides = array<i32>} : memref<8x512xf32, #tpu.memory_space<vmem>>, vector<1x16xf32>,
    %get3A_45 = vector.shape_cast %get3A_44 : vector<1x16xf32> to vector<16xf32>
    %add3A_46 = arith.addf %add3A_40, %get3A_45 : vector<16xf32>
    %get3A_47 = arith.constant 5 : i32
    %get3A_48 = arith.index_cast %get3A_47 : i32 to index
    %get3A_49 = arith.constant 0 : index
    %get3A_50 = tpu.vector_load %arg5[%get3A_48, %get3A_49] {strides = array<i32>} : memref<8x512xf32, #tpu.memory_space<vmem>>, vector<1x16xf32>,
    %get3A_51 = vector.shape_cast %get3A_50 : vector<1x16xf32> to vector<16xf32>
    %add3A_52 = arith.addf %add3A_46, %get3A_51 : vector<16xf32>
    %get3A_53 = arith.constant 6 : i32
    %get3A_54 = arith.index_cast %get3A_53 : i32 to index
    %get3A_55 = arith.constant 0 : index
    %get3A_56 = tpu.vector_load %arg5[%get3A_54, %get3A_55] {strides = array<i32>} : memref<8x512xf32, #tpu.memory_space<vmem>>, vector<1x16xf32>,
    %get3A_57 = vector.shape_cast %get3A_56 : vector<1x16xf32> to vector<16xf32>
    %add3A_58 = arith.addf %add3A_52, %get3A_57 : vector<16xf32>
    %get3A_59 = arith.constant 7 : i32
    %get3A_60 = arith.index_cast %get3A_59 : i32 to index
    %get3A_61 = arith.constant 0 : index
    %get3A_62 = tpu.vector_load %arg5[%get3A_60, %get3A_61] {strides = array<i32>} : memref<8x512xf32, #tpu.memory_space<vmem>>, vector<1x16xf32>,
    %get3A_63 = vector.shape_cast %get3A_62 : vector<1x16xf32> to vector<16xf32>
    %add3A_64 = arith.addf %add3A_58, %get3A_63 : vector<16xf32>
    %get3A_65 = arith.constant 0 : index
    %get3A_66 = tpu.vector_load %arg6[%get3A_65] {strides = array<i32>} : memref<512xf32, #tpu.memory_space<vmem>>, vector<16xf32>,
    %get3A_67 = vector.shape_cast %get3A_66 : vector<16xf32> to vector<16xf32>
    %mul3A_68 = arith.mulf %get3A_67, %add3A_64 : vector<16xf32>
    %le3A = arith.cmpf ole, %get3A_22, %mul3A_68 : vector<16xf32>
    %jit3A = arith.constant 1.000000e+00 : f32
    %jit3A_69 = arith.constant 0.000000e+00 : f32
    %broadcast_in_dim3A = vector.broadcast %jit3A : f32 to vector<16xf32>
    %broadcast_in_dim3A_70 = vector.broadcast %jit3A_69 : f32 to vector<16xf32>
    %select_n3A = arith.select %le3A, %broadcast_in_dim3A, %broadcast_in_dim3A_70 : vector<16xi1>, vector<16xf32>
    %le3A_71 = arith.cmpf ole, %add3A_28, %mul3A_68 : vector<16xf32>
    %jit3A_72 = arith.constant 1.000000e+00 : f32
    %jit3A_73 = arith.constant 0.000000e+00 : f32
    %broadcast_in_dim3A_74 = vector.broadcast %jit3A_72 : f32 to vector<16xf32>
    %broadcast_in_dim3A_75 = vector.broadcast %jit3A_73 : f32 to vector<16xf32>
    %select_n3A_76 = arith.select %le3A_71, %broadcast_in_dim3A_74, %broadcast_in_dim3A_75 : vector<16xi1>, vector<16xf32>
    %add3A_77 = arith.addf %select_n3A, %select_n3A_76 : vector<16xf32>
    %le3A_78 = arith.cmpf ole, %add3A_34, %mul3A_68 : vector<16xf32>
    %jit3A_79 = arith.constant 1.000000e+00 : f32
    %jit3A_80 = arith.constant 0.000000e+00 : f32
    %broadcast_in_dim3A_81 = vector.broadcast %jit3A_79 : f32 to vector<16xf32>
    %broadcast_in_dim3A_82 = vector.broadcast %jit3A_80 : f32 to vector<16xf32>
    %select_n3A_83 = arith.select %le3A_78, %broadcast_in_dim3A_81, %broadcast_in_dim3A_82 : vector<16xi1>, vector<16xf32>
    %add3A_84 = arith.addf %add3A_77, %select_n3A_83 : vector<16xf32>
    %le3A_85 = arith.cmpf ole, %add3A_40, %mul3A_68 : vector<16xf32>
    %jit3A_86 = arith.constant 1.000000e+00 : f32
    %jit3A_87 = arith.constant 0.000000e+00 : f32
    %broadcast_in_dim3A_88 = vector.broadcast %jit3A_86 : f32 to vector<16xf32>
    %broadcast_in_dim3A_89 = vector.broadcast %jit3A_87 : f32 to vector<16xf32>
    %select_n3A_90 = arith.select %le3A_85, %broadcast_in_dim3A_88, %broadcast_in_dim3A_89 : vector<16xi1>, vector<16xf32>
    %add3A_91 = arith.addf %add3A_84, %select_n3A_90 : vector<16xf32>
    %le3A_92 = arith.cmpf ole, %add3A_46, %mul3A_68 : vector<16xf32>
    %jit3A_93 = arith.constant 1.000000e+00 : f32
    %jit3A_94 = arith.constant 0.000000e+00 : f32
    %broadcast_in_dim3A_95 = vector.broadcast %jit3A_93 : f32 to vector<16xf32>
    %broadcast_in_dim3A_96 = vector.broadcast %jit3A_94 : f32 to vector<16xf32>
    %select_n3A_97 = arith.select %le3A_92, %broadcast_in_dim3A_95, %broadcast_in_dim3A_96 : vector<16xi1>, vector<16xf32>
    %add3A_98 = arith.addf %add3A_91, %select_n3A_97 : vector<16xf32>
    %le3A_99 = arith.cmpf ole, %add3A_52, %mul3A_68 : vector<16xf32>
    %jit3A_100 = arith.constant 1.000000e+00 : f32
    %jit3A_101 = arith.constant 0.000000e+00 : f32
    %broadcast_in_dim3A_102 = vector.broadcast %jit3A_100 : f32 to vector<16xf32>
    %broadcast_in_dim3A_103 = vector.broadcast %jit3A_101 : f32 to vector<16xf32>
    %select_n3A_104 = arith.select %le3A_99, %broadcast_in_dim3A_102, %broadcast_in_dim3A_103 : vector<16xi1>, vector<16xf32>
    %add3A_105 = arith.addf %add3A_98, %select_n3A_104 : vector<16xf32>
    %le3A_106 = arith.cmpf ole, %add3A_58, %mul3A_68 : vector<16xf32>
    %jit3A_107 = arith.constant 1.000000e+00 : f32
    %jit3A_108 = arith.constant 0.000000e+00 : f32
    %broadcast_in_dim3A_109 = vector.broadcast %jit3A_107 : f32 to vector<16xf32>
    %broadcast_in_dim3A_110 = vector.broadcast %jit3A_108 : f32 to vector<16xf32>
    %select_n3A_111 = arith.select %le3A_106, %broadcast_in_dim3A_109, %broadcast_in_dim3A_110 : vector<16xi1>, vector<16xf32>
    %add3A_112 = arith.addf %add3A_105, %select_n3A_111 : vector<16xf32>
    %le3A_113 = arith.cmpf ole, %add3A_64, %mul3A_68 : vector<16xf32>
    %jit3A_114 = arith.constant 1.000000e+00 : f32
    %jit3A_115 = arith.constant 0.000000e+00 : f32
    %broadcast_in_dim3A_116 = vector.broadcast %jit3A_114 : f32 to vector<16xf32>
    %broadcast_in_dim3A_117 = vector.broadcast %jit3A_115 : f32 to vector<16xf32>
    %select_n3A_118 = arith.select %le3A_113, %broadcast_in_dim3A_116, %broadcast_in_dim3A_117 : vector<16xi1>, vector<16xf32>
    %add3A_119 = arith.addf %add3A_112, %select_n3A_118 : vector<16xf32>
    %convert_element_type3A = arith.fptosi %add3A_119 : vector<16xf32> to vector<16xi32>
    %swap3A = arith.constant 0 : index
    %swap3A_120 = tpu.vector_load %arg7[%swap3A] {strides = array<i32>} : memref<512xi32, #tpu.memory_space<vmem>>, vector<16xi32>,
    %swap3A_121 = vector.shape_cast %swap3A_120 : vector<16xi32> to vector<16xi32>
    %swap3A_122 = vector.shape_cast %convert_element_type3A : vector<16xi32> to vector<16xi32>
    tpu.vector_store %arg7[%swap3A], %swap3A_122 {strides = array<i32>} : memref<512xi32, #tpu.memory_space<vmem>>, vector<16xi32>,
    %get3A_123 = arith.constant 0 : i32
    %get3A_124 = arith.index_cast %get3A_123 : i32 to index
    %get3A_125 = arith.constant 16 : index
    %get3A_126 = tpu.vector_load %arg5[%get3A_124, %get3A_125] {strides = array<i32>} : memref<8x512xf32, #tpu.memory_space<vmem>>, vector<1x16xf32>,
    %get3A_127 = vector.shape_cast %get3A_126 : vector<1x16xf32> to vector<16xf32>
    %get3A_128 = arith.constant 1 : i32
    %get3A_129 = arith.index_cast %get3A_128 : i32 to index
    %get3A_130 = arith.constant 16 : index
    %get3A_131 = tpu.vector_load %arg5[%get3A_129, %get3A_130] {strides = array<i32>} : memref<8x512xf32, #tpu.memory_space<vmem>>, vector<1x16xf32>,
    %get3A_132 = vector.shape_cast %get3A_131 : vector<1x16xf32> to vector<16xf32>
    %add3A_133 = arith.addf %get3A_127, %get3A_132 : vector<16xf32>
    %get3A_134 = arith.constant 2 : i32
    %get3A_135 = arith.index_cast %get3A_134 : i32 to index
    %get3A_136 = arith.constant 16 : index
    %get3A_137 = tpu.vector_load %arg5[%get3A_135, %get3A_136] {strides = array<i32>} : memref<8x512xf32, #tpu.memory_space<vmem>>, vector<1x16xf32>,
    %get3A_138 = vector.shape_cast %get3A_137 : vector<1x16xf32> to vector<16xf32>
    %add3A_139 = arith.addf %add3A_133, %get3A_138 : vector<16xf32>
    %get3A_140 = arith.constant 3 : i32
    %get3A_141 = arith.index_cast %get3A_140 : i32 to index
    %get3A_142 = arith.constant 16 : index
    %get3A_143 = tpu.vector_load %arg5[%get3A_141, %get3A_142] {strides = array<i32>} : memref<8x512xf32, #tpu.memory_space<vmem>>, vector<1x16xf32>,
    %get3A_144 = vector.shape_cast %get3A_143 : vector<1x16xf32> to vector<16xf32>
    %add3A_145 = arith.addf %add3A_139, %get3A_144 : vector<16xf32>
    %get3A_146 = arith.constant 4 : i32
    %get3A_147 = arith.index_cast %get3A_146 : i32 to index
    %get3A_148 = arith.constant 16 : index
    %get3A_149 = tpu.vector_load %arg5[%get3A_147, %get3A_148] {strides = array<i32>} : memref<8x512xf32, #tpu.memory_space<vmem>>, vector<1x16xf32>,
    %get3A_150 = vector.shape_cast %get3A_149 : vector<1x16xf32> to vector<16xf32>
    %add3A_151 = arith.addf %add3A_145, %get3A_150 : vector<16xf32>
    %get3A_152 = arith.constant 5 : i32
    %get3A_153 = arith.index_cast %get3A_152 : i32 to index
    %get3A_154 = arith.constant 16 : index
    %get3A_155 = tpu.vector_load %arg5[%get3A_153, %get3A_154] {strides = array<i32>} : memref<8x512xf32, #tpu.memory_space<vmem>>, vector<1x16xf32>,
    %get3A_156 = vector.shape_cast %get3A_155 : vector<1x16xf32> to vector<16xf32>
    %add3A_157 = arith.addf %add3A_151, %get3A_156 : vector<16xf32>
    %get3A_158 = arith.constant 6 : i32
    %get3A_159 = arith.index_cast %get3A_158 : i32 to index
    %get3A_160 = arith.constant 16 : index
    %get3A_161 = tpu.vector_load %arg5[%get3A_159, %get3A_160] {strides = array<i32>} : memref<8x512xf32, #tpu.memory_space<vmem>>, vector<1x16xf32>,
    %get3A_162 = vector.shape_cast %get3A_161 : vector<1x16xf32> to vector<16xf32>
    %add3A_163 = arith.addf %add3A_157, %get3A_162 : vector<16xf32>
    %get3A_164 = arith.constant 7 : i32
    %get3A_165 = arith.index_cast %get3A_164 : i32 to index
    %get3A_166 = arith.constant 16 : index
    %get3A_167 = tpu.vector_load %arg5[%get3A_165, %get3A_166] {strides = array<i32>} : memref<8x512xf32, #tpu.memory_space<vmem>>, vector<1x16xf32>,
    %get3A_168 = vector.shape_cast %get3A_167 : vector<1x16xf32> to vector<16xf32>
    %add3A_169 = arith.addf %add3A_163, %get3A_168 : vector<16xf32>
    %get3A_170 = arith.constant 16 : index
    %get3A_171 = tpu.vector_load %arg6[%get3A_170] {strides = array<i32>} : memref<512xf32, #tpu.memory_space<vmem>>, vector<16xf32>,
    %get3A_172 = vector.shape_cast %get3A_171 : vector<16xf32> to vector<16xf32>
    %mul3A_173 = arith.mulf %get3A_172, %add3A_169 : vector<16xf32>
    %le3A_174 = arith.cmpf ole, %get3A_127, %mul3A_173 : vector<16xf32>
    %jit3A_175 = arith.constant 1.000000e+00 : f32
    %jit3A_176 = arith.constant 0.000000e+00 : f32
    %broadcast_in_dim3A_177 = vector.broadcast %jit3A_175 : f32 to vector<16xf32>
    %broadcast_in_dim3A_178 = vector.broadcast %jit3A_176 : f32 to vector<16xf32>
    %select_n3A_179 = arith.select %le3A_174, %broadcast_in_dim3A_177, %broadcast_in_dim3A_178 : vector<16xi1>, vector<16xf32>
    %le3A_180 = arith.cmpf ole, %add3A_133, %mul3A_173 : vector<16xf32>
    %jit3A_181 = arith.constant 1.000000e+00 : f32
    %jit3A_182 = arith.constant 0.000000e+00 : f32
    %broadcast_in_dim3A_183 = vector.broadcast %jit3A_181 : f32 to vector<16xf32>
    %broadcast_in_dim3A_184 = vector.broadcast %jit3A_182 : f32 to vector<16xf32>
    %select_n3A_185 = arith.select %le3A_180, %broadcast_in_dim3A_183, %broadcast_in_dim3A_184 : vector<16xi1>, vector<16xf32>
    %add3A_186 = arith.addf %select_n3A_179, %select_n3A_185 : vector<16xf32>
    %le3A_187 = arith.cmpf ole, %add3A_139, %mul3A_173 : vector<16xf32>
    %jit3A_188 = arith.constant 1.000000e+00 : f32
    %jit3A_189 = arith.constant 0.000000e+00 : f32
    %broadcast_in_dim3A_190 = vector.broadcast %jit3A_188 : f32 to vector<16xf32>
    %broadcast_in_dim3A_191 = vector.broadcast %jit3A_189 : f32 to vector<16xf32>
    %select_n3A_192 = arith.select %le3A_187, %broadcast_in_dim3A_190, %broadcast_in_dim3A_191 : vector<16xi1>, vector<16xf32>
    %add3A_193 = arith.addf %add3A_186, %select_n3A_192 : vector<16xf32>
    %le3A_194 = arith.cmpf ole, %add3A_145, %mul3A_173 : vector<16xf32>
    %jit3A_195 = arith.constant 1.000000e+00 : f32
    %jit3A_196 = arith.constant 0.000000e+00 : f32
    %broadcast_in_dim3A_197 = vector.broadcast %jit3A_195 : f32 to vector<16xf32>
    %broadcast_in_dim3A_198 = vector.broadcast %jit3A_196 : f32 to vector<16xf32>
    %select_n3A_199 = arith.select %le3A_194, %broadcast_in_dim3A_197, %broadcast_in_dim3A_198 : vector<16xi1>, vector<16xf32>
    %add3A_200 = arith.addf %add3A_193, %select_n3A_199 : vector<16xf32>
    %le3A_201 = arith.cmpf ole, %add3A_151, %mul3A_173 : vector<16xf32>
    %jit3A_202 = arith.constant 1.000000e+00 : f32
    %jit3A_203 = arith.constant 0.000000e+00 : f32
    %broadcast_in_dim3A_204 = vector.broadcast %jit3A_202 : f32 to vector<16xf32>
    %broadcast_in_dim3A_205 = vector.broadcast %jit3A_203 : f32 to vector<16xf32>
    %select_n3A_206 = arith.select %le3A_201, %broadcast_in_dim3A_204, %broadcast_in_dim3A_205 : vector<16xi1>, vector<16xf32>
    %add3A_207 = arith.addf %add3A_200, %select_n3A_206 : vector<16xf32>
    %le3A_208 = arith.cmpf ole, %add3A_157, %mul3A_173 : vector<16xf32>
    %jit3A_209 = arith.constant 1.000000e+00 : f32
    %jit3A_210 = arith.constant 0.000000e+00 : f32
    %broadcast_in_dim3A_211 = vector.broadcast %jit3A_209 : f32 to vector<16xf32>
    %broadcast_in_dim3A_212 = vector.broadcast %jit3A_210 : f32 to vector<16xf32>
    %select_n3A_213 = arith.select %le3A_208, %broadcast_in_dim3A_211, %broadcast_in_dim3A_212 : vector<16xi1>, vector<16xf32>
    %add3A_214 = arith.addf %add3A_207, %select_n3A_213 : vector<16xf32>
    %le3A_215 = arith.cmpf ole, %add3A_163, %mul3A_173 : vector<16xf32>
    %jit3A_216 = arith.constant 1.000000e+00 : f32
    %jit3A_217 = arith.constant 0.000000e+00 : f32
    %broadcast_in_dim3A_218 = vector.broadcast %jit3A_216 : f32 to vector<16xf32>
    %broadcast_in_dim3A_219 = vector.broadcast %jit3A_217 : f32 to vector<16xf32>
    %select_n3A_220 = arith.select %le3A_215, %broadcast_in_dim3A_218, %broadcast_in_dim3A_219 : vector<16xi1>, vector<16xf32>
    %add3A_221 = arith.addf %add3A_214, %select_n3A_220 : vector<16xf32>
    %le3A_222 = arith.cmpf ole, %add3A_169, %mul3A_173 : vector<16xf32>
    %jit3A_223 = arith.constant 1.000000e+00 : f32
    %jit3A_224 = arith.constant 0.000000e+00 : f32
    %broadcast_in_dim3A_225 = vector.broadcast %jit3A_223 : f32 to vector<16xf32>
    %broadcast_in_dim3A_226 = vector.broadcast %jit3A_224 : f32 to vector<16xf32>
    %select_n3A_227 = arith.select %le3A_222, %broadcast_in_dim3A_225, %broadcast_in_dim3A_226 : vector<16xi1>, vector<16xf32>
    %add3A_228 = arith.addf %add3A_221, %select_n3A_227 : vector<16xf32>
    %convert_element_type3A_229 = arith.fptosi %add3A_228 : vector<16xf32> to vector<16xi32>
    %swap3A_230 = arith.constant 16 : index
    %swap3A_231 = tpu.vector_load %arg7[%swap3A_230] {strides = array<i32>} : memref<512xi32, #tpu.memory_space<vmem>>, vector<16xi32>,
    %swap3A_232 = vector.shape_cast %swap3A_231 : vector<16xi32> to vector<16xi32>
    %swap3A_233 = vector.shape_cast %convert_element_type3A_229 : vector<16xi32> to vector<16xi32>
    tpu.vector_store %arg7[%swap3A_230], %swap3A_233 {strides = array<i32>} : memref<512xi32, #tpu.memory_space<vmem>>, vector<16xi32>,
    %get3A_234 = arith.constant 0 : i32
    %get3A_235 = arith.index_cast %get3A_234 : i32 to index
    %get3A_236 = arith.constant 32 : index
    %get3A_237 = tpu.vector_load %arg5[%get3A_235, %get3A_236] {strides = array<i32>} : memref<8x512xf32, #tpu.memory_space<vmem>>, vector<1x16xf32>,
    %get3A_238 = vector.shape_cast %get3A_237 : vector<1x16xf32> to vector<16xf32>
    %get3A_239 = arith.constant 1 : i32
    %get3A_240 = arith.index_cast %get3A_239 : i32 to index
    %get3A_241 = arith.constant 32 : index
    %get3A_242 = tpu.vector_load %arg5[%get3A_240, %get3A_241] {strides = array<i32>} : memref<8x512xf32, #tpu.memory_space<vmem>>, vector<1x16xf32>,
    %get3A_243 = vector.shape_cast %get3A_242 : vector<1x16xf32> to vector<16xf32>
    %add3A_244 = arith.addf %get3A_238, %get3A_243 : vector<16xf32>
    %get3A_245 = arith.constant 2 : i32
    %get3A_246 = arith.index_cast %get3A_245 : i32 to index
    %get3A_247 = arith.constant 32 : index
    %get3A_248 = tpu.vector_load %arg5[%get3A_246, %get3A_247] {strides = array<i32>} : memref<8x512xf32, #tpu.memory_space<vmem>>, vector<1x16xf32>,
    %get3A_249 = vector.shape_cast %get3A_248 : vector<1x16xf32> to vector<16xf32>
    %add3A_250 = arith.addf %add3A_244, %get3A_249 : vector<16xf32>
    %get3A_251 = arith.constant 3 : i32
    %get3A_252 = arith.index_cast %get3A_251 : i32 to index
    %get3A_253 = arith.constant 32 : index
    %get3A_254 = tpu.vector_load %arg5[%get3A_252, %get3A_253] {strides = array<i32>} : memref<8x512xf32, #tpu.memory_space<vmem>>, vector<1x16xf32>,
    %get3A_255 = vector.shape_cast %get3A_254 : vector<1x16xf32> to vector<16xf32>
    %add3A_256 = arith.addf %add3A_250, %get3A_255 : vector<16xf32>
    %get3A_257 = arith.constant 4 : i32
    %get3A_258 = arith.index_cast %get3A_257 : i32 to index
    %get3A_259 = arith.constant 32 : index
    %get3A_260 = tpu.vector_load %arg5[%get3A_258, %get3A_259] {strides = array<i32>} : memref<8x512xf32, #tpu.memory_space<vmem>>, vector<1x16xf32>,
    %get3A_261 = vector.shape_cast %get3A_260 : vector<1x16xf32> to vector<16xf32>
    %add3A_262 = arith.addf %add3A_256, %get3A_261 : vector<16xf32>
    %get3A_263 = arith.constant 5 : i32
    %get3A_264 = arith.index_cast %get3A_263 : i32 to index
    %get3A_265 = arith.constant 32 : index
    %get3A_266 = tpu.vector_load %arg5[%get3A_264, %get3A_265] {strides = array<i32>} : memref<8x512xf32, #tpu.memory_space<vmem>>, vector<1x16xf32>,
    %get3A_267 = vector.shape_cast %get3A_266 : vector<1x16xf32> to vector<16xf32>
    %add3A_268 = arith.addf %add3A_262, %get3A_267 : vector<16xf32>
    %get3A_269 = arith.constant 6 : i32
    %get3A_270 = arith.index_cast %get3A_269 : i32 to index
    %get3A_271 = arith.constant 32 : index
    %get3A_272 = tpu.vector_load %arg5[%get3A_270, %get3A_271] {strides = array<i32>} : memref<8x512xf32, #tpu.memory_space<vmem>>, vector<1x16xf32>,
    %get3A_273 = vector.shape_cast %get3A_272 : vector<1x16xf32> to vector<16xf32>
    %add3A_274 = arith.addf %add3A_268, %get3A_273 : vector<16xf32>
    %get3A_275 = arith.constant 7 : i32
    %get3A_276 = arith.index_cast %get3A_275 : i32 to index
    %get3A_277 = arith.constant 32 : index
    %get3A_278 = tpu.vector_load %arg5[%get3A_276, %get3A_277] {strides = array<i32>} : memref<8x512xf32, #tpu.memory_space<vmem>>, vector<1x16xf32>,
    %get3A_279 = vector.shape_cast %get3A_278 : vector<1x16xf32> to vector<16xf32>
    %add3A_280 = arith.addf %add3A_274, %get3A_279 : vector<16xf32>
    %get3A_281 = arith.constant 32 : index
    %get3A_282 = tpu.vector_load %arg6[%get3A_281] {strides = array<i32>} : memref<512xf32, #tpu.memory_space<vmem>>, vector<16xf32>,
    %get3A_283 = vector.shape_cast %get3A_282 : vector<16xf32> to vector<16xf32>
    %mul3A_284 = arith.mulf %get3A_283, %add3A_280 : vector<16xf32>
    %le3A_285 = arith.cmpf ole, %get3A_238, %mul3A_284 : vector<16xf32>
    %jit3A_286 = arith.constant 1.000000e+00 : f32
    %jit3A_287 = arith.constant 0.000000e+00 : f32
    %broadcast_in_dim3A_288 = vector.broadcast %jit3A_286 : f32 to vector<16xf32>
    %broadcast_in_dim3A_289 = vector.broadcast %jit3A_287 : f32 to vector<16xf32>
    %select_n3A_290 = arith.select %le3A_285, %broadcast_in_dim3A_288, %broadcast_in_dim3A_289 : vector<16xi1>, vector<16xf32>
    %le3A_291 = arith.cmpf ole, %add3A_244, %mul3A_284 : vector<16xf32>
    %jit3A_292 = arith.constant 1.000000e+00 : f32
    %jit3A_293 = arith.constant 0.000000e+00 : f32
    %broadcast_in_dim3A_294 = vector.broadcast %jit3A_292 : f32 to vector<16xf32>
    %broadcast_in_dim3A_295 = vector.broadcast %jit3A_293 : f32 to vector<16xf32>
    %select_n3A_296 = arith.select %le3A_291, %broadcast_in_dim3A_294, %broadcast_in_dim3A_295 : vector<16xi1>, vector<16xf32>
    %add3A_297 = arith.addf %select_n3A_290, %select_n3A_296 : vector<16xf32>
    %le3A_298 = arith.cmpf ole, %add3A_250, %mul3A_284 : vector<16xf32>
    %jit3A_299 = arith.constant 1.000000e+00 : f32
    %jit3A_300 = arith.constant 0.000000e+00 : f32
    %broadcast_in_dim3A_301 = vector.broadcast %jit3A_299 : f32 to vector<16xf32>
    %broadcast_in_dim3A_302 = vector.broadcast %jit3A_300 : f32 to vector<16xf32>
    %select_n3A_303 = arith.select %le3A_298, %broadcast_in_dim3A_301, %broadcast_in_dim3A_302 : vector<16xi1>, vector<16xf32>
    %add3A_304 = arith.addf %add3A_297, %select_n3A_303 : vector<16xf32>
    %le3A_305 = arith.cmpf ole, %add3A_256, %mul3A_284 : vector<16xf32>
    %jit3A_306 = arith.constant 1.000000e+00 : f32
    %jit3A_307 = arith.constant 0.000000e+00 : f32
    %broadcast_in_dim3A_308 = vector.broadcast %jit3A_306 : f32 to vector<16xf32>
    %broadcast_in_dim3A_309 = vector.broadcast %jit3A_307 : f32 to vector<16xf32>
    %select_n3A_310 = arith.select %le3A_305, %broadcast_in_dim3A_308, %broadcast_in_dim3A_309 : vector<16xi1>, vector<16xf32>
    %add3A_311 = arith.addf %add3A_304, %select_n3A_310 : vector<16xf32>
    %le3A_312 = arith.cmpf ole, %add3A_262, %mul3A_284 : vector<16xf32>
    %jit3A_313 = arith.constant 1.000000e+00 : f32
    %jit3A_314 = arith.constant 0.000000e+00 : f32
    %broadcast_in_dim3A_315 = vector.broadcast %jit3A_313 : f32 to vector<16xf32>
    %broadcast_in_dim3A_316 = vector.broadcast %jit3A_314 : f32 to vector<16xf32>
    %select_n3A_317 = arith.select %le3A_312, %broadcast_in_dim3A_315, %broadcast_in_dim3A_316 : vector<16xi1>, vector<16xf32>
    %add3A_318 = arith.addf %add3A_311, %select_n3A_317 : vector<16xf32>
    %le3A_319 = arith.cmpf ole, %add3A_268, %mul3A_284 : vector<16xf32>
    %jit3A_320 = arith.constant 1.000000e+00 : f32
    %jit3A_321 = arith.constant 0.000000e+00 : f32
    %broadcast_in_dim3A_322 = vector.broadcast %jit3A_320 : f32 to vector<16xf32>
    %broadcast_in_dim3A_323 = vector.broadcast %jit3A_321 : f32 to vector<16xf32>
    %select_n3A_324 = arith.select %le3A_319, %broadcast_in_dim3A_322, %broadcast_in_dim3A_323 : vector<16xi1>, vector<16xf32>
    %add3A_325 = arith.addf %add3A_318, %select_n3A_324 : vector<16xf32>
    %le3A_326 = arith.cmpf ole, %add3A_274, %mul3A_284 : vector<16xf32>
    %jit3A_327 = arith.constant 1.000000e+00 : f32
    %jit3A_328 = arith.constant 0.000000e+00 : f32
    %broadcast_in_dim3A_329 = vector.broadcast %jit3A_327 : f32 to vector<16xf32>
    %broadcast_in_dim3A_330 = vector.broadcast %jit3A_328 : f32 to vector<16xf32>
    %select_n3A_331 = arith.select %le3A_326, %broadcast_in_dim3A_329, %broadcast_in_dim3A_330 : vector<16xi1>, vector<16xf32>
    %add3A_332 = arith.addf %add3A_325, %select_n3A_331 : vector<16xf32>
    %le3A_333 = arith.cmpf ole, %add3A_280, %mul3A_284 : vector<16xf32>
    %jit3A_334 = arith.constant 1.000000e+00 : f32
    %jit3A_335 = arith.constant 0.000000e+00 : f32
    %broadcast_in_dim3A_336 = vector.broadcast %jit3A_334 : f32 to vector<16xf32>
    %broadcast_in_dim3A_337 = vector.broadcast %jit3A_335 : f32 to vector<16xf32>
    %select_n3A_338 = arith.select %le3A_333, %broadcast_in_dim3A_336, %broadcast_in_dim3A_337 : vector<16xi1>, vector<16xf32>
    %add3A_339 = arith.addf %add3A_332, %select_n3A_338 : vector<16xf32>
    %convert_element_type3A_340 = arith.fptosi %add3A_339 : vector<16xf32> to vector<16xi32>
    %swap3A_341 = arith.constant 32 : index
    %swap3A_342 = tpu.vector_load %arg7[%swap3A_341] {strides = array<i32>} : memref<512xi32, #tpu.memory_space<vmem>>, vector<16xi32>,
    %swap3A_343 = vector.shape_cast %swap3A_342 : vector<16xi32> to vector<16xi32>
    %swap3A_344 = vector.shape_cast %convert_element_type3A_340 : vector<16xi32> to vector<16xi32>
    tpu.vector_store %arg7[%swap3A_341], %swap3A_344 {strides = array<i32>} : memref<512xi32, #tpu.memory_space<vmem>>, vector<16xi32>,
    %get3A_345 = arith.constant 0 : i32
    %get3A_346 = arith.index_cast %get3A_345 : i32 to index
    %get3A_347 = arith.constant 48 : index
    %get3A_348 = tpu.vector_load %arg5[%get3A_346, %get3A_347] {strides = array<i32>} : memref<8x512xf32, #tpu.memory_space<vmem>>, vector<1x16xf32>,
    %get3A_349 = vector.shape_cast %get3A_348 : vector<1x16xf32> to vector<16xf32>
    %get3A_350 = arith.constant 1 : i32
    %get3A_351 = arith.index_cast %get3A_350 : i32 to index
    %get3A_352 = arith.constant 48 : index
    %get3A_353 = tpu.vector_load %arg5[%get3A_351, %get3A_352] {strides = array<i32>} : memref<8x512xf32, #tpu.memory_space<vmem>>, vector<1x16xf32>,
    %get3A_354 = vector.shape_cast %get3A_353 : vector<1x16xf32> to vector<16xf32>
    %add3A_355 = arith.addf %get3A_349, %get3A_354 : vector<16xf32>
    %get3A_356 = arith.constant 2 : i32
    %get3A_357 = arith.index_cast %get3A_356 : i32 to index
    %get3A_358 = arith.constant 48 : index
    %get3A_359 = tpu.vector_load %arg5[%get3A_357, %get3A_358] {strides = array<i32>} : memref<8x512xf32, #tpu.memory_space<vmem>>, vector<1x16xf32>,
    %get3A_360 = vector.shape_cast %get3A_359 : vector<1x16xf32> to vector<16xf32>
    %add3A_361 = arith.addf %add3A_355, %get3A_360 : vector<16xf32>
    %get3A_362 = arith.constant 3 : i32
    %get3A_363 = arith.index_cast %get3A_362 : i32 to index
    %get3A_364 = arith.constant 48 : index
    %get3A_365 = tpu.vector_load %arg5[%get3A_363, %get3A_364] {strides = array<i32>} : memref<8x512xf32, #tpu.memory_space<vmem>>, vector<1x16xf32>,
    %get3A_366 = vector.shape_cast %get3A_365 : vector<1x16xf32> to vector<16xf32>
    %add3A_367 = arith.addf %add3A_361, %get3A_366 : vector<16xf32>
    %get3A_368 = arith.constant 4 : i32
    %get3A_369 = arith.index_cast %get3A_368 : i32 to index
    %get3A_370 = arith.constant 48 : index
    %get3A_371 = tpu.vector_load %arg5[%get3A_369, %get3A_370] {strides = array<i32>} : memref<8x512xf32, #tpu.memory_space<vmem>>, vector<1x16xf32>,
    %get3A_372 = vector.shape_cast %get3A_371 : vector<1x16xf32> to vector<16xf32>
    %add3A_373 = arith.addf %add3A_367, %get3A_372 : vector<16xf32>
    %get3A_374 = arith.constant 5 : i32
    %get3A_375 = arith.index_cast %get3A_374 : i32 to index
    %get3A_376 = arith.constant 48 : index
    %get3A_377 = tpu.vector_load %arg5[%get3A_375, %get3A_376] {strides = array<i32>} : memref<8x512xf32, #tpu.memory_space<vmem>>, vector<1x16xf32>,
    %get3A_378 = vector.shape_cast %get3A_377 : vector<1x16xf32> to vector<16xf32>
    %add3A_379 = arith.addf %add3A_373, %get3A_378 : vector<16xf32>
    %get3A_380 = arith.constant 6 : i32
    %get3A_381 = arith.index_cast %get3A_380 : i32 to index
    %get3A_382 = arith.constant 48 : index
    %get3A_383 = tpu.vector_load %arg5[%get3A_381, %get3A_382] {strides = array<i32>} : memref<8x512xf32, #tpu.memory_space<vmem>>, vector<1x16xf32>,
    %get3A_384 = vector.shape_cast %get3A_383 : vector<1x16xf32> to vector<16xf32>
    %add3A_385 = arith.addf %add3A_379, %get3A_384 : vector<16xf32>
    %get3A_386 = arith.constant 7 : i32
    %get3A_387 = arith.index_cast %get3A_386 : i32 to index
    %get3A_388 = arith.constant 48 : index
    %get3A_389 = tpu.vector_load %arg5[%get3A_387, %get3A_388] {strides = array<i32>} : memref<8x512xf32, #tpu.memory_space<vmem>>, vector<1x16xf32>,
    %get3A_390 = vector.shape_cast %get3A_389 : vector<1x16xf32> to vector<16xf32>
    %add3A_391 = arith.addf %add3A_385, %get3A_390 : vector<16xf32>
    %get3A_392 = arith.constant 48 : index
    %get3A_393 = tpu.vector_load %arg6[%get3A_392] {strides = array<i32>} : memref<512xf32, #tpu.memory_space<vmem>>, vector<16xf32>,
    %get3A_394 = vector.shape_cast %get3A_393 : vector<16xf32> to vector<16xf32>
    %mul3A_395 = arith.mulf %get3A_394, %add3A_391 : vector<16xf32>
    %le3A_396 = arith.cmpf ole, %get3A_349, %mul3A_395 : vector<16xf32>
    %jit3A_397 = arith.constant 1.000000e+00 : f32
    %jit3A_398 = arith.constant 0.000000e+00 : f32
    %broadcast_in_dim3A_399 = vector.broadcast %jit3A_397 : f32 to vector<16xf32>
    %broadcast_in_dim3A_400 = vector.broadcast %jit3A_398 : f32 to vector<16xf32>
    %select_n3A_401 = arith.select %le3A_396, %broadcast_in_dim3A_399, %broadcast_in_dim3A_400 : vector<16xi1>, vector<16xf32>
    %le3A_402 = arith.cmpf ole, %add3A_355, %mul3A_395 : vector<16xf32>
    %jit3A_403 = arith.constant 1.000000e+00 : f32
    %jit3A_404 = arith.constant 0.000000e+00 : f32
    %broadcast_in_dim3A_405 = vector.broadcast %jit3A_403 : f32 to vector<16xf32>
    %broadcast_in_dim3A_406 = vector.broadcast %jit3A_404 : f32 to vector<16xf32>
    %select_n3A_407 = arith.select %le3A_402, %broadcast_in_dim3A_405, %broadcast_in_dim3A_406 : vector<16xi1>, vector<16xf32>
    %add3A_408 = arith.addf %select_n3A_401, %select_n3A_407 : vector<16xf32>
    %le3A_409 = arith.cmpf ole, %add3A_361, %mul3A_395 : vector<16xf32>
    %jit3A_410 = arith.constant 1.000000e+00 : f32
    %jit3A_411 = arith.constant 0.000000e+00 : f32
    %broadcast_in_dim3A_412 = vector.broadcast %jit3A_410 : f32 to vector<16xf32>
    %broadcast_in_dim3A_413 = vector.broadcast %jit3A_411 : f32 to vector<16xf32>
    %select_n3A_414 = arith.select %le3A_409, %broadcast_in_dim3A_412, %broadcast_in_dim3A_413 : vector<16xi1>, vector<16xf32>
    %add3A_415 = arith.addf %add3A_408, %select_n3A_414 : vector<16xf32>
    %le3A_416 = arith.cmpf ole, %add3A_367, %mul3A_395 : vector<16xf32>
    %jit3A_417 = arith.constant 1.000000e+00 : f32
    %jit3A_418 = arith.constant 0.000000e+00 : f32
    %broadcast_in_dim3A_419 = vector.broadcast %jit3A_417 : f32 to vector<16xf32>
    %broadcast_in_dim3A_420 = vector.broadcast %jit3A_418 : f32 to vector<16xf32>
    %select_n3A_421 = arith.select %le3A_416, %broadcast_in_dim3A_419, %broadcast_in_dim3A_420 : vector<16xi1>, vector<16xf32>
    %add3A_422 = arith.addf %add3A_415, %select_n3A_421 : vector<16xf32>
    %le3A_423 = arith.cmpf ole, %add3A_373, %mul3A_395 : vector<16xf32>
    %jit3A_424 = arith.constant 1.000000e+00 : f32
    %jit3A_425 = arith.constant 0.000000e+00 : f32
    %broadcast_in_dim3A_426 = vector.broadcast %jit3A_424 : f32 to vector<16xf32>
    %broadcast_in_dim3A_427 = vector.broadcast %jit3A_425 : f32 to vector<16xf32>
    %select_n3A_428 = arith.select %le3A_423, %broadcast_in_dim3A_426, %broadcast_in_dim3A_427 : vector<16xi1>, vector<16xf32>
    %add3A_429 = arith.addf %add3A_422, %select_n3A_428 : vector<16xf32>
    %le3A_430 = arith.cmpf ole, %add3A_379, %mul3A_395 : vector<16xf32>
    %jit3A_431 = arith.constant 1.000000e+00 : f32
    %jit3A_432 = arith.constant 0.000000e+00 : f32
    %broadcast_in_dim3A_433 = vector.broadcast %jit3A_431 : f32 to vector<16xf32>
    %broadcast_in_dim3A_434 = vector.broadcast %jit3A_432 : f32 to vector<16xf32>
    %select_n3A_435 = arith.select %le3A_430, %broadcast_in_dim3A_433, %broadcast_in_dim3A_434 : vector<16xi1>, vector<16xf32>
    %add3A_436 = arith.addf %add3A_429, %select_n3A_435 : vector<16xf32>
    %le3A_437 = arith.cmpf ole, %add3A_385, %mul3A_395 : vector<16xf32>
    %jit3A_438 = arith.constant 1.000000e+00 : f32
    %jit3A_439 = arith.constant 0.000000e+00 : f32
    %broadcast_in_dim3A_440 = vector.broadcast %jit3A_438 : f32 to vector<16xf32>
    %broadcast_in_dim3A_441 = vector.broadcast %jit3A_439 : f32 to vector<16xf32>
    %select_n3A_442 = arith.select %le3A_437, %broadcast_in_dim3A_440, %broadcast_in_dim3A_441 : vector<16xi1>, vector<16xf32>
    %add3A_443 = arith.addf %add3A_436, %select_n3A_442 : vector<16xf32>
    %le3A_444 = arith.cmpf ole, %add3A_391, %mul3A_395 : vector<16xf32>
    %jit3A_445 = arith.constant 1.000000e+00 : f32
    %jit3A_446 = arith.constant 0.000000e+00 : f32
    %broadcast_in_dim3A_447 = vector.broadcast %jit3A_445 : f32 to vector<16xf32>
    %broadcast_in_dim3A_448 = vector.broadcast %jit3A_446 : f32 to vector<16xf32>
    %select_n3A_449 = arith.select %le3A_444, %broadcast_in_dim3A_447, %broadcast_in_dim3A_448 : vector<16xi1>, vector<16xf32>
    %add3A_450 = arith.addf %add3A_443, %select_n3A_449 : vector<16xf32>
    %convert_element_type3A_451 = arith.fptosi %add3A_450 : vector<16xf32> to vector<16xi32>
    %swap3A_452 = arith.constant 48 : index
    %swap3A_453 = tpu.vector_load %arg7[%swap3A_452] {strides = array<i32>} : memref<512xi32, #tpu.memory_space<vmem>>, vector<16xi32>,
    %swap3A_454 = vector.shape_cast %swap3A_453 : vector<16xi32> to vector<16xi32>
    %swap3A_455 = vector.shape_cast %convert_element_type3A_451 : vector<16xi32> to vector<16xi32>
    tpu.vector_store %arg7[%swap3A_452], %swap3A_455 {strides = array<i32>} : memref<512xi32, #tpu.memory_space<vmem>>, vector<16xi32>,
    %get3A_456 = arith.constant 0 : i32
    %get3A_457 = arith.index_cast %get3A_456 : i32 to index
    %get3A_458 = arith.constant 64 : index
    %get3A_459 = tpu.vector_load %arg5[%get3A_457, %get3A_458] {strides = array<i32>} : memref<8x512xf32, #tpu.memory_space<vmem>>, vector<1x16xf32>,
    %get3A_460 = vector.shape_cast %get3A_459 : vector<1x16xf32> to vector<16xf32>
    %get3A_461 = arith.constant 1 : i32
    %get3A_462 = arith.index_cast %get3A_461 : i32 to index
    %get3A_463 = arith.constant 64 : index
    %get3A_464 = tpu.vector_load %arg5[%get3A_462, %get3A_463] {strides = array<i32>} : memref<8x512xf32, #tpu.memory_space<vmem>>, vector<1x16xf32>,
    %get3A_465 = vector.shape_cast %get3A_464 : vector<1x16xf32> to vector<16xf32>
    %add3A_466 = arith.addf %get3A_460, %get3A_465 : vector<16xf32>
    %get3A_467 = arith.constant 2 : i32
    %get3A_468 = arith.index_cast %get3A_467 : i32 to index
    %get3A_469 = arith.constant 64 : index
    %get3A_470 = tpu.vector_load %arg5[%get3A_468, %get3A_469] {strides = array<i32>} : memref<8x512xf32, #tpu.memory_space<vmem>>, vector<1x16xf32>,
    %get3A_471 = vector.shape_cast %get3A_470 : vector<1x16xf32> to vector<16xf32>
    %add3A_472 = arith.addf %add3A_466, %get3A_471 : vector<16xf32>
    %get3A_473 = arith.constant 3 : i32
    %get3A_474 = arith.index_cast %get3A_473 : i32 to index
    %get3A_475 = arith.constant 64 : index
    %get3A_476 = tpu.vector_load %arg5[%get3A_474, %get3A_475] {strides = array<i32>} : memref<8x512xf32, #tpu.memory_space<vmem>>, vector<1x16xf32>,
    %get3A_477 = vector.shape_cast %get3A_476 : vector<1x16xf32> to vector<16xf32>
    %add3A_478 = arith.addf %add3A_472, %get3A_477 : vector<16xf32>
    %get3A_479 = arith.constant 4 : i32
    %get3A_480 = arith.index_cast %get3A_479 : i32 to index
    %get3A_481 = arith.constant 64 : index
    %get3A_482 = tpu.vector_load %arg5[%get3A_480, %get3A_481] {strides = array<i32>} : memref<8x512xf32, #tpu.memory_space<vmem>>, vector<1x16xf32>,
    %get3A_483 = vector.shape_cast %get3A_482 : vector<1x16xf32> to vector<16xf32>
    %add3A_484 = arith.addf %add3A_478, %get3A_483 : vector<16xf32>
    %get3A_485 = arith.constant 5 : i32
    %get3A_486 = arith.index_cast %get3A_485 : i32 to index
    %get3A_487 = arith.constant 64 : index
    %get3A_488 = tpu.vector_load %arg5[%get3A_486, %get3A_487] {strides = array<i32>} : memref<8x512xf32, #tpu.memory_space<vmem>>, vector<1x16xf32>,
    %get3A_489 = vector.shape_cast %get3A_488 : vector<1x16xf32> to vector<16xf32>
    %add3A_490 = arith.addf %add3A_484, %get3A_489 : vector<16xf32>
    %get3A_491 = arith.constant 6 : i32
    %get3A_492 = arith.index_cast %get3A_491 : i32 to index
    %get3A_493 = arith.constant 64 : index
    %get3A_494 = tpu.vector_load %arg5[%get3A_492, %get3A_493] {strides = array<i32>} : memref<8x512xf32, #tpu.memory_space<vmem>>, vector<1x16xf32>,
    %get3A_495 = vector.shape_cast %get3A_494 : vector<1x16xf32> to vector<16xf32>
    %add3A_496 = arith.addf %add3A_490, %get3A_495 : vector<16xf32>
    %get3A_497 = arith.constant 7 : i32
    %get3A_498 = arith.index_cast %get3A_497 : i32 to index
    %get3A_499 = arith.constant 64 : index
    %get3A_500 = tpu.vector_load %arg5[%get3A_498, %get3A_499] {strides = array<i32>} : memref<8x512xf32, #tpu.memory_space<vmem>>, vector<1x16xf32>,
    %get3A_501 = vector.shape_cast %get3A_500 : vector<1x16xf32> to vector<16xf32>
    %add3A_502 = arith.addf %add3A_496, %get3A_501 : vector<16xf32>
    %get3A_503 = arith.constant 64 : index
    %get3A_504 = tpu.vector_load %arg6[%get3A_503] {strides = array<i32>} : memref<512xf32, #tpu.memory_space<vmem>>, vector<16xf32>,
    %get3A_505 = vector.shape_cast %get3A_504 : vector<16xf32> to vector<16xf32>
    %mul3A_506 = arith.mulf %get3A_505, %add3A_502 : vector<16xf32>
    %le3A_507 = arith.cmpf ole, %get3A_460, %mul3A_506 : vector<16xf32>
    %jit3A_508 = arith.constant 1.000000e+00 : f32
    %jit3A_509 = arith.constant 0.000000e+00 : f32
    %broadcast_in_dim3A_510 = vector.broadcast %jit3A_508 : f32 to vector<16xf32>
    %broadcast_in_dim3A_511 = vector.broadcast %jit3A_509 : f32 to vector<16xf32>
    %select_n3A_512 = arith.select %le3A_507, %broadcast_in_dim3A_510, %broadcast_in_dim3A_511 : vector<16xi1>, vector<16xf32>
    %le3A_513 = arith.cmpf ole, %add3A_466, %mul3A_506 : vector<16xf32>
    %jit3A_514 = arith.constant 1.000000e+00 : f32
    %jit3A_515 = arith.constant 0.000000e+00 : f32
    %broadcast_in_dim3A_516 = vector.broadcast %jit3A_514 : f32 to vector<16xf32>
    %broadcast_in_dim3A_517 = vector.broadcast %jit3A_515 : f32 to vector<16xf32>
    %select_n3A_518 = arith.select %le3A_513, %broadcast_in_dim3A_516, %broadcast_in_dim3A_517 : vector<16xi1>, vector<16xf32>
    %add3A_519 = arith.addf %select_n3A_512, %select_n3A_518 : vector<16xf32>
    %le3A_520 = arith.cmpf ole, %add3A_472, %mul3A_506 : vector<16xf32>
    %jit3A_521 = arith.constant 1.000000e+00 : f32
    %jit3A_522 = arith.constant 0.000000e+00 : f32
    %broadcast_in_dim3A_523 = vector.broadcast %jit3A_521 : f32 to vector<16xf32>
    %broadcast_in_dim3A_524 = vector.broadcast %jit3A_522 : f32 to vector<16xf32>
    %select_n3A_525 = arith.select %le3A_520, %broadcast_in_dim3A_523, %broadcast_in_dim3A_524 : vector<16xi1>, vector<16xf32>
    %add3A_526 = arith.addf %add3A_519, %select_n3A_525 : vector<16xf32>
    %le3A_527 = arith.cmpf ole, %add3A_478, %mul3A_506 : vector<16xf32>
    %jit3A_528 = arith.constant 1.000000e+00 : f32
    %jit3A_529 = arith.constant 0.000000e+00 : f32
    %broadcast_in_dim3A_530 = vector.broadcast %jit3A_528 : f32 to vector<16xf32>
    %broadcast_in_dim3A_531 = vector.broadcast %jit3A_529 : f32 to vector<16xf32>
    %select_n3A_532 = arith.select %le3A_527, %broadcast_in_dim3A_530, %broadcast_in_dim3A_531 : vector<16xi1>, vector<16xf32>
    %add3A_533 = arith.addf %add3A_526, %select_n3A_532 : vector<16xf32>
    %le3A_534 = arith.cmpf ole, %add3A_484, %mul3A_506 : vector<16xf32>
    %jit3A_535 = arith.constant 1.000000e+00 : f32
    %jit3A_536 = arith.constant 0.000000e+00 : f32
    %broadcast_in_dim3A_537 = vector.broadcast %jit3A_535 : f32 to vector<16xf32>
    %broadcast_in_dim3A_538 = vector.broadcast %jit3A_536 : f32 to vector<16xf32>
    %select_n3A_539 = arith.select %le3A_534, %broadcast_in_dim3A_537, %broadcast_in_dim3A_538 : vector<16xi1>, vector<16xf32>
    %add3A_540 = arith.addf %add3A_533, %select_n3A_539 : vector<16xf32>
    %le3A_541 = arith.cmpf ole, %add3A_490, %mul3A_506 : vector<16xf32>
    %jit3A_542 = arith.constant 1.000000e+00 : f32
    %jit3A_543 = arith.constant 0.000000e+00 : f32
    %broadcast_in_dim3A_544 = vector.broadcast %jit3A_542 : f32 to vector<16xf32>
    %broadcast_in_dim3A_545 = vector.broadcast %jit3A_543 : f32 to vector<16xf32>
    %select_n3A_546 = arith.select %le3A_541, %broadcast_in_dim3A_544, %broadcast_in_dim3A_545 : vector<16xi1>, vector<16xf32>
    %add3A_547 = arith.addf %add3A_540, %select_n3A_546 : vector<16xf32>
    %le3A_548 = arith.cmpf ole, %add3A_496, %mul3A_506 : vector<16xf32>
    %jit3A_549 = arith.constant 1.000000e+00 : f32
    %jit3A_550 = arith.constant 0.000000e+00 : f32
    %broadcast_in_dim3A_551 = vector.broadcast %jit3A_549 : f32 to vector<16xf32>
    %broadcast_in_dim3A_552 = vector.broadcast %jit3A_550 : f32 to vector<16xf32>
    %select_n3A_553 = arith.select %le3A_548, %broadcast_in_dim3A_551, %broadcast_in_dim3A_552 : vector<16xi1>, vector<16xf32>
    %add3A_554 = arith.addf %add3A_547, %select_n3A_553 : vector<16xf32>
    %le3A_555 = arith.cmpf ole, %add3A_502, %mul3A_506 : vector<16xf32>
    %jit3A_556 = arith.constant 1.000000e+00 : f32
    %jit3A_557 = arith.constant 0.000000e+00 : f32
    %broadcast_in_dim3A_558 = vector.broadcast %jit3A_556 : f32 to vector<16xf32>
    %broadcast_in_dim3A_559 = vector.broadcast %jit3A_557 : f32 to vector<16xf32>
    %select_n3A_560 = arith.select %le3A_555, %broadcast_in_dim3A_558, %broadcast_in_dim3A_559 : vector<16xi1>, vector<16xf32>
    %add3A_561 = arith.addf %add3A_554, %select_n3A_560 : vector<16xf32>
    %convert_element_type3A_562 = arith.fptosi %add3A_561 : vector<16xf32> to vector<16xi32>
    %swap3A_563 = arith.constant 64 : index
    %swap3A_564 = tpu.vector_load %arg7[%swap3A_563] {strides = array<i32>} : memref<512xi32, #tpu.memory_space<vmem>>, vector<16xi32>,
    %swap3A_565 = vector.shape_cast %swap3A_564 : vector<16xi32> to vector<16xi32>
    %swap3A_566 = vector.shape_cast %convert_element_type3A_562 : vector<16xi32> to vector<16xi32>
    tpu.vector_store %arg7[%swap3A_563], %swap3A_566 {strides = array<i32>} : memref<512xi32, #tpu.memory_space<vmem>>, vector<16xi32>,
    %get3A_567 = arith.constant 0 : i32
    %get3A_568 = arith.index_cast %get3A_567 : i32 to index
    %get3A_569 = arith.constant 80 : index
    %get3A_570 = tpu.vector_load %arg5[%get3A_568, %get3A_569] {strides = array<i32>} : memref<8x512xf32, #tpu.memory_space<vmem>>, vector<1x16xf32>,
    %get3A_571 = vector.shape_cast %get3A_570 : vector<1x16xf32> to vector<16xf32>
    %get3A_572 = arith.constant 1 : i32
    %get3A_573 = arith.index_cast %get3A_572 : i32 to index
    %get3A_574 = arith.constant 80 : index
    %get3A_575 = tpu.vector_load %arg5[%get3A_573, %get3A_574] {strides = array<i32>} : memref<8x512xf32, #tpu.memory_space<vmem>>, vector<1x16xf32>,
    %get3A_576 = vector.shape_cast %get3A_575 : vector<1x16xf32> to vector<16xf32>
    %add3A_577 = arith.addf %get3A_571, %get3A_576 : vector<16xf32>
    %get3A_578 = arith.constant 2 : i32
    %get3A_579 = arith.index_cast %get3A_578 : i32 to index
    %get3A_580 = arith.constant 80 : index
    %get3A_581 = tpu.vector_load %arg5[%get3A_579, %get3A_580] {strides = array<i32>} : memref<8x512xf32, #tpu.memory_space<vmem>>, vector<1x16xf32>,
    %get3A_582 = vector.shape_cast %get3A_581 : vector<1x16xf32> to vector<16xf32>
    %add3A_583 = arith.addf %add3A_577, %get3A_582 : vector<16xf32>
    %get3A_584 = arith.constant 3 : i32
    %get3A_585 = arith.index_cast %get3A_584 : i32 to index
    %get3A_586 = arith.constant 80 : index
    %get3A_587 = tpu.vector_load %arg5[%get3A_585, %get3A_586] {strides = array<i32>} : memref<8x512xf32, #tpu.memory_space<vmem>>, vector<1x16xf32>,
    %get3A_588 = vector.shape_cast %get3A_587 : vector<1x16xf32> to vector<16xf32>
    %add3A_589 = arith.addf %add3A_583, %get3A_588 : vector<16xf32>
    %get3A_590 = arith.constant 4 : i32
    %get3A_591 = arith.index_cast %get3A_590 : i32 to index
    %get3A_592 = arith.constant 80 : index
    %get3A_593 = tpu.vector_load %arg5[%get3A_591, %get3A_592] {strides = array<i32>} : memref<8x512xf32, #tpu.memory_space<vmem>>, vector<1x16xf32>,
    %get3A_594 = vector.shape_cast %get3A_593 : vector<1x16xf32> to vector<16xf32>
    %add3A_595 = arith.addf %add3A_589, %get3A_594 : vector<16xf32>
    %get3A_596 = arith.constant 5 : i32
    %get3A_597 = arith.index_cast %get3A_596 : i32 to index
    %get3A_598 = arith.constant 80 : index
    %get3A_599 = tpu.vector_load %arg5[%get3A_597, %get3A_598] {strides = array<i32>} : memref<8x512xf32, #tpu.memory_space<vmem>>, vector<1x16xf32>,
    %get3A_600 = vector.shape_cast %get3A_599 : vector<1x16xf32> to vector<16xf32>
    %add3A_601 = arith.addf %add3A_595, %get3A_600 : vector<16xf32>
    %get3A_602 = arith.constant 6 : i32
    %get3A_603 = arith.index_cast %get3A_602 : i32 to index
    %get3A_604 = arith.constant 80 : index
    %get3A_605 = tpu.vector_load %arg5[%get3A_603, %get3A_604] {strides = array<i32>} : memref<8x512xf32, #tpu.memory_space<vmem>>, vector<1x16xf32>,
    %get3A_606 = vector.shape_cast %get3A_605 : vector<1x16xf32> to vector<16xf32>
    %add3A_607 = arith.addf %add3A_601, %get3A_606 : vector<16xf32>
    %get3A_608 = arith.constant 7 : i32
    %get3A_609 = arith.index_cast %get3A_608 : i32 to index
    %get3A_610 = arith.constant 80 : index
    %get3A_611 = tpu.vector_load %arg5[%get3A_609, %get3A_610] {strides = array<i32>} : memref<8x512xf32, #tpu.memory_space<vmem>>, vector<1x16xf32>,
    %get3A_612 = vector.shape_cast %get3A_611 : vector<1x16xf32> to vector<16xf32>
    %add3A_613 = arith.addf %add3A_607, %get3A_612 : vector<16xf32>
    %get3A_614 = arith.constant 80 : index
    %get3A_615 = tpu.vector_load %arg6[%get3A_614] {strides = array<i32>} : memref<512xf32, #tpu.memory_space<vmem>>, vector<16xf32>,
    %get3A_616 = vector.shape_cast %get3A_615 : vector<16xf32> to vector<16xf32>
    %mul3A_617 = arith.mulf %get3A_616, %add3A_613 : vector<16xf32>
    %le3A_618 = arith.cmpf ole, %get3A_571, %mul3A_617 : vector<16xf32>
    %jit3A_619 = arith.constant 1.000000e+00 : f32
    %jit3A_620 = arith.constant 0.000000e+00 : f32
    %broadcast_in_dim3A_621 = vector.broadcast %jit3A_619 : f32 to vector<16xf32>
    %broadcast_in_dim3A_622 = vector.broadcast %jit3A_620 : f32 to vector<16xf32>
    %select_n3A_623 = arith.select %le3A_618, %broadcast_in_dim3A_621, %broadcast_in_dim3A_622 : vector<16xi1>, vector<16xf32>
    %le3A_624 = arith.cmpf ole, %add3A_577, %mul3A_617 : vector<16xf32>
    %jit3A_625 = arith.constant 1.000000e+00 : f32
    %jit3A_626 = arith.constant 0.000000e+00 : f32
    %broadcast_in_dim3A_627 = vector.broadcast %jit3A_625 : f32 to vector<16xf32>
    %broadcast_in_dim3A_628 = vector.broadcast %jit3A_626 : f32 to vector<16xf32>
    %select_n3A_629 = arith.select %le3A_624, %broadcast_in_dim3A_627, %broadcast_in_dim3A_628 : vector<16xi1>, vector<16xf32>
    %add3A_630 = arith.addf %select_n3A_623, %select_n3A_629 : vector<16xf32>
    %le3A_631 = arith.cmpf ole, %add3A_583, %mul3A_617 : vector<16xf32>
    %jit3A_632 = arith.constant 1.000000e+00 : f32
    %jit3A_633 = arith.constant 0.000000e+00 : f32
    %broadcast_in_dim3A_634 = vector.broadcast %jit3A_632 : f32 to vector<16xf32>
    %broadcast_in_dim3A_635 = vector.broadcast %jit3A_633 : f32 to vector<16xf32>
    %select_n3A_636 = arith.select %le3A_631, %broadcast_in_dim3A_634, %broadcast_in_dim3A_635 : vector<16xi1>, vector<16xf32>
    %add3A_637 = arith.addf %add3A_630, %select_n3A_636 : vector<16xf32>
    %le3A_638 = arith.cmpf ole, %add3A_589, %mul3A_617 : vector<16xf32>
    %jit3A_639 = arith.constant 1.000000e+00 : f32
    %jit3A_640 = arith.constant 0.000000e+00 : f32
    %broadcast_in_dim3A_641 = vector.broadcast %jit3A_639 : f32 to vector<16xf32>
    %broadcast_in_dim3A_642 = vector.broadcast %jit3A_640 : f32 to vector<16xf32>
    %select_n3A_643 = arith.select %le3A_638, %broadcast_in_dim3A_641, %broadcast_in_dim3A_642 : vector<16xi1>, vector<16xf32>
    %add3A_644 = arith.addf %add3A_637, %select_n3A_643 : vector<16xf32>
    %le3A_645 = arith.cmpf ole, %add3A_595, %mul3A_617 : vector<16xf32>
    %jit3A_646 = arith.constant 1.000000e+00 : f32
    %jit3A_647 = arith.constant 0.000000e+00 : f32
    %broadcast_in_dim3A_648 = vector.broadcast %jit3A_646 : f32 to vector<16xf32>
    %broadcast_in_dim3A_649 = vector.broadcast %jit3A_647 : f32 to vector<16xf32>
    %select_n3A_650 = arith.select %le3A_645, %broadcast_in_dim3A_648, %broadcast_in_dim3A_649 : vector<16xi1>, vector<16xf32>
    %add3A_651 = arith.addf %add3A_644, %select_n3A_650 : vector<16xf32>
    %le3A_652 = arith.cmpf ole, %add3A_601, %mul3A_617 : vector<16xf32>
    %jit3A_653 = arith.constant 1.000000e+00 : f32
    %jit3A_654 = arith.constant 0.000000e+00 : f32
    %broadcast_in_dim3A_655 = vector.broadcast %jit3A_653 : f32 to vector<16xf32>
    %broadcast_in_dim3A_656 = vector.broadcast %jit3A_654 : f32 to vector<16xf32>
    %select_n3A_657 = arith.select %le3A_652, %broadcast_in_dim3A_655, %broadcast_in_dim3A_656 : vector<16xi1>, vector<16xf32>
    %add3A_658 = arith.addf %add3A_651, %select_n3A_657 : vector<16xf32>
    %le3A_659 = arith.cmpf ole, %add3A_607, %mul3A_617 : vector<16xf32>
    %jit3A_660 = arith.constant 1.000000e+00 : f32
    %jit3A_661 = arith.constant 0.000000e+00 : f32
    %broadcast_in_dim3A_662 = vector.broadcast %jit3A_660 : f32 to vector<16xf32>
    %broadcast_in_dim3A_663 = vector.broadcast %jit3A_661 : f32 to vector<16xf32>
    %select_n3A_664 = arith.select %le3A_659, %broadcast_in_dim3A_662, %broadcast_in_dim3A_663 : vector<16xi1>, vector<16xf32>
    %add3A_665 = arith.addf %add3A_658, %select_n3A_664 : vector<16xf32>
    %le3A_666 = arith.cmpf ole, %add3A_613, %mul3A_617 : vector<16xf32>
    %jit3A_667 = arith.constant 1.000000e+00 : f32
    %jit3A_668 = arith.constant 0.000000e+00 : f32
    %broadcast_in_dim3A_669 = vector.broadcast %jit3A_667 : f32 to vector<16xf32>
    %broadcast_in_dim3A_670 = vector.broadcast %jit3A_668 : f32 to vector<16xf32>
    %select_n3A_671 = arith.select %le3A_666, %broadcast_in_dim3A_669, %broadcast_in_dim3A_670 : vector<16xi1>, vector<16xf32>
    %add3A_672 = arith.addf %add3A_665, %select_n3A_671 : vector<16xf32>
    %convert_element_type3A_673 = arith.fptosi %add3A_672 : vector<16xf32> to vector<16xi32>
    %swap3A_674 = arith.constant 80 : index
    %swap3A_675 = tpu.vector_load %arg7[%swap3A_674] {strides = array<i32>} : memref<512xi32, #tpu.memory_space<vmem>>, vector<16xi32>,
    %swap3A_676 = vector.shape_cast %swap3A_675 : vector<16xi32> to vector<16xi32>
    %swap3A_677 = vector.shape_cast %convert_element_type3A_673 : vector<16xi32> to vector<16xi32>
    tpu.vector_store %arg7[%swap3A_674], %swap3A_677 {strides = array<i32>} : memref<512xi32, #tpu.memory_space<vmem>>, vector<16xi32>,
    %get3A_678 = arith.constant 0 : i32
    %get3A_679 = arith.index_cast %get3A_678 : i32 to index
    %get3A_680 = arith.constant 96 : index
    %get3A_681 = tpu.vector_load %arg5[%get3A_679, %get3A_680] {strides = array<i32>} : memref<8x512xf32, #tpu.memory_space<vmem>>, vector<1x16xf32>,
    %get3A_682 = vector.shape_cast %get3A_681 : vector<1x16xf32> to vector<16xf32>
    %get3A_683 = arith.constant 1 : i32
    %get3A_684 = arith.index_cast %get3A_683 : i32 to index
    %get3A_685 = arith.constant 96 : index
    %get3A_686 = tpu.vector_load %arg5[%get3A_684, %get3A_685] {strides = array<i32>} : memref<8x512xf32, #tpu.memory_space<vmem>>, vector<1x16xf32>,
    %get3A_687 = vector.shape_cast %get3A_686 : vector<1x16xf32> to vector<16xf32>
    %add3A_688 = arith.addf %get3A_682, %get3A_687 : vector<16xf32>
    %get3A_689 = arith.constant 2 : i32
    %get3A_690 = arith.index_cast %get3A_689 : i32 to index
    %get3A_691 = arith.constant 96 : index
    %get3A_692 = tpu.vector_load %arg5[%get3A_690, %get3A_691] {strides = array<i32>} : memref<8x512xf32, #tpu.memory_space<vmem>>, vector<1x16xf32>,
    %get3A_693 = vector.shape_cast %get3A_692 : vector<1x16xf32> to vector<16xf32>
    %add3A_694 = arith.addf %add3A_688, %get3A_693 : vector<16xf32>
    %get3A_695 = arith.constant 3 : i32
    %get3A_696 = arith.index_cast %get3A_695 : i32 to index
    %get3A_697 = arith.constant 96 : index
    %get3A_698 = tpu.vector_load %arg5[%get3A_696, %get3A_697] {strides = array<i32>} : memref<8x512xf32, #tpu.memory_space<vmem>>, vector<1x16xf32>,
    %get3A_699 = vector.shape_cast %get3A_698 : vector<1x16xf32> to vector<16xf32>
    %add3A_700 = arith.addf %add3A_694, %get3A_699 : vector<16xf32>
    %get3A_701 = arith.constant 4 : i32
    %get3A_702 = arith.index_cast %get3A_701 : i32 to index
    %get3A_703 = arith.constant 96 : index
    %get3A_704 = tpu.vector_load %arg5[%get3A_702, %get3A_703] {strides = array<i32>} : memref<8x512xf32, #tpu.memory_space<vmem>>, vector<1x16xf32>,
    %get3A_705 = vector.shape_cast %get3A_704 : vector<1x16xf32> to vector<16xf32>
    %add3A_706 = arith.addf %add3A_700, %get3A_705 : vector<16xf32>
    %get3A_707 = arith.constant 5 : i32
    %get3A_708 = arith.index_cast %get3A_707 : i32 to index
    %get3A_709 = arith.constant 96 : index
    %get3A_710 = tpu.vector_load %arg5[%get3A_708, %get3A_709] {strides = array<i32>} : memref<8x512xf32, #tpu.memory_space<vmem>>, vector<1x16xf32>,
    %get3A_711 = vector.shape_cast %get3A_710 : vector<1x16xf32> to vector<16xf32>
    %add3A_712 = arith.addf %add3A_706, %get3A_711 : vector<16xf32>
    %get3A_713 = arith.constant 6 : i32
    %get3A_714 = arith.index_cast %get3A_713 : i32 to index
    %get3A_715 = arith.constant 96 : index
    %get3A_716 = tpu.vector_load %arg5[%get3A_714, %get3A_715] {strides = array<i32>} : memref<8x512xf32, #tpu.memory_space<vmem>>, vector<1x16xf32>,
    %get3A_717 = vector.shape_cast %get3A_716 : vector<1x16xf32> to vector<16xf32>
    %add3A_718 = arith.addf %add3A_712, %get3A_717 : vector<16xf32>
    %get3A_719 = arith.constant 7 : i32
    %get3A_720 = arith.index_cast %get3A_719 : i32 to index
    %get3A_721 = arith.constant 96 : index
    %get3A_722 = tpu.vector_load %arg5[%get3A_720, %get3A_721] {strides = array<i32>} : memref<8x512xf32, #tpu.memory_space<vmem>>, vector<1x16xf32>,
    %get3A_723 = vector.shape_cast %get3A_722 : vector<1x16xf32> to vector<16xf32>
    %add3A_724 = arith.addf %add3A_718, %get3A_723 : vector<16xf32>
    %get3A_725 = arith.constant 96 : index
    %get3A_726 = tpu.vector_load %arg6[%get3A_725] {strides = array<i32>} : memref<512xf32, #tpu.memory_space<vmem>>, vector<16xf32>,
    %get3A_727 = vector.shape_cast %get3A_726 : vector<16xf32> to vector<16xf32>
    %mul3A_728 = arith.mulf %get3A_727, %add3A_724 : vector<16xf32>
    %le3A_729 = arith.cmpf ole, %get3A_682, %mul3A_728 : vector<16xf32>
    %jit3A_730 = arith.constant 1.000000e+00 : f32
    %jit3A_731 = arith.constant 0.000000e+00 : f32
    %broadcast_in_dim3A_732 = vector.broadcast %jit3A_730 : f32 to vector<16xf32>
    %broadcast_in_dim3A_733 = vector.broadcast %jit3A_731 : f32 to vector<16xf32>
    %select_n3A_734 = arith.select %le3A_729, %broadcast_in_dim3A_732, %broadcast_in_dim3A_733 : vector<16xi1>, vector<16xf32>
    %le3A_735 = arith.cmpf ole, %add3A_688, %mul3A_728 : vector<16xf32>
    %jit3A_736 = arith.constant 1.000000e+00 : f32
    %jit3A_737 = arith.constant 0.000000e+00 : f32
    %broadcast_in_dim3A_738 = vector.broadcast %jit3A_736 : f32 to vector<16xf32>
    %broadcast_in_dim3A_739 = vector.broadcast %jit3A_737 : f32 to vector<16xf32>
    %select_n3A_740 = arith.select %le3A_735, %broadcast_in_dim3A_738, %broadcast_in_dim3A_739 : vector<16xi1>, vector<16xf32>
    %add3A_741 = arith.addf %select_n3A_734, %select_n3A_740 : vector<16xf32>
    %le3A_742 = arith.cmpf ole, %add3A_694, %mul3A_728 : vector<16xf32>
    %jit3A_743 = arith.constant 1.000000e+00 : f32
    %jit3A_744 = arith.constant 0.000000e+00 : f32
    %broadcast_in_dim3A_745 = vector.broadcast %jit3A_743 : f32 to vector<16xf32>
    %broadcast_in_dim3A_746 = vector.broadcast %jit3A_744 : f32 to vector<16xf32>
    %select_n3A_747 = arith.select %le3A_742, %broadcast_in_dim3A_745, %broadcast_in_dim3A_746 : vector<16xi1>, vector<16xf32>
    %add3A_748 = arith.addf %add3A_741, %select_n3A_747 : vector<16xf32>
    %le3A_749 = arith.cmpf ole, %add3A_700, %mul3A_728 : vector<16xf32>
    %jit3A_750 = arith.constant 1.000000e+00 : f32
    %jit3A_751 = arith.constant 0.000000e+00 : f32
    %broadcast_in_dim3A_752 = vector.broadcast %jit3A_750 : f32 to vector<16xf32>
    %broadcast_in_dim3A_753 = vector.broadcast %jit3A_751 : f32 to vector<16xf32>
    %select_n3A_754 = arith.select %le3A_749, %broadcast_in_dim3A_752, %broadcast_in_dim3A_753 : vector<16xi1>, vector<16xf32>
    %add3A_755 = arith.addf %add3A_748, %select_n3A_754 : vector<16xf32>
    %le3A_756 = arith.cmpf ole, %add3A_706, %mul3A_728 : vector<16xf32>
    %jit3A_757 = arith.constant 1.000000e+00 : f32
    %jit3A_758 = arith.constant 0.000000e+00 : f32
    %broadcast_in_dim3A_759 = vector.broadcast %jit3A_757 : f32 to vector<16xf32>
    %broadcast_in_dim3A_760 = vector.broadcast %jit3A_758 : f32 to vector<16xf32>
    %select_n3A_761 = arith.select %le3A_756, %broadcast_in_dim3A_759, %broadcast_in_dim3A_760 : vector<16xi1>, vector<16xf32>
    %add3A_762 = arith.addf %add3A_755, %select_n3A_761 : vector<16xf32>
    %le3A_763 = arith.cmpf ole, %add3A_712, %mul3A_728 : vector<16xf32>
    %jit3A_764 = arith.constant 1.000000e+00 : f32
    %jit3A_765 = arith.constant 0.000000e+00 : f32
    %broadcast_in_dim3A_766 = vector.broadcast %jit3A_764 : f32 to vector<16xf32>
    %broadcast_in_dim3A_767 = vector.broadcast %jit3A_765 : f32 to vector<16xf32>
    %select_n3A_768 = arith.select %le3A_763, %broadcast_in_dim3A_766, %broadcast_in_dim3A_767 : vector<16xi1>, vector<16xf32>
    %add3A_769 = arith.addf %add3A_762, %select_n3A_768 : vector<16xf32>
    %le3A_770 = arith.cmpf ole, %add3A_718, %mul3A_728 : vector<16xf32>
    %jit3A_771 = arith.constant 1.000000e+00 : f32
    %jit3A_772 = arith.constant 0.000000e+00 : f32
    %broadcast_in_dim3A_773 = vector.broadcast %jit3A_771 : f32 to vector<16xf32>
    %broadcast_in_dim3A_774 = vector.broadcast %jit3A_772 : f32 to vector<16xf32>
    %select_n3A_775 = arith.select %le3A_770, %broadcast_in_dim3A_773, %broadcast_in_dim3A_774 : vector<16xi1>, vector<16xf32>
    %add3A_776 = arith.addf %add3A_769, %select_n3A_775 : vector<16xf32>
    %le3A_777 = arith.cmpf ole, %add3A_724, %mul3A_728 : vector<16xf32>
    %jit3A_778 = arith.constant 1.000000e+00 : f32
    %jit3A_779 = arith.constant 0.000000e+00 : f32
    %broadcast_in_dim3A_780 = vector.broadcast %jit3A_778 : f32 to vector<16xf32>
    %broadcast_in_dim3A_781 = vector.broadcast %jit3A_779 : f32 to vector<16xf32>
    %select_n3A_782 = arith.select %le3A_777, %broadcast_in_dim3A_780, %broadcast_in_dim3A_781 : vector<16xi1>, vector<16xf32>
    %add3A_783 = arith.addf %add3A_776, %select_n3A_782 : vector<16xf32>
    %convert_element_type3A_784 = arith.fptosi %add3A_783 : vector<16xf32> to vector<16xi32>
    %swap3A_785 = arith.constant 96 : index
    %swap3A_786 = tpu.vector_load %arg7[%swap3A_785] {strides = array<i32>} : memref<512xi32, #tpu.memory_space<vmem>>, vector<16xi32>,
    %swap3A_787 = vector.shape_cast %swap3A_786 : vector<16xi32> to vector<16xi32>
    %swap3A_788 = vector.shape_cast %convert_element_type3A_784 : vector<16xi32> to vector<16xi32>
    tpu.vector_store %arg7[%swap3A_785], %swap3A_788 {strides = array<i32>} : memref<512xi32, #tpu.memory_space<vmem>>, vector<16xi32>,
    %get3A_789 = arith.constant 0 : i32
    %get3A_790 = arith.index_cast %get3A_789 : i32 to index
    %get3A_791 = arith.constant 112 : index
    %get3A_792 = tpu.vector_load %arg5[%get3A_790, %get3A_791] {strides = array<i32>} : memref<8x512xf32, #tpu.memory_space<vmem>>, vector<1x16xf32>,
    %get3A_793 = vector.shape_cast %get3A_792 : vector<1x16xf32> to vector<16xf32>
    %get3A_794 = arith.constant 1 : i32
    %get3A_795 = arith.index_cast %get3A_794 : i32 to index
    %get3A_796 = arith.constant 112 : index
    %get3A_797 = tpu.vector_load %arg5[%get3A_795, %get3A_796] {strides = array<i32>} : memref<8x512xf32, #tpu.memory_space<vmem>>, vector<1x16xf32>,
    %get3A_798 = vector.shape_cast %get3A_797 : vector<1x16xf32> to vector<16xf32>
    %add3A_799 = arith.addf %get3A_793, %get3A_798 : vector<16xf32>
    %get3A_800 = arith.constant 2 : i32
    %get3A_801 = arith.index_cast %get3A_800 : i32 to index
    %get3A_802 = arith.constant 112 : index
    %get3A_803 = tpu.vector_load %arg5[%get3A_801, %get3A_802] {strides = array<i32>} : memref<8x512xf32, #tpu.memory_space<vmem>>, vector<1x16xf32>,
    %get3A_804 = vector.shape_cast %get3A_803 : vector<1x16xf32> to vector<16xf32>
    %add3A_805 = arith.addf %add3A_799, %get3A_804 : vector<16xf32>
    %get3A_806 = arith.constant 3 : i32
    %get3A_807 = arith.index_cast %get3A_806 : i32 to index
    %get3A_808 = arith.constant 112 : index
    %get3A_809 = tpu.vector_load %arg5[%get3A_807, %get3A_808] {strides = array<i32>} : memref<8x512xf32, #tpu.memory_space<vmem>>, vector<1x16xf32>,
    %get3A_810 = vector.shape_cast %get3A_809 : vector<1x16xf32> to vector<16xf32>
    %add3A_811 = arith.addf %add3A_805, %get3A_810 : vector<16xf32>
    %get3A_812 = arith.constant 4 : i32
    %get3A_813 = arith.index_cast %get3A_812 : i32 to index
    %get3A_814 = arith.constant 112 : index
    %get3A_815 = tpu.vector_load %arg5[%get3A_813, %get3A_814] {strides = array<i32>} : memref<8x512xf32, #tpu.memory_space<vmem>>, vector<1x16xf32>,
    %get3A_816 = vector.shape_cast %get3A_815 : vector<1x16xf32> to vector<16xf32>
    %add3A_817 = arith.addf %add3A_811, %get3A_816 : vector<16xf32>
    %get3A_818 = arith.constant 5 : i32
    %get3A_819 = arith.index_cast %get3A_818 : i32 to index
    %get3A_820 = arith.constant 112 : index
    %get3A_821 = tpu.vector_load %arg5[%get3A_819, %get3A_820] {strides = array<i32>} : memref<8x512xf32, #tpu.memory_space<vmem>>, vector<1x16xf32>,
    %get3A_822 = vector.shape_cast %get3A_821 : vector<1x16xf32> to vector<16xf32>
    %add3A_823 = arith.addf %add3A_817, %get3A_822 : vector<16xf32>
    %get3A_824 = arith.constant 6 : i32
    %get3A_825 = arith.index_cast %get3A_824 : i32 to index
    %get3A_826 = arith.constant 112 : index
    %get3A_827 = tpu.vector_load %arg5[%get3A_825, %get3A_826] {strides = array<i32>} : memref<8x512xf32, #tpu.memory_space<vmem>>, vector<1x16xf32>,
    %get3A_828 = vector.shape_cast %get3A_827 : vector<1x16xf32> to vector<16xf32>
    %add3A_829 = arith.addf %add3A_823, %get3A_828 : vector<16xf32>
    %get3A_830 = arith.constant 7 : i32
    %get3A_831 = arith.index_cast %get3A_830 : i32 to index
    %get3A_832 = arith.constant 112 : index
    %get3A_833 = tpu.vector_load %arg5[%get3A_831, %get3A_832] {strides = array<i32>} : memref<8x512xf32, #tpu.memory_space<vmem>>, vector<1x16xf32>,
    %get3A_834 = vector.shape_cast %get3A_833 : vector<1x16xf32> to vector<16xf32>
    %add3A_835 = arith.addf %add3A_829, %get3A_834 : vector<16xf32>
    %get3A_836 = arith.constant 112 : index
    %get3A_837 = tpu.vector_load %arg6[%get3A_836] {strides = array<i32>} : memref<512xf32, #tpu.memory_space<vmem>>, vector<16xf32>,
    %get3A_838 = vector.shape_cast %get3A_837 : vector<16xf32> to vector<16xf32>
    %mul3A_839 = arith.mulf %get3A_838, %add3A_835 : vector<16xf32>
    %le3A_840 = arith.cmpf ole, %get3A_793, %mul3A_839 : vector<16xf32>
    %jit3A_841 = arith.constant 1.000000e+00 : f32
    %jit3A_842 = arith.constant 0.000000e+00 : f32
    %broadcast_in_dim3A_843 = vector.broadcast %jit3A_841 : f32 to vector<16xf32>
    %broadcast_in_dim3A_844 = vector.broadcast %jit3A_842 : f32 to vector<16xf32>
    %select_n3A_845 = arith.select %le3A_840, %broadcast_in_dim3A_843, %broadcast_in_dim3A_844 : vector<16xi1>, vector<16xf32>
    %le3A_846 = arith.cmpf ole, %add3A_799, %mul3A_839 : vector<16xf32>
    %jit3A_847 = arith.constant 1.000000e+00 : f32
    %jit3A_848 = arith.constant 0.000000e+00 : f32
    %broadcast_in_dim3A_849 = vector.broadcast %jit3A_847 : f32 to vector<16xf32>
    %broadcast_in_dim3A_850 = vector.broadcast %jit3A_848 : f32 to vector<16xf32>
    %select_n3A_851 = arith.select %le3A_846, %broadcast_in_dim3A_849, %broadcast_in_dim3A_850 : vector<16xi1>, vector<16xf32>
    %add3A_852 = arith.addf %select_n3A_845, %select_n3A_851 : vector<16xf32>
    %le3A_853 = arith.cmpf ole, %add3A_805, %mul3A_839 : vector<16xf32>
    %jit3A_854 = arith.constant 1.000000e+00 : f32
    %jit3A_855 = arith.constant 0.000000e+00 : f32
    %broadcast_in_dim3A_856 = vector.broadcast %jit3A_854 : f32 to vector<16xf32>
    %broadcast_in_dim3A_857 = vector.broadcast %jit3A_855 : f32 to vector<16xf32>
    %select_n3A_858 = arith.select %le3A_853, %broadcast_in_dim3A_856, %broadcast_in_dim3A_857 : vector<16xi1>, vector<16xf32>
    %add3A_859 = arith.addf %add3A_852, %select_n3A_858 : vector<16xf32>
    %le3A_860 = arith.cmpf ole, %add3A_811, %mul3A_839 : vector<16xf32>
    %jit3A_861 = arith.constant 1.000000e+00 : f32
    %jit3A_862 = arith.constant 0.000000e+00 : f32
    %broadcast_in_dim3A_863 = vector.broadcast %jit3A_861 : f32 to vector<16xf32>
    %broadcast_in_dim3A_864 = vector.broadcast %jit3A_862 : f32 to vector<16xf32>
    %select_n3A_865 = arith.select %le3A_860, %broadcast_in_dim3A_863, %broadcast_in_dim3A_864 : vector<16xi1>, vector<16xf32>
    %add3A_866 = arith.addf %add3A_859, %select_n3A_865 : vector<16xf32>
    %le3A_867 = arith.cmpf ole, %add3A_817, %mul3A_839 : vector<16xf32>
    %jit3A_868 = arith.constant 1.000000e+00 : f32
    %jit3A_869 = arith.constant 0.000000e+00 : f32
    %broadcast_in_dim3A_870 = vector.broadcast %jit3A_868 : f32 to vector<16xf32>
    %broadcast_in_dim3A_871 = vector.broadcast %jit3A_869 : f32 to vector<16xf32>
    %select_n3A_872 = arith.select %le3A_867, %broadcast_in_dim3A_870, %broadcast_in_dim3A_871 : vector<16xi1>, vector<16xf32>
    %add3A_873 = arith.addf %add3A_866, %select_n3A_872 : vector<16xf32>
    %le3A_874 = arith.cmpf ole, %add3A_823, %mul3A_839 : vector<16xf32>
    %jit3A_875 = arith.constant 1.000000e+00 : f32
    %jit3A_876 = arith.constant 0.000000e+00 : f32
    %broadcast_in_dim3A_877 = vector.broadcast %jit3A_875 : f32 to vector<16xf32>
    %broadcast_in_dim3A_878 = vector.broadcast %jit3A_876 : f32 to vector<16xf32>
    %select_n3A_879 = arith.select %le3A_874, %broadcast_in_dim3A_877, %broadcast_in_dim3A_878 : vector<16xi1>, vector<16xf32>
    %add3A_880 = arith.addf %add3A_873, %select_n3A_879 : vector<16xf32>
    %le3A_881 = arith.cmpf ole, %add3A_829, %mul3A_839 : vector<16xf32>
    %jit3A_882 = arith.constant 1.000000e+00 : f32
    %jit3A_883 = arith.constant 0.000000e+00 : f32
    %broadcast_in_dim3A_884 = vector.broadcast %jit3A_882 : f32 to vector<16xf32>
    %broadcast_in_dim3A_885 = vector.broadcast %jit3A_883 : f32 to vector<16xf32>
    %select_n3A_886 = arith.select %le3A_881, %broadcast_in_dim3A_884, %broadcast_in_dim3A_885 : vector<16xi1>, vector<16xf32>
    %add3A_887 = arith.addf %add3A_880, %select_n3A_886 : vector<16xf32>
    %le3A_888 = arith.cmpf ole, %add3A_835, %mul3A_839 : vector<16xf32>
    %jit3A_889 = arith.constant 1.000000e+00 : f32
    %jit3A_890 = arith.constant 0.000000e+00 : f32
    %broadcast_in_dim3A_891 = vector.broadcast %jit3A_889 : f32 to vector<16xf32>
    %broadcast_in_dim3A_892 = vector.broadcast %jit3A_890 : f32 to vector<16xf32>
    %select_n3A_893 = arith.select %le3A_888, %broadcast_in_dim3A_891, %broadcast_in_dim3A_892 : vector<16xi1>, vector<16xf32>
    %add3A_894 = arith.addf %add3A_887, %select_n3A_893 : vector<16xf32>
    %convert_element_type3A_895 = arith.fptosi %add3A_894 : vector<16xf32> to vector<16xi32>
    %swap3A_896 = arith.constant 112 : index
    %swap3A_897 = tpu.vector_load %arg7[%swap3A_896] {strides = array<i32>} : memref<512xi32, #tpu.memory_space<vmem>>, vector<16xi32>,
    %swap3A_898 = vector.shape_cast %swap3A_897 : vector<16xi32> to vector<16xi32>
    %swap3A_899 = vector.shape_cast %convert_element_type3A_895 : vector<16xi32> to vector<16xi32>
    tpu.vector_store %arg7[%swap3A_896], %swap3A_899 {strides = array<i32>} : memref<512xi32, #tpu.memory_space<vmem>>, vector<16xi32>,
    %get3A_900 = arith.constant 0 : i32
    %get3A_901 = arith.index_cast %get3A_900 : i32 to index
    %get3A_902 = arith.constant 128 : index
    %get3A_903 = tpu.vector_load %arg5[%get3A_901, %get3A_902] {strides = array<i32>} : memref<8x512xf32, #tpu.memory_space<vmem>>, vector<1x16xf32>,
    %get3A_904 = vector.shape_cast %get3A_903 : vector<1x16xf32> to vector<16xf32>
    %get3A_905 = arith.constant 1 : i32
    %get3A_906 = arith.index_cast %get3A_905 : i32 to index
    %get3A_907 = arith.constant 128 : index
    %get3A_908 = tpu.vector_load %arg5[%get3A_906, %get3A_907] {strides = array<i32>} : memref<8x512xf32, #tpu.memory_space<vmem>>, vector<1x16xf32>,
    %get3A_909 = vector.shape_cast %get3A_908 : vector<1x16xf32> to vector<16xf32>
    %add3A_910 = arith.addf %get3A_904, %get3A_909 : vector<16xf32>
    %get3A_911 = arith.constant 2 : i32
    %get3A_912 = arith.index_cast %get3A_911 : i32 to index
    %get3A_913 = arith.constant 128 : index
    %get3A_914 = tpu.vector_load %arg5[%get3A_912, %get3A_913] {strides = array<i32>} : memref<8x512xf32, #tpu.memory_space<vmem>>, vector<1x16xf32>,
    %get3A_915 = vector.shape_cast %get3A_914 : vector<1x16xf32> to vector<16xf32>
    %add3A_916 = arith.addf %add3A_910, %get3A_915 : vector<16xf32>
    %get3A_917 = arith.constant 3 : i32
    %get3A_918 = arith.index_cast %get3A_917 : i32 to index
    %get3A_919 = arith.constant 128 : index
    %get3A_920 = tpu.vector_load %arg5[%get3A_918, %get3A_919] {strides = array<i32>} : memref<8x512xf32, #tpu.memory_space<vmem>>, vector<1x16xf32>,
    %get3A_921 = vector.shape_cast %get3A_920 : vector<1x16xf32> to vector<16xf32>
    %add3A_922 = arith.addf %add3A_916, %get3A_921 : vector<16xf32>
    %get3A_923 = arith.constant 4 : i32
    %get3A_924 = arith.index_cast %get3A_923 : i32 to index
    %get3A_925 = arith.constant 128 : index
    %get3A_926 = tpu.vector_load %arg5[%get3A_924, %get3A_925] {strides = array<i32>} : memref<8x512xf32, #tpu.memory_space<vmem>>, vector<1x16xf32>,
    %get3A_927 = vector.shape_cast %get3A_926 : vector<1x16xf32> to vector<16xf32>
    %add3A_928 = arith.addf %add3A_922, %get3A_927 : vector<16xf32>
    %get3A_929 = arith.constant 5 : i32
    %get3A_930 = arith.index_cast %get3A_929 : i32 to index
    %get3A_931 = arith.constant 128 : index
    %get3A_932 = tpu.vector_load %arg5[%get3A_930, %get3A_931] {strides = array<i32>} : memref<8x512xf32, #tpu.memory_space<vmem>>, vector<1x16xf32>,
    %get3A_933 = vector.shape_cast %get3A_932 : vector<1x16xf32> to vector<16xf32>
    %add3A_934 = arith.addf %add3A_928, %get3A_933 : vector<16xf32>
    %get3A_935 = arith.constant 6 : i32
    %get3A_936 = arith.index_cast %get3A_935 : i32 to index
    %get3A_937 = arith.constant 128 : index
    %get3A_938 = tpu.vector_load %arg5[%get3A_936, %get3A_937] {strides = array<i32>} : memref<8x512xf32, #tpu.memory_space<vmem>>, vector<1x16xf32>,
    %get3A_939 = vector.shape_cast %get3A_938 : vector<1x16xf32> to vector<16xf32>
    %add3A_940 = arith.addf %add3A_934, %get3A_939 : vector<16xf32>
    %get3A_941 = arith.constant 7 : i32
    %get3A_942 = arith.index_cast %get3A_941 : i32 to index
    %get3A_943 = arith.constant 128 : index
    %get3A_944 = tpu.vector_load %arg5[%get3A_942, %get3A_943] {strides = array<i32>} : memref<8x512xf32, #tpu.memory_space<vmem>>, vector<1x16xf32>,
    %get3A_945 = vector.shape_cast %get3A_944 : vector<1x16xf32> to vector<16xf32>
    %add3A_946 = arith.addf %add3A_940, %get3A_945 : vector<16xf32>
    %get3A_947 = arith.constant 128 : index
    %get3A_948 = tpu.vector_load %arg6[%get3A_947] {strides = array<i32>} : memref<512xf32, #tpu.memory_space<vmem>>, vector<16xf32>,
    %get3A_949 = vector.shape_cast %get3A_948 : vector<16xf32> to vector<16xf32>
    %mul3A_950 = arith.mulf %get3A_949, %add3A_946 : vector<16xf32>
    %le3A_951 = arith.cmpf ole, %get3A_904, %mul3A_950 : vector<16xf32>
    %jit3A_952 = arith.constant 1.000000e+00 : f32
    %jit3A_953 = arith.constant 0.000000e+00 : f32
    %broadcast_in_dim3A_954 = vector.broadcast %jit3A_952 : f32 to vector<16xf32>
    %broadcast_in_dim3A_955 = vector.broadcast %jit3A_953 : f32 to vector<16xf32>
    %select_n3A_956 = arith.select %le3A_951, %broadcast_in_dim3A_954, %broadcast_in_dim3A_955 : vector<16xi1>, vector<16xf32>
    %le3A_957 = arith.cmpf ole, %add3A_910, %mul3A_950 : vector<16xf32>
    %jit3A_958 = arith.constant 1.000000e+00 : f32
    %jit3A_959 = arith.constant 0.000000e+00 : f32
    %broadcast_in_dim3A_960 = vector.broadcast %jit3A_958 : f32 to vector<16xf32>
    %broadcast_in_dim3A_961 = vector.broadcast %jit3A_959 : f32 to vector<16xf32>
    %select_n3A_962 = arith.select %le3A_957, %broadcast_in_dim3A_960, %broadcast_in_dim3A_961 : vector<16xi1>, vector<16xf32>
    %add3A_963 = arith.addf %select_n3A_956, %select_n3A_962 : vector<16xf32>
    %le3A_964 = arith.cmpf ole, %add3A_916, %mul3A_950 : vector<16xf32>
    %jit3A_965 = arith.constant 1.000000e+00 : f32
    %jit3A_966 = arith.constant 0.000000e+00 : f32
    %broadcast_in_dim3A_967 = vector.broadcast %jit3A_965 : f32 to vector<16xf32>
    %broadcast_in_dim3A_968 = vector.broadcast %jit3A_966 : f32 to vector<16xf32>
    %select_n3A_969 = arith.select %le3A_964, %broadcast_in_dim3A_967, %broadcast_in_dim3A_968 : vector<16xi1>, vector<16xf32>
    %add3A_970 = arith.addf %add3A_963, %select_n3A_969 : vector<16xf32>
    %le3A_971 = arith.cmpf ole, %add3A_922, %mul3A_950 : vector<16xf32>
    %jit3A_972 = arith.constant 1.000000e+00 : f32
    %jit3A_973 = arith.constant 0.000000e+00 : f32
    %broadcast_in_dim3A_974 = vector.broadcast %jit3A_972 : f32 to vector<16xf32>
    %broadcast_in_dim3A_975 = vector.broadcast %jit3A_973 : f32 to vector<16xf32>
    %select_n3A_976 = arith.select %le3A_971, %broadcast_in_dim3A_974, %broadcast_in_dim3A_975 : vector<16xi1>, vector<16xf32>
    %add3A_977 = arith.addf %add3A_970, %select_n3A_976 : vector<16xf32>
    %le3A_978 = arith.cmpf ole, %add3A_928, %mul3A_950 : vector<16xf32>
    %jit3A_979 = arith.constant 1.000000e+00 : f32
    %jit3A_980 = arith.constant 0.000000e+00 : f32
    %broadcast_in_dim3A_981 = vector.broadcast %jit3A_979 : f32 to vector<16xf32>
    %broadcast_in_dim3A_982 = vector.broadcast %jit3A_980 : f32 to vector<16xf32>
    %select_n3A_983 = arith.select %le3A_978, %broadcast_in_dim3A_981, %broadcast_in_dim3A_982 : vector<16xi1>, vector<16xf32>
    %add3A_984 = arith.addf %add3A_977, %select_n3A_983 : vector<16xf32>
    %le3A_985 = arith.cmpf ole, %add3A_934, %mul3A_950 : vector<16xf32>
    %jit3A_986 = arith.constant 1.000000e+00 : f32
    %jit3A_987 = arith.constant 0.000000e+00 : f32
    %broadcast_in_dim3A_988 = vector.broadcast %jit3A_986 : f32 to vector<16xf32>
    %broadcast_in_dim3A_989 = vector.broadcast %jit3A_987 : f32 to vector<16xf32>
    %select_n3A_990 = arith.select %le3A_985, %broadcast_in_dim3A_988, %broadcast_in_dim3A_989 : vector<16xi1>, vector<16xf32>
    %add3A_991 = arith.addf %add3A_984, %select_n3A_990 : vector<16xf32>
    %le3A_992 = arith.cmpf ole, %add3A_940, %mul3A_950 : vector<16xf32>
    %jit3A_993 = arith.constant 1.000000e+00 : f32
    %jit3A_994 = arith.constant 0.000000e+00 : f32
    %broadcast_in_dim3A_995 = vector.broadcast %jit3A_993 : f32 to vector<16xf32>
    %broadcast_in_dim3A_996 = vector.broadcast %jit3A_994 : f32 to vector<16xf32>
    %select_n3A_997 = arith.select %le3A_992, %broadcast_in_dim3A_995, %broadcast_in_dim3A_996 : vector<16xi1>, vector<16xf32>
    %add3A_998 = arith.addf %add3A_991, %select_n3A_997 : vector<16xf32>
    %le3A_999 = arith.cmpf ole, %add3A_946, %mul3A_950 : vector<16xf32>
    %jit3A_1000 = arith.constant 1.000000e+00 : f32
    %jit3A_1001 = arith.constant 0.000000e+00 : f32
    %broadcast_in_dim3A_1002 = vector.broadcast %jit3A_1000 : f32 to vector<16xf32>
    %broadcast_in_dim3A_1003 = vector.broadcast %jit3A_1001 : f32 to vector<16xf32>
    %select_n3A_1004 = arith.select %le3A_999, %broadcast_in_dim3A_1002, %broadcast_in_dim3A_1003 : vector<16xi1>, vector<16xf32>
    %add3A_1005 = arith.addf %add3A_998, %select_n3A_1004 : vector<16xf32>
    %convert_element_type3A_1006 = arith.fptosi %add3A_1005 : vector<16xf32> to vector<16xi32>
    %swap3A_1007 = arith.constant 128 : index
    %swap3A_1008 = tpu.vector_load %arg7[%swap3A_1007] {strides = array<i32>} : memref<512xi32, #tpu.memory_space<vmem>>, vector<16xi32>,
    %swap3A_1009 = vector.shape_cast %swap3A_1008 : vector<16xi32> to vector<16xi32>
    %swap3A_1010 = vector.shape_cast %convert_element_type3A_1006 : vector<16xi32> to vector<16xi32>
    tpu.vector_store %arg7[%swap3A_1007], %swap3A_1010 {strides = array<i32>} : memref<512xi32, #tpu.memory_space<vmem>>, vector<16xi32>,
    %get3A_1011 = arith.constant 0 : i32
    %get3A_1012 = arith.index_cast %get3A_1011 : i32 to index
    %get3A_1013 = arith.constant 144 : index
    %get3A_1014 = tpu.vector_load %arg5[%get3A_1012, %get3A_1013] {strides = array<i32>} : memref<8x512xf32, #tpu.memory_space<vmem>>, vector<1x16xf32>,
    %get3A_1015 = vector.shape_cast %get3A_1014 : vector<1x16xf32> to vector<16xf32>
    %get3A_1016 = arith.constant 1 : i32
    %get3A_1017 = arith.index_cast %get3A_1016 : i32 to index
    %get3A_1018 = arith.constant 144 : index
    %get3A_1019 = tpu.vector_load %arg5[%get3A_1017, %get3A_1018] {strides = array<i32>} : memref<8x512xf32, #tpu.memory_space<vmem>>, vector<1x16xf32>,
    %get3A_1020 = vector.shape_cast %get3A_1019 : vector<1x16xf32> to vector<16xf32>
    %add3A_1021 = arith.addf %get3A_1015, %get3A_1020 : vector<16xf32>
    %get3A_1022 = arith.constant 2 : i32
    %get3A_1023 = arith.index_cast %get3A_1022 : i32 to index
    %get3A_1024 = arith.constant 144 : index
    %get3A_1025 = tpu.vector_load %arg5[%get3A_1023, %get3A_1024] {strides = array<i32>} : memref<8x512xf32, #tpu.memory_space<vmem>>, vector<1x16xf32>,
    %get3A_1026 = vector.shape_cast %get3A_1025 : vector<1x16xf32> to vector<16xf32>
    %add3A_1027 = arith.addf %add3A_1021, %get3A_1026 : vector<16xf32>
    %get3A_1028 = arith.constant 3 : i32
    %get3A_1029 = arith.index_cast %get3A_1028 : i32 to index
    %get3A_1030 = arith.constant 144 : index
    %get3A_1031 = tpu.vector_load %arg5[%get3A_1029, %get3A_1030] {strides = array<i32>} : memref<8x512xf32, #tpu.memory_space<vmem>>, vector<1x16xf32>,
    %get3A_1032 = vector.shape_cast %get3A_1031 : vector<1x16xf32> to vector<16xf32>
    %add3A_1033 = arith.addf %add3A_1027, %get3A_1032 : vector<16xf32>
    %get3A_1034 = arith.constant 4 : i32
    %get3A_1035 = arith.index_cast %get3A_1034 : i32 to index
    %get3A_1036 = arith.constant 144 : index
    %get3A_1037 = tpu.vector_load %arg5[%get3A_1035, %get3A_1036] {strides = array<i32>} : memref<8x512xf32, #tpu.memory_space<vmem>>, vector<1x16xf32>,
    %get3A_1038 = vector.shape_cast %get3A_1037 : vector<1x16xf32> to vector<16xf32>
    %add3A_1039 = arith.addf %add3A_1033, %get3A_1038 : vector<16xf32>
    %get3A_1040 = arith.constant 5 : i32
    %get3A_1041 = arith.index_cast %get3A_1040 : i32 to index
    %get3A_1042 = arith.constant 144 : index
    %get3A_1043 = tpu.vector_load %arg5[%get3A_1041, %get3A_1042] {strides = array<i32>} : memref<8x512xf32, #tpu.memory_space<vmem>>, vector<1x16xf32>,
    %get3A_1044 = vector.shape_cast %get3A_1043 : vector<1x16xf32> to vector<16xf32>
    %add3A_1045 = arith.addf %add3A_1039, %get3A_1044 : vector<16xf32>
    %get3A_1046 = arith.constant 6 : i32
    %get3A_1047 = arith.index_cast %get3A_1046 : i32 to index
    %get3A_1048 = arith.constant 144 : index
    %get3A_1049 = tpu.vector_load %arg5[%get3A_1047, %get3A_1048] {strides = array<i32>} : memref<8x512xf32, #tpu.memory_space<vmem>>, vector<1x16xf32>,
    %get3A_1050 = vector.shape_cast %get3A_1049 : vector<1x16xf32> to vector<16xf32>
    %add3A_1051 = arith.addf %add3A_1045, %get3A_1050 : vector<16xf32>
    %get3A_1052 = arith.constant 7 : i32
    %get3A_1053 = arith.index_cast %get3A_1052 : i32 to index
    %get3A_1054 = arith.constant 144 : index
    %get3A_1055 = tpu.vector_load %arg5[%get3A_1053, %get3A_1054] {strides = array<i32>} : memref<8x512xf32, #tpu.memory_space<vmem>>, vector<1x16xf32>,
    %get3A_1056 = vector.shape_cast %get3A_1055 : vector<1x16xf32> to vector<16xf32>
    %add3A_1057 = arith.addf %add3A_1051, %get3A_1056 : vector<16xf32>
    %get3A_1058 = arith.constant 144 : index
    %get3A_1059 = tpu.vector_load %arg6[%get3A_1058] {strides = array<i32>} : memref<512xf32, #tpu.memory_space<vmem>>, vector<16xf32>,
    %get3A_1060 = vector.shape_cast %get3A_1059 : vector<16xf32> to vector<16xf32>
    %mul3A_1061 = arith.mulf %get3A_1060, %add3A_1057 : vector<16xf32>
    %le3A_1062 = arith.cmpf ole, %get3A_1015, %mul3A_1061 : vector<16xf32>
    %jit3A_1063 = arith.constant 1.000000e+00 : f32
    %jit3A_1064 = arith.constant 0.000000e+00 : f32
    %broadcast_in_dim3A_1065 = vector.broadcast %jit3A_1063 : f32 to vector<16xf32>
    %broadcast_in_dim3A_1066 = vector.broadcast %jit3A_1064 : f32 to vector<16xf32>
    %select_n3A_1067 = arith.select %le3A_1062, %broadcast_in_dim3A_1065, %broadcast_in_dim3A_1066 : vector<16xi1>, vector<16xf32>
    %le3A_1068 = arith.cmpf ole, %add3A_1021, %mul3A_1061 : vector<16xf32>
    %jit3A_1069 = arith.constant 1.000000e+00 : f32
    %jit3A_1070 = arith.constant 0.000000e+00 : f32
    %broadcast_in_dim3A_1071 = vector.broadcast %jit3A_1069 : f32 to vector<16xf32>
    %broadcast_in_dim3A_1072 = vector.broadcast %jit3A_1070 : f32 to vector<16xf32>
    %select_n3A_1073 = arith.select %le3A_1068, %broadcast_in_dim3A_1071, %broadcast_in_dim3A_1072 : vector<16xi1>, vector<16xf32>
    %add3A_1074 = arith.addf %select_n3A_1067, %select_n3A_1073 : vector<16xf32>
    %le3A_1075 = arith.cmpf ole, %add3A_1027, %mul3A_1061 : vector<16xf32>
    %jit3A_1076 = arith.constant 1.000000e+00 : f32
    %jit3A_1077 = arith.constant 0.000000e+00 : f32
    %broadcast_in_dim3A_1078 = vector.broadcast %jit3A_1076 : f32 to vector<16xf32>
    %broadcast_in_dim3A_1079 = vector.broadcast %jit3A_1077 : f32 to vector<16xf32>
    %select_n3A_1080 = arith.select %le3A_1075, %broadcast_in_dim3A_1078, %broadcast_in_dim3A_1079 : vector<16xi1>, vector<16xf32>
    %add3A_1081 = arith.addf %add3A_1074, %select_n3A_1080 : vector<16xf32>
    %le3A_1082 = arith.cmpf ole, %add3A_1033, %mul3A_1061 : vector<16xf32>
    %jit3A_1083 = arith.constant 1.000000e+00 : f32
    %jit3A_1084 = arith.constant 0.000000e+00 : f32
    %broadcast_in_dim3A_1085 = vector.broadcast %jit3A_1083 : f32 to vector<16xf32>
    %broadcast_in_dim3A_1086 = vector.broadcast %jit3A_1084 : f32 to vector<16xf32>
    %select_n3A_1087 = arith.select %le3A_1082, %broadcast_in_dim3A_1085, %broadcast_in_dim3A_1086 : vector<16xi1>, vector<16xf32>
    %add3A_1088 = arith.addf %add3A_1081, %select_n3A_1087 : vector<16xf32>
    %le3A_1089 = arith.cmpf ole, %add3A_1039, %mul3A_1061 : vector<16xf32>
    %jit3A_1090 = arith.constant 1.000000e+00 : f32
    %jit3A_1091 = arith.constant 0.000000e+00 : f32
    %broadcast_in_dim3A_1092 = vector.broadcast %jit3A_1090 : f32 to vector<16xf32>
    %broadcast_in_dim3A_1093 = vector.broadcast %jit3A_1091 : f32 to vector<16xf32>
    %select_n3A_1094 = arith.select %le3A_1089, %broadcast_in_dim3A_1092, %broadcast_in_dim3A_1093 : vector<16xi1>, vector<16xf32>
    %add3A_1095 = arith.addf %add3A_1088, %select_n3A_1094 : vector<16xf32>
    %le3A_1096 = arith.cmpf ole, %add3A_1045, %mul3A_1061 : vector<16xf32>
    %jit3A_1097 = arith.constant 1.000000e+00 : f32
    %jit3A_1098 = arith.constant 0.000000e+00 : f32
    %broadcast_in_dim3A_1099 = vector.broadcast %jit3A_1097 : f32 to vector<16xf32>
    %broadcast_in_dim3A_1100 = vector.broadcast %jit3A_1098 : f32 to vector<16xf32>
    %select_n3A_1101 = arith.select %le3A_1096, %broadcast_in_dim3A_1099, %broadcast_in_dim3A_1100 : vector<16xi1>, vector<16xf32>
    %add3A_1102 = arith.addf %add3A_1095, %select_n3A_1101 : vector<16xf32>
    %le3A_1103 = arith.cmpf ole, %add3A_1051, %mul3A_1061 : vector<16xf32>
    %jit3A_1104 = arith.constant 1.000000e+00 : f32
    %jit3A_1105 = arith.constant 0.000000e+00 : f32
    %broadcast_in_dim3A_1106 = vector.broadcast %jit3A_1104 : f32 to vector<16xf32>
    %broadcast_in_dim3A_1107 = vector.broadcast %jit3A_1105 : f32 to vector<16xf32>
    %select_n3A_1108 = arith.select %le3A_1103, %broadcast_in_dim3A_1106, %broadcast_in_dim3A_1107 : vector<16xi1>, vector<16xf32>
    %add3A_1109 = arith.addf %add3A_1102, %select_n3A_1108 : vector<16xf32>
    %le3A_1110 = arith.cmpf ole, %add3A_1057, %mul3A_1061 : vector<16xf32>
    %jit3A_1111 = arith.constant 1.000000e+00 : f32
    %jit3A_1112 = arith.constant 0.000000e+00 : f32
    %broadcast_in_dim3A_1113 = vector.broadcast %jit3A_1111 : f32 to vector<16xf32>
    %broadcast_in_dim3A_1114 = vector.broadcast %jit3A_1112 : f32 to vector<16xf32>
    %select_n3A_1115 = arith.select %le3A_1110, %broadcast_in_dim3A_1113, %broadcast_in_dim3A_1114 : vector<16xi1>, vector<16xf32>
    %add3A_1116 = arith.addf %add3A_1109, %select_n3A_1115 : vector<16xf32>
    %convert_element_type3A_1117 = arith.fptosi %add3A_1116 : vector<16xf32> to vector<16xi32>
    %swap3A_1118 = arith.constant 144 : index
    %swap3A_1119 = tpu.vector_load %arg7[%swap3A_1118] {strides = array<i32>} : memref<512xi32, #tpu.memory_space<vmem>>, vector<16xi32>,
    %swap3A_1120 = vector.shape_cast %swap3A_1119 : vector<16xi32> to vector<16xi32>
    %swap3A_1121 = vector.shape_cast %convert_element_type3A_1117 : vector<16xi32> to vector<16xi32>
    tpu.vector_store %arg7[%swap3A_1118], %swap3A_1121 {strides = array<i32>} : memref<512xi32, #tpu.memory_space<vmem>>, vector<16xi32>,
    %get3A_1122 = arith.constant 0 : i32
    %get3A_1123 = arith.index_cast %get3A_1122 : i32 to index
    %get3A_1124 = arith.constant 160 : index
    %get3A_1125 = tpu.vector_load %arg5[%get3A_1123, %get3A_1124] {strides = array<i32>} : memref<8x512xf32, #tpu.memory_space<vmem>>, vector<1x16xf32>,
    %get3A_1126 = vector.shape_cast %get3A_1125 : vector<1x16xf32> to vector<16xf32>
    %get3A_1127 = arith.constant 1 : i32
    %get3A_1128 = arith.index_cast %get3A_1127 : i32 to index
    %get3A_1129 = arith.constant 160 : index
    %get3A_1130 = tpu.vector_load %arg5[%get3A_1128, %get3A_1129] {strides = array<i32>} : memref<8x512xf32, #tpu.memory_space<vmem>>, vector<1x16xf32>,
    %get3A_1131 = vector.shape_cast %get3A_1130 : vector<1x16xf32> to vector<16xf32>
    %add3A_1132 = arith.addf %get3A_1126, %get3A_1131 : vector<16xf32>
    %get3A_1133 = arith.constant 2 : i32
    %get3A_1134 = arith.index_cast %get3A_1133 : i32 to index
    %get3A_1135 = arith.constant 160 : index
    %get3A_1136 = tpu.vector_load %arg5[%get3A_1134, %get3A_1135] {strides = array<i32>} : memref<8x512xf32, #tpu.memory_space<vmem>>, vector<1x16xf32>,
    %get3A_1137 = vector.shape_cast %get3A_1136 : vector<1x16xf32> to vector<16xf32>
    %add3A_1138 = arith.addf %add3A_1132, %get3A_1137 : vector<16xf32>
    %get3A_1139 = arith.constant 3 : i32
    %get3A_1140 = arith.index_cast %get3A_1139 : i32 to index
    %get3A_1141 = arith.constant 160 : index
    %get3A_1142 = tpu.vector_load %arg5[%get3A_1140, %get3A_1141] {strides = array<i32>} : memref<8x512xf32, #tpu.memory_space<vmem>>, vector<1x16xf32>,
    %get3A_1143 = vector.shape_cast %get3A_1142 : vector<1x16xf32> to vector<16xf32>
    %add3A_1144 = arith.addf %add3A_1138, %get3A_1143 : vector<16xf32>
    %get3A_1145 = arith.constant 4 : i32
    %get3A_1146 = arith.index_cast %get3A_1145 : i32 to index
    %get3A_1147 = arith.constant 160 : index
    %get3A_1148 = tpu.vector_load %arg5[%get3A_1146, %get3A_1147] {strides = array<i32>} : memref<8x512xf32, #tpu.memory_space<vmem>>, vector<1x16xf32>,
    %get3A_1149 = vector.shape_cast %get3A_1148 : vector<1x16xf32> to vector<16xf32>
    %add3A_1150 = arith.addf %add3A_1144, %get3A_1149 : vector<16xf32>
    %get3A_1151 = arith.constant 5 : i32
    %get3A_1152 = arith.index_cast %get3A_1151 : i32 to index
    %get3A_1153 = arith.constant 160 : index
    %get3A_1154 = tpu.vector_load %arg5[%get3A_1152, %get3A_1153] {strides = array<i32>} : memref<8x512xf32, #tpu.memory_space<vmem>>, vector<1x16xf32>,
    %get3A_1155 = vector.shape_cast %get3A_1154 : vector<1x16xf32> to vector<16xf32>
    %add3A_1156 = arith.addf %add3A_1150, %get3A_1155 : vector<16xf32>
    %get3A_1157 = arith.constant 6 : i32
    %get3A_1158 = arith.index_cast %get3A_1157 : i32 to index
    %get3A_1159 = arith.constant 160 : index
    %get3A_1160 = tpu.vector_load %arg5[%get3A_1158, %get3A_1159] {strides = array<i32>} : memref<8x512xf32, #tpu.memory_space<vmem>>, vector<1x16xf32>,
    %get3A_1161 = vector.shape_cast %get3A_1160 : vector<1x16xf32> to vector<16xf32>
    %add3A_1162 = arith.addf %add3A_1156, %get3A_1161 : vector<16xf32>
    %get3A_1163 = arith.constant 7 : i32
    %get3A_1164 = arith.index_cast %get3A_1163 : i32 to index
    %get3A_1165 = arith.constant 160 : index
    %get3A_1166 = tpu.vector_load %arg5[%get3A_1164, %get3A_1165] {strides = array<i32>} : memref<8x512xf32, #tpu.memory_space<vmem>>, vector<1x16xf32>,
    %get3A_1167 = vector.shape_cast %get3A_1166 : vector<1x16xf32> to vector<16xf32>
    %add3A_1168 = arith.addf %add3A_1162, %get3A_1167 : vector<16xf32>
    %get3A_1169 = arith.constant 160 : index
    %get3A_1170 = tpu.vector_load %arg6[%get3A_1169] {strides = array<i32>} : memref<512xf32, #tpu.memory_space<vmem>>, vector<16xf32>,
    %get3A_1171 = vector.shape_cast %get3A_1170 : vector<16xf32> to vector<16xf32>
    %mul3A_1172 = arith.mulf %get3A_1171, %add3A_1168 : vector<16xf32>
    %le3A_1173 = arith.cmpf ole, %get3A_1126, %mul3A_1172 : vector<16xf32>
    %jit3A_1174 = arith.constant 1.000000e+00 : f32
    %jit3A_1175 = arith.constant 0.000000e+00 : f32
    %broadcast_in_dim3A_1176 = vector.broadcast %jit3A_1174 : f32 to vector<16xf32>
    %broadcast_in_dim3A_1177 = vector.broadcast %jit3A_1175 : f32 to vector<16xf32>
    %select_n3A_1178 = arith.select %le3A_1173, %broadcast_in_dim3A_1176, %broadcast_in_dim3A_1177 : vector<16xi1>, vector<16xf32>
    %le3A_1179 = arith.cmpf ole, %add3A_1132, %mul3A_1172 : vector<16xf32>
    %jit3A_1180 = arith.constant 1.000000e+00 : f32
    %jit3A_1181 = arith.constant 0.000000e+00 : f32
    %broadcast_in_dim3A_1182 = vector.broadcast %jit3A_1180 : f32 to vector<16xf32>
    %broadcast_in_dim3A_1183 = vector.broadcast %jit3A_1181 : f32 to vector<16xf32>
    %select_n3A_1184 = arith.select %le3A_1179, %broadcast_in_dim3A_1182, %broadcast_in_dim3A_1183 : vector<16xi1>, vector<16xf32>
    %add3A_1185 = arith.addf %select_n3A_1178, %select_n3A_1184 : vector<16xf32>
    %le3A_1186 = arith.cmpf ole, %add3A_1138, %mul3A_1172 : vector<16xf32>
    %jit3A_1187 = arith.constant 1.000000e+00 : f32
    %jit3A_1188 = arith.constant 0.000000e+00 : f32
    %broadcast_in_dim3A_1189 = vector.broadcast %jit3A_1187 : f32 to vector<16xf32>
    %broadcast_in_dim3A_1190 = vector.broadcast %jit3A_1188 : f32 to vector<16xf32>
    %select_n3A_1191 = arith.select %le3A_1186, %broadcast_in_dim3A_1189, %broadcast_in_dim3A_1190 : vector<16xi1>, vector<16xf32>
    %add3A_1192 = arith.addf %add3A_1185, %select_n3A_1191 : vector<16xf32>
    %le3A_1193 = arith.cmpf ole, %add3A_1144, %mul3A_1172 : vector<16xf32>
    %jit3A_1194 = arith.constant 1.000000e+00 : f32
    %jit3A_1195 = arith.constant 0.000000e+00 : f32
    %broadcast_in_dim3A_1196 = vector.broadcast %jit3A_1194 : f32 to vector<16xf32>
    %broadcast_in_dim3A_1197 = vector.broadcast %jit3A_1195 : f32 to vector<16xf32>
    %select_n3A_1198 = arith.select %le3A_1193, %broadcast_in_dim3A_1196, %broadcast_in_dim3A_1197 : vector<16xi1>, vector<16xf32>
    %add3A_1199 = arith.addf %add3A_1192, %select_n3A_1198 : vector<16xf32>
    %le3A_1200 = arith.cmpf ole, %add3A_1150, %mul3A_1172 : vector<16xf32>
    %jit3A_1201 = arith.constant 1.000000e+00 : f32
    %jit3A_1202 = arith.constant 0.000000e+00 : f32
    %broadcast_in_dim3A_1203 = vector.broadcast %jit3A_1201 : f32 to vector<16xf32>
    %broadcast_in_dim3A_1204 = vector.broadcast %jit3A_1202 : f32 to vector<16xf32>
    %select_n3A_1205 = arith.select %le3A_1200, %broadcast_in_dim3A_1203, %broadcast_in_dim3A_1204 : vector<16xi1>, vector<16xf32>
    %add3A_1206 = arith.addf %add3A_1199, %select_n3A_1205 : vector<16xf32>
    %le3A_1207 = arith.cmpf ole, %add3A_1156, %mul3A_1172 : vector<16xf32>
    %jit3A_1208 = arith.constant 1.000000e+00 : f32
    %jit3A_1209 = arith.constant 0.000000e+00 : f32
    %broadcast_in_dim3A_1210 = vector.broadcast %jit3A_1208 : f32 to vector<16xf32>
    %broadcast_in_dim3A_1211 = vector.broadcast %jit3A_1209 : f32 to vector<16xf32>
    %select_n3A_1212 = arith.select %le3A_1207, %broadcast_in_dim3A_1210, %broadcast_in_dim3A_1211 : vector<16xi1>, vector<16xf32>
    %add3A_1213 = arith.addf %add3A_1206, %select_n3A_1212 : vector<16xf32>
    %le3A_1214 = arith.cmpf ole, %add3A_1162, %mul3A_1172 : vector<16xf32>
    %jit3A_1215 = arith.constant 1.000000e+00 : f32
    %jit3A_1216 = arith.constant 0.000000e+00 : f32
    %broadcast_in_dim3A_1217 = vector.broadcast %jit3A_1215 : f32 to vector<16xf32>
    %broadcast_in_dim3A_1218 = vector.broadcast %jit3A_1216 : f32 to vector<16xf32>
    %select_n3A_1219 = arith.select %le3A_1214, %broadcast_in_dim3A_1217, %broadcast_in_dim3A_1218 : vector<16xi1>, vector<16xf32>
    %add3A_1220 = arith.addf %add3A_1213, %select_n3A_1219 : vector<16xf32>
    %le3A_1221 = arith.cmpf ole, %add3A_1168, %mul3A_1172 : vector<16xf32>
    %jit3A_1222 = arith.constant 1.000000e+00 : f32
    %jit3A_1223 = arith.constant 0.000000e+00 : f32
    %broadcast_in_dim3A_1224 = vector.broadcast %jit3A_1222 : f32 to vector<16xf32>
    %broadcast_in_dim3A_1225 = vector.broadcast %jit3A_1223 : f32 to vector<16xf32>
    %select_n3A_1226 = arith.select %le3A_1221, %broadcast_in_dim3A_1224, %broadcast_in_dim3A_1225 : vector<16xi1>, vector<16xf32>
    %add3A_1227 = arith.addf %add3A_1220, %select_n3A_1226 : vector<16xf32>
    %convert_element_type3A_1228 = arith.fptosi %add3A_1227 : vector<16xf32> to vector<16xi32>
    %swap3A_1229 = arith.constant 160 : index
    %swap3A_1230 = tpu.vector_load %arg7[%swap3A_1229] {strides = array<i32>} : memref<512xi32, #tpu.memory_space<vmem>>, vector<16xi32>,
    %swap3A_1231 = vector.shape_cast %swap3A_1230 : vector<16xi32> to vector<16xi32>
    %swap3A_1232 = vector.shape_cast %convert_element_type3A_1228 : vector<16xi32> to vector<16xi32>
    tpu.vector_store %arg7[%swap3A_1229], %swap3A_1232 {strides = array<i32>} : memref<512xi32, #tpu.memory_space<vmem>>, vector<16xi32>,
    %get3A_1233 = arith.constant 0 : i32
    %get3A_1234 = arith.index_cast %get3A_1233 : i32 to index
    %get3A_1235 = arith.constant 176 : index
    %get3A_1236 = tpu.vector_load %arg5[%get3A_1234, %get3A_1235] {strides = array<i32>} : memref<8x512xf32, #tpu.memory_space<vmem>>, vector<1x16xf32>,
    %get3A_1237 = vector.shape_cast %get3A_1236 : vector<1x16xf32> to vector<16xf32>
    %get3A_1238 = arith.constant 1 : i32
    %get3A_1239 = arith.index_cast %get3A_1238 : i32 to index
    %get3A_1240 = arith.constant 176 : index
    %get3A_1241 = tpu.vector_load %arg5[%get3A_1239, %get3A_1240] {strides = array<i32>} : memref<8x512xf32, #tpu.memory_space<vmem>>, vector<1x16xf32>,
    %get3A_1242 = vector.shape_cast %get3A_1241 : vector<1x16xf32> to vector<16xf32>
    %add3A_1243 = arith.addf %get3A_1237, %get3A_1242 : vector<16xf32>
    %get3A_1244 = arith.constant 2 : i32
    %get3A_1245 = arith.index_cast %get3A_1244 : i32 to index
    %get3A_1246 = arith.constant 176 : index
    %get3A_1247 = tpu.vector_load %arg5[%get3A_1245, %get3A_1246] {strides = array<i32>} : memref<8x512xf32, #tpu.memory_space<vmem>>, vector<1x16xf32>,
    %get3A_1248 = vector.shape_cast %get3A_1247 : vector<1x16xf32> to vector<16xf32>
    %add3A_1249 = arith.addf %add3A_1243, %get3A_1248 : vector<16xf32>
    %get3A_1250 = arith.constant 3 : i32
    %get3A_1251 = arith.index_cast %get3A_1250 : i32 to index
    %get3A_1252 = arith.constant 176 : index
    %get3A_1253 = tpu.vector_load %arg5[%get3A_1251, %get3A_1252] {strides = array<i32>} : memref<8x512xf32, #tpu.memory_space<vmem>>, vector<1x16xf32>,
    %get3A_1254 = vector.shape_cast %get3A_1253 : vector<1x16xf32> to vector<16xf32>
    %add3A_1255 = arith.addf %add3A_1249, %get3A_1254 : vector<16xf32>
    %get3A_1256 = arith.constant 4 : i32
    %get3A_1257 = arith.index_cast %get3A_1256 : i32 to index
    %get3A_1258 = arith.constant 176 : index
    %get3A_1259 = tpu.vector_load %arg5[%get3A_1257, %get3A_1258] {strides = array<i32>} : memref<8x512xf32, #tpu.memory_space<vmem>>, vector<1x16xf32>,
    %get3A_1260 = vector.shape_cast %get3A_1259 : vector<1x16xf32> to vector<16xf32>
    %add3A_1261 = arith.addf %add3A_1255, %get3A_1260 : vector<16xf32>
    %get3A_1262 = arith.constant 5 : i32
    %get3A_1263 = arith.index_cast %get3A_1262 : i32 to index
    %get3A_1264 = arith.constant 176 : index
    %get3A_1265 = tpu.vector_load %arg5[%get3A_1263, %get3A_1264] {strides = array<i32>} : memref<8x512xf32, #tpu.memory_space<vmem>>, vector<1x16xf32>,
    %get3A_1266 = vector.shape_cast %get3A_1265 : vector<1x16xf32> to vector<16xf32>
    %add3A_1267 = arith.addf %add3A_1261, %get3A_1266 : vector<16xf32>
    %get3A_1268 = arith.constant 6 : i32
    %get3A_1269 = arith.index_cast %get3A_1268 : i32 to index
    %get3A_1270 = arith.constant 176 : index
    %get3A_1271 = tpu.vector_load %arg5[%get3A_1269, %get3A_1270] {strides = array<i32>} : memref<8x512xf32, #tpu.memory_space<vmem>>, vector<1x16xf32>,
    %get3A_1272 = vector.shape_cast %get3A_1271 : vector<1x16xf32> to vector<16xf32>
    %add3A_1273 = arith.addf %add3A_1267, %get3A_1272 : vector<16xf32>
    %get3A_1274 = arith.constant 7 : i32
    %get3A_1275 = arith.index_cast %get3A_1274 : i32 to index
    %get3A_1276 = arith.constant 176 : index
    %get3A_1277 = tpu.vector_load %arg5[%get3A_1275, %get3A_1276] {strides = array<i32>} : memref<8x512xf32, #tpu.memory_space<vmem>>, vector<1x16xf32>,
    %get3A_1278 = vector.shape_cast %get3A_1277 : vector<1x16xf32> to vector<16xf32>
    %add3A_1279 = arith.addf %add3A_1273, %get3A_1278 : vector<16xf32>
    %get3A_1280 = arith.constant 176 : index
    %get3A_1281 = tpu.vector_load %arg6[%get3A_1280] {strides = array<i32>} : memref<512xf32, #tpu.memory_space<vmem>>, vector<16xf32>,
    %get3A_1282 = vector.shape_cast %get3A_1281 : vector<16xf32> to vector<16xf32>
    %mul3A_1283 = arith.mulf %get3A_1282, %add3A_1279 : vector<16xf32>
    %le3A_1284 = arith.cmpf ole, %get3A_1237, %mul3A_1283 : vector<16xf32>
    %jit3A_1285 = arith.constant 1.000000e+00 : f32
    %jit3A_1286 = arith.constant 0.000000e+00 : f32
    %broadcast_in_dim3A_1287 = vector.broadcast %jit3A_1285 : f32 to vector<16xf32>
    %broadcast_in_dim3A_1288 = vector.broadcast %jit3A_1286 : f32 to vector<16xf32>
    %select_n3A_1289 = arith.select %le3A_1284, %broadcast_in_dim3A_1287, %broadcast_in_dim3A_1288 : vector<16xi1>, vector<16xf32>
    %le3A_1290 = arith.cmpf ole, %add3A_1243, %mul3A_1283 : vector<16xf32>
    %jit3A_1291 = arith.constant 1.000000e+00 : f32
    %jit3A_1292 = arith.constant 0.000000e+00 : f32
    %broadcast_in_dim3A_1293 = vector.broadcast %jit3A_1291 : f32 to vector<16xf32>
    %broadcast_in_dim3A_1294 = vector.broadcast %jit3A_1292 : f32 to vector<16xf32>
    %select_n3A_1295 = arith.select %le3A_1290, %broadcast_in_dim3A_1293, %broadcast_in_dim3A_1294 : vector<16xi1>, vector<16xf32>
    %add3A_1296 = arith.addf %select_n3A_1289, %select_n3A_1295 : vector<16xf32>
    %le3A_1297 = arith.cmpf ole, %add3A_1249, %mul3A_1283 : vector<16xf32>
    %jit3A_1298 = arith.constant 1.000000e+00 : f32
    %jit3A_1299 = arith.constant 0.000000e+00 : f32
    %broadcast_in_dim3A_1300 = vector.broadcast %jit3A_1298 : f32 to vector<16xf32>
    %broadcast_in_dim3A_1301 = vector.broadcast %jit3A_1299 : f32 to vector<16xf32>
    %select_n3A_1302 = arith.select %le3A_1297, %broadcast_in_dim3A_1300, %broadcast_in_dim3A_1301 : vector<16xi1>, vector<16xf32>
    %add3A_1303 = arith.addf %add3A_1296, %select_n3A_1302 : vector<16xf32>
    %le3A_1304 = arith.cmpf ole, %add3A_1255, %mul3A_1283 : vector<16xf32>
    %jit3A_1305 = arith.constant 1.000000e+00 : f32
    %jit3A_1306 = arith.constant 0.000000e+00 : f32
    %broadcast_in_dim3A_1307 = vector.broadcast %jit3A_1305 : f32 to vector<16xf32>
    %broadcast_in_dim3A_1308 = vector.broadcast %jit3A_1306 : f32 to vector<16xf32>
    %select_n3A_1309 = arith.select %le3A_1304, %broadcast_in_dim3A_1307, %broadcast_in_dim3A_1308 : vector<16xi1>, vector<16xf32>
    %add3A_1310 = arith.addf %add3A_1303, %select_n3A_1309 : vector<16xf32>
    %le3A_1311 = arith.cmpf ole, %add3A_1261, %mul3A_1283 : vector<16xf32>
    %jit3A_1312 = arith.constant 1.000000e+00 : f32
    %jit3A_1313 = arith.constant 0.000000e+00 : f32
    %broadcast_in_dim3A_1314 = vector.broadcast %jit3A_1312 : f32 to vector<16xf32>
    %broadcast_in_dim3A_1315 = vector.broadcast %jit3A_1313 : f32 to vector<16xf32>
    %select_n3A_1316 = arith.select %le3A_1311, %broadcast_in_dim3A_1314, %broadcast_in_dim3A_1315 : vector<16xi1>, vector<16xf32>
    %add3A_1317 = arith.addf %add3A_1310, %select_n3A_1316 : vector<16xf32>
    %le3A_1318 = arith.cmpf ole, %add3A_1267, %mul3A_1283 : vector<16xf32>
    %jit3A_1319 = arith.constant 1.000000e+00 : f32
    %jit3A_1320 = arith.constant 0.000000e+00 : f32
    %broadcast_in_dim3A_1321 = vector.broadcast %jit3A_1319 : f32 to vector<16xf32>
    %broadcast_in_dim3A_1322 = vector.broadcast %jit3A_1320 : f32 to vector<16xf32>
    %select_n3A_1323 = arith.select %le3A_1318, %broadcast_in_dim3A_1321, %broadcast_in_dim3A_1322 : vector<16xi1>, vector<16xf32>
    %add3A_1324 = arith.addf %add3A_1317, %select_n3A_1323 : vector<16xf32>
    %le3A_1325 = arith.cmpf ole, %add3A_1273, %mul3A_1283 : vector<16xf32>
    %jit3A_1326 = arith.constant 1.000000e+00 : f32
    %jit3A_1327 = arith.constant 0.000000e+00 : f32
    %broadcast_in_dim3A_1328 = vector.broadcast %jit3A_1326 : f32 to vector<16xf32>
    %broadcast_in_dim3A_1329 = vector.broadcast %jit3A_1327 : f32 to vector<16xf32>
    %select_n3A_1330 = arith.select %le3A_1325, %broadcast_in_dim3A_1328, %broadcast_in_dim3A_1329 : vector<16xi1>, vector<16xf32>
    %add3A_1331 = arith.addf %add3A_1324, %select_n3A_1330 : vector<16xf32>
    %le3A_1332 = arith.cmpf ole, %add3A_1279, %mul3A_1283 : vector<16xf32>
    %jit3A_1333 = arith.constant 1.000000e+00 : f32
    %jit3A_1334 = arith.constant 0.000000e+00 : f32
    %broadcast_in_dim3A_1335 = vector.broadcast %jit3A_1333 : f32 to vector<16xf32>
    %broadcast_in_dim3A_1336 = vector.broadcast %jit3A_1334 : f32 to vector<16xf32>
    %select_n3A_1337 = arith.select %le3A_1332, %broadcast_in_dim3A_1335, %broadcast_in_dim3A_1336 : vector<16xi1>, vector<16xf32>
    %add3A_1338 = arith.addf %add3A_1331, %select_n3A_1337 : vector<16xf32>
    %convert_element_type3A_1339 = arith.fptosi %add3A_1338 : vector<16xf32> to vector<16xi32>
    %swap3A_1340 = arith.constant 176 : index
    %swap3A_1341 = tpu.vector_load %arg7[%swap3A_1340] {strides = array<i32>} : memref<512xi32, #tpu.memory_space<vmem>>, vector<16xi32>,
    %swap3A_1342 = vector.shape_cast %swap3A_1341 : vector<16xi32> to vector<16xi32>
    %swap3A_1343 = vector.shape_cast %convert_element_type3A_1339 : vector<16xi32> to vector<16xi32>
    tpu.vector_store %arg7[%swap3A_1340], %swap3A_1343 {strides = array<i32>} : memref<512xi32, #tpu.memory_space<vmem>>, vector<16xi32>,
    %get3A_1344 = arith.constant 0 : i32
    %get3A_1345 = arith.index_cast %get3A_1344 : i32 to index
    %get3A_1346 = arith.constant 192 : index
    %get3A_1347 = tpu.vector_load %arg5[%get3A_1345, %get3A_1346] {strides = array<i32>} : memref<8x512xf32, #tpu.memory_space<vmem>>, vector<1x16xf32>,
    %get3A_1348 = vector.shape_cast %get3A_1347 : vector<1x16xf32> to vector<16xf32>
    %get3A_1349 = arith.constant 1 : i32
    %get3A_1350 = arith.index_cast %get3A_1349 : i32 to index
    %get3A_1351 = arith.constant 192 : index
    %get3A_1352 = tpu.vector_load %arg5[%get3A_1350, %get3A_1351] {strides = array<i32>} : memref<8x512xf32, #tpu.memory_space<vmem>>, vector<1x16xf32>,
    %get3A_1353 = vector.shape_cast %get3A_1352 : vector<1x16xf32> to vector<16xf32>
    %add3A_1354 = arith.addf %get3A_1348, %get3A_1353 : vector<16xf32>
    %get3A_1355 = arith.constant 2 : i32
    %get3A_1356 = arith.index_cast %get3A_1355 : i32 to index
    %get3A_1357 = arith.constant 192 : index
    %get3A_1358 = tpu.vector_load %arg5[%get3A_1356, %get3A_1357] {strides = array<i32>} : memref<8x512xf32, #tpu.memory_space<vmem>>, vector<1x16xf32>,
    %get3A_1359 = vector.shape_cast %get3A_1358 : vector<1x16xf32> to vector<16xf32>
    %add3A_1360 = arith.addf %add3A_1354, %get3A_1359 : vector<16xf32>
    %get3A_1361 = arith.constant 3 : i32
    %get3A_1362 = arith.index_cast %get3A_1361 : i32 to index
    %get3A_1363 = arith.constant 192 : index
    %get3A_1364 = tpu.vector_load %arg5[%get3A_1362, %get3A_1363] {strides = array<i32>} : memref<8x512xf32, #tpu.memory_space<vmem>>, vector<1x16xf32>,
    %get3A_1365 = vector.shape_cast %get3A_1364 : vector<1x16xf32> to vector<16xf32>
    %add3A_1366 = arith.addf %add3A_1360, %get3A_1365 : vector<16xf32>
    %get3A_1367 = arith.constant 4 : i32
    %get3A_1368 = arith.index_cast %get3A_1367 : i32 to index
    %get3A_1369 = arith.constant 192 : index
    %get3A_1370 = tpu.vector_load %arg5[%get3A_1368, %get3A_1369] {strides = array<i32>} : memref<8x512xf32, #tpu.memory_space<vmem>>, vector<1x16xf32>,
    %get3A_1371 = vector.shape_cast %get3A_1370 : vector<1x16xf32> to vector<16xf32>
    %add3A_1372 = arith.addf %add3A_1366, %get3A_1371 : vector<16xf32>
    %get3A_1373 = arith.constant 5 : i32
    %get3A_1374 = arith.index_cast %get3A_1373 : i32 to index
    %get3A_1375 = arith.constant 192 : index
    %get3A_1376 = tpu.vector_load %arg5[%get3A_1374, %get3A_1375] {strides = array<i32>} : memref<8x512xf32, #tpu.memory_space<vmem>>, vector<1x16xf32>,
    %get3A_1377 = vector.shape_cast %get3A_1376 : vector<1x16xf32> to vector<16xf32>
    %add3A_1378 = arith.addf %add3A_1372, %get3A_1377 : vector<16xf32>
    %get3A_1379 = arith.constant 6 : i32
    %get3A_1380 = arith.index_cast %get3A_1379 : i32 to index
    %get3A_1381 = arith.constant 192 : index
    %get3A_1382 = tpu.vector_load %arg5[%get3A_1380, %get3A_1381] {strides = array<i32>} : memref<8x512xf32, #tpu.memory_space<vmem>>, vector<1x16xf32>,
    %get3A_1383 = vector.shape_cast %get3A_1382 : vector<1x16xf32> to vector<16xf32>
    %add3A_1384 = arith.addf %add3A_1378, %get3A_1383 : vector<16xf32>
    %get3A_1385 = arith.constant 7 : i32
    %get3A_1386 = arith.index_cast %get3A_1385 : i32 to index
    %get3A_1387 = arith.constant 192 : index
    %get3A_1388 = tpu.vector_load %arg5[%get3A_1386, %get3A_1387] {strides = array<i32>} : memref<8x512xf32, #tpu.memory_space<vmem>>, vector<1x16xf32>,
    %get3A_1389 = vector.shape_cast %get3A_1388 : vector<1x16xf32> to vector<16xf32>
    %add3A_1390 = arith.addf %add3A_1384, %get3A_1389 : vector<16xf32>
    %get3A_1391 = arith.constant 192 : index
    %get3A_1392 = tpu.vector_load %arg6[%get3A_1391] {strides = array<i32>} : memref<512xf32, #tpu.memory_space<vmem>>, vector<16xf32>,
    %get3A_1393 = vector.shape_cast %get3A_1392 : vector<16xf32> to vector<16xf32>
    %mul3A_1394 = arith.mulf %get3A_1393, %add3A_1390 : vector<16xf32>
    %le3A_1395 = arith.cmpf ole, %get3A_1348, %mul3A_1394 : vector<16xf32>
    %jit3A_1396 = arith.constant 1.000000e+00 : f32
    %jit3A_1397 = arith.constant 0.000000e+00 : f32
    %broadcast_in_dim3A_1398 = vector.broadcast %jit3A_1396 : f32 to vector<16xf32>
    %broadcast_in_dim3A_1399 = vector.broadcast %jit3A_1397 : f32 to vector<16xf32>
    %select_n3A_1400 = arith.select %le3A_1395, %broadcast_in_dim3A_1398, %broadcast_in_dim3A_1399 : vector<16xi1>, vector<16xf32>
    %le3A_1401 = arith.cmpf ole, %add3A_1354, %mul3A_1394 : vector<16xf32>
    %jit3A_1402 = arith.constant 1.000000e+00 : f32
    %jit3A_1403 = arith.constant 0.000000e+00 : f32
    %broadcast_in_dim3A_1404 = vector.broadcast %jit3A_1402 : f32 to vector<16xf32>
    %broadcast_in_dim3A_1405 = vector.broadcast %jit3A_1403 : f32 to vector<16xf32>
    %select_n3A_1406 = arith.select %le3A_1401, %broadcast_in_dim3A_1404, %broadcast_in_dim3A_1405 : vector<16xi1>, vector<16xf32>
    %add3A_1407 = arith.addf %select_n3A_1400, %select_n3A_1406 : vector<16xf32>
    %le3A_1408 = arith.cmpf ole, %add3A_1360, %mul3A_1394 : vector<16xf32>
    %jit3A_1409 = arith.constant 1.000000e+00 : f32
    %jit3A_1410 = arith.constant 0.000000e+00 : f32
    %broadcast_in_dim3A_1411 = vector.broadcast %jit3A_1409 : f32 to vector<16xf32>
    %broadcast_in_dim3A_1412 = vector.broadcast %jit3A_1410 : f32 to vector<16xf32>
    %select_n3A_1413 = arith.select %le3A_1408, %broadcast_in_dim3A_1411, %broadcast_in_dim3A_1412 : vector<16xi1>, vector<16xf32>
    %add3A_1414 = arith.addf %add3A_1407, %select_n3A_1413 : vector<16xf32>
    %le3A_1415 = arith.cmpf ole, %add3A_1366, %mul3A_1394 : vector<16xf32>
    %jit3A_1416 = arith.constant 1.000000e+00 : f32
    %jit3A_1417 = arith.constant 0.000000e+00 : f32
    %broadcast_in_dim3A_1418 = vector.broadcast %jit3A_1416 : f32 to vector<16xf32>
    %broadcast_in_dim3A_1419 = vector.broadcast %jit3A_1417 : f32 to vector<16xf32>
    %select_n3A_1420 = arith.select %le3A_1415, %broadcast_in_dim3A_1418, %broadcast_in_dim3A_1419 : vector<16xi1>, vector<16xf32>
    %add3A_1421 = arith.addf %add3A_1414, %select_n3A_1420 : vector<16xf32>
    %le3A_1422 = arith.cmpf ole, %add3A_1372, %mul3A_1394 : vector<16xf32>
    %jit3A_1423 = arith.constant 1.000000e+00 : f32
    %jit3A_1424 = arith.constant 0.000000e+00 : f32
    %broadcast_in_dim3A_1425 = vector.broadcast %jit3A_1423 : f32 to vector<16xf32>
    %broadcast_in_dim3A_1426 = vector.broadcast %jit3A_1424 : f32 to vector<16xf32>
    %select_n3A_1427 = arith.select %le3A_1422, %broadcast_in_dim3A_1425, %broadcast_in_dim3A_1426 : vector<16xi1>, vector<16xf32>
    %add3A_1428 = arith.addf %add3A_1421, %select_n3A_1427 : vector<16xf32>
    %le3A_1429 = arith.cmpf ole, %add3A_1378, %mul3A_1394 : vector<16xf32>
    %jit3A_1430 = arith.constant 1.000000e+00 : f32
    %jit3A_1431 = arith.constant 0.000000e+00 : f32
    %broadcast_in_dim3A_1432 = vector.broadcast %jit3A_1430 : f32 to vector<16xf32>
    %broadcast_in_dim3A_1433 = vector.broadcast %jit3A_1431 : f32 to vector<16xf32>
    %select_n3A_1434 = arith.select %le3A_1429, %broadcast_in_dim3A_1432, %broadcast_in_dim3A_1433 : vector<16xi1>, vector<16xf32>
    %add3A_1435 = arith.addf %add3A_1428, %select_n3A_1434 : vector<16xf32>
    %le3A_1436 = arith.cmpf ole, %add3A_1384, %mul3A_1394 : vector<16xf32>
    %jit3A_1437 = arith.constant 1.000000e+00 : f32
    %jit3A_1438 = arith.constant 0.000000e+00 : f32
    %broadcast_in_dim3A_1439 = vector.broadcast %jit3A_1437 : f32 to vector<16xf32>
    %broadcast_in_dim3A_1440 = vector.broadcast %jit3A_1438 : f32 to vector<16xf32>
    %select_n3A_1441 = arith.select %le3A_1436, %broadcast_in_dim3A_1439, %broadcast_in_dim3A_1440 : vector<16xi1>, vector<16xf32>
    %add3A_1442 = arith.addf %add3A_1435, %select_n3A_1441 : vector<16xf32>
    %le3A_1443 = arith.cmpf ole, %add3A_1390, %mul3A_1394 : vector<16xf32>
    %jit3A_1444 = arith.constant 1.000000e+00 : f32
    %jit3A_1445 = arith.constant 0.000000e+00 : f32
    %broadcast_in_dim3A_1446 = vector.broadcast %jit3A_1444 : f32 to vector<16xf32>
    %broadcast_in_dim3A_1447 = vector.broadcast %jit3A_1445 : f32 to vector<16xf32>
    %select_n3A_1448 = arith.select %le3A_1443, %broadcast_in_dim3A_1446, %broadcast_in_dim3A_1447 : vector<16xi1>, vector<16xf32>
    %add3A_1449 = arith.addf %add3A_1442, %select_n3A_1448 : vector<16xf32>
    %convert_element_type3A_1450 = arith.fptosi %add3A_1449 : vector<16xf32> to vector<16xi32>
    %swap3A_1451 = arith.constant 192 : index
    %swap3A_1452 = tpu.vector_load %arg7[%swap3A_1451] {strides = array<i32>} : memref<512xi32, #tpu.memory_space<vmem>>, vector<16xi32>,
    %swap3A_1453 = vector.shape_cast %swap3A_1452 : vector<16xi32> to vector<16xi32>
    %swap3A_1454 = vector.shape_cast %convert_element_type3A_1450 : vector<16xi32> to vector<16xi32>
    tpu.vector_store %arg7[%swap3A_1451], %swap3A_1454 {strides = array<i32>} : memref<512xi32, #tpu.memory_space<vmem>>, vector<16xi32>,
    %get3A_1455 = arith.constant 0 : i32
    %get3A_1456 = arith.index_cast %get3A_1455 : i32 to index
    %get3A_1457 = arith.constant 208 : index
    %get3A_1458 = tpu.vector_load %arg5[%get3A_1456, %get3A_1457] {strides = array<i32>} : memref<8x512xf32, #tpu.memory_space<vmem>>, vector<1x16xf32>,
    %get3A_1459 = vector.shape_cast %get3A_1458 : vector<1x16xf32> to vector<16xf32>
    %get3A_1460 = arith.constant 1 : i32
    %get3A_1461 = arith.index_cast %get3A_1460 : i32 to index
    %get3A_1462 = arith.constant 208 : index
    %get3A_1463 = tpu.vector_load %arg5[%get3A_1461, %get3A_1462] {strides = array<i32>} : memref<8x512xf32, #tpu.memory_space<vmem>>, vector<1x16xf32>,
    %get3A_1464 = vector.shape_cast %get3A_1463 : vector<1x16xf32> to vector<16xf32>
    %add3A_1465 = arith.addf %get3A_1459, %get3A_1464 : vector<16xf32>
    %get3A_1466 = arith.constant 2 : i32
    %get3A_1467 = arith.index_cast %get3A_1466 : i32 to index
    %get3A_1468 = arith.constant 208 : index
    %get3A_1469 = tpu.vector_load %arg5[%get3A_1467, %get3A_1468] {strides = array<i32>} : memref<8x512xf32, #tpu.memory_space<vmem>>, vector<1x16xf32>,
    %get3A_1470 = vector.shape_cast %get3A_1469 : vector<1x16xf32> to vector<16xf32>
    %add3A_1471 = arith.addf %add3A_1465, %get3A_1470 : vector<16xf32>
    %get3A_1472 = arith.constant 3 : i32
    %get3A_1473 = arith.index_cast %get3A_1472 : i32 to index
    %get3A_1474 = arith.constant 208 : index
    %get3A_1475 = tpu.vector_load %arg5[%get3A_1473, %get3A_1474] {strides = array<i32>} : memref<8x512xf32, #tpu.memory_space<vmem>>, vector<1x16xf32>,
    %get3A_1476 = vector.shape_cast %get3A_1475 : vector<1x16xf32> to vector<16xf32>
    %add3A_1477 = arith.addf %add3A_1471, %get3A_1476 : vector<16xf32>
    %get3A_1478 = arith.constant 4 : i32
    %get3A_1479 = arith.index_cast %get3A_1478 : i32 to index
    %get3A_1480 = arith.constant 208 : index
    %get3A_1481 = tpu.vector_load %arg5[%get3A_1479, %get3A_1480] {strides = array<i32>} : memref<8x512xf32, #tpu.memory_space<vmem>>, vector<1x16xf32>,
    %get3A_1482 = vector.shape_cast %get3A_1481 : vector<1x16xf32> to vector<16xf32>
    %add3A_1483 = arith.addf %add3A_1477, %get3A_1482 : vector<16xf32>
    %get3A_1484 = arith.constant 5 : i32
    %get3A_1485 = arith.index_cast %get3A_1484 : i32 to index
    %get3A_1486 = arith.constant 208 : index
    %get3A_1487 = tpu.vector_load %arg5[%get3A_1485, %get3A_1486] {strides = array<i32>} : memref<8x512xf32, #tpu.memory_space<vmem>>, vector<1x16xf32>,
    %get3A_1488 = vector.shape_cast %get3A_1487 : vector<1x16xf32> to vector<16xf32>
    %add3A_1489 = arith.addf %add3A_1483, %get3A_1488 : vector<16xf32>
    %get3A_1490 = arith.constant 6 : i32
    %get3A_1491 = arith.index_cast %get3A_1490 : i32 to index
    %get3A_1492 = arith.constant 208 : index
    %get3A_1493 = tpu.vector_load %arg5[%get3A_1491, %get3A_1492] {strides = array<i32>} : memref<8x512xf32, #tpu.memory_space<vmem>>, vector<1x16xf32>,
    %get3A_1494 = vector.shape_cast %get3A_1493 : vector<1x16xf32> to vector<16xf32>
    %add3A_1495 = arith.addf %add3A_1489, %get3A_1494 : vector<16xf32>
    %get3A_1496 = arith.constant 7 : i32
    %get3A_1497 = arith.index_cast %get3A_1496 : i32 to index
    %get3A_1498 = arith.constant 208 : index
    %get3A_1499 = tpu.vector_load %arg5[%get3A_1497, %get3A_1498] {strides = array<i32>} : memref<8x512xf32, #tpu.memory_space<vmem>>, vector<1x16xf32>,
    %get3A_1500 = vector.shape_cast %get3A_1499 : vector<1x16xf32> to vector<16xf32>
    %add3A_1501 = arith.addf %add3A_1495, %get3A_1500 : vector<16xf32>
    %get3A_1502 = arith.constant 208 : index
    %get3A_1503 = tpu.vector_load %arg6[%get3A_1502] {strides = array<i32>} : memref<512xf32, #tpu.memory_space<vmem>>, vector<16xf32>,
    %get3A_1504 = vector.shape_cast %get3A_1503 : vector<16xf32> to vector<16xf32>
    %mul3A_1505 = arith.mulf %get3A_1504, %add3A_1501 : vector<16xf32>
    %le3A_1506 = arith.cmpf ole, %get3A_1459, %mul3A_1505 : vector<16xf32>
    %jit3A_1507 = arith.constant 1.000000e+00 : f32
    %jit3A_1508 = arith.constant 0.000000e+00 : f32
    %broadcast_in_dim3A_1509 = vector.broadcast %jit3A_1507 : f32 to vector<16xf32>
    %broadcast_in_dim3A_1510 = vector.broadcast %jit3A_1508 : f32 to vector<16xf32>
    %select_n3A_1511 = arith.select %le3A_1506, %broadcast_in_dim3A_1509, %broadcast_in_dim3A_1510 : vector<16xi1>, vector<16xf32>
    %le3A_1512 = arith.cmpf ole, %add3A_1465, %mul3A_1505 : vector<16xf32>
    %jit3A_1513 = arith.constant 1.000000e+00 : f32
    %jit3A_1514 = arith.constant 0.000000e+00 : f32
    %broadcast_in_dim3A_1515 = vector.broadcast %jit3A_1513 : f32 to vector<16xf32>
    %broadcast_in_dim3A_1516 = vector.broadcast %jit3A_1514 : f32 to vector<16xf32>
    %select_n3A_1517 = arith.select %le3A_1512, %broadcast_in_dim3A_1515, %broadcast_in_dim3A_1516 : vector<16xi1>, vector<16xf32>
    %add3A_1518 = arith.addf %select_n3A_1511, %select_n3A_1517 : vector<16xf32>
    %le3A_1519 = arith.cmpf ole, %add3A_1471, %mul3A_1505 : vector<16xf32>
    %jit3A_1520 = arith.constant 1.000000e+00 : f32
    %jit3A_1521 = arith.constant 0.000000e+00 : f32
    %broadcast_in_dim3A_1522 = vector.broadcast %jit3A_1520 : f32 to vector<16xf32>
    %broadcast_in_dim3A_1523 = vector.broadcast %jit3A_1521 : f32 to vector<16xf32>
    %select_n3A_1524 = arith.select %le3A_1519, %broadcast_in_dim3A_1522, %broadcast_in_dim3A_1523 : vector<16xi1>, vector<16xf32>
    %add3A_1525 = arith.addf %add3A_1518, %select_n3A_1524 : vector<16xf32>
    %le3A_1526 = arith.cmpf ole, %add3A_1477, %mul3A_1505 : vector<16xf32>
    %jit3A_1527 = arith.constant 1.000000e+00 : f32
    %jit3A_1528 = arith.constant 0.000000e+00 : f32
    %broadcast_in_dim3A_1529 = vector.broadcast %jit3A_1527 : f32 to vector<16xf32>
    %broadcast_in_dim3A_1530 = vector.broadcast %jit3A_1528 : f32 to vector<16xf32>
    %select_n3A_1531 = arith.select %le3A_1526, %broadcast_in_dim3A_1529, %broadcast_in_dim3A_1530 : vector<16xi1>, vector<16xf32>
    %add3A_1532 = arith.addf %add3A_1525, %select_n3A_1531 : vector<16xf32>
    %le3A_1533 = arith.cmpf ole, %add3A_1483, %mul3A_1505 : vector<16xf32>
    %jit3A_1534 = arith.constant 1.000000e+00 : f32
    %jit3A_1535 = arith.constant 0.000000e+00 : f32
    %broadcast_in_dim3A_1536 = vector.broadcast %jit3A_1534 : f32 to vector<16xf32>
    %broadcast_in_dim3A_1537 = vector.broadcast %jit3A_1535 : f32 to vector<16xf32>
    %select_n3A_1538 = arith.select %le3A_1533, %broadcast_in_dim3A_1536, %broadcast_in_dim3A_1537 : vector<16xi1>, vector<16xf32>
    %add3A_1539 = arith.addf %add3A_1532, %select_n3A_1538 : vector<16xf32>
    %le3A_1540 = arith.cmpf ole, %add3A_1489, %mul3A_1505 : vector<16xf32>
    %jit3A_1541 = arith.constant 1.000000e+00 : f32
    %jit3A_1542 = arith.constant 0.000000e+00 : f32
    %broadcast_in_dim3A_1543 = vector.broadcast %jit3A_1541 : f32 to vector<16xf32>
    %broadcast_in_dim3A_1544 = vector.broadcast %jit3A_1542 : f32 to vector<16xf32>
    %select_n3A_1545 = arith.select %le3A_1540, %broadcast_in_dim3A_1543, %broadcast_in_dim3A_1544 : vector<16xi1>, vector<16xf32>
    %add3A_1546 = arith.addf %add3A_1539, %select_n3A_1545 : vector<16xf32>
    %le3A_1547 = arith.cmpf ole, %add3A_1495, %mul3A_1505 : vector<16xf32>
    %jit3A_1548 = arith.constant 1.000000e+00 : f32
    %jit3A_1549 = arith.constant 0.000000e+00 : f32
    %broadcast_in_dim3A_1550 = vector.broadcast %jit3A_1548 : f32 to vector<16xf32>
    %broadcast_in_dim3A_1551 = vector.broadcast %jit3A_1549 : f32 to vector<16xf32>
    %select_n3A_1552 = arith.select %le3A_1547, %broadcast_in_dim3A_1550, %broadcast_in_dim3A_1551 : vector<16xi1>, vector<16xf32>
    %add3A_1553 = arith.addf %add3A_1546, %select_n3A_1552 : vector<16xf32>
    %le3A_1554 = arith.cmpf ole, %add3A_1501, %mul3A_1505 : vector<16xf32>
    %jit3A_1555 = arith.constant 1.000000e+00 : f32
    %jit3A_1556 = arith.constant 0.000000e+00 : f32
    %broadcast_in_dim3A_1557 = vector.broadcast %jit3A_1555 : f32 to vector<16xf32>
    %broadcast_in_dim3A_1558 = vector.broadcast %jit3A_1556 : f32 to vector<16xf32>
    %select_n3A_1559 = arith.select %le3A_1554, %broadcast_in_dim3A_1557, %broadcast_in_dim3A_1558 : vector<16xi1>, vector<16xf32>
    %add3A_1560 = arith.addf %add3A_1553, %select_n3A_1559 : vector<16xf32>
    %convert_element_type3A_1561 = arith.fptosi %add3A_1560 : vector<16xf32> to vector<16xi32>
    %swap3A_1562 = arith.constant 208 : index
    %swap3A_1563 = tpu.vector_load %arg7[%swap3A_1562] {strides = array<i32>} : memref<512xi32, #tpu.memory_space<vmem>>, vector<16xi32>,
    %swap3A_1564 = vector.shape_cast %swap3A_1563 : vector<16xi32> to vector<16xi32>
    %swap3A_1565 = vector.shape_cast %convert_element_type3A_1561 : vector<16xi32> to vector<16xi32>
    tpu.vector_store %arg7[%swap3A_1562], %swap3A_1565 {strides = array<i32>} : memref<512xi32, #tpu.memory_space<vmem>>, vector<16xi32>,
    %get3A_1566 = arith.constant 0 : i32
    %get3A_1567 = arith.index_cast %get3A_1566 : i32 to index
    %get3A_1568 = arith.constant 224 : index
    %get3A_1569 = tpu.vector_load %arg5[%get3A_1567, %get3A_1568] {strides = array<i32>} : memref<8x512xf32, #tpu.memory_space<vmem>>, vector<1x16xf32>,
    %get3A_1570 = vector.shape_cast %get3A_1569 : vector<1x16xf32> to vector<16xf32>
    %get3A_1571 = arith.constant 1 : i32
    %get3A_1572 = arith.index_cast %get3A_1571 : i32 to index
    %get3A_1573 = arith.constant 224 : index
    %get3A_1574 = tpu.vector_load %arg5[%get3A_1572, %get3A_1573] {strides = array<i32>} : memref<8x512xf32, #tpu.memory_space<vmem>>, vector<1x16xf32>,
    %get3A_1575 = vector.shape_cast %get3A_1574 : vector<1x16xf32> to vector<16xf32>
    %add3A_1576 = arith.addf %get3A_1570, %get3A_1575 : vector<16xf32>
    %get3A_1577 = arith.constant 2 : i32
    %get3A_1578 = arith.index_cast %get3A_1577 : i32 to index
    %get3A_1579 = arith.constant 224 : index
    %get3A_1580 = tpu.vector_load %arg5[%get3A_1578, %get3A_1579] {strides = array<i32>} : memref<8x512xf32, #tpu.memory_space<vmem>>, vector<1x16xf32>,
    %get3A_1581 = vector.shape_cast %get3A_1580 : vector<1x16xf32> to vector<16xf32>
    %add3A_1582 = arith.addf %add3A_1576, %get3A_1581 : vector<16xf32>
    %get3A_1583 = arith.constant 3 : i32
    %get3A_1584 = arith.index_cast %get3A_1583 : i32 to index
    %get3A_1585 = arith.constant 224 : index
    %get3A_1586 = tpu.vector_load %arg5[%get3A_1584, %get3A_1585] {strides = array<i32>} : memref<8x512xf32, #tpu.memory_space<vmem>>, vector<1x16xf32>,
    %get3A_1587 = vector.shape_cast %get3A_1586 : vector<1x16xf32> to vector<16xf32>
    %add3A_1588 = arith.addf %add3A_1582, %get3A_1587 : vector<16xf32>
    %get3A_1589 = arith.constant 4 : i32
    %get3A_1590 = arith.index_cast %get3A_1589 : i32 to index
    %get3A_1591 = arith.constant 224 : index
    %get3A_1592 = tpu.vector_load %arg5[%get3A_1590, %get3A_1591] {strides = array<i32>} : memref<8x512xf32, #tpu.memory_space<vmem>>, vector<1x16xf32>,
    %get3A_1593 = vector.shape_cast %get3A_1592 : vector<1x16xf32> to vector<16xf32>
    %add3A_1594 = arith.addf %add3A_1588, %get3A_1593 : vector<16xf32>
    %get3A_1595 = arith.constant 5 : i32
    %get3A_1596 = arith.index_cast %get3A_1595 : i32 to index
    %get3A_1597 = arith.constant 224 : index
    %get3A_1598 = tpu.vector_load %arg5[%get3A_1596, %get3A_1597] {strides = array<i32>} : memref<8x512xf32, #tpu.memory_space<vmem>>, vector<1x16xf32>,
    %get3A_1599 = vector.shape_cast %get3A_1598 : vector<1x16xf32> to vector<16xf32>
    %add3A_1600 = arith.addf %add3A_1594, %get3A_1599 : vector<16xf32>
    %get3A_1601 = arith.constant 6 : i32
    %get3A_1602 = arith.index_cast %get3A_1601 : i32 to index
    %get3A_1603 = arith.constant 224 : index
    %get3A_1604 = tpu.vector_load %arg5[%get3A_1602, %get3A_1603] {strides = array<i32>} : memref<8x512xf32, #tpu.memory_space<vmem>>, vector<1x16xf32>,
    %get3A_1605 = vector.shape_cast %get3A_1604 : vector<1x16xf32> to vector<16xf32>
    %add3A_1606 = arith.addf %add3A_1600, %get3A_1605 : vector<16xf32>
    %get3A_1607 = arith.constant 7 : i32
    %get3A_1608 = arith.index_cast %get3A_1607 : i32 to index
    %get3A_1609 = arith.constant 224 : index
    %get3A_1610 = tpu.vector_load %arg5[%get3A_1608, %get3A_1609] {strides = array<i32>} : memref<8x512xf32, #tpu.memory_space<vmem>>, vector<1x16xf32>,
    %get3A_1611 = vector.shape_cast %get3A_1610 : vector<1x16xf32> to vector<16xf32>
    %add3A_1612 = arith.addf %add3A_1606, %get3A_1611 : vector<16xf32>
    %get3A_1613 = arith.constant 224 : index
    %get3A_1614 = tpu.vector_load %arg6[%get3A_1613] {strides = array<i32>} : memref<512xf32, #tpu.memory_space<vmem>>, vector<16xf32>,
    %get3A_1615 = vector.shape_cast %get3A_1614 : vector<16xf32> to vector<16xf32>
    %mul3A_1616 = arith.mulf %get3A_1615, %add3A_1612 : vector<16xf32>
    %le3A_1617 = arith.cmpf ole, %get3A_1570, %mul3A_1616 : vector<16xf32>
    %jit3A_1618 = arith.constant 1.000000e+00 : f32
    %jit3A_1619 = arith.constant 0.000000e+00 : f32
    %broadcast_in_dim3A_1620 = vector.broadcast %jit3A_1618 : f32 to vector<16xf32>
    %broadcast_in_dim3A_1621 = vector.broadcast %jit3A_1619 : f32 to vector<16xf32>
    %select_n3A_1622 = arith.select %le3A_1617, %broadcast_in_dim3A_1620, %broadcast_in_dim3A_1621 : vector<16xi1>, vector<16xf32>
    %le3A_1623 = arith.cmpf ole, %add3A_1576, %mul3A_1616 : vector<16xf32>
    %jit3A_1624 = arith.constant 1.000000e+00 : f32
    %jit3A_1625 = arith.constant 0.000000e+00 : f32
    %broadcast_in_dim3A_1626 = vector.broadcast %jit3A_1624 : f32 to vector<16xf32>
    %broadcast_in_dim3A_1627 = vector.broadcast %jit3A_1625 : f32 to vector<16xf32>
    %select_n3A_1628 = arith.select %le3A_1623, %broadcast_in_dim3A_1626, %broadcast_in_dim3A_1627 : vector<16xi1>, vector<16xf32>
    %add3A_1629 = arith.addf %select_n3A_1622, %select_n3A_1628 : vector<16xf32>
    %le3A_1630 = arith.cmpf ole, %add3A_1582, %mul3A_1616 : vector<16xf32>
    %jit3A_1631 = arith.constant 1.000000e+00 : f32
    %jit3A_1632 = arith.constant 0.000000e+00 : f32
    %broadcast_in_dim3A_1633 = vector.broadcast %jit3A_1631 : f32 to vector<16xf32>
    %broadcast_in_dim3A_1634 = vector.broadcast %jit3A_1632 : f32 to vector<16xf32>
    %select_n3A_1635 = arith.select %le3A_1630, %broadcast_in_dim3A_1633, %broadcast_in_dim3A_1634 : vector<16xi1>, vector<16xf32>
    %add3A_1636 = arith.addf %add3A_1629, %select_n3A_1635 : vector<16xf32>
    %le3A_1637 = arith.cmpf ole, %add3A_1588, %mul3A_1616 : vector<16xf32>
    %jit3A_1638 = arith.constant 1.000000e+00 : f32
    %jit3A_1639 = arith.constant 0.000000e+00 : f32
    %broadcast_in_dim3A_1640 = vector.broadcast %jit3A_1638 : f32 to vector<16xf32>
    %broadcast_in_dim3A_1641 = vector.broadcast %jit3A_1639 : f32 to vector<16xf32>
    %select_n3A_1642 = arith.select %le3A_1637, %broadcast_in_dim3A_1640, %broadcast_in_dim3A_1641 : vector<16xi1>, vector<16xf32>
    %add3A_1643 = arith.addf %add3A_1636, %select_n3A_1642 : vector<16xf32>
    %le3A_1644 = arith.cmpf ole, %add3A_1594, %mul3A_1616 : vector<16xf32>
    %jit3A_1645 = arith.constant 1.000000e+00 : f32
    %jit3A_1646 = arith.constant 0.000000e+00 : f32
    %broadcast_in_dim3A_1647 = vector.broadcast %jit3A_1645 : f32 to vector<16xf32>
    %broadcast_in_dim3A_1648 = vector.broadcast %jit3A_1646 : f32 to vector<16xf32>
    %select_n3A_1649 = arith.select %le3A_1644, %broadcast_in_dim3A_1647, %broadcast_in_dim3A_1648 : vector<16xi1>, vector<16xf32>
    %add3A_1650 = arith.addf %add3A_1643, %select_n3A_1649 : vector<16xf32>
    %le3A_1651 = arith.cmpf ole, %add3A_1600, %mul3A_1616 : vector<16xf32>
    %jit3A_1652 = arith.constant 1.000000e+00 : f32
    %jit3A_1653 = arith.constant 0.000000e+00 : f32
    %broadcast_in_dim3A_1654 = vector.broadcast %jit3A_1652 : f32 to vector<16xf32>
    %broadcast_in_dim3A_1655 = vector.broadcast %jit3A_1653 : f32 to vector<16xf32>
    %select_n3A_1656 = arith.select %le3A_1651, %broadcast_in_dim3A_1654, %broadcast_in_dim3A_1655 : vector<16xi1>, vector<16xf32>
    %add3A_1657 = arith.addf %add3A_1650, %select_n3A_1656 : vector<16xf32>
    %le3A_1658 = arith.cmpf ole, %add3A_1606, %mul3A_1616 : vector<16xf32>
    %jit3A_1659 = arith.constant 1.000000e+00 : f32
    %jit3A_1660 = arith.constant 0.000000e+00 : f32
    %broadcast_in_dim3A_1661 = vector.broadcast %jit3A_1659 : f32 to vector<16xf32>
    %broadcast_in_dim3A_1662 = vector.broadcast %jit3A_1660 : f32 to vector<16xf32>
    %select_n3A_1663 = arith.select %le3A_1658, %broadcast_in_dim3A_1661, %broadcast_in_dim3A_1662 : vector<16xi1>, vector<16xf32>
    %add3A_1664 = arith.addf %add3A_1657, %select_n3A_1663 : vector<16xf32>
    %le3A_1665 = arith.cmpf ole, %add3A_1612, %mul3A_1616 : vector<16xf32>
    %jit3A_1666 = arith.constant 1.000000e+00 : f32
    %jit3A_1667 = arith.constant 0.000000e+00 : f32
    %broadcast_in_dim3A_1668 = vector.broadcast %jit3A_1666 : f32 to vector<16xf32>
    %broadcast_in_dim3A_1669 = vector.broadcast %jit3A_1667 : f32 to vector<16xf32>
    %select_n3A_1670 = arith.select %le3A_1665, %broadcast_in_dim3A_1668, %broadcast_in_dim3A_1669 : vector<16xi1>, vector<16xf32>
    %add3A_1671 = arith.addf %add3A_1664, %select_n3A_1670 : vector<16xf32>
    %convert_element_type3A_1672 = arith.fptosi %add3A_1671 : vector<16xf32> to vector<16xi32>
    %swap3A_1673 = arith.constant 224 : index
    %swap3A_1674 = tpu.vector_load %arg7[%swap3A_1673] {strides = array<i32>} : memref<512xi32, #tpu.memory_space<vmem>>, vector<16xi32>,
    %swap3A_1675 = vector.shape_cast %swap3A_1674 : vector<16xi32> to vector<16xi32>
    %swap3A_1676 = vector.shape_cast %convert_element_type3A_1672 : vector<16xi32> to vector<16xi32>
    tpu.vector_store %arg7[%swap3A_1673], %swap3A_1676 {strides = array<i32>} : memref<512xi32, #tpu.memory_space<vmem>>, vector<16xi32>,
    %get3A_1677 = arith.constant 0 : i32
    %get3A_1678 = arith.index_cast %get3A_1677 : i32 to index
    %get3A_1679 = arith.constant 240 : index
    %get3A_1680 = tpu.vector_load %arg5[%get3A_1678, %get3A_1679] {strides = array<i32>} : memref<8x512xf32, #tpu.memory_space<vmem>>, vector<1x16xf32>,
    %get3A_1681 = vector.shape_cast %get3A_1680 : vector<1x16xf32> to vector<16xf32>
    %get3A_1682 = arith.constant 1 : i32
    %get3A_1683 = arith.index_cast %get3A_1682 : i32 to index
    %get3A_1684 = arith.constant 240 : index
    %get3A_1685 = tpu.vector_load %arg5[%get3A_1683, %get3A_1684] {strides = array<i32>} : memref<8x512xf32, #tpu.memory_space<vmem>>, vector<1x16xf32>,
    %get3A_1686 = vector.shape_cast %get3A_1685 : vector<1x16xf32> to vector<16xf32>
    %add3A_1687 = arith.addf %get3A_1681, %get3A_1686 : vector<16xf32>
    %get3A_1688 = arith.constant 2 : i32
    %get3A_1689 = arith.index_cast %get3A_1688 : i32 to index
    %get3A_1690 = arith.constant 240 : index
    %get3A_1691 = tpu.vector_load %arg5[%get3A_1689, %get3A_1690] {strides = array<i32>} : memref<8x512xf32, #tpu.memory_space<vmem>>, vector<1x16xf32>,
    %get3A_1692 = vector.shape_cast %get3A_1691 : vector<1x16xf32> to vector<16xf32>
    %add3A_1693 = arith.addf %add3A_1687, %get3A_1692 : vector<16xf32>
    %get3A_1694 = arith.constant 3 : i32
    %get3A_1695 = arith.index_cast %get3A_1694 : i32 to index
    %get3A_1696 = arith.constant 240 : index
    %get3A_1697 = tpu.vector_load %arg5[%get3A_1695, %get3A_1696] {strides = array<i32>} : memref<8x512xf32, #tpu.memory_space<vmem>>, vector<1x16xf32>,
    %get3A_1698 = vector.shape_cast %get3A_1697 : vector<1x16xf32> to vector<16xf32>
    %add3A_1699 = arith.addf %add3A_1693, %get3A_1698 : vector<16xf32>
    %get3A_1700 = arith.constant 4 : i32
    %get3A_1701 = arith.index_cast %get3A_1700 : i32 to index
    %get3A_1702 = arith.constant 240 : index
    %get3A_1703 = tpu.vector_load %arg5[%get3A_1701, %get3A_1702] {strides = array<i32>} : memref<8x512xf32, #tpu.memory_space<vmem>>, vector<1x16xf32>,
    %get3A_1704 = vector.shape_cast %get3A_1703 : vector<1x16xf32> to vector<16xf32>
    %add3A_1705 = arith.addf %add3A_1699, %get3A_1704 : vector<16xf32>
    %get3A_1706 = arith.constant 5 : i32
    %get3A_1707 = arith.index_cast %get3A_1706 : i32 to index
    %get3A_1708 = arith.constant 240 : index
    %get3A_1709 = tpu.vector_load %arg5[%get3A_1707, %get3A_1708] {strides = array<i32>} : memref<8x512xf32, #tpu.memory_space<vmem>>, vector<1x16xf32>,
    %get3A_1710 = vector.shape_cast %get3A_1709 : vector<1x16xf32> to vector<16xf32>
    %add3A_1711 = arith.addf %add3A_1705, %get3A_1710 : vector<16xf32>
    %get3A_1712 = arith.constant 6 : i32
    %get3A_1713 = arith.index_cast %get3A_1712 : i32 to index
    %get3A_1714 = arith.constant 240 : index
    %get3A_1715 = tpu.vector_load %arg5[%get3A_1713, %get3A_1714] {strides = array<i32>} : memref<8x512xf32, #tpu.memory_space<vmem>>, vector<1x16xf32>,
    %get3A_1716 = vector.shape_cast %get3A_1715 : vector<1x16xf32> to vector<16xf32>
    %add3A_1717 = arith.addf %add3A_1711, %get3A_1716 : vector<16xf32>
    %get3A_1718 = arith.constant 7 : i32
    %get3A_1719 = arith.index_cast %get3A_1718 : i32 to index
    %get3A_1720 = arith.constant 240 : index
    %get3A_1721 = tpu.vector_load %arg5[%get3A_1719, %get3A_1720] {strides = array<i32>} : memref<8x512xf32, #tpu.memory_space<vmem>>, vector<1x16xf32>,
    %get3A_1722 = vector.shape_cast %get3A_1721 : vector<1x16xf32> to vector<16xf32>
    %add3A_1723 = arith.addf %add3A_1717, %get3A_1722 : vector<16xf32>
    %get3A_1724 = arith.constant 240 : index
    %get3A_1725 = tpu.vector_load %arg6[%get3A_1724] {strides = array<i32>} : memref<512xf32, #tpu.memory_space<vmem>>, vector<16xf32>,
    %get3A_1726 = vector.shape_cast %get3A_1725 : vector<16xf32> to vector<16xf32>
    %mul3A_1727 = arith.mulf %get3A_1726, %add3A_1723 : vector<16xf32>
    %le3A_1728 = arith.cmpf ole, %get3A_1681, %mul3A_1727 : vector<16xf32>
    %jit3A_1729 = arith.constant 1.000000e+00 : f32
    %jit3A_1730 = arith.constant 0.000000e+00 : f32
    %broadcast_in_dim3A_1731 = vector.broadcast %jit3A_1729 : f32 to vector<16xf32>
    %broadcast_in_dim3A_1732 = vector.broadcast %jit3A_1730 : f32 to vector<16xf32>
    %select_n3A_1733 = arith.select %le3A_1728, %broadcast_in_dim3A_1731, %broadcast_in_dim3A_1732 : vector<16xi1>, vector<16xf32>
    %le3A_1734 = arith.cmpf ole, %add3A_1687, %mul3A_1727 : vector<16xf32>
    %jit3A_1735 = arith.constant 1.000000e+00 : f32
    %jit3A_1736 = arith.constant 0.000000e+00 : f32
    %broadcast_in_dim3A_1737 = vector.broadcast %jit3A_1735 : f32 to vector<16xf32>
    %broadcast_in_dim3A_1738 = vector.broadcast %jit3A_1736 : f32 to vector<16xf32>
    %select_n3A_1739 = arith.select %le3A_1734, %broadcast_in_dim3A_1737, %broadcast_in_dim3A_1738 : vector<16xi1>, vector<16xf32>
    %add3A_1740 = arith.addf %select_n3A_1733, %select_n3A_1739 : vector<16xf32>
    %le3A_1741 = arith.cmpf ole, %add3A_1693, %mul3A_1727 : vector<16xf32>
    %jit3A_1742 = arith.constant 1.000000e+00 : f32
    %jit3A_1743 = arith.constant 0.000000e+00 : f32
    %broadcast_in_dim3A_1744 = vector.broadcast %jit3A_1742 : f32 to vector<16xf32>
    %broadcast_in_dim3A_1745 = vector.broadcast %jit3A_1743 : f32 to vector<16xf32>
    %select_n3A_1746 = arith.select %le3A_1741, %broadcast_in_dim3A_1744, %broadcast_in_dim3A_1745 : vector<16xi1>, vector<16xf32>
    %add3A_1747 = arith.addf %add3A_1740, %select_n3A_1746 : vector<16xf32>
    %le3A_1748 = arith.cmpf ole, %add3A_1699, %mul3A_1727 : vector<16xf32>
    %jit3A_1749 = arith.constant 1.000000e+00 : f32
    %jit3A_1750 = arith.constant 0.000000e+00 : f32
    %broadcast_in_dim3A_1751 = vector.broadcast %jit3A_1749 : f32 to vector<16xf32>
    %broadcast_in_dim3A_1752 = vector.broadcast %jit3A_1750 : f32 to vector<16xf32>
    %select_n3A_1753 = arith.select %le3A_1748, %broadcast_in_dim3A_1751, %broadcast_in_dim3A_1752 : vector<16xi1>, vector<16xf32>
    %add3A_1754 = arith.addf %add3A_1747, %select_n3A_1753 : vector<16xf32>
    %le3A_1755 = arith.cmpf ole, %add3A_1705, %mul3A_1727 : vector<16xf32>
    %jit3A_1756 = arith.constant 1.000000e+00 : f32
    %jit3A_1757 = arith.constant 0.000000e+00 : f32
    %broadcast_in_dim3A_1758 = vector.broadcast %jit3A_1756 : f32 to vector<16xf32>
    %broadcast_in_dim3A_1759 = vector.broadcast %jit3A_1757 : f32 to vector<16xf32>
    %select_n3A_1760 = arith.select %le3A_1755, %broadcast_in_dim3A_1758, %broadcast_in_dim3A_1759 : vector<16xi1>, vector<16xf32>
    %add3A_1761 = arith.addf %add3A_1754, %select_n3A_1760 : vector<16xf32>
    %le3A_1762 = arith.cmpf ole, %add3A_1711, %mul3A_1727 : vector<16xf32>
    %jit3A_1763 = arith.constant 1.000000e+00 : f32
    %jit3A_1764 = arith.constant 0.000000e+00 : f32
    %broadcast_in_dim3A_1765 = vector.broadcast %jit3A_1763 : f32 to vector<16xf32>
    %broadcast_in_dim3A_1766 = vector.broadcast %jit3A_1764 : f32 to vector<16xf32>
    %select_n3A_1767 = arith.select %le3A_1762, %broadcast_in_dim3A_1765, %broadcast_in_dim3A_1766 : vector<16xi1>, vector<16xf32>
    %add3A_1768 = arith.addf %add3A_1761, %select_n3A_1767 : vector<16xf32>
    %le3A_1769 = arith.cmpf ole, %add3A_1717, %mul3A_1727 : vector<16xf32>
    %jit3A_1770 = arith.constant 1.000000e+00 : f32
    %jit3A_1771 = arith.constant 0.000000e+00 : f32
    %broadcast_in_dim3A_1772 = vector.broadcast %jit3A_1770 : f32 to vector<16xf32>
    %broadcast_in_dim3A_1773 = vector.broadcast %jit3A_1771 : f32 to vector<16xf32>
    %select_n3A_1774 = arith.select %le3A_1769, %broadcast_in_dim3A_1772, %broadcast_in_dim3A_1773 : vector<16xi1>, vector<16xf32>
    %add3A_1775 = arith.addf %add3A_1768, %select_n3A_1774 : vector<16xf32>
    %le3A_1776 = arith.cmpf ole, %add3A_1723, %mul3A_1727 : vector<16xf32>
    %jit3A_1777 = arith.constant 1.000000e+00 : f32
    %jit3A_1778 = arith.constant 0.000000e+00 : f32
    %broadcast_in_dim3A_1779 = vector.broadcast %jit3A_1777 : f32 to vector<16xf32>
    %broadcast_in_dim3A_1780 = vector.broadcast %jit3A_1778 : f32 to vector<16xf32>
    %select_n3A_1781 = arith.select %le3A_1776, %broadcast_in_dim3A_1779, %broadcast_in_dim3A_1780 : vector<16xi1>, vector<16xf32>
    %add3A_1782 = arith.addf %add3A_1775, %select_n3A_1781 : vector<16xf32>
    %convert_element_type3A_1783 = arith.fptosi %add3A_1782 : vector<16xf32> to vector<16xi32>
    %swap3A_1784 = arith.constant 240 : index
    %swap3A_1785 = tpu.vector_load %arg7[%swap3A_1784] {strides = array<i32>} : memref<512xi32, #tpu.memory_space<vmem>>, vector<16xi32>,
    %swap3A_1786 = vector.shape_cast %swap3A_1785 : vector<16xi32> to vector<16xi32>
    %swap3A_1787 = vector.shape_cast %convert_element_type3A_1783 : vector<16xi32> to vector<16xi32>
    tpu.vector_store %arg7[%swap3A_1784], %swap3A_1787 {strides = array<i32>} : memref<512xi32, #tpu.memory_space<vmem>>, vector<16xi32>,
    %get3A_1788 = arith.constant 0 : i32
    %get3A_1789 = arith.index_cast %get3A_1788 : i32 to index
    %get3A_1790 = arith.constant 256 : index
    %get3A_1791 = tpu.vector_load %arg5[%get3A_1789, %get3A_1790] {strides = array<i32>} : memref<8x512xf32, #tpu.memory_space<vmem>>, vector<1x16xf32>,
    %get3A_1792 = vector.shape_cast %get3A_1791 : vector<1x16xf32> to vector<16xf32>
    %get3A_1793 = arith.constant 1 : i32
    %get3A_1794 = arith.index_cast %get3A_1793 : i32 to index
    %get3A_1795 = arith.constant 256 : index
    %get3A_1796 = tpu.vector_load %arg5[%get3A_1794, %get3A_1795] {strides = array<i32>} : memref<8x512xf32, #tpu.memory_space<vmem>>, vector<1x16xf32>,
    %get3A_1797 = vector.shape_cast %get3A_1796 : vector<1x16xf32> to vector<16xf32>
    %add3A_1798 = arith.addf %get3A_1792, %get3A_1797 : vector<16xf32>
    %get3A_1799 = arith.constant 2 : i32
    %get3A_1800 = arith.index_cast %get3A_1799 : i32 to index
    %get3A_1801 = arith.constant 256 : index
    %get3A_1802 = tpu.vector_load %arg5[%get3A_1800, %get3A_1801] {strides = array<i32>} : memref<8x512xf32, #tpu.memory_space<vmem>>, vector<1x16xf32>,
    %get3A_1803 = vector.shape_cast %get3A_1802 : vector<1x16xf32> to vector<16xf32>
    %add3A_1804 = arith.addf %add3A_1798, %get3A_1803 : vector<16xf32>
    %get3A_1805 = arith.constant 3 : i32
    %get3A_1806 = arith.index_cast %get3A_1805 : i32 to index
    %get3A_1807 = arith.constant 256 : index
    %get3A_1808 = tpu.vector_load %arg5[%get3A_1806, %get3A_1807] {strides = array<i32>} : memref<8x512xf32, #tpu.memory_space<vmem>>, vector<1x16xf32>,
    %get3A_1809 = vector.shape_cast %get3A_1808 : vector<1x16xf32> to vector<16xf32>
    %add3A_1810 = arith.addf %add3A_1804, %get3A_1809 : vector<16xf32>
    %get3A_1811 = arith.constant 4 : i32
    %get3A_1812 = arith.index_cast %get3A_1811 : i32 to index
    %get3A_1813 = arith.constant 256 : index
    %get3A_1814 = tpu.vector_load %arg5[%get3A_1812, %get3A_1813] {strides = array<i32>} : memref<8x512xf32, #tpu.memory_space<vmem>>, vector<1x16xf32>,
    %get3A_1815 = vector.shape_cast %get3A_1814 : vector<1x16xf32> to vector<16xf32>
    %add3A_1816 = arith.addf %add3A_1810, %get3A_1815 : vector<16xf32>
    %get3A_1817 = arith.constant 5 : i32
    %get3A_1818 = arith.index_cast %get3A_1817 : i32 to index
    %get3A_1819 = arith.constant 256 : index
    %get3A_1820 = tpu.vector_load %arg5[%get3A_1818, %get3A_1819] {strides = array<i32>} : memref<8x512xf32, #tpu.memory_space<vmem>>, vector<1x16xf32>,
    %get3A_1821 = vector.shape_cast %get3A_1820 : vector<1x16xf32> to vector<16xf32>
    %add3A_1822 = arith.addf %add3A_1816, %get3A_1821 : vector<16xf32>
    %get3A_1823 = arith.constant 6 : i32
    %get3A_1824 = arith.index_cast %get3A_1823 : i32 to index
    %get3A_1825 = arith.constant 256 : index
    %get3A_1826 = tpu.vector_load %arg5[%get3A_1824, %get3A_1825] {strides = array<i32>} : memref<8x512xf32, #tpu.memory_space<vmem>>, vector<1x16xf32>,
    %get3A_1827 = vector.shape_cast %get3A_1826 : vector<1x16xf32> to vector<16xf32>
    %add3A_1828 = arith.addf %add3A_1822, %get3A_1827 : vector<16xf32>
    %get3A_1829 = arith.constant 7 : i32
    %get3A_1830 = arith.index_cast %get3A_1829 : i32 to index
    %get3A_1831 = arith.constant 256 : index
    %get3A_1832 = tpu.vector_load %arg5[%get3A_1830, %get3A_1831] {strides = array<i32>} : memref<8x512xf32, #tpu.memory_space<vmem>>, vector<1x16xf32>,
    %get3A_1833 = vector.shape_cast %get3A_1832 : vector<1x16xf32> to vector<16xf32>
    %add3A_1834 = arith.addf %add3A_1828, %get3A_1833 : vector<16xf32>
    %get3A_1835 = arith.constant 256 : index
    %get3A_1836 = tpu.vector_load %arg6[%get3A_1835] {strides = array<i32>} : memref<512xf32, #tpu.memory_space<vmem>>, vector<16xf32>,
    %get3A_1837 = vector.shape_cast %get3A_1836 : vector<16xf32> to vector<16xf32>
    %mul3A_1838 = arith.mulf %get3A_1837, %add3A_1834 : vector<16xf32>
    %le3A_1839 = arith.cmpf ole, %get3A_1792, %mul3A_1838 : vector<16xf32>
    %jit3A_1840 = arith.constant 1.000000e+00 : f32
    %jit3A_1841 = arith.constant 0.000000e+00 : f32
    %broadcast_in_dim3A_1842 = vector.broadcast %jit3A_1840 : f32 to vector<16xf32>
    %broadcast_in_dim3A_1843 = vector.broadcast %jit3A_1841 : f32 to vector<16xf32>
    %select_n3A_1844 = arith.select %le3A_1839, %broadcast_in_dim3A_1842, %broadcast_in_dim3A_1843 : vector<16xi1>, vector<16xf32>
    %le3A_1845 = arith.cmpf ole, %add3A_1798, %mul3A_1838 : vector<16xf32>
    %jit3A_1846 = arith.constant 1.000000e+00 : f32
    %jit3A_1847 = arith.constant 0.000000e+00 : f32
    %broadcast_in_dim3A_1848 = vector.broadcast %jit3A_1846 : f32 to vector<16xf32>
    %broadcast_in_dim3A_1849 = vector.broadcast %jit3A_1847 : f32 to vector<16xf32>
    %select_n3A_1850 = arith.select %le3A_1845, %broadcast_in_dim3A_1848, %broadcast_in_dim3A_1849 : vector<16xi1>, vector<16xf32>
    %add3A_1851 = arith.addf %select_n3A_1844, %select_n3A_1850 : vector<16xf32>
    %le3A_1852 = arith.cmpf ole, %add3A_1804, %mul3A_1838 : vector<16xf32>
    %jit3A_1853 = arith.constant 1.000000e+00 : f32
    %jit3A_1854 = arith.constant 0.000000e+00 : f32
    %broadcast_in_dim3A_1855 = vector.broadcast %jit3A_1853 : f32 to vector<16xf32>
    %broadcast_in_dim3A_1856 = vector.broadcast %jit3A_1854 : f32 to vector<16xf32>
    %select_n3A_1857 = arith.select %le3A_1852, %broadcast_in_dim3A_1855, %broadcast_in_dim3A_1856 : vector<16xi1>, vector<16xf32>
    %add3A_1858 = arith.addf %add3A_1851, %select_n3A_1857 : vector<16xf32>
    %le3A_1859 = arith.cmpf ole, %add3A_1810, %mul3A_1838 : vector<16xf32>
    %jit3A_1860 = arith.constant 1.000000e+00 : f32
    %jit3A_1861 = arith.constant 0.000000e+00 : f32
    %broadcast_in_dim3A_1862 = vector.broadcast %jit3A_1860 : f32 to vector<16xf32>
    %broadcast_in_dim3A_1863 = vector.broadcast %jit3A_1861 : f32 to vector<16xf32>
    %select_n3A_1864 = arith.select %le3A_1859, %broadcast_in_dim3A_1862, %broadcast_in_dim3A_1863 : vector<16xi1>, vector<16xf32>
    %add3A_1865 = arith.addf %add3A_1858, %select_n3A_1864 : vector<16xf32>
    %le3A_1866 = arith.cmpf ole, %add3A_1816, %mul3A_1838 : vector<16xf32>
    %jit3A_1867 = arith.constant 1.000000e+00 : f32
    %jit3A_1868 = arith.constant 0.000000e+00 : f32
    %broadcast_in_dim3A_1869 = vector.broadcast %jit3A_1867 : f32 to vector<16xf32>
    %broadcast_in_dim3A_1870 = vector.broadcast %jit3A_1868 : f32 to vector<16xf32>
    %select_n3A_1871 = arith.select %le3A_1866, %broadcast_in_dim3A_1869, %broadcast_in_dim3A_1870 : vector<16xi1>, vector<16xf32>
    %add3A_1872 = arith.addf %add3A_1865, %select_n3A_1871 : vector<16xf32>
    %le3A_1873 = arith.cmpf ole, %add3A_1822, %mul3A_1838 : vector<16xf32>
    %jit3A_1874 = arith.constant 1.000000e+00 : f32
    %jit3A_1875 = arith.constant 0.000000e+00 : f32
    %broadcast_in_dim3A_1876 = vector.broadcast %jit3A_1874 : f32 to vector<16xf32>
    %broadcast_in_dim3A_1877 = vector.broadcast %jit3A_1875 : f32 to vector<16xf32>
    %select_n3A_1878 = arith.select %le3A_1873, %broadcast_in_dim3A_1876, %broadcast_in_dim3A_1877 : vector<16xi1>, vector<16xf32>
    %add3A_1879 = arith.addf %add3A_1872, %select_n3A_1878 : vector<16xf32>
    %le3A_1880 = arith.cmpf ole, %add3A_1828, %mul3A_1838 : vector<16xf32>
    %jit3A_1881 = arith.constant 1.000000e+00 : f32
    %jit3A_1882 = arith.constant 0.000000e+00 : f32
    %broadcast_in_dim3A_1883 = vector.broadcast %jit3A_1881 : f32 to vector<16xf32>
    %broadcast_in_dim3A_1884 = vector.broadcast %jit3A_1882 : f32 to vector<16xf32>
    %select_n3A_1885 = arith.select %le3A_1880, %broadcast_in_dim3A_1883, %broadcast_in_dim3A_1884 : vector<16xi1>, vector<16xf32>
    %add3A_1886 = arith.addf %add3A_1879, %select_n3A_1885 : vector<16xf32>
    %le3A_1887 = arith.cmpf ole, %add3A_1834, %mul3A_1838 : vector<16xf32>
    %jit3A_1888 = arith.constant 1.000000e+00 : f32
    %jit3A_1889 = arith.constant 0.000000e+00 : f32
    %broadcast_in_dim3A_1890 = vector.broadcast %jit3A_1888 : f32 to vector<16xf32>
    %broadcast_in_dim3A_1891 = vector.broadcast %jit3A_1889 : f32 to vector<16xf32>
    %select_n3A_1892 = arith.select %le3A_1887, %broadcast_in_dim3A_1890, %broadcast_in_dim3A_1891 : vector<16xi1>, vector<16xf32>
    %add3A_1893 = arith.addf %add3A_1886, %select_n3A_1892 : vector<16xf32>
    %convert_element_type3A_1894 = arith.fptosi %add3A_1893 : vector<16xf32> to vector<16xi32>
    %swap3A_1895 = arith.constant 256 : index
    %swap3A_1896 = tpu.vector_load %arg7[%swap3A_1895] {strides = array<i32>} : memref<512xi32, #tpu.memory_space<vmem>>, vector<16xi32>,
    %swap3A_1897 = vector.shape_cast %swap3A_1896 : vector<16xi32> to vector<16xi32>
    %swap3A_1898 = vector.shape_cast %convert_element_type3A_1894 : vector<16xi32> to vector<16xi32>
    tpu.vector_store %arg7[%swap3A_1895], %swap3A_1898 {strides = array<i32>} : memref<512xi32, #tpu.memory_space<vmem>>, vector<16xi32>,
    %get3A_1899 = arith.constant 0 : i32
    %get3A_1900 = arith.index_cast %get3A_1899 : i32 to index
    %get3A_1901 = arith.constant 272 : index
    %get3A_1902 = tpu.vector_load %arg5[%get3A_1900, %get3A_1901] {strides = array<i32>} : memref<8x512xf32, #tpu.memory_space<vmem>>, vector<1x16xf32>,
    %get3A_1903 = vector.shape_cast %get3A_1902 : vector<1x16xf32> to vector<16xf32>
    %get3A_1904 = arith.constant 1 : i32
    %get3A_1905 = arith.index_cast %get3A_1904 : i32 to index
    %get3A_1906 = arith.constant 272 : index
    %get3A_1907 = tpu.vector_load %arg5[%get3A_1905, %get3A_1906] {strides = array<i32>} : memref<8x512xf32, #tpu.memory_space<vmem>>, vector<1x16xf32>,
    %get3A_1908 = vector.shape_cast %get3A_1907 : vector<1x16xf32> to vector<16xf32>
    %add3A_1909 = arith.addf %get3A_1903, %get3A_1908 : vector<16xf32>
    %get3A_1910 = arith.constant 2 : i32
    %get3A_1911 = arith.index_cast %get3A_1910 : i32 to index
    %get3A_1912 = arith.constant 272 : index
    %get3A_1913 = tpu.vector_load %arg5[%get3A_1911, %get3A_1912] {strides = array<i32>} : memref<8x512xf32, #tpu.memory_space<vmem>>, vector<1x16xf32>,
    %get3A_1914 = vector.shape_cast %get3A_1913 : vector<1x16xf32> to vector<16xf32>
    %add3A_1915 = arith.addf %add3A_1909, %get3A_1914 : vector<16xf32>
    %get3A_1916 = arith.constant 3 : i32
    %get3A_1917 = arith.index_cast %get3A_1916 : i32 to index
    %get3A_1918 = arith.constant 272 : index
    %get3A_1919 = tpu.vector_load %arg5[%get3A_1917, %get3A_1918] {strides = array<i32>} : memref<8x512xf32, #tpu.memory_space<vmem>>, vector<1x16xf32>,
    %get3A_1920 = vector.shape_cast %get3A_1919 : vector<1x16xf32> to vector<16xf32>
    %add3A_1921 = arith.addf %add3A_1915, %get3A_1920 : vector<16xf32>
    %get3A_1922 = arith.constant 4 : i32
    %get3A_1923 = arith.index_cast %get3A_1922 : i32 to index
    %get3A_1924 = arith.constant 272 : index
    %get3A_1925 = tpu.vector_load %arg5[%get3A_1923, %get3A_1924] {strides = array<i32>} : memref<8x512xf32, #tpu.memory_space<vmem>>, vector<1x16xf32>,
    %get3A_1926 = vector.shape_cast %get3A_1925 : vector<1x16xf32> to vector<16xf32>
    %add3A_1927 = arith.addf %add3A_1921, %get3A_1926 : vector<16xf32>
    %get3A_1928 = arith.constant 5 : i32
    %get3A_1929 = arith.index_cast %get3A_1928 : i32 to index
    %get3A_1930 = arith.constant 272 : index
    %get3A_1931 = tpu.vector_load %arg5[%get3A_1929, %get3A_1930] {strides = array<i32>} : memref<8x512xf32, #tpu.memory_space<vmem>>, vector<1x16xf32>,
    %get3A_1932 = vector.shape_cast %get3A_1931 : vector<1x16xf32> to vector<16xf32>
    %add3A_1933 = arith.addf %add3A_1927, %get3A_1932 : vector<16xf32>
    %get3A_1934 = arith.constant 6 : i32
    %get3A_1935 = arith.index_cast %get3A_1934 : i32 to index
    %get3A_1936 = arith.constant 272 : index
    %get3A_1937 = tpu.vector_load %arg5[%get3A_1935, %get3A_1936] {strides = array<i32>} : memref<8x512xf32, #tpu.memory_space<vmem>>, vector<1x16xf32>,
    %get3A_1938 = vector.shape_cast %get3A_1937 : vector<1x16xf32> to vector<16xf32>
    %add3A_1939 = arith.addf %add3A_1933, %get3A_1938 : vector<16xf32>
    %get3A_1940 = arith.constant 7 : i32
    %get3A_1941 = arith.index_cast %get3A_1940 : i32 to index
    %get3A_1942 = arith.constant 272 : index
    %get3A_1943 = tpu.vector_load %arg5[%get3A_1941, %get3A_1942] {strides = array<i32>} : memref<8x512xf32, #tpu.memory_space<vmem>>, vector<1x16xf32>,
    %get3A_1944 = vector.shape_cast %get3A_1943 : vector<1x16xf32> to vector<16xf32>
    %add3A_1945 = arith.addf %add3A_1939, %get3A_1944 : vector<16xf32>
    %get3A_1946 = arith.constant 272 : index
    %get3A_1947 = tpu.vector_load %arg6[%get3A_1946] {strides = array<i32>} : memref<512xf32, #tpu.memory_space<vmem>>, vector<16xf32>,
    %get3A_1948 = vector.shape_cast %get3A_1947 : vector<16xf32> to vector<16xf32>
    %mul3A_1949 = arith.mulf %get3A_1948, %add3A_1945 : vector<16xf32>
    %le3A_1950 = arith.cmpf ole, %get3A_1903, %mul3A_1949 : vector<16xf32>
    %jit3A_1951 = arith.constant 1.000000e+00 : f32
    %jit3A_1952 = arith.constant 0.000000e+00 : f32
    %broadcast_in_dim3A_1953 = vector.broadcast %jit3A_1951 : f32 to vector<16xf32>
    %broadcast_in_dim3A_1954 = vector.broadcast %jit3A_1952 : f32 to vector<16xf32>
    %select_n3A_1955 = arith.select %le3A_1950, %broadcast_in_dim3A_1953, %broadcast_in_dim3A_1954 : vector<16xi1>, vector<16xf32>
    %le3A_1956 = arith.cmpf ole, %add3A_1909, %mul3A_1949 : vector<16xf32>
    %jit3A_1957 = arith.constant 1.000000e+00 : f32
    %jit3A_1958 = arith.constant 0.000000e+00 : f32
    %broadcast_in_dim3A_1959 = vector.broadcast %jit3A_1957 : f32 to vector<16xf32>
    %broadcast_in_dim3A_1960 = vector.broadcast %jit3A_1958 : f32 to vector<16xf32>
    %select_n3A_1961 = arith.select %le3A_1956, %broadcast_in_dim3A_1959, %broadcast_in_dim3A_1960 : vector<16xi1>, vector<16xf32>
    %add3A_1962 = arith.addf %select_n3A_1955, %select_n3A_1961 : vector<16xf32>
    %le3A_1963 = arith.cmpf ole, %add3A_1915, %mul3A_1949 : vector<16xf32>
    %jit3A_1964 = arith.constant 1.000000e+00 : f32
    %jit3A_1965 = arith.constant 0.000000e+00 : f32
    %broadcast_in_dim3A_1966 = vector.broadcast %jit3A_1964 : f32 to vector<16xf32>
    %broadcast_in_dim3A_1967 = vector.broadcast %jit3A_1965 : f32 to vector<16xf32>
    %select_n3A_1968 = arith.select %le3A_1963, %broadcast_in_dim3A_1966, %broadcast_in_dim3A_1967 : vector<16xi1>, vector<16xf32>
    %add3A_1969 = arith.addf %add3A_1962, %select_n3A_1968 : vector<16xf32>
    %le3A_1970 = arith.cmpf ole, %add3A_1921, %mul3A_1949 : vector<16xf32>
    %jit3A_1971 = arith.constant 1.000000e+00 : f32
    %jit3A_1972 = arith.constant 0.000000e+00 : f32
    %broadcast_in_dim3A_1973 = vector.broadcast %jit3A_1971 : f32 to vector<16xf32>
    %broadcast_in_dim3A_1974 = vector.broadcast %jit3A_1972 : f32 to vector<16xf32>
    %select_n3A_1975 = arith.select %le3A_1970, %broadcast_in_dim3A_1973, %broadcast_in_dim3A_1974 : vector<16xi1>, vector<16xf32>
    %add3A_1976 = arith.addf %add3A_1969, %select_n3A_1975 : vector<16xf32>
    %le3A_1977 = arith.cmpf ole, %add3A_1927, %mul3A_1949 : vector<16xf32>
    %jit3A_1978 = arith.constant 1.000000e+00 : f32
    %jit3A_1979 = arith.constant 0.000000e+00 : f32
    %broadcast_in_dim3A_1980 = vector.broadcast %jit3A_1978 : f32 to vector<16xf32>
    %broadcast_in_dim3A_1981 = vector.broadcast %jit3A_1979 : f32 to vector<16xf32>
    %select_n3A_1982 = arith.select %le3A_1977, %broadcast_in_dim3A_1980, %broadcast_in_dim3A_1981 : vector<16xi1>, vector<16xf32>
    %add3A_1983 = arith.addf %add3A_1976, %select_n3A_1982 : vector<16xf32>
    %le3A_1984 = arith.cmpf ole, %add3A_1933, %mul3A_1949 : vector<16xf32>
    %jit3A_1985 = arith.constant 1.000000e+00 : f32
    %jit3A_1986 = arith.constant 0.000000e+00 : f32
    %broadcast_in_dim3A_1987 = vector.broadcast %jit3A_1985 : f32 to vector<16xf32>
    %broadcast_in_dim3A_1988 = vector.broadcast %jit3A_1986 : f32 to vector<16xf32>
    %select_n3A_1989 = arith.select %le3A_1984, %broadcast_in_dim3A_1987, %broadcast_in_dim3A_1988 : vector<16xi1>, vector<16xf32>
    %add3A_1990 = arith.addf %add3A_1983, %select_n3A_1989 : vector<16xf32>
    %le3A_1991 = arith.cmpf ole, %add3A_1939, %mul3A_1949 : vector<16xf32>
    %jit3A_1992 = arith.constant 1.000000e+00 : f32
    %jit3A_1993 = arith.constant 0.000000e+00 : f32
    %broadcast_in_dim3A_1994 = vector.broadcast %jit3A_1992 : f32 to vector<16xf32>
    %broadcast_in_dim3A_1995 = vector.broadcast %jit3A_1993 : f32 to vector<16xf32>
    %select_n3A_1996 = arith.select %le3A_1991, %broadcast_in_dim3A_1994, %broadcast_in_dim3A_1995 : vector<16xi1>, vector<16xf32>
    %add3A_1997 = arith.addf %add3A_1990, %select_n3A_1996 : vector<16xf32>
    %le3A_1998 = arith.cmpf ole, %add3A_1945, %mul3A_1949 : vector<16xf32>
    %jit3A_1999 = arith.constant 1.000000e+00 : f32
    %jit3A_2000 = arith.constant 0.000000e+00 : f32
    %broadcast_in_dim3A_2001 = vector.broadcast %jit3A_1999 : f32 to vector<16xf32>
    %broadcast_in_dim3A_2002 = vector.broadcast %jit3A_2000 : f32 to vector<16xf32>
    %select_n3A_2003 = arith.select %le3A_1998, %broadcast_in_dim3A_2001, %broadcast_in_dim3A_2002 : vector<16xi1>, vector<16xf32>
    %add3A_2004 = arith.addf %add3A_1997, %select_n3A_2003 : vector<16xf32>
    %convert_element_type3A_2005 = arith.fptosi %add3A_2004 : vector<16xf32> to vector<16xi32>
    %swap3A_2006 = arith.constant 272 : index
    %swap3A_2007 = tpu.vector_load %arg7[%swap3A_2006] {strides = array<i32>} : memref<512xi32, #tpu.memory_space<vmem>>, vector<16xi32>,
    %swap3A_2008 = vector.shape_cast %swap3A_2007 : vector<16xi32> to vector<16xi32>
    %swap3A_2009 = vector.shape_cast %convert_element_type3A_2005 : vector<16xi32> to vector<16xi32>
    tpu.vector_store %arg7[%swap3A_2006], %swap3A_2009 {strides = array<i32>} : memref<512xi32, #tpu.memory_space<vmem>>, vector<16xi32>,
    %get3A_2010 = arith.constant 0 : i32
    %get3A_2011 = arith.index_cast %get3A_2010 : i32 to index
    %get3A_2012 = arith.constant 288 : index
    %get3A_2013 = tpu.vector_load %arg5[%get3A_2011, %get3A_2012] {strides = array<i32>} : memref<8x512xf32, #tpu.memory_space<vmem>>, vector<1x16xf32>,
    %get3A_2014 = vector.shape_cast %get3A_2013 : vector<1x16xf32> to vector<16xf32>
    %get3A_2015 = arith.constant 1 : i32
    %get3A_2016 = arith.index_cast %get3A_2015 : i32 to index
    %get3A_2017 = arith.constant 288 : index
    %get3A_2018 = tpu.vector_load %arg5[%get3A_2016, %get3A_2017] {strides = array<i32>} : memref<8x512xf32, #tpu.memory_space<vmem>>, vector<1x16xf32>,
    %get3A_2019 = vector.shape_cast %get3A_2018 : vector<1x16xf32> to vector<16xf32>
    %add3A_2020 = arith.addf %get3A_2014, %get3A_2019 : vector<16xf32>
    %get3A_2021 = arith.constant 2 : i32
    %get3A_2022 = arith.index_cast %get3A_2021 : i32 to index
    %get3A_2023 = arith.constant 288 : index
    %get3A_2024 = tpu.vector_load %arg5[%get3A_2022, %get3A_2023] {strides = array<i32>} : memref<8x512xf32, #tpu.memory_space<vmem>>, vector<1x16xf32>,
    %get3A_2025 = vector.shape_cast %get3A_2024 : vector<1x16xf32> to vector<16xf32>
    %add3A_2026 = arith.addf %add3A_2020, %get3A_2025 : vector<16xf32>
    %get3A_2027 = arith.constant 3 : i32
    %get3A_2028 = arith.index_cast %get3A_2027 : i32 to index
    %get3A_2029 = arith.constant 288 : index
    %get3A_2030 = tpu.vector_load %arg5[%get3A_2028, %get3A_2029] {strides = array<i32>} : memref<8x512xf32, #tpu.memory_space<vmem>>, vector<1x16xf32>,
    %get3A_2031 = vector.shape_cast %get3A_2030 : vector<1x16xf32> to vector<16xf32>
    %add3A_2032 = arith.addf %add3A_2026, %get3A_2031 : vector<16xf32>
    %get3A_2033 = arith.constant 4 : i32
    %get3A_2034 = arith.index_cast %get3A_2033 : i32 to index
    %get3A_2035 = arith.constant 288 : index
    %get3A_2036 = tpu.vector_load %arg5[%get3A_2034, %get3A_2035] {strides = array<i32>} : memref<8x512xf32, #tpu.memory_space<vmem>>, vector<1x16xf32>,
    %get3A_2037 = vector.shape_cast %get3A_2036 : vector<1x16xf32> to vector<16xf32>
    %add3A_2038 = arith.addf %add3A_2032, %get3A_2037 : vector<16xf32>
    %get3A_2039 = arith.constant 5 : i32
    %get3A_2040 = arith.index_cast %get3A_2039 : i32 to index
    %get3A_2041 = arith.constant 288 : index
    %get3A_2042 = tpu.vector_load %arg5[%get3A_2040, %get3A_2041] {strides = array<i32>} : memref<8x512xf32, #tpu.memory_space<vmem>>, vector<1x16xf32>,
    %get3A_2043 = vector.shape_cast %get3A_2042 : vector<1x16xf32> to vector<16xf32>
    %add3A_2044 = arith.addf %add3A_2038, %get3A_2043 : vector<16xf32>
    %get3A_2045 = arith.constant 6 : i32
    %get3A_2046 = arith.index_cast %get3A_2045 : i32 to index
    %get3A_2047 = arith.constant 288 : index
    %get3A_2048 = tpu.vector_load %arg5[%get3A_2046, %get3A_2047] {strides = array<i32>} : memref<8x512xf32, #tpu.memory_space<vmem>>, vector<1x16xf32>,
    %get3A_2049 = vector.shape_cast %get3A_2048 : vector<1x16xf32> to vector<16xf32>
    %add3A_2050 = arith.addf %add3A_2044, %get3A_2049 : vector<16xf32>
    %get3A_2051 = arith.constant 7 : i32
    %get3A_2052 = arith.index_cast %get3A_2051 : i32 to index
    %get3A_2053 = arith.constant 288 : index
    %get3A_2054 = tpu.vector_load %arg5[%get3A_2052, %get3A_2053] {strides = array<i32>} : memref<8x512xf32, #tpu.memory_space<vmem>>, vector<1x16xf32>,
    %get3A_2055 = vector.shape_cast %get3A_2054 : vector<1x16xf32> to vector<16xf32>
    %add3A_2056 = arith.addf %add3A_2050, %get3A_2055 : vector<16xf32>
    %get3A_2057 = arith.constant 288 : index
    %get3A_2058 = tpu.vector_load %arg6[%get3A_2057] {strides = array<i32>} : memref<512xf32, #tpu.memory_space<vmem>>, vector<16xf32>,
    %get3A_2059 = vector.shape_cast %get3A_2058 : vector<16xf32> to vector<16xf32>
    %mul3A_2060 = arith.mulf %get3A_2059, %add3A_2056 : vector<16xf32>
    %le3A_2061 = arith.cmpf ole, %get3A_2014, %mul3A_2060 : vector<16xf32>
    %jit3A_2062 = arith.constant 1.000000e+00 : f32
    %jit3A_2063 = arith.constant 0.000000e+00 : f32
    %broadcast_in_dim3A_2064 = vector.broadcast %jit3A_2062 : f32 to vector<16xf32>
    %broadcast_in_dim3A_2065 = vector.broadcast %jit3A_2063 : f32 to vector<16xf32>
    %select_n3A_2066 = arith.select %le3A_2061, %broadcast_in_dim3A_2064, %broadcast_in_dim3A_2065 : vector<16xi1>, vector<16xf32>
    %le3A_2067 = arith.cmpf ole, %add3A_2020, %mul3A_2060 : vector<16xf32>
    %jit3A_2068 = arith.constant 1.000000e+00 : f32
    %jit3A_2069 = arith.constant 0.000000e+00 : f32
    %broadcast_in_dim3A_2070 = vector.broadcast %jit3A_2068 : f32 to vector<16xf32>
    %broadcast_in_dim3A_2071 = vector.broadcast %jit3A_2069 : f32 to vector<16xf32>
    %select_n3A_2072 = arith.select %le3A_2067, %broadcast_in_dim3A_2070, %broadcast_in_dim3A_2071 : vector<16xi1>, vector<16xf32>
    %add3A_2073 = arith.addf %select_n3A_2066, %select_n3A_2072 : vector<16xf32>
    %le3A_2074 = arith.cmpf ole, %add3A_2026, %mul3A_2060 : vector<16xf32>
    %jit3A_2075 = arith.constant 1.000000e+00 : f32
    %jit3A_2076 = arith.constant 0.000000e+00 : f32
    %broadcast_in_dim3A_2077 = vector.broadcast %jit3A_2075 : f32 to vector<16xf32>
    %broadcast_in_dim3A_2078 = vector.broadcast %jit3A_2076 : f32 to vector<16xf32>
    %select_n3A_2079 = arith.select %le3A_2074, %broadcast_in_dim3A_2077, %broadcast_in_dim3A_2078 : vector<16xi1>, vector<16xf32>
    %add3A_2080 = arith.addf %add3A_2073, %select_n3A_2079 : vector<16xf32>
    %le3A_2081 = arith.cmpf ole, %add3A_2032, %mul3A_2060 : vector<16xf32>
    %jit3A_2082 = arith.constant 1.000000e+00 : f32
    %jit3A_2083 = arith.constant 0.000000e+00 : f32
    %broadcast_in_dim3A_2084 = vector.broadcast %jit3A_2082 : f32 to vector<16xf32>
    %broadcast_in_dim3A_2085 = vector.broadcast %jit3A_2083 : f32 to vector<16xf32>
    %select_n3A_2086 = arith.select %le3A_2081, %broadcast_in_dim3A_2084, %broadcast_in_dim3A_2085 : vector<16xi1>, vector<16xf32>
    %add3A_2087 = arith.addf %add3A_2080, %select_n3A_2086 : vector<16xf32>
    %le3A_2088 = arith.cmpf ole, %add3A_2038, %mul3A_2060 : vector<16xf32>
    %jit3A_2089 = arith.constant 1.000000e+00 : f32
    %jit3A_2090 = arith.constant 0.000000e+00 : f32
    %broadcast_in_dim3A_2091 = vector.broadcast %jit3A_2089 : f32 to vector<16xf32>
    %broadcast_in_dim3A_2092 = vector.broadcast %jit3A_2090 : f32 to vector<16xf32>
    %select_n3A_2093 = arith.select %le3A_2088, %broadcast_in_dim3A_2091, %broadcast_in_dim3A_2092 : vector<16xi1>, vector<16xf32>
    %add3A_2094 = arith.addf %add3A_2087, %select_n3A_2093 : vector<16xf32>
    %le3A_2095 = arith.cmpf ole, %add3A_2044, %mul3A_2060 : vector<16xf32>
    %jit3A_2096 = arith.constant 1.000000e+00 : f32
    %jit3A_2097 = arith.constant 0.000000e+00 : f32
    %broadcast_in_dim3A_2098 = vector.broadcast %jit3A_2096 : f32 to vector<16xf32>
    %broadcast_in_dim3A_2099 = vector.broadcast %jit3A_2097 : f32 to vector<16xf32>
    %select_n3A_2100 = arith.select %le3A_2095, %broadcast_in_dim3A_2098, %broadcast_in_dim3A_2099 : vector<16xi1>, vector<16xf32>
    %add3A_2101 = arith.addf %add3A_2094, %select_n3A_2100 : vector<16xf32>
    %le3A_2102 = arith.cmpf ole, %add3A_2050, %mul3A_2060 : vector<16xf32>
    %jit3A_2103 = arith.constant 1.000000e+00 : f32
    %jit3A_2104 = arith.constant 0.000000e+00 : f32
    %broadcast_in_dim3A_2105 = vector.broadcast %jit3A_2103 : f32 to vector<16xf32>
    %broadcast_in_dim3A_2106 = vector.broadcast %jit3A_2104 : f32 to vector<16xf32>
    %select_n3A_2107 = arith.select %le3A_2102, %broadcast_in_dim3A_2105, %broadcast_in_dim3A_2106 : vector<16xi1>, vector<16xf32>
    %add3A_2108 = arith.addf %add3A_2101, %select_n3A_2107 : vector<16xf32>
    %le3A_2109 = arith.cmpf ole, %add3A_2056, %mul3A_2060 : vector<16xf32>
    %jit3A_2110 = arith.constant 1.000000e+00 : f32
    %jit3A_2111 = arith.constant 0.000000e+00 : f32
    %broadcast_in_dim3A_2112 = vector.broadcast %jit3A_2110 : f32 to vector<16xf32>
    %broadcast_in_dim3A_2113 = vector.broadcast %jit3A_2111 : f32 to vector<16xf32>
    %select_n3A_2114 = arith.select %le3A_2109, %broadcast_in_dim3A_2112, %broadcast_in_dim3A_2113 : vector<16xi1>, vector<16xf32>
    %add3A_2115 = arith.addf %add3A_2108, %select_n3A_2114 : vector<16xf32>
    %convert_element_type3A_2116 = arith.fptosi %add3A_2115 : vector<16xf32> to vector<16xi32>
    %swap3A_2117 = arith.constant 288 : index
    %swap3A_2118 = tpu.vector_load %arg7[%swap3A_2117] {strides = array<i32>} : memref<512xi32, #tpu.memory_space<vmem>>, vector<16xi32>,
    %swap3A_2119 = vector.shape_cast %swap3A_2118 : vector<16xi32> to vector<16xi32>
    %swap3A_2120 = vector.shape_cast %convert_element_type3A_2116 : vector<16xi32> to vector<16xi32>
    tpu.vector_store %arg7[%swap3A_2117], %swap3A_2120 {strides = array<i32>} : memref<512xi32, #tpu.memory_space<vmem>>, vector<16xi32>,
    %get3A_2121 = arith.constant 0 : i32
    %get3A_2122 = arith.index_cast %get3A_2121 : i32 to index
    %get3A_2123 = arith.constant 304 : index
    %get3A_2124 = tpu.vector_load %arg5[%get3A_2122, %get3A_2123] {strides = array<i32>} : memref<8x512xf32, #tpu.memory_space<vmem>>, vector<1x16xf32>,
    %get3A_2125 = vector.shape_cast %get3A_2124 : vector<1x16xf32> to vector<16xf32>
    %get3A_2126 = arith.constant 1 : i32
    %get3A_2127 = arith.index_cast %get3A_2126 : i32 to index
    %get3A_2128 = arith.constant 304 : index
    %get3A_2129 = tpu.vector_load %arg5[%get3A_2127, %get3A_2128] {strides = array<i32>} : memref<8x512xf32, #tpu.memory_space<vmem>>, vector<1x16xf32>,
    %get3A_2130 = vector.shape_cast %get3A_2129 : vector<1x16xf32> to vector<16xf32>
    %add3A_2131 = arith.addf %get3A_2125, %get3A_2130 : vector<16xf32>
    %get3A_2132 = arith.constant 2 : i32
    %get3A_2133 = arith.index_cast %get3A_2132 : i32 to index
    %get3A_2134 = arith.constant 304 : index
    %get3A_2135 = tpu.vector_load %arg5[%get3A_2133, %get3A_2134] {strides = array<i32>} : memref<8x512xf32, #tpu.memory_space<vmem>>, vector<1x16xf32>,
    %get3A_2136 = vector.shape_cast %get3A_2135 : vector<1x16xf32> to vector<16xf32>
    %add3A_2137 = arith.addf %add3A_2131, %get3A_2136 : vector<16xf32>
    %get3A_2138 = arith.constant 3 : i32
    %get3A_2139 = arith.index_cast %get3A_2138 : i32 to index
    %get3A_2140 = arith.constant 304 : index
    %get3A_2141 = tpu.vector_load %arg5[%get3A_2139, %get3A_2140] {strides = array<i32>} : memref<8x512xf32, #tpu.memory_space<vmem>>, vector<1x16xf32>,
    %get3A_2142 = vector.shape_cast %get3A_2141 : vector<1x16xf32> to vector<16xf32>
    %add3A_2143 = arith.addf %add3A_2137, %get3A_2142 : vector<16xf32>
    %get3A_2144 = arith.constant 4 : i32
    %get3A_2145 = arith.index_cast %get3A_2144 : i32 to index
    %get3A_2146 = arith.constant 304 : index
    %get3A_2147 = tpu.vector_load %arg5[%get3A_2145, %get3A_2146] {strides = array<i32>} : memref<8x512xf32, #tpu.memory_space<vmem>>, vector<1x16xf32>,
    %get3A_2148 = vector.shape_cast %get3A_2147 : vector<1x16xf32> to vector<16xf32>
    %add3A_2149 = arith.addf %add3A_2143, %get3A_2148 : vector<16xf32>
    %get3A_2150 = arith.constant 5 : i32
    %get3A_2151 = arith.index_cast %get3A_2150 : i32 to index
    %get3A_2152 = arith.constant 304 : index
    %get3A_2153 = tpu.vector_load %arg5[%get3A_2151, %get3A_2152] {strides = array<i32>} : memref<8x512xf32, #tpu.memory_space<vmem>>, vector<1x16xf32>,
    %get3A_2154 = vector.shape_cast %get3A_2153 : vector<1x16xf32> to vector<16xf32>
    %add3A_2155 = arith.addf %add3A_2149, %get3A_2154 : vector<16xf32>
    %get3A_2156 = arith.constant 6 : i32
    %get3A_2157 = arith.index_cast %get3A_2156 : i32 to index
    %get3A_2158 = arith.constant 304 : index
    %get3A_2159 = tpu.vector_load %arg5[%get3A_2157, %get3A_2158] {strides = array<i32>} : memref<8x512xf32, #tpu.memory_space<vmem>>, vector<1x16xf32>,
    %get3A_2160 = vector.shape_cast %get3A_2159 : vector<1x16xf32> to vector<16xf32>
    %add3A_2161 = arith.addf %add3A_2155, %get3A_2160 : vector<16xf32>
    %get3A_2162 = arith.constant 7 : i32
    %get3A_2163 = arith.index_cast %get3A_2162 : i32 to index
    %get3A_2164 = arith.constant 304 : index
    %get3A_2165 = tpu.vector_load %arg5[%get3A_2163, %get3A_2164] {strides = array<i32>} : memref<8x512xf32, #tpu.memory_space<vmem>>, vector<1x16xf32>,
    %get3A_2166 = vector.shape_cast %get3A_2165 : vector<1x16xf32> to vector<16xf32>
    %add3A_2167 = arith.addf %add3A_2161, %get3A_2166 : vector<16xf32>
    %get3A_2168 = arith.constant 304 : index
    %get3A_2169 = tpu.vector_load %arg6[%get3A_2168] {strides = array<i32>} : memref<512xf32, #tpu.memory_space<vmem>>, vector<16xf32>,
    %get3A_2170 = vector.shape_cast %get3A_2169 : vector<16xf32> to vector<16xf32>
    %mul3A_2171 = arith.mulf %get3A_2170, %add3A_2167 : vector<16xf32>
    %le3A_2172 = arith.cmpf ole, %get3A_2125, %mul3A_2171 : vector<16xf32>
    %jit3A_2173 = arith.constant 1.000000e+00 : f32
    %jit3A_2174 = arith.constant 0.000000e+00 : f32
    %broadcast_in_dim3A_2175 = vector.broadcast %jit3A_2173 : f32 to vector<16xf32>
    %broadcast_in_dim3A_2176 = vector.broadcast %jit3A_2174 : f32 to vector<16xf32>
    %select_n3A_2177 = arith.select %le3A_2172, %broadcast_in_dim3A_2175, %broadcast_in_dim3A_2176 : vector<16xi1>, vector<16xf32>
    %le3A_2178 = arith.cmpf ole, %add3A_2131, %mul3A_2171 : vector<16xf32>
    %jit3A_2179 = arith.constant 1.000000e+00 : f32
    %jit3A_2180 = arith.constant 0.000000e+00 : f32
    %broadcast_in_dim3A_2181 = vector.broadcast %jit3A_2179 : f32 to vector<16xf32>
    %broadcast_in_dim3A_2182 = vector.broadcast %jit3A_2180 : f32 to vector<16xf32>
    %select_n3A_2183 = arith.select %le3A_2178, %broadcast_in_dim3A_2181, %broadcast_in_dim3A_2182 : vector<16xi1>, vector<16xf32>
    %add3A_2184 = arith.addf %select_n3A_2177, %select_n3A_2183 : vector<16xf32>
    %le3A_2185 = arith.cmpf ole, %add3A_2137, %mul3A_2171 : vector<16xf32>
    %jit3A_2186 = arith.constant 1.000000e+00 : f32
    %jit3A_2187 = arith.constant 0.000000e+00 : f32
    %broadcast_in_dim3A_2188 = vector.broadcast %jit3A_2186 : f32 to vector<16xf32>
    %broadcast_in_dim3A_2189 = vector.broadcast %jit3A_2187 : f32 to vector<16xf32>
    %select_n3A_2190 = arith.select %le3A_2185, %broadcast_in_dim3A_2188, %broadcast_in_dim3A_2189 : vector<16xi1>, vector<16xf32>
    %add3A_2191 = arith.addf %add3A_2184, %select_n3A_2190 : vector<16xf32>
    %le3A_2192 = arith.cmpf ole, %add3A_2143, %mul3A_2171 : vector<16xf32>
    %jit3A_2193 = arith.constant 1.000000e+00 : f32
    %jit3A_2194 = arith.constant 0.000000e+00 : f32
    %broadcast_in_dim3A_2195 = vector.broadcast %jit3A_2193 : f32 to vector<16xf32>
    %broadcast_in_dim3A_2196 = vector.broadcast %jit3A_2194 : f32 to vector<16xf32>
    %select_n3A_2197 = arith.select %le3A_2192, %broadcast_in_dim3A_2195, %broadcast_in_dim3A_2196 : vector<16xi1>, vector<16xf32>
    %add3A_2198 = arith.addf %add3A_2191, %select_n3A_2197 : vector<16xf32>
    %le3A_2199 = arith.cmpf ole, %add3A_2149, %mul3A_2171 : vector<16xf32>
    %jit3A_2200 = arith.constant 1.000000e+00 : f32
    %jit3A_2201 = arith.constant 0.000000e+00 : f32
    %broadcast_in_dim3A_2202 = vector.broadcast %jit3A_2200 : f32 to vector<16xf32>
    %broadcast_in_dim3A_2203 = vector.broadcast %jit3A_2201 : f32 to vector<16xf32>
    %select_n3A_2204 = arith.select %le3A_2199, %broadcast_in_dim3A_2202, %broadcast_in_dim3A_2203 : vector<16xi1>, vector<16xf32>
    %add3A_2205 = arith.addf %add3A_2198, %select_n3A_2204 : vector<16xf32>
    %le3A_2206 = arith.cmpf ole, %add3A_2155, %mul3A_2171 : vector<16xf32>
    %jit3A_2207 = arith.constant 1.000000e+00 : f32
    %jit3A_2208 = arith.constant 0.000000e+00 : f32
    %broadcast_in_dim3A_2209 = vector.broadcast %jit3A_2207 : f32 to vector<16xf32>
    %broadcast_in_dim3A_2210 = vector.broadcast %jit3A_2208 : f32 to vector<16xf32>
    %select_n3A_2211 = arith.select %le3A_2206, %broadcast_in_dim3A_2209, %broadcast_in_dim3A_2210 : vector<16xi1>, vector<16xf32>
    %add3A_2212 = arith.addf %add3A_2205, %select_n3A_2211 : vector<16xf32>
    %le3A_2213 = arith.cmpf ole, %add3A_2161, %mul3A_2171 : vector<16xf32>
    %jit3A_2214 = arith.constant 1.000000e+00 : f32
    %jit3A_2215 = arith.constant 0.000000e+00 : f32
    %broadcast_in_dim3A_2216 = vector.broadcast %jit3A_2214 : f32 to vector<16xf32>
    %broadcast_in_dim3A_2217 = vector.broadcast %jit3A_2215 : f32 to vector<16xf32>
    %select_n3A_2218 = arith.select %le3A_2213, %broadcast_in_dim3A_2216, %broadcast_in_dim3A_2217 : vector<16xi1>, vector<16xf32>
    %add3A_2219 = arith.addf %add3A_2212, %select_n3A_2218 : vector<16xf32>
    %le3A_2220 = arith.cmpf ole, %add3A_2167, %mul3A_2171 : vector<16xf32>
    %jit3A_2221 = arith.constant 1.000000e+00 : f32
    %jit3A_2222 = arith.constant 0.000000e+00 : f32
    %broadcast_in_dim3A_2223 = vector.broadcast %jit3A_2221 : f32 to vector<16xf32>
    %broadcast_in_dim3A_2224 = vector.broadcast %jit3A_2222 : f32 to vector<16xf32>
    %select_n3A_2225 = arith.select %le3A_2220, %broadcast_in_dim3A_2223, %broadcast_in_dim3A_2224 : vector<16xi1>, vector<16xf32>
    %add3A_2226 = arith.addf %add3A_2219, %select_n3A_2225 : vector<16xf32>
    %convert_element_type3A_2227 = arith.fptosi %add3A_2226 : vector<16xf32> to vector<16xi32>
    %swap3A_2228 = arith.constant 304 : index
    %swap3A_2229 = tpu.vector_load %arg7[%swap3A_2228] {strides = array<i32>} : memref<512xi32, #tpu.memory_space<vmem>>, vector<16xi32>,
    %swap3A_2230 = vector.shape_cast %swap3A_2229 : vector<16xi32> to vector<16xi32>
    %swap3A_2231 = vector.shape_cast %convert_element_type3A_2227 : vector<16xi32> to vector<16xi32>
    tpu.vector_store %arg7[%swap3A_2228], %swap3A_2231 {strides = array<i32>} : memref<512xi32, #tpu.memory_space<vmem>>, vector<16xi32>,
    %get3A_2232 = arith.constant 0 : i32
    %get3A_2233 = arith.index_cast %get3A_2232 : i32 to index
    %get3A_2234 = arith.constant 320 : index
    %get3A_2235 = tpu.vector_load %arg5[%get3A_2233, %get3A_2234] {strides = array<i32>} : memref<8x512xf32, #tpu.memory_space<vmem>>, vector<1x16xf32>,
    %get3A_2236 = vector.shape_cast %get3A_2235 : vector<1x16xf32> to vector<16xf32>
    %get3A_2237 = arith.constant 1 : i32
    %get3A_2238 = arith.index_cast %get3A_2237 : i32 to index
    %get3A_2239 = arith.constant 320 : index
    %get3A_2240 = tpu.vector_load %arg5[%get3A_2238, %get3A_2239] {strides = array<i32>} : memref<8x512xf32, #tpu.memory_space<vmem>>, vector<1x16xf32>,
    %get3A_2241 = vector.shape_cast %get3A_2240 : vector<1x16xf32> to vector<16xf32>
    %add3A_2242 = arith.addf %get3A_2236, %get3A_2241 : vector<16xf32>
    %get3A_2243 = arith.constant 2 : i32
    %get3A_2244 = arith.index_cast %get3A_2243 : i32 to index
    %get3A_2245 = arith.constant 320 : index
    %get3A_2246 = tpu.vector_load %arg5[%get3A_2244, %get3A_2245] {strides = array<i32>} : memref<8x512xf32, #tpu.memory_space<vmem>>, vector<1x16xf32>,
    %get3A_2247 = vector.shape_cast %get3A_2246 : vector<1x16xf32> to vector<16xf32>
    %add3A_2248 = arith.addf %add3A_2242, %get3A_2247 : vector<16xf32>
    %get3A_2249 = arith.constant 3 : i32
    %get3A_2250 = arith.index_cast %get3A_2249 : i32 to index
    %get3A_2251 = arith.constant 320 : index
    %get3A_2252 = tpu.vector_load %arg5[%get3A_2250, %get3A_2251] {strides = array<i32>} : memref<8x512xf32, #tpu.memory_space<vmem>>, vector<1x16xf32>,
    %get3A_2253 = vector.shape_cast %get3A_2252 : vector<1x16xf32> to vector<16xf32>
    %add3A_2254 = arith.addf %add3A_2248, %get3A_2253 : vector<16xf32>
    %get3A_2255 = arith.constant 4 : i32
    %get3A_2256 = arith.index_cast %get3A_2255 : i32 to index
    %get3A_2257 = arith.constant 320 : index
    %get3A_2258 = tpu.vector_load %arg5[%get3A_2256, %get3A_2257] {strides = array<i32>} : memref<8x512xf32, #tpu.memory_space<vmem>>, vector<1x16xf32>,
    %get3A_2259 = vector.shape_cast %get3A_2258 : vector<1x16xf32> to vector<16xf32>
    %add3A_2260 = arith.addf %add3A_2254, %get3A_2259 : vector<16xf32>
    %get3A_2261 = arith.constant 5 : i32
    %get3A_2262 = arith.index_cast %get3A_2261 : i32 to index
    %get3A_2263 = arith.constant 320 : index
    %get3A_2264 = tpu.vector_load %arg5[%get3A_2262, %get3A_2263] {strides = array<i32>} : memref<8x512xf32, #tpu.memory_space<vmem>>, vector<1x16xf32>,
    %get3A_2265 = vector.shape_cast %get3A_2264 : vector<1x16xf32> to vector<16xf32>
    %add3A_2266 = arith.addf %add3A_2260, %get3A_2265 : vector<16xf32>
    %get3A_2267 = arith.constant 6 : i32
    %get3A_2268 = arith.index_cast %get3A_2267 : i32 to index
    %get3A_2269 = arith.constant 320 : index
    %get3A_2270 = tpu.vector_load %arg5[%get3A_2268, %get3A_2269] {strides = array<i32>} : memref<8x512xf32, #tpu.memory_space<vmem>>, vector<1x16xf32>,
    %get3A_2271 = vector.shape_cast %get3A_2270 : vector<1x16xf32> to vector<16xf32>
    %add3A_2272 = arith.addf %add3A_2266, %get3A_2271 : vector<16xf32>
    %get3A_2273 = arith.constant 7 : i32
    %get3A_2274 = arith.index_cast %get3A_2273 : i32 to index
    %get3A_2275 = arith.constant 320 : index
    %get3A_2276 = tpu.vector_load %arg5[%get3A_2274, %get3A_2275] {strides = array<i32>} : memref<8x512xf32, #tpu.memory_space<vmem>>, vector<1x16xf32>,
    %get3A_2277 = vector.shape_cast %get3A_2276 : vector<1x16xf32> to vector<16xf32>
    %add3A_2278 = arith.addf %add3A_2272, %get3A_2277 : vector<16xf32>
    %get3A_2279 = arith.constant 320 : index
    %get3A_2280 = tpu.vector_load %arg6[%get3A_2279] {strides = array<i32>} : memref<512xf32, #tpu.memory_space<vmem>>, vector<16xf32>,
    %get3A_2281 = vector.shape_cast %get3A_2280 : vector<16xf32> to vector<16xf32>
    %mul3A_2282 = arith.mulf %get3A_2281, %add3A_2278 : vector<16xf32>
    %le3A_2283 = arith.cmpf ole, %get3A_2236, %mul3A_2282 : vector<16xf32>
    %jit3A_2284 = arith.constant 1.000000e+00 : f32
    %jit3A_2285 = arith.constant 0.000000e+00 : f32
    %broadcast_in_dim3A_2286 = vector.broadcast %jit3A_2284 : f32 to vector<16xf32>
    %broadcast_in_dim3A_2287 = vector.broadcast %jit3A_2285 : f32 to vector<16xf32>
    %select_n3A_2288 = arith.select %le3A_2283, %broadcast_in_dim3A_2286, %broadcast_in_dim3A_2287 : vector<16xi1>, vector<16xf32>
    %le3A_2289 = arith.cmpf ole, %add3A_2242, %mul3A_2282 : vector<16xf32>
    %jit3A_2290 = arith.constant 1.000000e+00 : f32
    %jit3A_2291 = arith.constant 0.000000e+00 : f32
    %broadcast_in_dim3A_2292 = vector.broadcast %jit3A_2290 : f32 to vector<16xf32>
    %broadcast_in_dim3A_2293 = vector.broadcast %jit3A_2291 : f32 to vector<16xf32>
    %select_n3A_2294 = arith.select %le3A_2289, %broadcast_in_dim3A_2292, %broadcast_in_dim3A_2293 : vector<16xi1>, vector<16xf32>
    %add3A_2295 = arith.addf %select_n3A_2288, %select_n3A_2294 : vector<16xf32>
    %le3A_2296 = arith.cmpf ole, %add3A_2248, %mul3A_2282 : vector<16xf32>
    %jit3A_2297 = arith.constant 1.000000e+00 : f32
    %jit3A_2298 = arith.constant 0.000000e+00 : f32
    %broadcast_in_dim3A_2299 = vector.broadcast %jit3A_2297 : f32 to vector<16xf32>
    %broadcast_in_dim3A_2300 = vector.broadcast %jit3A_2298 : f32 to vector<16xf32>
    %select_n3A_2301 = arith.select %le3A_2296, %broadcast_in_dim3A_2299, %broadcast_in_dim3A_2300 : vector<16xi1>, vector<16xf32>
    %add3A_2302 = arith.addf %add3A_2295, %select_n3A_2301 : vector<16xf32>
    %le3A_2303 = arith.cmpf ole, %add3A_2254, %mul3A_2282 : vector<16xf32>
    %jit3A_2304 = arith.constant 1.000000e+00 : f32
    %jit3A_2305 = arith.constant 0.000000e+00 : f32
    %broadcast_in_dim3A_2306 = vector.broadcast %jit3A_2304 : f32 to vector<16xf32>
    %broadcast_in_dim3A_2307 = vector.broadcast %jit3A_2305 : f32 to vector<16xf32>
    %select_n3A_2308 = arith.select %le3A_2303, %broadcast_in_dim3A_2306, %broadcast_in_dim3A_2307 : vector<16xi1>, vector<16xf32>
    %add3A_2309 = arith.addf %add3A_2302, %select_n3A_2308 : vector<16xf32>
    %le3A_2310 = arith.cmpf ole, %add3A_2260, %mul3A_2282 : vector<16xf32>
    %jit3A_2311 = arith.constant 1.000000e+00 : f32
    %jit3A_2312 = arith.constant 0.000000e+00 : f32
    %broadcast_in_dim3A_2313 = vector.broadcast %jit3A_2311 : f32 to vector<16xf32>
    %broadcast_in_dim3A_2314 = vector.broadcast %jit3A_2312 : f32 to vector<16xf32>
    %select_n3A_2315 = arith.select %le3A_2310, %broadcast_in_dim3A_2313, %broadcast_in_dim3A_2314 : vector<16xi1>, vector<16xf32>
    %add3A_2316 = arith.addf %add3A_2309, %select_n3A_2315 : vector<16xf32>
    %le3A_2317 = arith.cmpf ole, %add3A_2266, %mul3A_2282 : vector<16xf32>
    %jit3A_2318 = arith.constant 1.000000e+00 : f32
    %jit3A_2319 = arith.constant 0.000000e+00 : f32
    %broadcast_in_dim3A_2320 = vector.broadcast %jit3A_2318 : f32 to vector<16xf32>
    %broadcast_in_dim3A_2321 = vector.broadcast %jit3A_2319 : f32 to vector<16xf32>
    %select_n3A_2322 = arith.select %le3A_2317, %broadcast_in_dim3A_2320, %broadcast_in_dim3A_2321 : vector<16xi1>, vector<16xf32>
    %add3A_2323 = arith.addf %add3A_2316, %select_n3A_2322 : vector<16xf32>
    %le3A_2324 = arith.cmpf ole, %add3A_2272, %mul3A_2282 : vector<16xf32>
    %jit3A_2325 = arith.constant 1.000000e+00 : f32
    %jit3A_2326 = arith.constant 0.000000e+00 : f32
    %broadcast_in_dim3A_2327 = vector.broadcast %jit3A_2325 : f32 to vector<16xf32>
    %broadcast_in_dim3A_2328 = vector.broadcast %jit3A_2326 : f32 to vector<16xf32>
    %select_n3A_2329 = arith.select %le3A_2324, %broadcast_in_dim3A_2327, %broadcast_in_dim3A_2328 : vector<16xi1>, vector<16xf32>
    %add3A_2330 = arith.addf %add3A_2323, %select_n3A_2329 : vector<16xf32>
    %le3A_2331 = arith.cmpf ole, %add3A_2278, %mul3A_2282 : vector<16xf32>
    %jit3A_2332 = arith.constant 1.000000e+00 : f32
    %jit3A_2333 = arith.constant 0.000000e+00 : f32
    %broadcast_in_dim3A_2334 = vector.broadcast %jit3A_2332 : f32 to vector<16xf32>
    %broadcast_in_dim3A_2335 = vector.broadcast %jit3A_2333 : f32 to vector<16xf32>
    %select_n3A_2336 = arith.select %le3A_2331, %broadcast_in_dim3A_2334, %broadcast_in_dim3A_2335 : vector<16xi1>, vector<16xf32>
    %add3A_2337 = arith.addf %add3A_2330, %select_n3A_2336 : vector<16xf32>
    %convert_element_type3A_2338 = arith.fptosi %add3A_2337 : vector<16xf32> to vector<16xi32>
    %swap3A_2339 = arith.constant 320 : index
    %swap3A_2340 = tpu.vector_load %arg7[%swap3A_2339] {strides = array<i32>} : memref<512xi32, #tpu.memory_space<vmem>>, vector<16xi32>,
    %swap3A_2341 = vector.shape_cast %swap3A_2340 : vector<16xi32> to vector<16xi32>
    %swap3A_2342 = vector.shape_cast %convert_element_type3A_2338 : vector<16xi32> to vector<16xi32>
    tpu.vector_store %arg7[%swap3A_2339], %swap3A_2342 {strides = array<i32>} : memref<512xi32, #tpu.memory_space<vmem>>, vector<16xi32>,
    %get3A_2343 = arith.constant 0 : i32
    %get3A_2344 = arith.index_cast %get3A_2343 : i32 to index
    %get3A_2345 = arith.constant 336 : index
    %get3A_2346 = tpu.vector_load %arg5[%get3A_2344, %get3A_2345] {strides = array<i32>} : memref<8x512xf32, #tpu.memory_space<vmem>>, vector<1x16xf32>,
    %get3A_2347 = vector.shape_cast %get3A_2346 : vector<1x16xf32> to vector<16xf32>
    %get3A_2348 = arith.constant 1 : i32
    %get3A_2349 = arith.index_cast %get3A_2348 : i32 to index
    %get3A_2350 = arith.constant 336 : index
    %get3A_2351 = tpu.vector_load %arg5[%get3A_2349, %get3A_2350] {strides = array<i32>} : memref<8x512xf32, #tpu.memory_space<vmem>>, vector<1x16xf32>,
    %get3A_2352 = vector.shape_cast %get3A_2351 : vector<1x16xf32> to vector<16xf32>
    %add3A_2353 = arith.addf %get3A_2347, %get3A_2352 : vector<16xf32>
    %get3A_2354 = arith.constant 2 : i32
    %get3A_2355 = arith.index_cast %get3A_2354 : i32 to index
    %get3A_2356 = arith.constant 336 : index
    %get3A_2357 = tpu.vector_load %arg5[%get3A_2355, %get3A_2356] {strides = array<i32>} : memref<8x512xf32, #tpu.memory_space<vmem>>, vector<1x16xf32>,
    %get3A_2358 = vector.shape_cast %get3A_2357 : vector<1x16xf32> to vector<16xf32>
    %add3A_2359 = arith.addf %add3A_2353, %get3A_2358 : vector<16xf32>
    %get3A_2360 = arith.constant 3 : i32
    %get3A_2361 = arith.index_cast %get3A_2360 : i32 to index
    %get3A_2362 = arith.constant 336 : index
    %get3A_2363 = tpu.vector_load %arg5[%get3A_2361, %get3A_2362] {strides = array<i32>} : memref<8x512xf32, #tpu.memory_space<vmem>>, vector<1x16xf32>,
    %get3A_2364 = vector.shape_cast %get3A_2363 : vector<1x16xf32> to vector<16xf32>
    %add3A_2365 = arith.addf %add3A_2359, %get3A_2364 : vector<16xf32>
    %get3A_2366 = arith.constant 4 : i32
    %get3A_2367 = arith.index_cast %get3A_2366 : i32 to index
    %get3A_2368 = arith.constant 336 : index
    %get3A_2369 = tpu.vector_load %arg5[%get3A_2367, %get3A_2368] {strides = array<i32>} : memref<8x512xf32, #tpu.memory_space<vmem>>, vector<1x16xf32>,
    %get3A_2370 = vector.shape_cast %get3A_2369 : vector<1x16xf32> to vector<16xf32>
    %add3A_2371 = arith.addf %add3A_2365, %get3A_2370 : vector<16xf32>
    %get3A_2372 = arith.constant 5 : i32
    %get3A_2373 = arith.index_cast %get3A_2372 : i32 to index
    %get3A_2374 = arith.constant 336 : index
    %get3A_2375 = tpu.vector_load %arg5[%get3A_2373, %get3A_2374] {strides = array<i32>} : memref<8x512xf32, #tpu.memory_space<vmem>>, vector<1x16xf32>,
    %get3A_2376 = vector.shape_cast %get3A_2375 : vector<1x16xf32> to vector<16xf32>
    %add3A_2377 = arith.addf %add3A_2371, %get3A_2376 : vector<16xf32>
    %get3A_2378 = arith.constant 6 : i32
    %get3A_2379 = arith.index_cast %get3A_2378 : i32 to index
    %get3A_2380 = arith.constant 336 : index
    %get3A_2381 = tpu.vector_load %arg5[%get3A_2379, %get3A_2380] {strides = array<i32>} : memref<8x512xf32, #tpu.memory_space<vmem>>, vector<1x16xf32>,
    %get3A_2382 = vector.shape_cast %get3A_2381 : vector<1x16xf32> to vector<16xf32>
    %add3A_2383 = arith.addf %add3A_2377, %get3A_2382 : vector<16xf32>
    %get3A_2384 = arith.constant 7 : i32
    %get3A_2385 = arith.index_cast %get3A_2384 : i32 to index
    %get3A_2386 = arith.constant 336 : index
    %get3A_2387 = tpu.vector_load %arg5[%get3A_2385, %get3A_2386] {strides = array<i32>} : memref<8x512xf32, #tpu.memory_space<vmem>>, vector<1x16xf32>,
    %get3A_2388 = vector.shape_cast %get3A_2387 : vector<1x16xf32> to vector<16xf32>
    %add3A_2389 = arith.addf %add3A_2383, %get3A_2388 : vector<16xf32>
    %get3A_2390 = arith.constant 336 : index
    %get3A_2391 = tpu.vector_load %arg6[%get3A_2390] {strides = array<i32>} : memref<512xf32, #tpu.memory_space<vmem>>, vector<16xf32>,
    %get3A_2392 = vector.shape_cast %get3A_2391 : vector<16xf32> to vector<16xf32>
    %mul3A_2393 = arith.mulf %get3A_2392, %add3A_2389 : vector<16xf32>
    %le3A_2394 = arith.cmpf ole, %get3A_2347, %mul3A_2393 : vector<16xf32>
    %jit3A_2395 = arith.constant 1.000000e+00 : f32
    %jit3A_2396 = arith.constant 0.000000e+00 : f32
    %broadcast_in_dim3A_2397 = vector.broadcast %jit3A_2395 : f32 to vector<16xf32>
    %broadcast_in_dim3A_2398 = vector.broadcast %jit3A_2396 : f32 to vector<16xf32>
    %select_n3A_2399 = arith.select %le3A_2394, %broadcast_in_dim3A_2397, %broadcast_in_dim3A_2398 : vector<16xi1>, vector<16xf32>
    %le3A_2400 = arith.cmpf ole, %add3A_2353, %mul3A_2393 : vector<16xf32>
    %jit3A_2401 = arith.constant 1.000000e+00 : f32
    %jit3A_2402 = arith.constant 0.000000e+00 : f32
    %broadcast_in_dim3A_2403 = vector.broadcast %jit3A_2401 : f32 to vector<16xf32>
    %broadcast_in_dim3A_2404 = vector.broadcast %jit3A_2402 : f32 to vector<16xf32>
    %select_n3A_2405 = arith.select %le3A_2400, %broadcast_in_dim3A_2403, %broadcast_in_dim3A_2404 : vector<16xi1>, vector<16xf32>
    %add3A_2406 = arith.addf %select_n3A_2399, %select_n3A_2405 : vector<16xf32>
    %le3A_2407 = arith.cmpf ole, %add3A_2359, %mul3A_2393 : vector<16xf32>
    %jit3A_2408 = arith.constant 1.000000e+00 : f32
    %jit3A_2409 = arith.constant 0.000000e+00 : f32
    %broadcast_in_dim3A_2410 = vector.broadcast %jit3A_2408 : f32 to vector<16xf32>
    %broadcast_in_dim3A_2411 = vector.broadcast %jit3A_2409 : f32 to vector<16xf32>
    %select_n3A_2412 = arith.select %le3A_2407, %broadcast_in_dim3A_2410, %broadcast_in_dim3A_2411 : vector<16xi1>, vector<16xf32>
    %add3A_2413 = arith.addf %add3A_2406, %select_n3A_2412 : vector<16xf32>
    %le3A_2414 = arith.cmpf ole, %add3A_2365, %mul3A_2393 : vector<16xf32>
    %jit3A_2415 = arith.constant 1.000000e+00 : f32
    %jit3A_2416 = arith.constant 0.000000e+00 : f32
    %broadcast_in_dim3A_2417 = vector.broadcast %jit3A_2415 : f32 to vector<16xf32>
    %broadcast_in_dim3A_2418 = vector.broadcast %jit3A_2416 : f32 to vector<16xf32>
    %select_n3A_2419 = arith.select %le3A_2414, %broadcast_in_dim3A_2417, %broadcast_in_dim3A_2418 : vector<16xi1>, vector<16xf32>
    %add3A_2420 = arith.addf %add3A_2413, %select_n3A_2419 : vector<16xf32>
    %le3A_2421 = arith.cmpf ole, %add3A_2371, %mul3A_2393 : vector<16xf32>
    %jit3A_2422 = arith.constant 1.000000e+00 : f32
    %jit3A_2423 = arith.constant 0.000000e+00 : f32
    %broadcast_in_dim3A_2424 = vector.broadcast %jit3A_2422 : f32 to vector<16xf32>
    %broadcast_in_dim3A_2425 = vector.broadcast %jit3A_2423 : f32 to vector<16xf32>
    %select_n3A_2426 = arith.select %le3A_2421, %broadcast_in_dim3A_2424, %broadcast_in_dim3A_2425 : vector<16xi1>, vector<16xf32>
    %add3A_2427 = arith.addf %add3A_2420, %select_n3A_2426 : vector<16xf32>
    %le3A_2428 = arith.cmpf ole, %add3A_2377, %mul3A_2393 : vector<16xf32>
    %jit3A_2429 = arith.constant 1.000000e+00 : f32
    %jit3A_2430 = arith.constant 0.000000e+00 : f32
    %broadcast_in_dim3A_2431 = vector.broadcast %jit3A_2429 : f32 to vector<16xf32>
    %broadcast_in_dim3A_2432 = vector.broadcast %jit3A_2430 : f32 to vector<16xf32>
    %select_n3A_2433 = arith.select %le3A_2428, %broadcast_in_dim3A_2431, %broadcast_in_dim3A_2432 : vector<16xi1>, vector<16xf32>
    %add3A_2434 = arith.addf %add3A_2427, %select_n3A_2433 : vector<16xf32>
    %le3A_2435 = arith.cmpf ole, %add3A_2383, %mul3A_2393 : vector<16xf32>
    %jit3A_2436 = arith.constant 1.000000e+00 : f32
    %jit3A_2437 = arith.constant 0.000000e+00 : f32
    %broadcast_in_dim3A_2438 = vector.broadcast %jit3A_2436 : f32 to vector<16xf32>
    %broadcast_in_dim3A_2439 = vector.broadcast %jit3A_2437 : f32 to vector<16xf32>
    %select_n3A_2440 = arith.select %le3A_2435, %broadcast_in_dim3A_2438, %broadcast_in_dim3A_2439 : vector<16xi1>, vector<16xf32>
    %add3A_2441 = arith.addf %add3A_2434, %select_n3A_2440 : vector<16xf32>
    %le3A_2442 = arith.cmpf ole, %add3A_2389, %mul3A_2393 : vector<16xf32>
    %jit3A_2443 = arith.constant 1.000000e+00 : f32
    %jit3A_2444 = arith.constant 0.000000e+00 : f32
    %broadcast_in_dim3A_2445 = vector.broadcast %jit3A_2443 : f32 to vector<16xf32>
    %broadcast_in_dim3A_2446 = vector.broadcast %jit3A_2444 : f32 to vector<16xf32>
    %select_n3A_2447 = arith.select %le3A_2442, %broadcast_in_dim3A_2445, %broadcast_in_dim3A_2446 : vector<16xi1>, vector<16xf32>
    %add3A_2448 = arith.addf %add3A_2441, %select_n3A_2447 : vector<16xf32>
    %convert_element_type3A_2449 = arith.fptosi %add3A_2448 : vector<16xf32> to vector<16xi32>
    %swap3A_2450 = arith.constant 336 : index
    %swap3A_2451 = tpu.vector_load %arg7[%swap3A_2450] {strides = array<i32>} : memref<512xi32, #tpu.memory_space<vmem>>, vector<16xi32>,
    %swap3A_2452 = vector.shape_cast %swap3A_2451 : vector<16xi32> to vector<16xi32>
    %swap3A_2453 = vector.shape_cast %convert_element_type3A_2449 : vector<16xi32> to vector<16xi32>
    tpu.vector_store %arg7[%swap3A_2450], %swap3A_2453 {strides = array<i32>} : memref<512xi32, #tpu.memory_space<vmem>>, vector<16xi32>,
    %get3A_2454 = arith.constant 0 : i32
    %get3A_2455 = arith.index_cast %get3A_2454 : i32 to index
    %get3A_2456 = arith.constant 352 : index
    %get3A_2457 = tpu.vector_load %arg5[%get3A_2455, %get3A_2456] {strides = array<i32>} : memref<8x512xf32, #tpu.memory_space<vmem>>, vector<1x16xf32>,
    %get3A_2458 = vector.shape_cast %get3A_2457 : vector<1x16xf32> to vector<16xf32>
    %get3A_2459 = arith.constant 1 : i32
    %get3A_2460 = arith.index_cast %get3A_2459 : i32 to index
    %get3A_2461 = arith.constant 352 : index
    %get3A_2462 = tpu.vector_load %arg5[%get3A_2460, %get3A_2461] {strides = array<i32>} : memref<8x512xf32, #tpu.memory_space<vmem>>, vector<1x16xf32>,
    %get3A_2463 = vector.shape_cast %get3A_2462 : vector<1x16xf32> to vector<16xf32>
    %add3A_2464 = arith.addf %get3A_2458, %get3A_2463 : vector<16xf32>
    %get3A_2465 = arith.constant 2 : i32
    %get3A_2466 = arith.index_cast %get3A_2465 : i32 to index
    %get3A_2467 = arith.constant 352 : index
    %get3A_2468 = tpu.vector_load %arg5[%get3A_2466, %get3A_2467] {strides = array<i32>} : memref<8x512xf32, #tpu.memory_space<vmem>>, vector<1x16xf32>,
    %get3A_2469 = vector.shape_cast %get3A_2468 : vector<1x16xf32> to vector<16xf32>
    %add3A_2470 = arith.addf %add3A_2464, %get3A_2469 : vector<16xf32>
    %get3A_2471 = arith.constant 3 : i32
    %get3A_2472 = arith.index_cast %get3A_2471 : i32 to index
    %get3A_2473 = arith.constant 352 : index
    %get3A_2474 = tpu.vector_load %arg5[%get3A_2472, %get3A_2473] {strides = array<i32>} : memref<8x512xf32, #tpu.memory_space<vmem>>, vector<1x16xf32>,
    %get3A_2475 = vector.shape_cast %get3A_2474 : vector<1x16xf32> to vector<16xf32>
    %add3A_2476 = arith.addf %add3A_2470, %get3A_2475 : vector<16xf32>
    %get3A_2477 = arith.constant 4 : i32
    %get3A_2478 = arith.index_cast %get3A_2477 : i32 to index
    %get3A_2479 = arith.constant 352 : index
    %get3A_2480 = tpu.vector_load %arg5[%get3A_2478, %get3A_2479] {strides = array<i32>} : memref<8x512xf32, #tpu.memory_space<vmem>>, vector<1x16xf32>,
    %get3A_2481 = vector.shape_cast %get3A_2480 : vector<1x16xf32> to vector<16xf32>
    %add3A_2482 = arith.addf %add3A_2476, %get3A_2481 : vector<16xf32>
    %get3A_2483 = arith.constant 5 : i32
    %get3A_2484 = arith.index_cast %get3A_2483 : i32 to index
    %get3A_2485 = arith.constant 352 : index
    %get3A_2486 = tpu.vector_load %arg5[%get3A_2484, %get3A_2485] {strides = array<i32>} : memref<8x512xf32, #tpu.memory_space<vmem>>, vector<1x16xf32>,
    %get3A_2487 = vector.shape_cast %get3A_2486 : vector<1x16xf32> to vector<16xf32>
    %add3A_2488 = arith.addf %add3A_2482, %get3A_2487 : vector<16xf32>
    %get3A_2489 = arith.constant 6 : i32
    %get3A_2490 = arith.index_cast %get3A_2489 : i32 to index
    %get3A_2491 = arith.constant 352 : index
    %get3A_2492 = tpu.vector_load %arg5[%get3A_2490, %get3A_2491] {strides = array<i32>} : memref<8x512xf32, #tpu.memory_space<vmem>>, vector<1x16xf32>,
    %get3A_2493 = vector.shape_cast %get3A_2492 : vector<1x16xf32> to vector<16xf32>
    %add3A_2494 = arith.addf %add3A_2488, %get3A_2493 : vector<16xf32>
    %get3A_2495 = arith.constant 7 : i32
    %get3A_2496 = arith.index_cast %get3A_2495 : i32 to index
    %get3A_2497 = arith.constant 352 : index
    %get3A_2498 = tpu.vector_load %arg5[%get3A_2496, %get3A_2497] {strides = array<i32>} : memref<8x512xf32, #tpu.memory_space<vmem>>, vector<1x16xf32>,
    %get3A_2499 = vector.shape_cast %get3A_2498 : vector<1x16xf32> to vector<16xf32>
    %add3A_2500 = arith.addf %add3A_2494, %get3A_2499 : vector<16xf32>
    %get3A_2501 = arith.constant 352 : index
    %get3A_2502 = tpu.vector_load %arg6[%get3A_2501] {strides = array<i32>} : memref<512xf32, #tpu.memory_space<vmem>>, vector<16xf32>,
    %get3A_2503 = vector.shape_cast %get3A_2502 : vector<16xf32> to vector<16xf32>
    %mul3A_2504 = arith.mulf %get3A_2503, %add3A_2500 : vector<16xf32>
    %le3A_2505 = arith.cmpf ole, %get3A_2458, %mul3A_2504 : vector<16xf32>
    %jit3A_2506 = arith.constant 1.000000e+00 : f32
    %jit3A_2507 = arith.constant 0.000000e+00 : f32
    %broadcast_in_dim3A_2508 = vector.broadcast %jit3A_2506 : f32 to vector<16xf32>
    %broadcast_in_dim3A_2509 = vector.broadcast %jit3A_2507 : f32 to vector<16xf32>
    %select_n3A_2510 = arith.select %le3A_2505, %broadcast_in_dim3A_2508, %broadcast_in_dim3A_2509 : vector<16xi1>, vector<16xf32>
    %le3A_2511 = arith.cmpf ole, %add3A_2464, %mul3A_2504 : vector<16xf32>
    %jit3A_2512 = arith.constant 1.000000e+00 : f32
    %jit3A_2513 = arith.constant 0.000000e+00 : f32
    %broadcast_in_dim3A_2514 = vector.broadcast %jit3A_2512 : f32 to vector<16xf32>
    %broadcast_in_dim3A_2515 = vector.broadcast %jit3A_2513 : f32 to vector<16xf32>
    %select_n3A_2516 = arith.select %le3A_2511, %broadcast_in_dim3A_2514, %broadcast_in_dim3A_2515 : vector<16xi1>, vector<16xf32>
    %add3A_2517 = arith.addf %select_n3A_2510, %select_n3A_2516 : vector<16xf32>
    %le3A_2518 = arith.cmpf ole, %add3A_2470, %mul3A_2504 : vector<16xf32>
    %jit3A_2519 = arith.constant 1.000000e+00 : f32
    %jit3A_2520 = arith.constant 0.000000e+00 : f32
    %broadcast_in_dim3A_2521 = vector.broadcast %jit3A_2519 : f32 to vector<16xf32>
    %broadcast_in_dim3A_2522 = vector.broadcast %jit3A_2520 : f32 to vector<16xf32>
    %select_n3A_2523 = arith.select %le3A_2518, %broadcast_in_dim3A_2521, %broadcast_in_dim3A_2522 : vector<16xi1>, vector<16xf32>
    %add3A_2524 = arith.addf %add3A_2517, %select_n3A_2523 : vector<16xf32>
    %le3A_2525 = arith.cmpf ole, %add3A_2476, %mul3A_2504 : vector<16xf32>
    %jit3A_2526 = arith.constant 1.000000e+00 : f32
    %jit3A_2527 = arith.constant 0.000000e+00 : f32
    %broadcast_in_dim3A_2528 = vector.broadcast %jit3A_2526 : f32 to vector<16xf32>
    %broadcast_in_dim3A_2529 = vector.broadcast %jit3A_2527 : f32 to vector<16xf32>
    %select_n3A_2530 = arith.select %le3A_2525, %broadcast_in_dim3A_2528, %broadcast_in_dim3A_2529 : vector<16xi1>, vector<16xf32>
    %add3A_2531 = arith.addf %add3A_2524, %select_n3A_2530 : vector<16xf32>
    %le3A_2532 = arith.cmpf ole, %add3A_2482, %mul3A_2504 : vector<16xf32>
    %jit3A_2533 = arith.constant 1.000000e+00 : f32
    %jit3A_2534 = arith.constant 0.000000e+00 : f32
    %broadcast_in_dim3A_2535 = vector.broadcast %jit3A_2533 : f32 to vector<16xf32>
    %broadcast_in_dim3A_2536 = vector.broadcast %jit3A_2534 : f32 to vector<16xf32>
    %select_n3A_2537 = arith.select %le3A_2532, %broadcast_in_dim3A_2535, %broadcast_in_dim3A_2536 : vector<16xi1>, vector<16xf32>
    %add3A_2538 = arith.addf %add3A_2531, %select_n3A_2537 : vector<16xf32>
    %le3A_2539 = arith.cmpf ole, %add3A_2488, %mul3A_2504 : vector<16xf32>
    %jit3A_2540 = arith.constant 1.000000e+00 : f32
    %jit3A_2541 = arith.constant 0.000000e+00 : f32
    %broadcast_in_dim3A_2542 = vector.broadcast %jit3A_2540 : f32 to vector<16xf32>
    %broadcast_in_dim3A_2543 = vector.broadcast %jit3A_2541 : f32 to vector<16xf32>
    %select_n3A_2544 = arith.select %le3A_2539, %broadcast_in_dim3A_2542, %broadcast_in_dim3A_2543 : vector<16xi1>, vector<16xf32>
    %add3A_2545 = arith.addf %add3A_2538, %select_n3A_2544 : vector<16xf32>
    %le3A_2546 = arith.cmpf ole, %add3A_2494, %mul3A_2504 : vector<16xf32>
    %jit3A_2547 = arith.constant 1.000000e+00 : f32
    %jit3A_2548 = arith.constant 0.000000e+00 : f32
    %broadcast_in_dim3A_2549 = vector.broadcast %jit3A_2547 : f32 to vector<16xf32>
    %broadcast_in_dim3A_2550 = vector.broadcast %jit3A_2548 : f32 to vector<16xf32>
    %select_n3A_2551 = arith.select %le3A_2546, %broadcast_in_dim3A_2549, %broadcast_in_dim3A_2550 : vector<16xi1>, vector<16xf32>
    %add3A_2552 = arith.addf %add3A_2545, %select_n3A_2551 : vector<16xf32>
    %le3A_2553 = arith.cmpf ole, %add3A_2500, %mul3A_2504 : vector<16xf32>
    %jit3A_2554 = arith.constant 1.000000e+00 : f32
    %jit3A_2555 = arith.constant 0.000000e+00 : f32
    %broadcast_in_dim3A_2556 = vector.broadcast %jit3A_2554 : f32 to vector<16xf32>
    %broadcast_in_dim3A_2557 = vector.broadcast %jit3A_2555 : f32 to vector<16xf32>
    %select_n3A_2558 = arith.select %le3A_2553, %broadcast_in_dim3A_2556, %broadcast_in_dim3A_2557 : vector<16xi1>, vector<16xf32>
    %add3A_2559 = arith.addf %add3A_2552, %select_n3A_2558 : vector<16xf32>
    %convert_element_type3A_2560 = arith.fptosi %add3A_2559 : vector<16xf32> to vector<16xi32>
    %swap3A_2561 = arith.constant 352 : index
    %swap3A_2562 = tpu.vector_load %arg7[%swap3A_2561] {strides = array<i32>} : memref<512xi32, #tpu.memory_space<vmem>>, vector<16xi32>,
    %swap3A_2563 = vector.shape_cast %swap3A_2562 : vector<16xi32> to vector<16xi32>
    %swap3A_2564 = vector.shape_cast %convert_element_type3A_2560 : vector<16xi32> to vector<16xi32>
    tpu.vector_store %arg7[%swap3A_2561], %swap3A_2564 {strides = array<i32>} : memref<512xi32, #tpu.memory_space<vmem>>, vector<16xi32>,
    %get3A_2565 = arith.constant 0 : i32
    %get3A_2566 = arith.index_cast %get3A_2565 : i32 to index
    %get3A_2567 = arith.constant 368 : index
    %get3A_2568 = tpu.vector_load %arg5[%get3A_2566, %get3A_2567] {strides = array<i32>} : memref<8x512xf32, #tpu.memory_space<vmem>>, vector<1x16xf32>,
    %get3A_2569 = vector.shape_cast %get3A_2568 : vector<1x16xf32> to vector<16xf32>
    %get3A_2570 = arith.constant 1 : i32
    %get3A_2571 = arith.index_cast %get3A_2570 : i32 to index
    %get3A_2572 = arith.constant 368 : index
    %get3A_2573 = tpu.vector_load %arg5[%get3A_2571, %get3A_2572] {strides = array<i32>} : memref<8x512xf32, #tpu.memory_space<vmem>>, vector<1x16xf32>,
    %get3A_2574 = vector.shape_cast %get3A_2573 : vector<1x16xf32> to vector<16xf32>
    %add3A_2575 = arith.addf %get3A_2569, %get3A_2574 : vector<16xf32>
    %get3A_2576 = arith.constant 2 : i32
    %get3A_2577 = arith.index_cast %get3A_2576 : i32 to index
    %get3A_2578 = arith.constant 368 : index
    %get3A_2579 = tpu.vector_load %arg5[%get3A_2577, %get3A_2578] {strides = array<i32>} : memref<8x512xf32, #tpu.memory_space<vmem>>, vector<1x16xf32>,
    %get3A_2580 = vector.shape_cast %get3A_2579 : vector<1x16xf32> to vector<16xf32>
    %add3A_2581 = arith.addf %add3A_2575, %get3A_2580 : vector<16xf32>
    %get3A_2582 = arith.constant 3 : i32
    %get3A_2583 = arith.index_cast %get3A_2582 : i32 to index
    %get3A_2584 = arith.constant 368 : index
    %get3A_2585 = tpu.vector_load %arg5[%get3A_2583, %get3A_2584] {strides = array<i32>} : memref<8x512xf32, #tpu.memory_space<vmem>>, vector<1x16xf32>,
    %get3A_2586 = vector.shape_cast %get3A_2585 : vector<1x16xf32> to vector<16xf32>
    %add3A_2587 = arith.addf %add3A_2581, %get3A_2586 : vector<16xf32>
    %get3A_2588 = arith.constant 4 : i32
    %get3A_2589 = arith.index_cast %get3A_2588 : i32 to index
    %get3A_2590 = arith.constant 368 : index
    %get3A_2591 = tpu.vector_load %arg5[%get3A_2589, %get3A_2590] {strides = array<i32>} : memref<8x512xf32, #tpu.memory_space<vmem>>, vector<1x16xf32>,
    %get3A_2592 = vector.shape_cast %get3A_2591 : vector<1x16xf32> to vector<16xf32>
    %add3A_2593 = arith.addf %add3A_2587, %get3A_2592 : vector<16xf32>
    %get3A_2594 = arith.constant 5 : i32
    %get3A_2595 = arith.index_cast %get3A_2594 : i32 to index
    %get3A_2596 = arith.constant 368 : index
    %get3A_2597 = tpu.vector_load %arg5[%get3A_2595, %get3A_2596] {strides = array<i32>} : memref<8x512xf32, #tpu.memory_space<vmem>>, vector<1x16xf32>,
    %get3A_2598 = vector.shape_cast %get3A_2597 : vector<1x16xf32> to vector<16xf32>
    %add3A_2599 = arith.addf %add3A_2593, %get3A_2598 : vector<16xf32>
    %get3A_2600 = arith.constant 6 : i32
    %get3A_2601 = arith.index_cast %get3A_2600 : i32 to index
    %get3A_2602 = arith.constant 368 : index
    %get3A_2603 = tpu.vector_load %arg5[%get3A_2601, %get3A_2602] {strides = array<i32>} : memref<8x512xf32, #tpu.memory_space<vmem>>, vector<1x16xf32>,
    %get3A_2604 = vector.shape_cast %get3A_2603 : vector<1x16xf32> to vector<16xf32>
    %add3A_2605 = arith.addf %add3A_2599, %get3A_2604 : vector<16xf32>
    %get3A_2606 = arith.constant 7 : i32
    %get3A_2607 = arith.index_cast %get3A_2606 : i32 to index
    %get3A_2608 = arith.constant 368 : index
    %get3A_2609 = tpu.vector_load %arg5[%get3A_2607, %get3A_2608] {strides = array<i32>} : memref<8x512xf32, #tpu.memory_space<vmem>>, vector<1x16xf32>,
    %get3A_2610 = vector.shape_cast %get3A_2609 : vector<1x16xf32> to vector<16xf32>
    %add3A_2611 = arith.addf %add3A_2605, %get3A_2610 : vector<16xf32>
    %get3A_2612 = arith.constant 368 : index
    %get3A_2613 = tpu.vector_load %arg6[%get3A_2612] {strides = array<i32>} : memref<512xf32, #tpu.memory_space<vmem>>, vector<16xf32>,
    %get3A_2614 = vector.shape_cast %get3A_2613 : vector<16xf32> to vector<16xf32>
    %mul3A_2615 = arith.mulf %get3A_2614, %add3A_2611 : vector<16xf32>
    %le3A_2616 = arith.cmpf ole, %get3A_2569, %mul3A_2615 : vector<16xf32>
    %jit3A_2617 = arith.constant 1.000000e+00 : f32
    %jit3A_2618 = arith.constant 0.000000e+00 : f32
    %broadcast_in_dim3A_2619 = vector.broadcast %jit3A_2617 : f32 to vector<16xf32>
    %broadcast_in_dim3A_2620 = vector.broadcast %jit3A_2618 : f32 to vector<16xf32>
    %select_n3A_2621 = arith.select %le3A_2616, %broadcast_in_dim3A_2619, %broadcast_in_dim3A_2620 : vector<16xi1>, vector<16xf32>
    %le3A_2622 = arith.cmpf ole, %add3A_2575, %mul3A_2615 : vector<16xf32>
    %jit3A_2623 = arith.constant 1.000000e+00 : f32
    %jit3A_2624 = arith.constant 0.000000e+00 : f32
    %broadcast_in_dim3A_2625 = vector.broadcast %jit3A_2623 : f32 to vector<16xf32>
    %broadcast_in_dim3A_2626 = vector.broadcast %jit3A_2624 : f32 to vector<16xf32>
    %select_n3A_2627 = arith.select %le3A_2622, %broadcast_in_dim3A_2625, %broadcast_in_dim3A_2626 : vector<16xi1>, vector<16xf32>
    %add3A_2628 = arith.addf %select_n3A_2621, %select_n3A_2627 : vector<16xf32>
    %le3A_2629 = arith.cmpf ole, %add3A_2581, %mul3A_2615 : vector<16xf32>
    %jit3A_2630 = arith.constant 1.000000e+00 : f32
    %jit3A_2631 = arith.constant 0.000000e+00 : f32
    %broadcast_in_dim3A_2632 = vector.broadcast %jit3A_2630 : f32 to vector<16xf32>
    %broadcast_in_dim3A_2633 = vector.broadcast %jit3A_2631 : f32 to vector<16xf32>
    %select_n3A_2634 = arith.select %le3A_2629, %broadcast_in_dim3A_2632, %broadcast_in_dim3A_2633 : vector<16xi1>, vector<16xf32>
    %add3A_2635 = arith.addf %add3A_2628, %select_n3A_2634 : vector<16xf32>
    %le3A_2636 = arith.cmpf ole, %add3A_2587, %mul3A_2615 : vector<16xf32>
    %jit3A_2637 = arith.constant 1.000000e+00 : f32
    %jit3A_2638 = arith.constant 0.000000e+00 : f32
    %broadcast_in_dim3A_2639 = vector.broadcast %jit3A_2637 : f32 to vector<16xf32>
    %broadcast_in_dim3A_2640 = vector.broadcast %jit3A_2638 : f32 to vector<16xf32>
    %select_n3A_2641 = arith.select %le3A_2636, %broadcast_in_dim3A_2639, %broadcast_in_dim3A_2640 : vector<16xi1>, vector<16xf32>
    %add3A_2642 = arith.addf %add3A_2635, %select_n3A_2641 : vector<16xf32>
    %le3A_2643 = arith.cmpf ole, %add3A_2593, %mul3A_2615 : vector<16xf32>
    %jit3A_2644 = arith.constant 1.000000e+00 : f32
    %jit3A_2645 = arith.constant 0.000000e+00 : f32
    %broadcast_in_dim3A_2646 = vector.broadcast %jit3A_2644 : f32 to vector<16xf32>
    %broadcast_in_dim3A_2647 = vector.broadcast %jit3A_2645 : f32 to vector<16xf32>
    %select_n3A_2648 = arith.select %le3A_2643, %broadcast_in_dim3A_2646, %broadcast_in_dim3A_2647 : vector<16xi1>, vector<16xf32>
    %add3A_2649 = arith.addf %add3A_2642, %select_n3A_2648 : vector<16xf32>
    %le3A_2650 = arith.cmpf ole, %add3A_2599, %mul3A_2615 : vector<16xf32>
    %jit3A_2651 = arith.constant 1.000000e+00 : f32
    %jit3A_2652 = arith.constant 0.000000e+00 : f32
    %broadcast_in_dim3A_2653 = vector.broadcast %jit3A_2651 : f32 to vector<16xf32>
    %broadcast_in_dim3A_2654 = vector.broadcast %jit3A_2652 : f32 to vector<16xf32>
    %select_n3A_2655 = arith.select %le3A_2650, %broadcast_in_dim3A_2653, %broadcast_in_dim3A_2654 : vector<16xi1>, vector<16xf32>
    %add3A_2656 = arith.addf %add3A_2649, %select_n3A_2655 : vector<16xf32>
    %le3A_2657 = arith.cmpf ole, %add3A_2605, %mul3A_2615 : vector<16xf32>
    %jit3A_2658 = arith.constant 1.000000e+00 : f32
    %jit3A_2659 = arith.constant 0.000000e+00 : f32
    %broadcast_in_dim3A_2660 = vector.broadcast %jit3A_2658 : f32 to vector<16xf32>
    %broadcast_in_dim3A_2661 = vector.broadcast %jit3A_2659 : f32 to vector<16xf32>
    %select_n3A_2662 = arith.select %le3A_2657, %broadcast_in_dim3A_2660, %broadcast_in_dim3A_2661 : vector<16xi1>, vector<16xf32>
    %add3A_2663 = arith.addf %add3A_2656, %select_n3A_2662 : vector<16xf32>
    %le3A_2664 = arith.cmpf ole, %add3A_2611, %mul3A_2615 : vector<16xf32>
    %jit3A_2665 = arith.constant 1.000000e+00 : f32
    %jit3A_2666 = arith.constant 0.000000e+00 : f32
    %broadcast_in_dim3A_2667 = vector.broadcast %jit3A_2665 : f32 to vector<16xf32>
    %broadcast_in_dim3A_2668 = vector.broadcast %jit3A_2666 : f32 to vector<16xf32>
    %select_n3A_2669 = arith.select %le3A_2664, %broadcast_in_dim3A_2667, %broadcast_in_dim3A_2668 : vector<16xi1>, vector<16xf32>
    %add3A_2670 = arith.addf %add3A_2663, %select_n3A_2669 : vector<16xf32>
    %convert_element_type3A_2671 = arith.fptosi %add3A_2670 : vector<16xf32> to vector<16xi32>
    %swap3A_2672 = arith.constant 368 : index
    %swap3A_2673 = tpu.vector_load %arg7[%swap3A_2672] {strides = array<i32>} : memref<512xi32, #tpu.memory_space<vmem>>, vector<16xi32>,
    %swap3A_2674 = vector.shape_cast %swap3A_2673 : vector<16xi32> to vector<16xi32>
    %swap3A_2675 = vector.shape_cast %convert_element_type3A_2671 : vector<16xi32> to vector<16xi32>
    tpu.vector_store %arg7[%swap3A_2672], %swap3A_2675 {strides = array<i32>} : memref<512xi32, #tpu.memory_space<vmem>>, vector<16xi32>,
    %get3A_2676 = arith.constant 0 : i32
    %get3A_2677 = arith.index_cast %get3A_2676 : i32 to index
    %get3A_2678 = arith.constant 384 : index
    %get3A_2679 = tpu.vector_load %arg5[%get3A_2677, %get3A_2678] {strides = array<i32>} : memref<8x512xf32, #tpu.memory_space<vmem>>, vector<1x16xf32>,
    %get3A_2680 = vector.shape_cast %get3A_2679 : vector<1x16xf32> to vector<16xf32>
    %get3A_2681 = arith.constant 1 : i32
    %get3A_2682 = arith.index_cast %get3A_2681 : i32 to index
    %get3A_2683 = arith.constant 384 : index
    %get3A_2684 = tpu.vector_load %arg5[%get3A_2682, %get3A_2683] {strides = array<i32>} : memref<8x512xf32, #tpu.memory_space<vmem>>, vector<1x16xf32>,
    %get3A_2685 = vector.shape_cast %get3A_2684 : vector<1x16xf32> to vector<16xf32>
    %add3A_2686 = arith.addf %get3A_2680, %get3A_2685 : vector<16xf32>
    %get3A_2687 = arith.constant 2 : i32
    %get3A_2688 = arith.index_cast %get3A_2687 : i32 to index
    %get3A_2689 = arith.constant 384 : index
    %get3A_2690 = tpu.vector_load %arg5[%get3A_2688, %get3A_2689] {strides = array<i32>} : memref<8x512xf32, #tpu.memory_space<vmem>>, vector<1x16xf32>,
    %get3A_2691 = vector.shape_cast %get3A_2690 : vector<1x16xf32> to vector<16xf32>
    %add3A_2692 = arith.addf %add3A_2686, %get3A_2691 : vector<16xf32>
    %get3A_2693 = arith.constant 3 : i32
    %get3A_2694 = arith.index_cast %get3A_2693 : i32 to index
    %get3A_2695 = arith.constant 384 : index
    %get3A_2696 = tpu.vector_load %arg5[%get3A_2694, %get3A_2695] {strides = array<i32>} : memref<8x512xf32, #tpu.memory_space<vmem>>, vector<1x16xf32>,
    %get3A_2697 = vector.shape_cast %get3A_2696 : vector<1x16xf32> to vector<16xf32>
    %add3A_2698 = arith.addf %add3A_2692, %get3A_2697 : vector<16xf32>
    %get3A_2699 = arith.constant 4 : i32
    %get3A_2700 = arith.index_cast %get3A_2699 : i32 to index
    %get3A_2701 = arith.constant 384 : index
    %get3A_2702 = tpu.vector_load %arg5[%get3A_2700, %get3A_2701] {strides = array<i32>} : memref<8x512xf32, #tpu.memory_space<vmem>>, vector<1x16xf32>,
    %get3A_2703 = vector.shape_cast %get3A_2702 : vector<1x16xf32> to vector<16xf32>
    %add3A_2704 = arith.addf %add3A_2698, %get3A_2703 : vector<16xf32>
    %get3A_2705 = arith.constant 5 : i32
    %get3A_2706 = arith.index_cast %get3A_2705 : i32 to index
    %get3A_2707 = arith.constant 384 : index
    %get3A_2708 = tpu.vector_load %arg5[%get3A_2706, %get3A_2707] {strides = array<i32>} : memref<8x512xf32, #tpu.memory_space<vmem>>, vector<1x16xf32>,
    %get3A_2709 = vector.shape_cast %get3A_2708 : vector<1x16xf32> to vector<16xf32>
    %add3A_2710 = arith.addf %add3A_2704, %get3A_2709 : vector<16xf32>
    %get3A_2711 = arith.constant 6 : i32
    %get3A_2712 = arith.index_cast %get3A_2711 : i32 to index
    %get3A_2713 = arith.constant 384 : index
    %get3A_2714 = tpu.vector_load %arg5[%get3A_2712, %get3A_2713] {strides = array<i32>} : memref<8x512xf32, #tpu.memory_space<vmem>>, vector<1x16xf32>,
    %get3A_2715 = vector.shape_cast %get3A_2714 : vector<1x16xf32> to vector<16xf32>
    %add3A_2716 = arith.addf %add3A_2710, %get3A_2715 : vector<16xf32>
    %get3A_2717 = arith.constant 7 : i32
    %get3A_2718 = arith.index_cast %get3A_2717 : i32 to index
    %get3A_2719 = arith.constant 384 : index
    %get3A_2720 = tpu.vector_load %arg5[%get3A_2718, %get3A_2719] {strides = array<i32>} : memref<8x512xf32, #tpu.memory_space<vmem>>, vector<1x16xf32>,
    %get3A_2721 = vector.shape_cast %get3A_2720 : vector<1x16xf32> to vector<16xf32>
    %add3A_2722 = arith.addf %add3A_2716, %get3A_2721 : vector<16xf32>
    %get3A_2723 = arith.constant 384 : index
    %get3A_2724 = tpu.vector_load %arg6[%get3A_2723] {strides = array<i32>} : memref<512xf32, #tpu.memory_space<vmem>>, vector<16xf32>,
    %get3A_2725 = vector.shape_cast %get3A_2724 : vector<16xf32> to vector<16xf32>
    %mul3A_2726 = arith.mulf %get3A_2725, %add3A_2722 : vector<16xf32>
    %le3A_2727 = arith.cmpf ole, %get3A_2680, %mul3A_2726 : vector<16xf32>
    %jit3A_2728 = arith.constant 1.000000e+00 : f32
    %jit3A_2729 = arith.constant 0.000000e+00 : f32
    %broadcast_in_dim3A_2730 = vector.broadcast %jit3A_2728 : f32 to vector<16xf32>
    %broadcast_in_dim3A_2731 = vector.broadcast %jit3A_2729 : f32 to vector<16xf32>
    %select_n3A_2732 = arith.select %le3A_2727, %broadcast_in_dim3A_2730, %broadcast_in_dim3A_2731 : vector<16xi1>, vector<16xf32>
    %le3A_2733 = arith.cmpf ole, %add3A_2686, %mul3A_2726 : vector<16xf32>
    %jit3A_2734 = arith.constant 1.000000e+00 : f32
    %jit3A_2735 = arith.constant 0.000000e+00 : f32
    %broadcast_in_dim3A_2736 = vector.broadcast %jit3A_2734 : f32 to vector<16xf32>
    %broadcast_in_dim3A_2737 = vector.broadcast %jit3A_2735 : f32 to vector<16xf32>
    %select_n3A_2738 = arith.select %le3A_2733, %broadcast_in_dim3A_2736, %broadcast_in_dim3A_2737 : vector<16xi1>, vector<16xf32>
    %add3A_2739 = arith.addf %select_n3A_2732, %select_n3A_2738 : vector<16xf32>
    %le3A_2740 = arith.cmpf ole, %add3A_2692, %mul3A_2726 : vector<16xf32>
    %jit3A_2741 = arith.constant 1.000000e+00 : f32
    %jit3A_2742 = arith.constant 0.000000e+00 : f32
    %broadcast_in_dim3A_2743 = vector.broadcast %jit3A_2741 : f32 to vector<16xf32>
    %broadcast_in_dim3A_2744 = vector.broadcast %jit3A_2742 : f32 to vector<16xf32>
    %select_n3A_2745 = arith.select %le3A_2740, %broadcast_in_dim3A_2743, %broadcast_in_dim3A_2744 : vector<16xi1>, vector<16xf32>
    %add3A_2746 = arith.addf %add3A_2739, %select_n3A_2745 : vector<16xf32>
    %le3A_2747 = arith.cmpf ole, %add3A_2698, %mul3A_2726 : vector<16xf32>
    %jit3A_2748 = arith.constant 1.000000e+00 : f32
    %jit3A_2749 = arith.constant 0.000000e+00 : f32
    %broadcast_in_dim3A_2750 = vector.broadcast %jit3A_2748 : f32 to vector<16xf32>
    %broadcast_in_dim3A_2751 = vector.broadcast %jit3A_2749 : f32 to vector<16xf32>
    %select_n3A_2752 = arith.select %le3A_2747, %broadcast_in_dim3A_2750, %broadcast_in_dim3A_2751 : vector<16xi1>, vector<16xf32>
    %add3A_2753 = arith.addf %add3A_2746, %select_n3A_2752 : vector<16xf32>
    %le3A_2754 = arith.cmpf ole, %add3A_2704, %mul3A_2726 : vector<16xf32>
    %jit3A_2755 = arith.constant 1.000000e+00 : f32
    %jit3A_2756 = arith.constant 0.000000e+00 : f32
    %broadcast_in_dim3A_2757 = vector.broadcast %jit3A_2755 : f32 to vector<16xf32>
    %broadcast_in_dim3A_2758 = vector.broadcast %jit3A_2756 : f32 to vector<16xf32>
    %select_n3A_2759 = arith.select %le3A_2754, %broadcast_in_dim3A_2757, %broadcast_in_dim3A_2758 : vector<16xi1>, vector<16xf32>
    %add3A_2760 = arith.addf %add3A_2753, %select_n3A_2759 : vector<16xf32>
    %le3A_2761 = arith.cmpf ole, %add3A_2710, %mul3A_2726 : vector<16xf32>
    %jit3A_2762 = arith.constant 1.000000e+00 : f32
    %jit3A_2763 = arith.constant 0.000000e+00 : f32
    %broadcast_in_dim3A_2764 = vector.broadcast %jit3A_2762 : f32 to vector<16xf32>
    %broadcast_in_dim3A_2765 = vector.broadcast %jit3A_2763 : f32 to vector<16xf32>
    %select_n3A_2766 = arith.select %le3A_2761, %broadcast_in_dim3A_2764, %broadcast_in_dim3A_2765 : vector<16xi1>, vector<16xf32>
    %add3A_2767 = arith.addf %add3A_2760, %select_n3A_2766 : vector<16xf32>
    %le3A_2768 = arith.cmpf ole, %add3A_2716, %mul3A_2726 : vector<16xf32>
    %jit3A_2769 = arith.constant 1.000000e+00 : f32
    %jit3A_2770 = arith.constant 0.000000e+00 : f32
    %broadcast_in_dim3A_2771 = vector.broadcast %jit3A_2769 : f32 to vector<16xf32>
    %broadcast_in_dim3A_2772 = vector.broadcast %jit3A_2770 : f32 to vector<16xf32>
    %select_n3A_2773 = arith.select %le3A_2768, %broadcast_in_dim3A_2771, %broadcast_in_dim3A_2772 : vector<16xi1>, vector<16xf32>
    %add3A_2774 = arith.addf %add3A_2767, %select_n3A_2773 : vector<16xf32>
    %le3A_2775 = arith.cmpf ole, %add3A_2722, %mul3A_2726 : vector<16xf32>
    %jit3A_2776 = arith.constant 1.000000e+00 : f32
    %jit3A_2777 = arith.constant 0.000000e+00 : f32
    %broadcast_in_dim3A_2778 = vector.broadcast %jit3A_2776 : f32 to vector<16xf32>
    %broadcast_in_dim3A_2779 = vector.broadcast %jit3A_2777 : f32 to vector<16xf32>
    %select_n3A_2780 = arith.select %le3A_2775, %broadcast_in_dim3A_2778, %broadcast_in_dim3A_2779 : vector<16xi1>, vector<16xf32>
    %add3A_2781 = arith.addf %add3A_2774, %select_n3A_2780 : vector<16xf32>
    %convert_element_type3A_2782 = arith.fptosi %add3A_2781 : vector<16xf32> to vector<16xi32>
    %swap3A_2783 = arith.constant 384 : index
    %swap3A_2784 = tpu.vector_load %arg7[%swap3A_2783] {strides = array<i32>} : memref<512xi32, #tpu.memory_space<vmem>>, vector<16xi32>,
    %swap3A_2785 = vector.shape_cast %swap3A_2784 : vector<16xi32> to vector<16xi32>
    %swap3A_2786 = vector.shape_cast %convert_element_type3A_2782 : vector<16xi32> to vector<16xi32>
    tpu.vector_store %arg7[%swap3A_2783], %swap3A_2786 {strides = array<i32>} : memref<512xi32, #tpu.memory_space<vmem>>, vector<16xi32>,
    %get3A_2787 = arith.constant 0 : i32
    %get3A_2788 = arith.index_cast %get3A_2787 : i32 to index
    %get3A_2789 = arith.constant 400 : index
    %get3A_2790 = tpu.vector_load %arg5[%get3A_2788, %get3A_2789] {strides = array<i32>} : memref<8x512xf32, #tpu.memory_space<vmem>>, vector<1x16xf32>,
    %get3A_2791 = vector.shape_cast %get3A_2790 : vector<1x16xf32> to vector<16xf32>
    %get3A_2792 = arith.constant 1 : i32
    %get3A_2793 = arith.index_cast %get3A_2792 : i32 to index
    %get3A_2794 = arith.constant 400 : index
    %get3A_2795 = tpu.vector_load %arg5[%get3A_2793, %get3A_2794] {strides = array<i32>} : memref<8x512xf32, #tpu.memory_space<vmem>>, vector<1x16xf32>,
    %get3A_2796 = vector.shape_cast %get3A_2795 : vector<1x16xf32> to vector<16xf32>
    %add3A_2797 = arith.addf %get3A_2791, %get3A_2796 : vector<16xf32>
    %get3A_2798 = arith.constant 2 : i32
    %get3A_2799 = arith.index_cast %get3A_2798 : i32 to index
    %get3A_2800 = arith.constant 400 : index
    %get3A_2801 = tpu.vector_load %arg5[%get3A_2799, %get3A_2800] {strides = array<i32>} : memref<8x512xf32, #tpu.memory_space<vmem>>, vector<1x16xf32>,
    %get3A_2802 = vector.shape_cast %get3A_2801 : vector<1x16xf32> to vector<16xf32>
    %add3A_2803 = arith.addf %add3A_2797, %get3A_2802 : vector<16xf32>
    %get3A_2804 = arith.constant 3 : i32
    %get3A_2805 = arith.index_cast %get3A_2804 : i32 to index
    %get3A_2806 = arith.constant 400 : index
    %get3A_2807 = tpu.vector_load %arg5[%get3A_2805, %get3A_2806] {strides = array<i32>} : memref<8x512xf32, #tpu.memory_space<vmem>>, vector<1x16xf32>,
    %get3A_2808 = vector.shape_cast %get3A_2807 : vector<1x16xf32> to vector<16xf32>
    %add3A_2809 = arith.addf %add3A_2803, %get3A_2808 : vector<16xf32>
    %get3A_2810 = arith.constant 4 : i32
    %get3A_2811 = arith.index_cast %get3A_2810 : i32 to index
    %get3A_2812 = arith.constant 400 : index
    %get3A_2813 = tpu.vector_load %arg5[%get3A_2811, %get3A_2812] {strides = array<i32>} : memref<8x512xf32, #tpu.memory_space<vmem>>, vector<1x16xf32>,
    %get3A_2814 = vector.shape_cast %get3A_2813 : vector<1x16xf32> to vector<16xf32>
    %add3A_2815 = arith.addf %add3A_2809, %get3A_2814 : vector<16xf32>
    %get3A_2816 = arith.constant 5 : i32
    %get3A_2817 = arith.index_cast %get3A_2816 : i32 to index
    %get3A_2818 = arith.constant 400 : index
    %get3A_2819 = tpu.vector_load %arg5[%get3A_2817, %get3A_2818] {strides = array<i32>} : memref<8x512xf32, #tpu.memory_space<vmem>>, vector<1x16xf32>,
    %get3A_2820 = vector.shape_cast %get3A_2819 : vector<1x16xf32> to vector<16xf32>
    %add3A_2821 = arith.addf %add3A_2815, %get3A_2820 : vector<16xf32>
    %get3A_2822 = arith.constant 6 : i32
    %get3A_2823 = arith.index_cast %get3A_2822 : i32 to index
    %get3A_2824 = arith.constant 400 : index
    %get3A_2825 = tpu.vector_load %arg5[%get3A_2823, %get3A_2824] {strides = array<i32>} : memref<8x512xf32, #tpu.memory_space<vmem>>, vector<1x16xf32>,
    %get3A_2826 = vector.shape_cast %get3A_2825 : vector<1x16xf32> to vector<16xf32>
    %add3A_2827 = arith.addf %add3A_2821, %get3A_2826 : vector<16xf32>
    %get3A_2828 = arith.constant 7 : i32
    %get3A_2829 = arith.index_cast %get3A_2828 : i32 to index
    %get3A_2830 = arith.constant 400 : index
    %get3A_2831 = tpu.vector_load %arg5[%get3A_2829, %get3A_2830] {strides = array<i32>} : memref<8x512xf32, #tpu.memory_space<vmem>>, vector<1x16xf32>,
    %get3A_2832 = vector.shape_cast %get3A_2831 : vector<1x16xf32> to vector<16xf32>
    %add3A_2833 = arith.addf %add3A_2827, %get3A_2832 : vector<16xf32>
    %get3A_2834 = arith.constant 400 : index
    %get3A_2835 = tpu.vector_load %arg6[%get3A_2834] {strides = array<i32>} : memref<512xf32, #tpu.memory_space<vmem>>, vector<16xf32>,
    %get3A_2836 = vector.shape_cast %get3A_2835 : vector<16xf32> to vector<16xf32>
    %mul3A_2837 = arith.mulf %get3A_2836, %add3A_2833 : vector<16xf32>
    %le3A_2838 = arith.cmpf ole, %get3A_2791, %mul3A_2837 : vector<16xf32>
    %jit3A_2839 = arith.constant 1.000000e+00 : f32
    %jit3A_2840 = arith.constant 0.000000e+00 : f32
    %broadcast_in_dim3A_2841 = vector.broadcast %jit3A_2839 : f32 to vector<16xf32>
    %broadcast_in_dim3A_2842 = vector.broadcast %jit3A_2840 : f32 to vector<16xf32>
    %select_n3A_2843 = arith.select %le3A_2838, %broadcast_in_dim3A_2841, %broadcast_in_dim3A_2842 : vector<16xi1>, vector<16xf32>
    %le3A_2844 = arith.cmpf ole, %add3A_2797, %mul3A_2837 : vector<16xf32>
    %jit3A_2845 = arith.constant 1.000000e+00 : f32
    %jit3A_2846 = arith.constant 0.000000e+00 : f32
    %broadcast_in_dim3A_2847 = vector.broadcast %jit3A_2845 : f32 to vector<16xf32>
    %broadcast_in_dim3A_2848 = vector.broadcast %jit3A_2846 : f32 to vector<16xf32>
    %select_n3A_2849 = arith.select %le3A_2844, %broadcast_in_dim3A_2847, %broadcast_in_dim3A_2848 : vector<16xi1>, vector<16xf32>
    %add3A_2850 = arith.addf %select_n3A_2843, %select_n3A_2849 : vector<16xf32>
    %le3A_2851 = arith.cmpf ole, %add3A_2803, %mul3A_2837 : vector<16xf32>
    %jit3A_2852 = arith.constant 1.000000e+00 : f32
    %jit3A_2853 = arith.constant 0.000000e+00 : f32
    %broadcast_in_dim3A_2854 = vector.broadcast %jit3A_2852 : f32 to vector<16xf32>
    %broadcast_in_dim3A_2855 = vector.broadcast %jit3A_2853 : f32 to vector<16xf32>
    %select_n3A_2856 = arith.select %le3A_2851, %broadcast_in_dim3A_2854, %broadcast_in_dim3A_2855 : vector<16xi1>, vector<16xf32>
    %add3A_2857 = arith.addf %add3A_2850, %select_n3A_2856 : vector<16xf32>
    %le3A_2858 = arith.cmpf ole, %add3A_2809, %mul3A_2837 : vector<16xf32>
    %jit3A_2859 = arith.constant 1.000000e+00 : f32
    %jit3A_2860 = arith.constant 0.000000e+00 : f32
    %broadcast_in_dim3A_2861 = vector.broadcast %jit3A_2859 : f32 to vector<16xf32>
    %broadcast_in_dim3A_2862 = vector.broadcast %jit3A_2860 : f32 to vector<16xf32>
    %select_n3A_2863 = arith.select %le3A_2858, %broadcast_in_dim3A_2861, %broadcast_in_dim3A_2862 : vector<16xi1>, vector<16xf32>
    %add3A_2864 = arith.addf %add3A_2857, %select_n3A_2863 : vector<16xf32>
    %le3A_2865 = arith.cmpf ole, %add3A_2815, %mul3A_2837 : vector<16xf32>
    %jit3A_2866 = arith.constant 1.000000e+00 : f32
    %jit3A_2867 = arith.constant 0.000000e+00 : f32
    %broadcast_in_dim3A_2868 = vector.broadcast %jit3A_2866 : f32 to vector<16xf32>
    %broadcast_in_dim3A_2869 = vector.broadcast %jit3A_2867 : f32 to vector<16xf32>
    %select_n3A_2870 = arith.select %le3A_2865, %broadcast_in_dim3A_2868, %broadcast_in_dim3A_2869 : vector<16xi1>, vector<16xf32>
    %add3A_2871 = arith.addf %add3A_2864, %select_n3A_2870 : vector<16xf32>
    %le3A_2872 = arith.cmpf ole, %add3A_2821, %mul3A_2837 : vector<16xf32>
    %jit3A_2873 = arith.constant 1.000000e+00 : f32
    %jit3A_2874 = arith.constant 0.000000e+00 : f32
    %broadcast_in_dim3A_2875 = vector.broadcast %jit3A_2873 : f32 to vector<16xf32>
    %broadcast_in_dim3A_2876 = vector.broadcast %jit3A_2874 : f32 to vector<16xf32>
    %select_n3A_2877 = arith.select %le3A_2872, %broadcast_in_dim3A_2875, %broadcast_in_dim3A_2876 : vector<16xi1>, vector<16xf32>
    %add3A_2878 = arith.addf %add3A_2871, %select_n3A_2877 : vector<16xf32>
    %le3A_2879 = arith.cmpf ole, %add3A_2827, %mul3A_2837 : vector<16xf32>
    %jit3A_2880 = arith.constant 1.000000e+00 : f32
    %jit3A_2881 = arith.constant 0.000000e+00 : f32
    %broadcast_in_dim3A_2882 = vector.broadcast %jit3A_2880 : f32 to vector<16xf32>
    %broadcast_in_dim3A_2883 = vector.broadcast %jit3A_2881 : f32 to vector<16xf32>
    %select_n3A_2884 = arith.select %le3A_2879, %broadcast_in_dim3A_2882, %broadcast_in_dim3A_2883 : vector<16xi1>, vector<16xf32>
    %add3A_2885 = arith.addf %add3A_2878, %select_n3A_2884 : vector<16xf32>
    %le3A_2886 = arith.cmpf ole, %add3A_2833, %mul3A_2837 : vector<16xf32>
    %jit3A_2887 = arith.constant 1.000000e+00 : f32
    %jit3A_2888 = arith.constant 0.000000e+00 : f32
    %broadcast_in_dim3A_2889 = vector.broadcast %jit3A_2887 : f32 to vector<16xf32>
    %broadcast_in_dim3A_2890 = vector.broadcast %jit3A_2888 : f32 to vector<16xf32>
    %select_n3A_2891 = arith.select %le3A_2886, %broadcast_in_dim3A_2889, %broadcast_in_dim3A_2890 : vector<16xi1>, vector<16xf32>
    %add3A_2892 = arith.addf %add3A_2885, %select_n3A_2891 : vector<16xf32>
    %convert_element_type3A_2893 = arith.fptosi %add3A_2892 : vector<16xf32> to vector<16xi32>
    %swap3A_2894 = arith.constant 400 : index
    %swap3A_2895 = tpu.vector_load %arg7[%swap3A_2894] {strides = array<i32>} : memref<512xi32, #tpu.memory_space<vmem>>, vector<16xi32>,
    %swap3A_2896 = vector.shape_cast %swap3A_2895 : vector<16xi32> to vector<16xi32>
    %swap3A_2897 = vector.shape_cast %convert_element_type3A_2893 : vector<16xi32> to vector<16xi32>
    tpu.vector_store %arg7[%swap3A_2894], %swap3A_2897 {strides = array<i32>} : memref<512xi32, #tpu.memory_space<vmem>>, vector<16xi32>,
    %get3A_2898 = arith.constant 0 : i32
    %get3A_2899 = arith.index_cast %get3A_2898 : i32 to index
    %get3A_2900 = arith.constant 416 : index
    %get3A_2901 = tpu.vector_load %arg5[%get3A_2899, %get3A_2900] {strides = array<i32>} : memref<8x512xf32, #tpu.memory_space<vmem>>, vector<1x16xf32>,
    %get3A_2902 = vector.shape_cast %get3A_2901 : vector<1x16xf32> to vector<16xf32>
    %get3A_2903 = arith.constant 1 : i32
    %get3A_2904 = arith.index_cast %get3A_2903 : i32 to index
    %get3A_2905 = arith.constant 416 : index
    %get3A_2906 = tpu.vector_load %arg5[%get3A_2904, %get3A_2905] {strides = array<i32>} : memref<8x512xf32, #tpu.memory_space<vmem>>, vector<1x16xf32>,
    %get3A_2907 = vector.shape_cast %get3A_2906 : vector<1x16xf32> to vector<16xf32>
    %add3A_2908 = arith.addf %get3A_2902, %get3A_2907 : vector<16xf32>
    %get3A_2909 = arith.constant 2 : i32
    %get3A_2910 = arith.index_cast %get3A_2909 : i32 to index
    %get3A_2911 = arith.constant 416 : index
    %get3A_2912 = tpu.vector_load %arg5[%get3A_2910, %get3A_2911] {strides = array<i32>} : memref<8x512xf32, #tpu.memory_space<vmem>>, vector<1x16xf32>,
    %get3A_2913 = vector.shape_cast %get3A_2912 : vector<1x16xf32> to vector<16xf32>
    %add3A_2914 = arith.addf %add3A_2908, %get3A_2913 : vector<16xf32>
    %get3A_2915 = arith.constant 3 : i32
    %get3A_2916 = arith.index_cast %get3A_2915 : i32 to index
    %get3A_2917 = arith.constant 416 : index
    %get3A_2918 = tpu.vector_load %arg5[%get3A_2916, %get3A_2917] {strides = array<i32>} : memref<8x512xf32, #tpu.memory_space<vmem>>, vector<1x16xf32>,
    %get3A_2919 = vector.shape_cast %get3A_2918 : vector<1x16xf32> to vector<16xf32>
    %add3A_2920 = arith.addf %add3A_2914, %get3A_2919 : vector<16xf32>
    %get3A_2921 = arith.constant 4 : i32
    %get3A_2922 = arith.index_cast %get3A_2921 : i32 to index
    %get3A_2923 = arith.constant 416 : index
    %get3A_2924 = tpu.vector_load %arg5[%get3A_2922, %get3A_2923] {strides = array<i32>} : memref<8x512xf32, #tpu.memory_space<vmem>>, vector<1x16xf32>,
    %get3A_2925 = vector.shape_cast %get3A_2924 : vector<1x16xf32> to vector<16xf32>
    %add3A_2926 = arith.addf %add3A_2920, %get3A_2925 : vector<16xf32>
    %get3A_2927 = arith.constant 5 : i32
    %get3A_2928 = arith.index_cast %get3A_2927 : i32 to index
    %get3A_2929 = arith.constant 416 : index
    %get3A_2930 = tpu.vector_load %arg5[%get3A_2928, %get3A_2929] {strides = array<i32>} : memref<8x512xf32, #tpu.memory_space<vmem>>, vector<1x16xf32>,
    %get3A_2931 = vector.shape_cast %get3A_2930 : vector<1x16xf32> to vector<16xf32>
    %add3A_2932 = arith.addf %add3A_2926, %get3A_2931 : vector<16xf32>
    %get3A_2933 = arith.constant 6 : i32
    %get3A_2934 = arith.index_cast %get3A_2933 : i32 to index
    %get3A_2935 = arith.constant 416 : index
    %get3A_2936 = tpu.vector_load %arg5[%get3A_2934, %get3A_2935] {strides = array<i32>} : memref<8x512xf32, #tpu.memory_space<vmem>>, vector<1x16xf32>,
    %get3A_2937 = vector.shape_cast %get3A_2936 : vector<1x16xf32> to vector<16xf32>
    %add3A_2938 = arith.addf %add3A_2932, %get3A_2937 : vector<16xf32>
    %get3A_2939 = arith.constant 7 : i32
    %get3A_2940 = arith.index_cast %get3A_2939 : i32 to index
    %get3A_2941 = arith.constant 416 : index
    %get3A_2942 = tpu.vector_load %arg5[%get3A_2940, %get3A_2941] {strides = array<i32>} : memref<8x512xf32, #tpu.memory_space<vmem>>, vector<1x16xf32>,
    %get3A_2943 = vector.shape_cast %get3A_2942 : vector<1x16xf32> to vector<16xf32>
    %add3A_2944 = arith.addf %add3A_2938, %get3A_2943 : vector<16xf32>
    %get3A_2945 = arith.constant 416 : index
    %get3A_2946 = tpu.vector_load %arg6[%get3A_2945] {strides = array<i32>} : memref<512xf32, #tpu.memory_space<vmem>>, vector<16xf32>,
    %get3A_2947 = vector.shape_cast %get3A_2946 : vector<16xf32> to vector<16xf32>
    %mul3A_2948 = arith.mulf %get3A_2947, %add3A_2944 : vector<16xf32>
    %le3A_2949 = arith.cmpf ole, %get3A_2902, %mul3A_2948 : vector<16xf32>
    %jit3A_2950 = arith.constant 1.000000e+00 : f32
    %jit3A_2951 = arith.constant 0.000000e+00 : f32
    %broadcast_in_dim3A_2952 = vector.broadcast %jit3A_2950 : f32 to vector<16xf32>
    %broadcast_in_dim3A_2953 = vector.broadcast %jit3A_2951 : f32 to vector<16xf32>
    %select_n3A_2954 = arith.select %le3A_2949, %broadcast_in_dim3A_2952, %broadcast_in_dim3A_2953 : vector<16xi1>, vector<16xf32>
    %le3A_2955 = arith.cmpf ole, %add3A_2908, %mul3A_2948 : vector<16xf32>
    %jit3A_2956 = arith.constant 1.000000e+00 : f32
    %jit3A_2957 = arith.constant 0.000000e+00 : f32
    %broadcast_in_dim3A_2958 = vector.broadcast %jit3A_2956 : f32 to vector<16xf32>
    %broadcast_in_dim3A_2959 = vector.broadcast %jit3A_2957 : f32 to vector<16xf32>
    %select_n3A_2960 = arith.select %le3A_2955, %broadcast_in_dim3A_2958, %broadcast_in_dim3A_2959 : vector<16xi1>, vector<16xf32>
    %add3A_2961 = arith.addf %select_n3A_2954, %select_n3A_2960 : vector<16xf32>
    %le3A_2962 = arith.cmpf ole, %add3A_2914, %mul3A_2948 : vector<16xf32>
    %jit3A_2963 = arith.constant 1.000000e+00 : f32
    %jit3A_2964 = arith.constant 0.000000e+00 : f32
    %broadcast_in_dim3A_2965 = vector.broadcast %jit3A_2963 : f32 to vector<16xf32>
    %broadcast_in_dim3A_2966 = vector.broadcast %jit3A_2964 : f32 to vector<16xf32>
    %select_n3A_2967 = arith.select %le3A_2962, %broadcast_in_dim3A_2965, %broadcast_in_dim3A_2966 : vector<16xi1>, vector<16xf32>
    %add3A_2968 = arith.addf %add3A_2961, %select_n3A_2967 : vector<16xf32>
    %le3A_2969 = arith.cmpf ole, %add3A_2920, %mul3A_2948 : vector<16xf32>
    %jit3A_2970 = arith.constant 1.000000e+00 : f32
    %jit3A_2971 = arith.constant 0.000000e+00 : f32
    %broadcast_in_dim3A_2972 = vector.broadcast %jit3A_2970 : f32 to vector<16xf32>
    %broadcast_in_dim3A_2973 = vector.broadcast %jit3A_2971 : f32 to vector<16xf32>
    %select_n3A_2974 = arith.select %le3A_2969, %broadcast_in_dim3A_2972, %broadcast_in_dim3A_2973 : vector<16xi1>, vector<16xf32>
    %add3A_2975 = arith.addf %add3A_2968, %select_n3A_2974 : vector<16xf32>
    %le3A_2976 = arith.cmpf ole, %add3A_2926, %mul3A_2948 : vector<16xf32>
    %jit3A_2977 = arith.constant 1.000000e+00 : f32
    %jit3A_2978 = arith.constant 0.000000e+00 : f32
    %broadcast_in_dim3A_2979 = vector.broadcast %jit3A_2977 : f32 to vector<16xf32>
    %broadcast_in_dim3A_2980 = vector.broadcast %jit3A_2978 : f32 to vector<16xf32>
    %select_n3A_2981 = arith.select %le3A_2976, %broadcast_in_dim3A_2979, %broadcast_in_dim3A_2980 : vector<16xi1>, vector<16xf32>
    %add3A_2982 = arith.addf %add3A_2975, %select_n3A_2981 : vector<16xf32>
    %le3A_2983 = arith.cmpf ole, %add3A_2932, %mul3A_2948 : vector<16xf32>
    %jit3A_2984 = arith.constant 1.000000e+00 : f32
    %jit3A_2985 = arith.constant 0.000000e+00 : f32
    %broadcast_in_dim3A_2986 = vector.broadcast %jit3A_2984 : f32 to vector<16xf32>
    %broadcast_in_dim3A_2987 = vector.broadcast %jit3A_2985 : f32 to vector<16xf32>
    %select_n3A_2988 = arith.select %le3A_2983, %broadcast_in_dim3A_2986, %broadcast_in_dim3A_2987 : vector<16xi1>, vector<16xf32>
    %add3A_2989 = arith.addf %add3A_2982, %select_n3A_2988 : vector<16xf32>
    %le3A_2990 = arith.cmpf ole, %add3A_2938, %mul3A_2948 : vector<16xf32>
    %jit3A_2991 = arith.constant 1.000000e+00 : f32
    %jit3A_2992 = arith.constant 0.000000e+00 : f32
    %broadcast_in_dim3A_2993 = vector.broadcast %jit3A_2991 : f32 to vector<16xf32>
    %broadcast_in_dim3A_2994 = vector.broadcast %jit3A_2992 : f32 to vector<16xf32>
    %select_n3A_2995 = arith.select %le3A_2990, %broadcast_in_dim3A_2993, %broadcast_in_dim3A_2994 : vector<16xi1>, vector<16xf32>
    %add3A_2996 = arith.addf %add3A_2989, %select_n3A_2995 : vector<16xf32>
    %le3A_2997 = arith.cmpf ole, %add3A_2944, %mul3A_2948 : vector<16xf32>
    %jit3A_2998 = arith.constant 1.000000e+00 : f32
    %jit3A_2999 = arith.constant 0.000000e+00 : f32
    %broadcast_in_dim3A_3000 = vector.broadcast %jit3A_2998 : f32 to vector<16xf32>
    %broadcast_in_dim3A_3001 = vector.broadcast %jit3A_2999 : f32 to vector<16xf32>
    %select_n3A_3002 = arith.select %le3A_2997, %broadcast_in_dim3A_3000, %broadcast_in_dim3A_3001 : vector<16xi1>, vector<16xf32>
    %add3A_3003 = arith.addf %add3A_2996, %select_n3A_3002 : vector<16xf32>
    %convert_element_type3A_3004 = arith.fptosi %add3A_3003 : vector<16xf32> to vector<16xi32>
    %swap3A_3005 = arith.constant 416 : index
    %swap3A_3006 = tpu.vector_load %arg7[%swap3A_3005] {strides = array<i32>} : memref<512xi32, #tpu.memory_space<vmem>>, vector<16xi32>,
    %swap3A_3007 = vector.shape_cast %swap3A_3006 : vector<16xi32> to vector<16xi32>
    %swap3A_3008 = vector.shape_cast %convert_element_type3A_3004 : vector<16xi32> to vector<16xi32>
    tpu.vector_store %arg7[%swap3A_3005], %swap3A_3008 {strides = array<i32>} : memref<512xi32, #tpu.memory_space<vmem>>, vector<16xi32>,
    %get3A_3009 = arith.constant 0 : i32
    %get3A_3010 = arith.index_cast %get3A_3009 : i32 to index
    %get3A_3011 = arith.constant 432 : index
    %get3A_3012 = tpu.vector_load %arg5[%get3A_3010, %get3A_3011] {strides = array<i32>} : memref<8x512xf32, #tpu.memory_space<vmem>>, vector<1x16xf32>,
    %get3A_3013 = vector.shape_cast %get3A_3012 : vector<1x16xf32> to vector<16xf32>
    %get3A_3014 = arith.constant 1 : i32
    %get3A_3015 = arith.index_cast %get3A_3014 : i32 to index
    %get3A_3016 = arith.constant 432 : index
    %get3A_3017 = tpu.vector_load %arg5[%get3A_3015, %get3A_3016] {strides = array<i32>} : memref<8x512xf32, #tpu.memory_space<vmem>>, vector<1x16xf32>,
    %get3A_3018 = vector.shape_cast %get3A_3017 : vector<1x16xf32> to vector<16xf32>
    %add3A_3019 = arith.addf %get3A_3013, %get3A_3018 : vector<16xf32>
    %get3A_3020 = arith.constant 2 : i32
    %get3A_3021 = arith.index_cast %get3A_3020 : i32 to index
    %get3A_3022 = arith.constant 432 : index
    %get3A_3023 = tpu.vector_load %arg5[%get3A_3021, %get3A_3022] {strides = array<i32>} : memref<8x512xf32, #tpu.memory_space<vmem>>, vector<1x16xf32>,
    %get3A_3024 = vector.shape_cast %get3A_3023 : vector<1x16xf32> to vector<16xf32>
    %add3A_3025 = arith.addf %add3A_3019, %get3A_3024 : vector<16xf32>
    %get3A_3026 = arith.constant 3 : i32
    %get3A_3027 = arith.index_cast %get3A_3026 : i32 to index
    %get3A_3028 = arith.constant 432 : index
    %get3A_3029 = tpu.vector_load %arg5[%get3A_3027, %get3A_3028] {strides = array<i32>} : memref<8x512xf32, #tpu.memory_space<vmem>>, vector<1x16xf32>,
    %get3A_3030 = vector.shape_cast %get3A_3029 : vector<1x16xf32> to vector<16xf32>
    %add3A_3031 = arith.addf %add3A_3025, %get3A_3030 : vector<16xf32>
    %get3A_3032 = arith.constant 4 : i32
    %get3A_3033 = arith.index_cast %get3A_3032 : i32 to index
    %get3A_3034 = arith.constant 432 : index
    %get3A_3035 = tpu.vector_load %arg5[%get3A_3033, %get3A_3034] {strides = array<i32>} : memref<8x512xf32, #tpu.memory_space<vmem>>, vector<1x16xf32>,
    %get3A_3036 = vector.shape_cast %get3A_3035 : vector<1x16xf32> to vector<16xf32>
    %add3A_3037 = arith.addf %add3A_3031, %get3A_3036 : vector<16xf32>
    %get3A_3038 = arith.constant 5 : i32
    %get3A_3039 = arith.index_cast %get3A_3038 : i32 to index
    %get3A_3040 = arith.constant 432 : index
    %get3A_3041 = tpu.vector_load %arg5[%get3A_3039, %get3A_3040] {strides = array<i32>} : memref<8x512xf32, #tpu.memory_space<vmem>>, vector<1x16xf32>,
    %get3A_3042 = vector.shape_cast %get3A_3041 : vector<1x16xf32> to vector<16xf32>
    %add3A_3043 = arith.addf %add3A_3037, %get3A_3042 : vector<16xf32>
    %get3A_3044 = arith.constant 6 : i32
    %get3A_3045 = arith.index_cast %get3A_3044 : i32 to index
    %get3A_3046 = arith.constant 432 : index
    %get3A_3047 = tpu.vector_load %arg5[%get3A_3045, %get3A_3046] {strides = array<i32>} : memref<8x512xf32, #tpu.memory_space<vmem>>, vector<1x16xf32>,
    %get3A_3048 = vector.shape_cast %get3A_3047 : vector<1x16xf32> to vector<16xf32>
    %add3A_3049 = arith.addf %add3A_3043, %get3A_3048 : vector<16xf32>
    %get3A_3050 = arith.constant 7 : i32
    %get3A_3051 = arith.index_cast %get3A_3050 : i32 to index
    %get3A_3052 = arith.constant 432 : index
    %get3A_3053 = tpu.vector_load %arg5[%get3A_3051, %get3A_3052] {strides = array<i32>} : memref<8x512xf32, #tpu.memory_space<vmem>>, vector<1x16xf32>,
    %get3A_3054 = vector.shape_cast %get3A_3053 : vector<1x16xf32> to vector<16xf32>
    %add3A_3055 = arith.addf %add3A_3049, %get3A_3054 : vector<16xf32>
    %get3A_3056 = arith.constant 432 : index
    %get3A_3057 = tpu.vector_load %arg6[%get3A_3056] {strides = array<i32>} : memref<512xf32, #tpu.memory_space<vmem>>, vector<16xf32>,
    %get3A_3058 = vector.shape_cast %get3A_3057 : vector<16xf32> to vector<16xf32>
    %mul3A_3059 = arith.mulf %get3A_3058, %add3A_3055 : vector<16xf32>
    %le3A_3060 = arith.cmpf ole, %get3A_3013, %mul3A_3059 : vector<16xf32>
    %jit3A_3061 = arith.constant 1.000000e+00 : f32
    %jit3A_3062 = arith.constant 0.000000e+00 : f32
    %broadcast_in_dim3A_3063 = vector.broadcast %jit3A_3061 : f32 to vector<16xf32>
    %broadcast_in_dim3A_3064 = vector.broadcast %jit3A_3062 : f32 to vector<16xf32>
    %select_n3A_3065 = arith.select %le3A_3060, %broadcast_in_dim3A_3063, %broadcast_in_dim3A_3064 : vector<16xi1>, vector<16xf32>
    %le3A_3066 = arith.cmpf ole, %add3A_3019, %mul3A_3059 : vector<16xf32>
    %jit3A_3067 = arith.constant 1.000000e+00 : f32
    %jit3A_3068 = arith.constant 0.000000e+00 : f32
    %broadcast_in_dim3A_3069 = vector.broadcast %jit3A_3067 : f32 to vector<16xf32>
    %broadcast_in_dim3A_3070 = vector.broadcast %jit3A_3068 : f32 to vector<16xf32>
    %select_n3A_3071 = arith.select %le3A_3066, %broadcast_in_dim3A_3069, %broadcast_in_dim3A_3070 : vector<16xi1>, vector<16xf32>
    %add3A_3072 = arith.addf %select_n3A_3065, %select_n3A_3071 : vector<16xf32>
    %le3A_3073 = arith.cmpf ole, %add3A_3025, %mul3A_3059 : vector<16xf32>
    %jit3A_3074 = arith.constant 1.000000e+00 : f32
    %jit3A_3075 = arith.constant 0.000000e+00 : f32
    %broadcast_in_dim3A_3076 = vector.broadcast %jit3A_3074 : f32 to vector<16xf32>
    %broadcast_in_dim3A_3077 = vector.broadcast %jit3A_3075 : f32 to vector<16xf32>
    %select_n3A_3078 = arith.select %le3A_3073, %broadcast_in_dim3A_3076, %broadcast_in_dim3A_3077 : vector<16xi1>, vector<16xf32>
    %add3A_3079 = arith.addf %add3A_3072, %select_n3A_3078 : vector<16xf32>
    %le3A_3080 = arith.cmpf ole, %add3A_3031, %mul3A_3059 : vector<16xf32>
    %jit3A_3081 = arith.constant 1.000000e+00 : f32
    %jit3A_3082 = arith.constant 0.000000e+00 : f32
    %broadcast_in_dim3A_3083 = vector.broadcast %jit3A_3081 : f32 to vector<16xf32>
    %broadcast_in_dim3A_3084 = vector.broadcast %jit3A_3082 : f32 to vector<16xf32>
    %select_n3A_3085 = arith.select %le3A_3080, %broadcast_in_dim3A_3083, %broadcast_in_dim3A_3084 : vector<16xi1>, vector<16xf32>
    %add3A_3086 = arith.addf %add3A_3079, %select_n3A_3085 : vector<16xf32>
    %le3A_3087 = arith.cmpf ole, %add3A_3037, %mul3A_3059 : vector<16xf32>
    %jit3A_3088 = arith.constant 1.000000e+00 : f32
    %jit3A_3089 = arith.constant 0.000000e+00 : f32
    %broadcast_in_dim3A_3090 = vector.broadcast %jit3A_3088 : f32 to vector<16xf32>
    %broadcast_in_dim3A_3091 = vector.broadcast %jit3A_3089 : f32 to vector<16xf32>
    %select_n3A_3092 = arith.select %le3A_3087, %broadcast_in_dim3A_3090, %broadcast_in_dim3A_3091 : vector<16xi1>, vector<16xf32>
    %add3A_3093 = arith.addf %add3A_3086, %select_n3A_3092 : vector<16xf32>
    %le3A_3094 = arith.cmpf ole, %add3A_3043, %mul3A_3059 : vector<16xf32>
    %jit3A_3095 = arith.constant 1.000000e+00 : f32
    %jit3A_3096 = arith.constant 0.000000e+00 : f32
    %broadcast_in_dim3A_3097 = vector.broadcast %jit3A_3095 : f32 to vector<16xf32>
    %broadcast_in_dim3A_3098 = vector.broadcast %jit3A_3096 : f32 to vector<16xf32>
    %select_n3A_3099 = arith.select %le3A_3094, %broadcast_in_dim3A_3097, %broadcast_in_dim3A_3098 : vector<16xi1>, vector<16xf32>
    %add3A_3100 = arith.addf %add3A_3093, %select_n3A_3099 : vector<16xf32>
    %le3A_3101 = arith.cmpf ole, %add3A_3049, %mul3A_3059 : vector<16xf32>
    %jit3A_3102 = arith.constant 1.000000e+00 : f32
    %jit3A_3103 = arith.constant 0.000000e+00 : f32
    %broadcast_in_dim3A_3104 = vector.broadcast %jit3A_3102 : f32 to vector<16xf32>
    %broadcast_in_dim3A_3105 = vector.broadcast %jit3A_3103 : f32 to vector<16xf32>
    %select_n3A_3106 = arith.select %le3A_3101, %broadcast_in_dim3A_3104, %broadcast_in_dim3A_3105 : vector<16xi1>, vector<16xf32>
    %add3A_3107 = arith.addf %add3A_3100, %select_n3A_3106 : vector<16xf32>
    %le3A_3108 = arith.cmpf ole, %add3A_3055, %mul3A_3059 : vector<16xf32>
    %jit3A_3109 = arith.constant 1.000000e+00 : f32
    %jit3A_3110 = arith.constant 0.000000e+00 : f32
    %broadcast_in_dim3A_3111 = vector.broadcast %jit3A_3109 : f32 to vector<16xf32>
    %broadcast_in_dim3A_3112 = vector.broadcast %jit3A_3110 : f32 to vector<16xf32>
    %select_n3A_3113 = arith.select %le3A_3108, %broadcast_in_dim3A_3111, %broadcast_in_dim3A_3112 : vector<16xi1>, vector<16xf32>
    %add3A_3114 = arith.addf %add3A_3107, %select_n3A_3113 : vector<16xf32>
    %convert_element_type3A_3115 = arith.fptosi %add3A_3114 : vector<16xf32> to vector<16xi32>
    %swap3A_3116 = arith.constant 432 : index
    %swap3A_3117 = tpu.vector_load %arg7[%swap3A_3116] {strides = array<i32>} : memref<512xi32, #tpu.memory_space<vmem>>, vector<16xi32>,
    %swap3A_3118 = vector.shape_cast %swap3A_3117 : vector<16xi32> to vector<16xi32>
    %swap3A_3119 = vector.shape_cast %convert_element_type3A_3115 : vector<16xi32> to vector<16xi32>
    tpu.vector_store %arg7[%swap3A_3116], %swap3A_3119 {strides = array<i32>} : memref<512xi32, #tpu.memory_space<vmem>>, vector<16xi32>,
    %get3A_3120 = arith.constant 0 : i32
    %get3A_3121 = arith.index_cast %get3A_3120 : i32 to index
    %get3A_3122 = arith.constant 448 : index
    %get3A_3123 = tpu.vector_load %arg5[%get3A_3121, %get3A_3122] {strides = array<i32>} : memref<8x512xf32, #tpu.memory_space<vmem>>, vector<1x16xf32>,
    %get3A_3124 = vector.shape_cast %get3A_3123 : vector<1x16xf32> to vector<16xf32>
    %get3A_3125 = arith.constant 1 : i32
    %get3A_3126 = arith.index_cast %get3A_3125 : i32 to index
    %get3A_3127 = arith.constant 448 : index
    %get3A_3128 = tpu.vector_load %arg5[%get3A_3126, %get3A_3127] {strides = array<i32>} : memref<8x512xf32, #tpu.memory_space<vmem>>, vector<1x16xf32>,
    %get3A_3129 = vector.shape_cast %get3A_3128 : vector<1x16xf32> to vector<16xf32>
    %add3A_3130 = arith.addf %get3A_3124, %get3A_3129 : vector<16xf32>
    %get3A_3131 = arith.constant 2 : i32
    %get3A_3132 = arith.index_cast %get3A_3131 : i32 to index
    %get3A_3133 = arith.constant 448 : index
    %get3A_3134 = tpu.vector_load %arg5[%get3A_3132, %get3A_3133] {strides = array<i32>} : memref<8x512xf32, #tpu.memory_space<vmem>>, vector<1x16xf32>,
    %get3A_3135 = vector.shape_cast %get3A_3134 : vector<1x16xf32> to vector<16xf32>
    %add3A_3136 = arith.addf %add3A_3130, %get3A_3135 : vector<16xf32>
    %get3A_3137 = arith.constant 3 : i32
    %get3A_3138 = arith.index_cast %get3A_3137 : i32 to index
    %get3A_3139 = arith.constant 448 : index
    %get3A_3140 = tpu.vector_load %arg5[%get3A_3138, %get3A_3139] {strides = array<i32>} : memref<8x512xf32, #tpu.memory_space<vmem>>, vector<1x16xf32>,
    %get3A_3141 = vector.shape_cast %get3A_3140 : vector<1x16xf32> to vector<16xf32>
    %add3A_3142 = arith.addf %add3A_3136, %get3A_3141 : vector<16xf32>
    %get3A_3143 = arith.constant 4 : i32
    %get3A_3144 = arith.index_cast %get3A_3143 : i32 to index
    %get3A_3145 = arith.constant 448 : index
    %get3A_3146 = tpu.vector_load %arg5[%get3A_3144, %get3A_3145] {strides = array<i32>} : memref<8x512xf32, #tpu.memory_space<vmem>>, vector<1x16xf32>,
    %get3A_3147 = vector.shape_cast %get3A_3146 : vector<1x16xf32> to vector<16xf32>
    %add3A_3148 = arith.addf %add3A_3142, %get3A_3147 : vector<16xf32>
    %get3A_3149 = arith.constant 5 : i32
    %get3A_3150 = arith.index_cast %get3A_3149 : i32 to index
    %get3A_3151 = arith.constant 448 : index
    %get3A_3152 = tpu.vector_load %arg5[%get3A_3150, %get3A_3151] {strides = array<i32>} : memref<8x512xf32, #tpu.memory_space<vmem>>, vector<1x16xf32>,
    %get3A_3153 = vector.shape_cast %get3A_3152 : vector<1x16xf32> to vector<16xf32>
    %add3A_3154 = arith.addf %add3A_3148, %get3A_3153 : vector<16xf32>
    %get3A_3155 = arith.constant 6 : i32
    %get3A_3156 = arith.index_cast %get3A_3155 : i32 to index
    %get3A_3157 = arith.constant 448 : index
    %get3A_3158 = tpu.vector_load %arg5[%get3A_3156, %get3A_3157] {strides = array<i32>} : memref<8x512xf32, #tpu.memory_space<vmem>>, vector<1x16xf32>,
    %get3A_3159 = vector.shape_cast %get3A_3158 : vector<1x16xf32> to vector<16xf32>
    %add3A_3160 = arith.addf %add3A_3154, %get3A_3159 : vector<16xf32>
    %get3A_3161 = arith.constant 7 : i32
    %get3A_3162 = arith.index_cast %get3A_3161 : i32 to index
    %get3A_3163 = arith.constant 448 : index
    %get3A_3164 = tpu.vector_load %arg5[%get3A_3162, %get3A_3163] {strides = array<i32>} : memref<8x512xf32, #tpu.memory_space<vmem>>, vector<1x16xf32>,
    %get3A_3165 = vector.shape_cast %get3A_3164 : vector<1x16xf32> to vector<16xf32>
    %add3A_3166 = arith.addf %add3A_3160, %get3A_3165 : vector<16xf32>
    %get3A_3167 = arith.constant 448 : index
    %get3A_3168 = tpu.vector_load %arg6[%get3A_3167] {strides = array<i32>} : memref<512xf32, #tpu.memory_space<vmem>>, vector<16xf32>,
    %get3A_3169 = vector.shape_cast %get3A_3168 : vector<16xf32> to vector<16xf32>
    %mul3A_3170 = arith.mulf %get3A_3169, %add3A_3166 : vector<16xf32>
    %le3A_3171 = arith.cmpf ole, %get3A_3124, %mul3A_3170 : vector<16xf32>
    %jit3A_3172 = arith.constant 1.000000e+00 : f32
    %jit3A_3173 = arith.constant 0.000000e+00 : f32
    %broadcast_in_dim3A_3174 = vector.broadcast %jit3A_3172 : f32 to vector<16xf32>
    %broadcast_in_dim3A_3175 = vector.broadcast %jit3A_3173 : f32 to vector<16xf32>
    %select_n3A_3176 = arith.select %le3A_3171, %broadcast_in_dim3A_3174, %broadcast_in_dim3A_3175 : vector<16xi1>, vector<16xf32>
    %le3A_3177 = arith.cmpf ole, %add3A_3130, %mul3A_3170 : vector<16xf32>
    %jit3A_3178 = arith.constant 1.000000e+00 : f32
    %jit3A_3179 = arith.constant 0.000000e+00 : f32
    %broadcast_in_dim3A_3180 = vector.broadcast %jit3A_3178 : f32 to vector<16xf32>
    %broadcast_in_dim3A_3181 = vector.broadcast %jit3A_3179 : f32 to vector<16xf32>
    %select_n3A_3182 = arith.select %le3A_3177, %broadcast_in_dim3A_3180, %broadcast_in_dim3A_3181 : vector<16xi1>, vector<16xf32>
    %add3A_3183 = arith.addf %select_n3A_3176, %select_n3A_3182 : vector<16xf32>
    %le3A_3184 = arith.cmpf ole, %add3A_3136, %mul3A_3170 : vector<16xf32>
    %jit3A_3185 = arith.constant 1.000000e+00 : f32
    %jit3A_3186 = arith.constant 0.000000e+00 : f32
    %broadcast_in_dim3A_3187 = vector.broadcast %jit3A_3185 : f32 to vector<16xf32>
    %broadcast_in_dim3A_3188 = vector.broadcast %jit3A_3186 : f32 to vector<16xf32>
    %select_n3A_3189 = arith.select %le3A_3184, %broadcast_in_dim3A_3187, %broadcast_in_dim3A_3188 : vector<16xi1>, vector<16xf32>
    %add3A_3190 = arith.addf %add3A_3183, %select_n3A_3189 : vector<16xf32>
    %le3A_3191 = arith.cmpf ole, %add3A_3142, %mul3A_3170 : vector<16xf32>
    %jit3A_3192 = arith.constant 1.000000e+00 : f32
    %jit3A_3193 = arith.constant 0.000000e+00 : f32
    %broadcast_in_dim3A_3194 = vector.broadcast %jit3A_3192 : f32 to vector<16xf32>
    %broadcast_in_dim3A_3195 = vector.broadcast %jit3A_3193 : f32 to vector<16xf32>
    %select_n3A_3196 = arith.select %le3A_3191, %broadcast_in_dim3A_3194, %broadcast_in_dim3A_3195 : vector<16xi1>, vector<16xf32>
    %add3A_3197 = arith.addf %add3A_3190, %select_n3A_3196 : vector<16xf32>
    %le3A_3198 = arith.cmpf ole, %add3A_3148, %mul3A_3170 : vector<16xf32>
    %jit3A_3199 = arith.constant 1.000000e+00 : f32
    %jit3A_3200 = arith.constant 0.000000e+00 : f32
    %broadcast_in_dim3A_3201 = vector.broadcast %jit3A_3199 : f32 to vector<16xf32>
    %broadcast_in_dim3A_3202 = vector.broadcast %jit3A_3200 : f32 to vector<16xf32>
    %select_n3A_3203 = arith.select %le3A_3198, %broadcast_in_dim3A_3201, %broadcast_in_dim3A_3202 : vector<16xi1>, vector<16xf32>
    %add3A_3204 = arith.addf %add3A_3197, %select_n3A_3203 : vector<16xf32>
    %le3A_3205 = arith.cmpf ole, %add3A_3154, %mul3A_3170 : vector<16xf32>
    %jit3A_3206 = arith.constant 1.000000e+00 : f32
    %jit3A_3207 = arith.constant 0.000000e+00 : f32
    %broadcast_in_dim3A_3208 = vector.broadcast %jit3A_3206 : f32 to vector<16xf32>
    %broadcast_in_dim3A_3209 = vector.broadcast %jit3A_3207 : f32 to vector<16xf32>
    %select_n3A_3210 = arith.select %le3A_3205, %broadcast_in_dim3A_3208, %broadcast_in_dim3A_3209 : vector<16xi1>, vector<16xf32>
    %add3A_3211 = arith.addf %add3A_3204, %select_n3A_3210 : vector<16xf32>
    %le3A_3212 = arith.cmpf ole, %add3A_3160, %mul3A_3170 : vector<16xf32>
    %jit3A_3213 = arith.constant 1.000000e+00 : f32
    %jit3A_3214 = arith.constant 0.000000e+00 : f32
    %broadcast_in_dim3A_3215 = vector.broadcast %jit3A_3213 : f32 to vector<16xf32>
    %broadcast_in_dim3A_3216 = vector.broadcast %jit3A_3214 : f32 to vector<16xf32>
    %select_n3A_3217 = arith.select %le3A_3212, %broadcast_in_dim3A_3215, %broadcast_in_dim3A_3216 : vector<16xi1>, vector<16xf32>
    %add3A_3218 = arith.addf %add3A_3211, %select_n3A_3217 : vector<16xf32>
    %le3A_3219 = arith.cmpf ole, %add3A_3166, %mul3A_3170 : vector<16xf32>
    %jit3A_3220 = arith.constant 1.000000e+00 : f32
    %jit3A_3221 = arith.constant 0.000000e+00 : f32
    %broadcast_in_dim3A_3222 = vector.broadcast %jit3A_3220 : f32 to vector<16xf32>
    %broadcast_in_dim3A_3223 = vector.broadcast %jit3A_3221 : f32 to vector<16xf32>
    %select_n3A_3224 = arith.select %le3A_3219, %broadcast_in_dim3A_3222, %broadcast_in_dim3A_3223 : vector<16xi1>, vector<16xf32>
    %add3A_3225 = arith.addf %add3A_3218, %select_n3A_3224 : vector<16xf32>
    %convert_element_type3A_3226 = arith.fptosi %add3A_3225 : vector<16xf32> to vector<16xi32>
    %swap3A_3227 = arith.constant 448 : index
    %swap3A_3228 = tpu.vector_load %arg7[%swap3A_3227] {strides = array<i32>} : memref<512xi32, #tpu.memory_space<vmem>>, vector<16xi32>,
    %swap3A_3229 = vector.shape_cast %swap3A_3228 : vector<16xi32> to vector<16xi32>
    %swap3A_3230 = vector.shape_cast %convert_element_type3A_3226 : vector<16xi32> to vector<16xi32>
    tpu.vector_store %arg7[%swap3A_3227], %swap3A_3230 {strides = array<i32>} : memref<512xi32, #tpu.memory_space<vmem>>, vector<16xi32>,
    %get3A_3231 = arith.constant 0 : i32
    %get3A_3232 = arith.index_cast %get3A_3231 : i32 to index
    %get3A_3233 = arith.constant 464 : index
    %get3A_3234 = tpu.vector_load %arg5[%get3A_3232, %get3A_3233] {strides = array<i32>} : memref<8x512xf32, #tpu.memory_space<vmem>>, vector<1x16xf32>,
    %get3A_3235 = vector.shape_cast %get3A_3234 : vector<1x16xf32> to vector<16xf32>
    %get3A_3236 = arith.constant 1 : i32
    %get3A_3237 = arith.index_cast %get3A_3236 : i32 to index
    %get3A_3238 = arith.constant 464 : index
    %get3A_3239 = tpu.vector_load %arg5[%get3A_3237, %get3A_3238] {strides = array<i32>} : memref<8x512xf32, #tpu.memory_space<vmem>>, vector<1x16xf32>,
    %get3A_3240 = vector.shape_cast %get3A_3239 : vector<1x16xf32> to vector<16xf32>
    %add3A_3241 = arith.addf %get3A_3235, %get3A_3240 : vector<16xf32>
    %get3A_3242 = arith.constant 2 : i32
    %get3A_3243 = arith.index_cast %get3A_3242 : i32 to index
    %get3A_3244 = arith.constant 464 : index
    %get3A_3245 = tpu.vector_load %arg5[%get3A_3243, %get3A_3244] {strides = array<i32>} : memref<8x512xf32, #tpu.memory_space<vmem>>, vector<1x16xf32>,
    %get3A_3246 = vector.shape_cast %get3A_3245 : vector<1x16xf32> to vector<16xf32>
    %add3A_3247 = arith.addf %add3A_3241, %get3A_3246 : vector<16xf32>
    %get3A_3248 = arith.constant 3 : i32
    %get3A_3249 = arith.index_cast %get3A_3248 : i32 to index
    %get3A_3250 = arith.constant 464 : index
    %get3A_3251 = tpu.vector_load %arg5[%get3A_3249, %get3A_3250] {strides = array<i32>} : memref<8x512xf32, #tpu.memory_space<vmem>>, vector<1x16xf32>,
    %get3A_3252 = vector.shape_cast %get3A_3251 : vector<1x16xf32> to vector<16xf32>
    %add3A_3253 = arith.addf %add3A_3247, %get3A_3252 : vector<16xf32>
    %get3A_3254 = arith.constant 4 : i32
    %get3A_3255 = arith.index_cast %get3A_3254 : i32 to index
    %get3A_3256 = arith.constant 464 : index
    %get3A_3257 = tpu.vector_load %arg5[%get3A_3255, %get3A_3256] {strides = array<i32>} : memref<8x512xf32, #tpu.memory_space<vmem>>, vector<1x16xf32>,
    %get3A_3258 = vector.shape_cast %get3A_3257 : vector<1x16xf32> to vector<16xf32>
    %add3A_3259 = arith.addf %add3A_3253, %get3A_3258 : vector<16xf32>
    %get3A_3260 = arith.constant 5 : i32
    %get3A_3261 = arith.index_cast %get3A_3260 : i32 to index
    %get3A_3262 = arith.constant 464 : index
    %get3A_3263 = tpu.vector_load %arg5[%get3A_3261, %get3A_3262] {strides = array<i32>} : memref<8x512xf32, #tpu.memory_space<vmem>>, vector<1x16xf32>,
    %get3A_3264 = vector.shape_cast %get3A_3263 : vector<1x16xf32> to vector<16xf32>
    %add3A_3265 = arith.addf %add3A_3259, %get3A_3264 : vector<16xf32>
    %get3A_3266 = arith.constant 6 : i32
    %get3A_3267 = arith.index_cast %get3A_3266 : i32 to index
    %get3A_3268 = arith.constant 464 : index
    %get3A_3269 = tpu.vector_load %arg5[%get3A_3267, %get3A_3268] {strides = array<i32>} : memref<8x512xf32, #tpu.memory_space<vmem>>, vector<1x16xf32>,
    %get3A_3270 = vector.shape_cast %get3A_3269 : vector<1x16xf32> to vector<16xf32>
    %add3A_3271 = arith.addf %add3A_3265, %get3A_3270 : vector<16xf32>
    %get3A_3272 = arith.constant 7 : i32
    %get3A_3273 = arith.index_cast %get3A_3272 : i32 to index
    %get3A_3274 = arith.constant 464 : index
    %get3A_3275 = tpu.vector_load %arg5[%get3A_3273, %get3A_3274] {strides = array<i32>} : memref<8x512xf32, #tpu.memory_space<vmem>>, vector<1x16xf32>,
    %get3A_3276 = vector.shape_cast %get3A_3275 : vector<1x16xf32> to vector<16xf32>
    %add3A_3277 = arith.addf %add3A_3271, %get3A_3276 : vector<16xf32>
    %get3A_3278 = arith.constant 464 : index
    %get3A_3279 = tpu.vector_load %arg6[%get3A_3278] {strides = array<i32>} : memref<512xf32, #tpu.memory_space<vmem>>, vector<16xf32>,
    %get3A_3280 = vector.shape_cast %get3A_3279 : vector<16xf32> to vector<16xf32>
    %mul3A_3281 = arith.mulf %get3A_3280, %add3A_3277 : vector<16xf32>
    %le3A_3282 = arith.cmpf ole, %get3A_3235, %mul3A_3281 : vector<16xf32>
    %jit3A_3283 = arith.constant 1.000000e+00 : f32
    %jit3A_3284 = arith.constant 0.000000e+00 : f32
    %broadcast_in_dim3A_3285 = vector.broadcast %jit3A_3283 : f32 to vector<16xf32>
    %broadcast_in_dim3A_3286 = vector.broadcast %jit3A_3284 : f32 to vector<16xf32>
    %select_n3A_3287 = arith.select %le3A_3282, %broadcast_in_dim3A_3285, %broadcast_in_dim3A_3286 : vector<16xi1>, vector<16xf32>
    %le3A_3288 = arith.cmpf ole, %add3A_3241, %mul3A_3281 : vector<16xf32>
    %jit3A_3289 = arith.constant 1.000000e+00 : f32
    %jit3A_3290 = arith.constant 0.000000e+00 : f32
    %broadcast_in_dim3A_3291 = vector.broadcast %jit3A_3289 : f32 to vector<16xf32>
    %broadcast_in_dim3A_3292 = vector.broadcast %jit3A_3290 : f32 to vector<16xf32>
    %select_n3A_3293 = arith.select %le3A_3288, %broadcast_in_dim3A_3291, %broadcast_in_dim3A_3292 : vector<16xi1>, vector<16xf32>
    %add3A_3294 = arith.addf %select_n3A_3287, %select_n3A_3293 : vector<16xf32>
    %le3A_3295 = arith.cmpf ole, %add3A_3247, %mul3A_3281 : vector<16xf32>
    %jit3A_3296 = arith.constant 1.000000e+00 : f32
    %jit3A_3297 = arith.constant 0.000000e+00 : f32
    %broadcast_in_dim3A_3298 = vector.broadcast %jit3A_3296 : f32 to vector<16xf32>
    %broadcast_in_dim3A_3299 = vector.broadcast %jit3A_3297 : f32 to vector<16xf32>
    %select_n3A_3300 = arith.select %le3A_3295, %broadcast_in_dim3A_3298, %broadcast_in_dim3A_3299 : vector<16xi1>, vector<16xf32>
    %add3A_3301 = arith.addf %add3A_3294, %select_n3A_3300 : vector<16xf32>
    %le3A_3302 = arith.cmpf ole, %add3A_3253, %mul3A_3281 : vector<16xf32>
    %jit3A_3303 = arith.constant 1.000000e+00 : f32
    %jit3A_3304 = arith.constant 0.000000e+00 : f32
    %broadcast_in_dim3A_3305 = vector.broadcast %jit3A_3303 : f32 to vector<16xf32>
    %broadcast_in_dim3A_3306 = vector.broadcast %jit3A_3304 : f32 to vector<16xf32>
    %select_n3A_3307 = arith.select %le3A_3302, %broadcast_in_dim3A_3305, %broadcast_in_dim3A_3306 : vector<16xi1>, vector<16xf32>
    %add3A_3308 = arith.addf %add3A_3301, %select_n3A_3307 : vector<16xf32>
    %le3A_3309 = arith.cmpf ole, %add3A_3259, %mul3A_3281 : vector<16xf32>
    %jit3A_3310 = arith.constant 1.000000e+00 : f32
    %jit3A_3311 = arith.constant 0.000000e+00 : f32
    %broadcast_in_dim3A_3312 = vector.broadcast %jit3A_3310 : f32 to vector<16xf32>
    %broadcast_in_dim3A_3313 = vector.broadcast %jit3A_3311 : f32 to vector<16xf32>
    %select_n3A_3314 = arith.select %le3A_3309, %broadcast_in_dim3A_3312, %broadcast_in_dim3A_3313 : vector<16xi1>, vector<16xf32>
    %add3A_3315 = arith.addf %add3A_3308, %select_n3A_3314 : vector<16xf32>
    %le3A_3316 = arith.cmpf ole, %add3A_3265, %mul3A_3281 : vector<16xf32>
    %jit3A_3317 = arith.constant 1.000000e+00 : f32
    %jit3A_3318 = arith.constant 0.000000e+00 : f32
    %broadcast_in_dim3A_3319 = vector.broadcast %jit3A_3317 : f32 to vector<16xf32>
    %broadcast_in_dim3A_3320 = vector.broadcast %jit3A_3318 : f32 to vector<16xf32>
    %select_n3A_3321 = arith.select %le3A_3316, %broadcast_in_dim3A_3319, %broadcast_in_dim3A_3320 : vector<16xi1>, vector<16xf32>
    %add3A_3322 = arith.addf %add3A_3315, %select_n3A_3321 : vector<16xf32>
    %le3A_3323 = arith.cmpf ole, %add3A_3271, %mul3A_3281 : vector<16xf32>
    %jit3A_3324 = arith.constant 1.000000e+00 : f32
    %jit3A_3325 = arith.constant 0.000000e+00 : f32
    %broadcast_in_dim3A_3326 = vector.broadcast %jit3A_3324 : f32 to vector<16xf32>
    %broadcast_in_dim3A_3327 = vector.broadcast %jit3A_3325 : f32 to vector<16xf32>
    %select_n3A_3328 = arith.select %le3A_3323, %broadcast_in_dim3A_3326, %broadcast_in_dim3A_3327 : vector<16xi1>, vector<16xf32>
    %add3A_3329 = arith.addf %add3A_3322, %select_n3A_3328 : vector<16xf32>
    %le3A_3330 = arith.cmpf ole, %add3A_3277, %mul3A_3281 : vector<16xf32>
    %jit3A_3331 = arith.constant 1.000000e+00 : f32
    %jit3A_3332 = arith.constant 0.000000e+00 : f32
    %broadcast_in_dim3A_3333 = vector.broadcast %jit3A_3331 : f32 to vector<16xf32>
    %broadcast_in_dim3A_3334 = vector.broadcast %jit3A_3332 : f32 to vector<16xf32>
    %select_n3A_3335 = arith.select %le3A_3330, %broadcast_in_dim3A_3333, %broadcast_in_dim3A_3334 : vector<16xi1>, vector<16xf32>
    %add3A_3336 = arith.addf %add3A_3329, %select_n3A_3335 : vector<16xf32>
    %convert_element_type3A_3337 = arith.fptosi %add3A_3336 : vector<16xf32> to vector<16xi32>
    %swap3A_3338 = arith.constant 464 : index
    %swap3A_3339 = tpu.vector_load %arg7[%swap3A_3338] {strides = array<i32>} : memref<512xi32, #tpu.memory_space<vmem>>, vector<16xi32>,
    %swap3A_3340 = vector.shape_cast %swap3A_3339 : vector<16xi32> to vector<16xi32>
    %swap3A_3341 = vector.shape_cast %convert_element_type3A_3337 : vector<16xi32> to vector<16xi32>
    tpu.vector_store %arg7[%swap3A_3338], %swap3A_3341 {strides = array<i32>} : memref<512xi32, #tpu.memory_space<vmem>>, vector<16xi32>,
    %get3A_3342 = arith.constant 0 : i32
    %get3A_3343 = arith.index_cast %get3A_3342 : i32 to index
    %get3A_3344 = arith.constant 480 : index
    %get3A_3345 = tpu.vector_load %arg5[%get3A_3343, %get3A_3344] {strides = array<i32>} : memref<8x512xf32, #tpu.memory_space<vmem>>, vector<1x16xf32>,
    %get3A_3346 = vector.shape_cast %get3A_3345 : vector<1x16xf32> to vector<16xf32>
    %get3A_3347 = arith.constant 1 : i32
    %get3A_3348 = arith.index_cast %get3A_3347 : i32 to index
    %get3A_3349 = arith.constant 480 : index
    %get3A_3350 = tpu.vector_load %arg5[%get3A_3348, %get3A_3349] {strides = array<i32>} : memref<8x512xf32, #tpu.memory_space<vmem>>, vector<1x16xf32>,
    %get3A_3351 = vector.shape_cast %get3A_3350 : vector<1x16xf32> to vector<16xf32>
    %add3A_3352 = arith.addf %get3A_3346, %get3A_3351 : vector<16xf32>
    %get3A_3353 = arith.constant 2 : i32
    %get3A_3354 = arith.index_cast %get3A_3353 : i32 to index
    %get3A_3355 = arith.constant 480 : index
    %get3A_3356 = tpu.vector_load %arg5[%get3A_3354, %get3A_3355] {strides = array<i32>} : memref<8x512xf32, #tpu.memory_space<vmem>>, vector<1x16xf32>,
    %get3A_3357 = vector.shape_cast %get3A_3356 : vector<1x16xf32> to vector<16xf32>
    %add3A_3358 = arith.addf %add3A_3352, %get3A_3357 : vector<16xf32>
    %get3A_3359 = arith.constant 3 : i32
    %get3A_3360 = arith.index_cast %get3A_3359 : i32 to index
    %get3A_3361 = arith.constant 480 : index
    %get3A_3362 = tpu.vector_load %arg5[%get3A_3360, %get3A_3361] {strides = array<i32>} : memref<8x512xf32, #tpu.memory_space<vmem>>, vector<1x16xf32>,
    %get3A_3363 = vector.shape_cast %get3A_3362 : vector<1x16xf32> to vector<16xf32>
    %add3A_3364 = arith.addf %add3A_3358, %get3A_3363 : vector<16xf32>
    %get3A_3365 = arith.constant 4 : i32
    %get3A_3366 = arith.index_cast %get3A_3365 : i32 to index
    %get3A_3367 = arith.constant 480 : index
    %get3A_3368 = tpu.vector_load %arg5[%get3A_3366, %get3A_3367] {strides = array<i32>} : memref<8x512xf32, #tpu.memory_space<vmem>>, vector<1x16xf32>,
    %get3A_3369 = vector.shape_cast %get3A_3368 : vector<1x16xf32> to vector<16xf32>
    %add3A_3370 = arith.addf %add3A_3364, %get3A_3369 : vector<16xf32>
    %get3A_3371 = arith.constant 5 : i32
    %get3A_3372 = arith.index_cast %get3A_3371 : i32 to index
    %get3A_3373 = arith.constant 480 : index
    %get3A_3374 = tpu.vector_load %arg5[%get3A_3372, %get3A_3373] {strides = array<i32>} : memref<8x512xf32, #tpu.memory_space<vmem>>, vector<1x16xf32>,
    %get3A_3375 = vector.shape_cast %get3A_3374 : vector<1x16xf32> to vector<16xf32>
    %add3A_3376 = arith.addf %add3A_3370, %get3A_3375 : vector<16xf32>
    %get3A_3377 = arith.constant 6 : i32
    %get3A_3378 = arith.index_cast %get3A_3377 : i32 to index
    %get3A_3379 = arith.constant 480 : index
    %get3A_3380 = tpu.vector_load %arg5[%get3A_3378, %get3A_3379] {strides = array<i32>} : memref<8x512xf32, #tpu.memory_space<vmem>>, vector<1x16xf32>,
    %get3A_3381 = vector.shape_cast %get3A_3380 : vector<1x16xf32> to vector<16xf32>
    %add3A_3382 = arith.addf %add3A_3376, %get3A_3381 : vector<16xf32>
    %get3A_3383 = arith.constant 7 : i32
    %get3A_3384 = arith.index_cast %get3A_3383 : i32 to index
    %get3A_3385 = arith.constant 480 : index
    %get3A_3386 = tpu.vector_load %arg5[%get3A_3384, %get3A_3385] {strides = array<i32>} : memref<8x512xf32, #tpu.memory_space<vmem>>, vector<1x16xf32>,
    %get3A_3387 = vector.shape_cast %get3A_3386 : vector<1x16xf32> to vector<16xf32>
    %add3A_3388 = arith.addf %add3A_3382, %get3A_3387 : vector<16xf32>
    %get3A_3389 = arith.constant 480 : index
    %get3A_3390 = tpu.vector_load %arg6[%get3A_3389] {strides = array<i32>} : memref<512xf32, #tpu.memory_space<vmem>>, vector<16xf32>,
    %get3A_3391 = vector.shape_cast %get3A_3390 : vector<16xf32> to vector<16xf32>
    %mul3A_3392 = arith.mulf %get3A_3391, %add3A_3388 : vector<16xf32>
    %le3A_3393 = arith.cmpf ole, %get3A_3346, %mul3A_3392 : vector<16xf32>
    %jit3A_3394 = arith.constant 1.000000e+00 : f32
    %jit3A_3395 = arith.constant 0.000000e+00 : f32
    %broadcast_in_dim3A_3396 = vector.broadcast %jit3A_3394 : f32 to vector<16xf32>
    %broadcast_in_dim3A_3397 = vector.broadcast %jit3A_3395 : f32 to vector<16xf32>
    %select_n3A_3398 = arith.select %le3A_3393, %broadcast_in_dim3A_3396, %broadcast_in_dim3A_3397 : vector<16xi1>, vector<16xf32>
    %le3A_3399 = arith.cmpf ole, %add3A_3352, %mul3A_3392 : vector<16xf32>
    %jit3A_3400 = arith.constant 1.000000e+00 : f32
    %jit3A_3401 = arith.constant 0.000000e+00 : f32
    %broadcast_in_dim3A_3402 = vector.broadcast %jit3A_3400 : f32 to vector<16xf32>
    %broadcast_in_dim3A_3403 = vector.broadcast %jit3A_3401 : f32 to vector<16xf32>
    %select_n3A_3404 = arith.select %le3A_3399, %broadcast_in_dim3A_3402, %broadcast_in_dim3A_3403 : vector<16xi1>, vector<16xf32>
    %add3A_3405 = arith.addf %select_n3A_3398, %select_n3A_3404 : vector<16xf32>
    %le3A_3406 = arith.cmpf ole, %add3A_3358, %mul3A_3392 : vector<16xf32>
    %jit3A_3407 = arith.constant 1.000000e+00 : f32
    %jit3A_3408 = arith.constant 0.000000e+00 : f32
    %broadcast_in_dim3A_3409 = vector.broadcast %jit3A_3407 : f32 to vector<16xf32>
    %broadcast_in_dim3A_3410 = vector.broadcast %jit3A_3408 : f32 to vector<16xf32>
    %select_n3A_3411 = arith.select %le3A_3406, %broadcast_in_dim3A_3409, %broadcast_in_dim3A_3410 : vector<16xi1>, vector<16xf32>
    %add3A_3412 = arith.addf %add3A_3405, %select_n3A_3411 : vector<16xf32>
    %le3A_3413 = arith.cmpf ole, %add3A_3364, %mul3A_3392 : vector<16xf32>
    %jit3A_3414 = arith.constant 1.000000e+00 : f32
    %jit3A_3415 = arith.constant 0.000000e+00 : f32
    %broadcast_in_dim3A_3416 = vector.broadcast %jit3A_3414 : f32 to vector<16xf32>
    %broadcast_in_dim3A_3417 = vector.broadcast %jit3A_3415 : f32 to vector<16xf32>
    %select_n3A_3418 = arith.select %le3A_3413, %broadcast_in_dim3A_3416, %broadcast_in_dim3A_3417 : vector<16xi1>, vector<16xf32>
    %add3A_3419 = arith.addf %add3A_3412, %select_n3A_3418 : vector<16xf32>
    %le3A_3420 = arith.cmpf ole, %add3A_3370, %mul3A_3392 : vector<16xf32>
    %jit3A_3421 = arith.constant 1.000000e+00 : f32
    %jit3A_3422 = arith.constant 0.000000e+00 : f32
    %broadcast_in_dim3A_3423 = vector.broadcast %jit3A_3421 : f32 to vector<16xf32>
    %broadcast_in_dim3A_3424 = vector.broadcast %jit3A_3422 : f32 to vector<16xf32>
    %select_n3A_3425 = arith.select %le3A_3420, %broadcast_in_dim3A_3423, %broadcast_in_dim3A_3424 : vector<16xi1>, vector<16xf32>
    %add3A_3426 = arith.addf %add3A_3419, %select_n3A_3425 : vector<16xf32>
    %le3A_3427 = arith.cmpf ole, %add3A_3376, %mul3A_3392 : vector<16xf32>
    %jit3A_3428 = arith.constant 1.000000e+00 : f32
    %jit3A_3429 = arith.constant 0.000000e+00 : f32
    %broadcast_in_dim3A_3430 = vector.broadcast %jit3A_3428 : f32 to vector<16xf32>
    %broadcast_in_dim3A_3431 = vector.broadcast %jit3A_3429 : f32 to vector<16xf32>
    %select_n3A_3432 = arith.select %le3A_3427, %broadcast_in_dim3A_3430, %broadcast_in_dim3A_3431 : vector<16xi1>, vector<16xf32>
    %add3A_3433 = arith.addf %add3A_3426, %select_n3A_3432 : vector<16xf32>
    %le3A_3434 = arith.cmpf ole, %add3A_3382, %mul3A_3392 : vector<16xf32>
    %jit3A_3435 = arith.constant 1.000000e+00 : f32
    %jit3A_3436 = arith.constant 0.000000e+00 : f32
    %broadcast_in_dim3A_3437 = vector.broadcast %jit3A_3435 : f32 to vector<16xf32>
    %broadcast_in_dim3A_3438 = vector.broadcast %jit3A_3436 : f32 to vector<16xf32>
    %select_n3A_3439 = arith.select %le3A_3434, %broadcast_in_dim3A_3437, %broadcast_in_dim3A_3438 : vector<16xi1>, vector<16xf32>
    %add3A_3440 = arith.addf %add3A_3433, %select_n3A_3439 : vector<16xf32>
    %le3A_3441 = arith.cmpf ole, %add3A_3388, %mul3A_3392 : vector<16xf32>
    %jit3A_3442 = arith.constant 1.000000e+00 : f32
    %jit3A_3443 = arith.constant 0.000000e+00 : f32
    %broadcast_in_dim3A_3444 = vector.broadcast %jit3A_3442 : f32 to vector<16xf32>
    %broadcast_in_dim3A_3445 = vector.broadcast %jit3A_3443 : f32 to vector<16xf32>
    %select_n3A_3446 = arith.select %le3A_3441, %broadcast_in_dim3A_3444, %broadcast_in_dim3A_3445 : vector<16xi1>, vector<16xf32>
    %add3A_3447 = arith.addf %add3A_3440, %select_n3A_3446 : vector<16xf32>
    %convert_element_type3A_3448 = arith.fptosi %add3A_3447 : vector<16xf32> to vector<16xi32>
    %swap3A_3449 = arith.constant 480 : index
    %swap3A_3450 = tpu.vector_load %arg7[%swap3A_3449] {strides = array<i32>} : memref<512xi32, #tpu.memory_space<vmem>>, vector<16xi32>,
    %swap3A_3451 = vector.shape_cast %swap3A_3450 : vector<16xi32> to vector<16xi32>
    %swap3A_3452 = vector.shape_cast %convert_element_type3A_3448 : vector<16xi32> to vector<16xi32>
    tpu.vector_store %arg7[%swap3A_3449], %swap3A_3452 {strides = array<i32>} : memref<512xi32, #tpu.memory_space<vmem>>, vector<16xi32>,
    %get3A_3453 = arith.constant 0 : i32
    %get3A_3454 = arith.index_cast %get3A_3453 : i32 to index
    %get3A_3455 = arith.constant 496 : index
    %get3A_3456 = tpu.vector_load %arg5[%get3A_3454, %get3A_3455] {strides = array<i32>} : memref<8x512xf32, #tpu.memory_space<vmem>>, vector<1x16xf32>,
    %get3A_3457 = vector.shape_cast %get3A_3456 : vector<1x16xf32> to vector<16xf32>
    %get3A_3458 = arith.constant 1 : i32
    %get3A_3459 = arith.index_cast %get3A_3458 : i32 to index
    %get3A_3460 = arith.constant 496 : index
    %get3A_3461 = tpu.vector_load %arg5[%get3A_3459, %get3A_3460] {strides = array<i32>} : memref<8x512xf32, #tpu.memory_space<vmem>>, vector<1x16xf32>,
    %get3A_3462 = vector.shape_cast %get3A_3461 : vector<1x16xf32> to vector<16xf32>
    %add3A_3463 = arith.addf %get3A_3457, %get3A_3462 : vector<16xf32>
    %get3A_3464 = arith.constant 2 : i32
    %get3A_3465 = arith.index_cast %get3A_3464 : i32 to index
    %get3A_3466 = arith.constant 496 : index
    %get3A_3467 = tpu.vector_load %arg5[%get3A_3465, %get3A_3466] {strides = array<i32>} : memref<8x512xf32, #tpu.memory_space<vmem>>, vector<1x16xf32>,
    %get3A_3468 = vector.shape_cast %get3A_3467 : vector<1x16xf32> to vector<16xf32>
    %add3A_3469 = arith.addf %add3A_3463, %get3A_3468 : vector<16xf32>
    %get3A_3470 = arith.constant 3 : i32
    %get3A_3471 = arith.index_cast %get3A_3470 : i32 to index
    %get3A_3472 = arith.constant 496 : index
    %get3A_3473 = tpu.vector_load %arg5[%get3A_3471, %get3A_3472] {strides = array<i32>} : memref<8x512xf32, #tpu.memory_space<vmem>>, vector<1x16xf32>,
    %get3A_3474 = vector.shape_cast %get3A_3473 : vector<1x16xf32> to vector<16xf32>
    %add3A_3475 = arith.addf %add3A_3469, %get3A_3474 : vector<16xf32>
    %get3A_3476 = arith.constant 4 : i32
    %get3A_3477 = arith.index_cast %get3A_3476 : i32 to index
    %get3A_3478 = arith.constant 496 : index
    %get3A_3479 = tpu.vector_load %arg5[%get3A_3477, %get3A_3478] {strides = array<i32>} : memref<8x512xf32, #tpu.memory_space<vmem>>, vector<1x16xf32>,
    %get3A_3480 = vector.shape_cast %get3A_3479 : vector<1x16xf32> to vector<16xf32>
    %add3A_3481 = arith.addf %add3A_3475, %get3A_3480 : vector<16xf32>
    %get3A_3482 = arith.constant 5 : i32
    %get3A_3483 = arith.index_cast %get3A_3482 : i32 to index
    %get3A_3484 = arith.constant 496 : index
    %get3A_3485 = tpu.vector_load %arg5[%get3A_3483, %get3A_3484] {strides = array<i32>} : memref<8x512xf32, #tpu.memory_space<vmem>>, vector<1x16xf32>,
    %get3A_3486 = vector.shape_cast %get3A_3485 : vector<1x16xf32> to vector<16xf32>
    %add3A_3487 = arith.addf %add3A_3481, %get3A_3486 : vector<16xf32>
    %get3A_3488 = arith.constant 6 : i32
    %get3A_3489 = arith.index_cast %get3A_3488 : i32 to index
    %get3A_3490 = arith.constant 496 : index
    %get3A_3491 = tpu.vector_load %arg5[%get3A_3489, %get3A_3490] {strides = array<i32>} : memref<8x512xf32, #tpu.memory_space<vmem>>, vector<1x16xf32>,
    %get3A_3492 = vector.shape_cast %get3A_3491 : vector<1x16xf32> to vector<16xf32>
    %add3A_3493 = arith.addf %add3A_3487, %get3A_3492 : vector<16xf32>
    %get3A_3494 = arith.constant 7 : i32
    %get3A_3495 = arith.index_cast %get3A_3494 : i32 to index
    %get3A_3496 = arith.constant 496 : index
    %get3A_3497 = tpu.vector_load %arg5[%get3A_3495, %get3A_3496] {strides = array<i32>} : memref<8x512xf32, #tpu.memory_space<vmem>>, vector<1x16xf32>,
    %get3A_3498 = vector.shape_cast %get3A_3497 : vector<1x16xf32> to vector<16xf32>
    %add3A_3499 = arith.addf %add3A_3493, %get3A_3498 : vector<16xf32>
    %get3A_3500 = arith.constant 496 : index
    %get3A_3501 = tpu.vector_load %arg6[%get3A_3500] {strides = array<i32>} : memref<512xf32, #tpu.memory_space<vmem>>, vector<16xf32>,
    %get3A_3502 = vector.shape_cast %get3A_3501 : vector<16xf32> to vector<16xf32>
    %mul3A_3503 = arith.mulf %get3A_3502, %add3A_3499 : vector<16xf32>
    %le3A_3504 = arith.cmpf ole, %get3A_3457, %mul3A_3503 : vector<16xf32>
    %jit3A_3505 = arith.constant 1.000000e+00 : f32
    %jit3A_3506 = arith.constant 0.000000e+00 : f32
    %broadcast_in_dim3A_3507 = vector.broadcast %jit3A_3505 : f32 to vector<16xf32>
    %broadcast_in_dim3A_3508 = vector.broadcast %jit3A_3506 : f32 to vector<16xf32>
    %select_n3A_3509 = arith.select %le3A_3504, %broadcast_in_dim3A_3507, %broadcast_in_dim3A_3508 : vector<16xi1>, vector<16xf32>
    %le3A_3510 = arith.cmpf ole, %add3A_3463, %mul3A_3503 : vector<16xf32>
    %jit3A_3511 = arith.constant 1.000000e+00 : f32
    %jit3A_3512 = arith.constant 0.000000e+00 : f32
    %broadcast_in_dim3A_3513 = vector.broadcast %jit3A_3511 : f32 to vector<16xf32>
    %broadcast_in_dim3A_3514 = vector.broadcast %jit3A_3512 : f32 to vector<16xf32>
    %select_n3A_3515 = arith.select %le3A_3510, %broadcast_in_dim3A_3513, %broadcast_in_dim3A_3514 : vector<16xi1>, vector<16xf32>
    %add3A_3516 = arith.addf %select_n3A_3509, %select_n3A_3515 : vector<16xf32>
    %le3A_3517 = arith.cmpf ole, %add3A_3469, %mul3A_3503 : vector<16xf32>
    %jit3A_3518 = arith.constant 1.000000e+00 : f32
    %jit3A_3519 = arith.constant 0.000000e+00 : f32
    %broadcast_in_dim3A_3520 = vector.broadcast %jit3A_3518 : f32 to vector<16xf32>
    %broadcast_in_dim3A_3521 = vector.broadcast %jit3A_3519 : f32 to vector<16xf32>
    %select_n3A_3522 = arith.select %le3A_3517, %broadcast_in_dim3A_3520, %broadcast_in_dim3A_3521 : vector<16xi1>, vector<16xf32>
    %add3A_3523 = arith.addf %add3A_3516, %select_n3A_3522 : vector<16xf32>
    %le3A_3524 = arith.cmpf ole, %add3A_3475, %mul3A_3503 : vector<16xf32>
    %jit3A_3525 = arith.constant 1.000000e+00 : f32
    %jit3A_3526 = arith.constant 0.000000e+00 : f32
    %broadcast_in_dim3A_3527 = vector.broadcast %jit3A_3525 : f32 to vector<16xf32>
    %broadcast_in_dim3A_3528 = vector.broadcast %jit3A_3526 : f32 to vector<16xf32>
    %select_n3A_3529 = arith.select %le3A_3524, %broadcast_in_dim3A_3527, %broadcast_in_dim3A_3528 : vector<16xi1>, vector<16xf32>
    %add3A_3530 = arith.addf %add3A_3523, %select_n3A_3529 : vector<16xf32>
    %le3A_3531 = arith.cmpf ole, %add3A_3481, %mul3A_3503 : vector<16xf32>
    %jit3A_3532 = arith.constant 1.000000e+00 : f32
    %jit3A_3533 = arith.constant 0.000000e+00 : f32
    %broadcast_in_dim3A_3534 = vector.broadcast %jit3A_3532 : f32 to vector<16xf32>
    %broadcast_in_dim3A_3535 = vector.broadcast %jit3A_3533 : f32 to vector<16xf32>
    %select_n3A_3536 = arith.select %le3A_3531, %broadcast_in_dim3A_3534, %broadcast_in_dim3A_3535 : vector<16xi1>, vector<16xf32>
    %add3A_3537 = arith.addf %add3A_3530, %select_n3A_3536 : vector<16xf32>
    %le3A_3538 = arith.cmpf ole, %add3A_3487, %mul3A_3503 : vector<16xf32>
    %jit3A_3539 = arith.constant 1.000000e+00 : f32
    %jit3A_3540 = arith.constant 0.000000e+00 : f32
    %broadcast_in_dim3A_3541 = vector.broadcast %jit3A_3539 : f32 to vector<16xf32>
    %broadcast_in_dim3A_3542 = vector.broadcast %jit3A_3540 : f32 to vector<16xf32>
    %select_n3A_3543 = arith.select %le3A_3538, %broadcast_in_dim3A_3541, %broadcast_in_dim3A_3542 : vector<16xi1>, vector<16xf32>
    %add3A_3544 = arith.addf %add3A_3537, %select_n3A_3543 : vector<16xf32>
    %le3A_3545 = arith.cmpf ole, %add3A_3493, %mul3A_3503 : vector<16xf32>
    %jit3A_3546 = arith.constant 1.000000e+00 : f32
    %jit3A_3547 = arith.constant 0.000000e+00 : f32
    %broadcast_in_dim3A_3548 = vector.broadcast %jit3A_3546 : f32 to vector<16xf32>
    %broadcast_in_dim3A_3549 = vector.broadcast %jit3A_3547 : f32 to vector<16xf32>
    %select_n3A_3550 = arith.select %le3A_3545, %broadcast_in_dim3A_3548, %broadcast_in_dim3A_3549 : vector<16xi1>, vector<16xf32>
    %add3A_3551 = arith.addf %add3A_3544, %select_n3A_3550 : vector<16xf32>
    %le3A_3552 = arith.cmpf ole, %add3A_3499, %mul3A_3503 : vector<16xf32>
    %jit3A_3553 = arith.constant 1.000000e+00 : f32
    %jit3A_3554 = arith.constant 0.000000e+00 : f32
    %broadcast_in_dim3A_3555 = vector.broadcast %jit3A_3553 : f32 to vector<16xf32>
    %broadcast_in_dim3A_3556 = vector.broadcast %jit3A_3554 : f32 to vector<16xf32>
    %select_n3A_3557 = arith.select %le3A_3552, %broadcast_in_dim3A_3555, %broadcast_in_dim3A_3556 : vector<16xi1>, vector<16xf32>
    %add3A_3558 = arith.addf %add3A_3551, %select_n3A_3557 : vector<16xf32>
    %convert_element_type3A_3559 = arith.fptosi %add3A_3558 : vector<16xf32> to vector<16xi32>
    %swap3A_3560 = arith.constant 496 : index
    %swap3A_3561 = tpu.vector_load %arg7[%swap3A_3560] {strides = array<i32>} : memref<512xi32, #tpu.memory_space<vmem>>, vector<16xi32>,
    %swap3A_3562 = vector.shape_cast %swap3A_3561 : vector<16xi32> to vector<16xi32>
    %swap3A_3563 = vector.shape_cast %convert_element_type3A_3559 : vector<16xi32> to vector<16xi32>
    tpu.vector_store %arg7[%swap3A_3560], %swap3A_3563 {strides = array<i32>} : memref<512xi32, #tpu.memory_space<vmem>>, vector<16xi32>,
    "tpu.region"() ({
      %run_scoped3A_3564 = tpu.sem_alloc : memref<!tpu.dma_semaphore, #tpu.memory_space<semaphore_mem>>
      %dma_start3A = tpu.memref_slice %arg4[%mul3A_2] : memref<16384xi32, #tpu.memory_space<hbm>> -> memref<512xi32, #tpu.memory_space<hbm>>
      %dma_start3A_3565 = tpu.memref_slice %arg4[%mul3A_2] : memref<16384xi32, #tpu.memory_space<hbm>> -> memref<512xi32, #tpu.memory_space<hbm>>
      tpu.enqueue_dma source(%arg7 : memref<512xi32, #tpu.memory_space<vmem>>) target(%dma_start3A_3565 : memref<512xi32, #tpu.memory_space<hbm>>) target_semaphore(%run_scoped3A_3564 : memref<!tpu.dma_semaphore, #tpu.memory_space<semaphore_mem>>)
      %dma_wait3A = tpu.memref_slice %arg4[%mul3A_2] : memref<16384xi32, #tpu.memory_space<hbm>> -> memref<512xi32, #tpu.memory_space<hbm>>
      %dma_wait3A_3566 = tpu.memref_slice %arg4[%mul3A_2] : memref<16384xi32, #tpu.memory_space<hbm>> -> memref<512xi32, #tpu.memory_space<hbm>>
      tpu.wait_dma2 semaphore(%run_scoped3A_3564 : memref<!tpu.dma_semaphore, #tpu.memory_space<semaphore_mem>>) src(%arg7 : memref<512xi32, #tpu.memory_space<vmem>>) dst(%dma_wait3A_3566 : memref<512xi32, #tpu.memory_space<hbm>>)
      tpu.yield
    }) : () -> ()
    return
  }
}

module attributes {stable_mosaic.version = 14 : i64} {
  func.func @_dense_body(%arg0: i32, %arg1: memref<500x1024xf32, #tpu.memory_space<vmem>>, %arg2: memref<500x500xf32, #tpu.memory_space<vmem>>, %arg3: memref<500x1xf32, #tpu.memory_space<vmem>>, %arg4: memref<8x500xf32, #tpu.memory_space<vmem>>, %arg5: memref<8x1xf32, #tpu.memory_space<vmem>>, %arg6: memref<8x1024xf32, #tpu.memory_space<vmem>>) attributes {dimension_semantics = [#tpu.dimension_semantics<arbitrary>], iteration_bounds = array<i64: 16>, scalar_prefetch = 0 : i64, scratch_operands = 0 : i64, tpu.core_type = #tpu.core_type<tc>, window_params = [{transform_indices = @transform_0, window_bounds = array<i64: 500, 1024>}, {pipeline_mode = #tpu.pipeline_mode<synchronous>, transform_indices = @transform_1, window_bounds = array<i64: 500, 500>}, {pipeline_mode = #tpu.pipeline_mode<synchronous>, transform_indices = @transform_2, window_bounds = array<i64: 500, 1>}, {pipeline_mode = #tpu.pipeline_mode<synchronous>, transform_indices = @transform_3, window_bounds = array<i64: 8, 500>}, {pipeline_mode = #tpu.pipeline_mode<synchronous>, transform_indices = @transform_4, window_bounds = array<i64: 8, 1>}, {transform_indices = @transform_5, window_bounds = array<i64: 8, 1024>}]} {
    %get3A = arith.constant 0 : index
    %get3A_0 = arith.constant 0 : index
    %get3A_1 = vector.load %arg1[%get3A, %get3A_0] : memref<500x1024xf32, #tpu.memory_space<vmem>>, vector<500x1024xf32>
    %get3A_2 = arith.constant 0 : index
    %get3A_3 = arith.constant 0 : index
    %get3A_4 = vector.load %arg2[%get3A_2, %get3A_3] : memref<500x500xf32, #tpu.memory_space<vmem>>, vector<500x500xf32>
    %dot_general3A = arith.constant dense<0.000000e+00> : vector<500x1024xf32>
    %dot_general3A_5 = tpu.matmul %get3A_4, %get3A_1, %dot_general3A {dimension_numbers = #tpu.dot_dimension_numbers<[0], [0], [1], [1], [0, 1, 1, 1], [], []>, transpose_lhs_hint = false} : vector<500x500xf32>, vector<500x1024xf32>, vector<500x1024xf32> -> vector<500x1024xf32>
    %get3A_6 = arith.constant 0 : index
    %get3A_7 = arith.constant 0 : index
    %get3A_8 = vector.load %arg3[%get3A_6, %get3A_7] : memref<500x1xf32, #tpu.memory_space<vmem>>, vector<500x1xf32>
    %add3A = vector.broadcast %get3A_8 : vector<500x1xf32> to vector<500x1024xf32>
    %add3A_9 = arith.addf %dot_general3A_5, %add3A : vector<500x1024xf32>
    %max3A = arith.constant 0.000000e+00 : f32
    %max3A_10 = vector.broadcast %max3A : f32 to vector<500x1024xf32>
    %max3A_11 = arith.maximumf %add3A_9, %max3A_10 : vector<500x1024xf32>
    %get3A_12 = arith.constant 0 : index
    %get3A_13 = arith.constant 0 : index
    %get3A_14 = vector.load %arg4[%get3A_12, %get3A_13] : memref<8x500xf32, #tpu.memory_space<vmem>>, vector<8x500xf32>
    %dot_general3A_15 = arith.constant dense<0.000000e+00> : vector<8x1024xf32>
    %dot_general3A_16 = tpu.matmul %get3A_14, %max3A_11, %dot_general3A_15 {dimension_numbers = #tpu.dot_dimension_numbers<[1], [0], [0], [1], [0, 0, 1, 1], [], []>, transpose_lhs_hint = false} : vector<8x500xf32>, vector<500x1024xf32>, vector<8x1024xf32> -> vector<8x1024xf32>
    %get3A_17 = arith.constant 0 : index
    %get3A_18 = arith.constant 0 : index
    %get3A_19 = vector.load %arg5[%get3A_17, %get3A_18] : memref<8x1xf32, #tpu.memory_space<vmem>>, vector<8x1xf32>
    %add3A_20 = vector.broadcast %get3A_19 : vector<8x1xf32> to vector<8x1024xf32>
    %add3A_21 = arith.addf %dot_general3A_16, %add3A_20 : vector<8x1024xf32>
    %reduce_max3A = arith.constant dense<0xFF800000> : vector<1024xf32>
    %reduce_max3A_22 = vector.multi_reduction <maximumf>, %add3A_21, %reduce_max3A [0] : vector<8x1024xf32> to vector<1024xf32>
    %broadcast_in_dim3A = vector.shape_cast %reduce_max3A_22 : vector<1024xf32> to vector<1x1024xf32>
    %sub3A = vector.broadcast %broadcast_in_dim3A : vector<1x1024xf32> to vector<8x1024xf32>
    %sub3A_23 = arith.subf %add3A_21, %sub3A : vector<8x1024xf32>
    %exp3A = math.exp %sub3A_23 : vector<8x1024xf32>
    %reduce_sum3A = arith.constant dense<0.000000e+00> : vector<1024xf32>
    %reduce_sum3A_24 = vector.multi_reduction <add>, %exp3A, %reduce_sum3A [0] : vector<8x1024xf32> to vector<1024xf32>
    %broadcast_in_dim3A_25 = vector.shape_cast %reduce_sum3A_24 : vector<1024xf32> to vector<1x1024xf32>
    %div3A = vector.broadcast %broadcast_in_dim3A_25 : vector<1x1024xf32> to vector<8x1024xf32>
    %div3A_26 = arith.divf %exp3A, %div3A : vector<8x1024xf32>
    %add3A_27 = arith.constant 9.99999968E-21 : f32
    %add3A_28 = vector.broadcast %add3A_27 : f32 to vector<8x1024xf32>
    %add3A_29 = arith.addf %div3A_26, %add3A_28 : vector<8x1024xf32>
    %log3A = math.log %add3A_29 : vector<8x1024xf32>
    %reduce_max3A_30 = arith.constant dense<0xFF800000> : vector<1024xf32>
    %reduce_max3A_31 = vector.multi_reduction <maximumf>, %log3A, %reduce_max3A_30 [0] : vector<8x1024xf32> to vector<1024xf32>
    %broadcast_in_dim3A_32 = vector.shape_cast %reduce_max3A_31 : vector<1024xf32> to vector<1x1024xf32>
    %sub3A_33 = vector.broadcast %broadcast_in_dim3A_32 : vector<1x1024xf32> to vector<8x1024xf32>
    %sub3A_34 = arith.subf %log3A, %sub3A_33 : vector<8x1024xf32>
    %exp3A_35 = math.exp %sub3A_34 : vector<8x1024xf32>
    %swap3A = arith.constant 0 : index
    %swap3A_36 = arith.constant 0 : index
    %swap3A_37 = vector.load %arg6[%swap3A, %swap3A_36] : memref<8x1024xf32, #tpu.memory_space<vmem>>, vector<8x1024xf32>
    tpu.vector_store %arg6[%swap3A, %swap3A_36], %exp3A_35 {strides = array<i32>} : memref<8x1024xf32, #tpu.memory_space<vmem>>, vector<8x1024xf32>,
    return
  }
  func.func @transform_0(%arg0: i32) -> (i32, i32) {
    %c0_i32 = arith.constant 0 : i32
    %c0_i32_0 = arith.constant 0 : i32
    return %c0_i32, %arg0 : i32, i32
  }
  func.func @transform_1(%arg0: i32) -> (i32, i32) {
    %c0_i32 = arith.constant 0 : i32
    %c0_i32_0 = arith.constant 0 : i32
    %c0_i32_1 = arith.constant 0 : i32
    return %c0_i32, %c0_i32_0 : i32, i32
  }
  func.func @transform_2(%arg0: i32) -> (i32, i32) {
    %c0_i32 = arith.constant 0 : i32
    %c0_i32_0 = arith.constant 0 : i32
    %c0_i32_1 = arith.constant 0 : i32
    return %c0_i32, %c0_i32_0 : i32, i32
  }
  func.func @transform_3(%arg0: i32) -> (i32, i32) {
    %c0_i32 = arith.constant 0 : i32
    %c0_i32_0 = arith.constant 0 : i32
    %c0_i32_1 = arith.constant 0 : i32
    return %c0_i32, %c0_i32_0 : i32, i32
  }
  func.func @transform_4(%arg0: i32) -> (i32, i32) {
    %c0_i32 = arith.constant 0 : i32
    %c0_i32_0 = arith.constant 0 : i32
    %c0_i32_1 = arith.constant 0 : i32
    return %c0_i32, %c0_i32_0 : i32, i32
  }
  func.func @transform_5(%arg0: i32) -> (i32, i32) {
    %c0_i32 = arith.constant 0 : i32
    %c0_i32_0 = arith.constant 0 : i32
    return %c0_i32, %arg0 : i32, i32
  }
}

</mosaic_0001>

<sc_bundles>
// kernel: kernel.4.cloned.1.call-start
scs
__scs_entry_jumppad:
0x0: {  	(pc) =	sbr.rel $0x88, $3  }
0x1: {  	(tag) =	ssettag $0x0;
	lr =	simm.s32 $0x1  }
0x2: {  	[smem:$0x3F9B] =	sst lr;
	_ =	strace $0xD0000000  }
0x3: {  	_ = 	snop  }
0x4: {  	_ = 	snop  }
0x5: {  	_ = 	snop  }
0x6: {  	_ = 	snop  }
0x7: {  	_ = 	snop  }
__scs_overlays_trampoline_lowered:
0x8: {  	[smem:$0x3FAA] =	sst s0  }
0x9: {  	[smem:$0x3FAB] =	sst s1  }
0xa: {  	[smem:$0x3FAC] =	sst s2  }
0xb: {  	[smem:$0x3FAD] =	sst s3  }
0xc: {  	[smem:$0x3FAE] =	sst s4  }
0xd: {  	[smem:$0x3FAF] =	sst s5  }
0xe: {  	[smem:$0x3FB0] =	sst s6  }
0xf: {  	[smem:$0x3FB1] =	sst s7  }
0x10: {  	[smem:$0x3FB2] =	sst s8  }
0x11: {  	[smem:$0x3FB3] =	sst s9;
	s0 =	simm.s32 @!p0 $0x0  }
0x12: {  	s1 =	sld [smem:$0x3F99];
	s0 =	simm.s32 @p0 $0x1  }
0x13: {  	[smem:$0x3FB4] =	sst s0;
	s0 =	simm.s32 @!p1 $0x0  }
0x14: {  	s2 =	sld [smem:$0x3F98];
	s0 =	simm.s32 @p1 $0x1  }
0x15: {  	[smem:$0x3FB5] =	sst s0;
	s0 =	simm.s32 @!p2 $0x0  }
0x16: {  	s3 =	sld [smem:$0x3FDB];
	s0 =	simm.s32 @p2 $0x1  }
0x17: {  	s4 =	simm.s32 $0x1BF5;
	[smem:$0x3FB7] =	sst s0  }
0x18: {  	s0 =	sld [smem:$0x3F9A];
	_ =	swait.ge [sflag:s4], $0x0  }
0x19: {  	s7 =	sld [smem:$0x3F9B]  }
0x1a: {  	s8 =	sadd.s32 $0xFFFFE003, lr  }
0x1b: {  	s9 =	sadd.s32 $0xFFFFFEF7, lr;
	s5 =	simm.s32 $0xFFFFFFFF;
	p2 =	slt.u32 s8, $0xFFFFF086  }
0x1c: {  	p1 =	slt.u32 s9, $0xF7A;
	s5 =	simm.s32 @!p2 $0x0  }
0x1d: {  	s5 =	simm.s32 @p1 $0x1;
	p0 =	seq.s32 s7, s2  }
0x1e: {  	s7 =	smul.u32 @!p0 $0xF7A, s2;
	p2 =	seq.s32 @!p0 s5, $0x0  }
0x1f: {  	s9 =	smul.u32 $0xF7A, s1;
	s8 =	simm.s32 @!p0 $0x1BF5;
	p2 =	por !p2, p0  }
0x20: {  	[sflag:s8] =	ssyncset.s32 @!p0 $0xFFFFF086;
	s6 =	sadd.s32 @!p0 s3, s7;
	s7 =	simm.s32 @!p0 $0x108  }
0x21: {  	s3 =	sadd.s32 s3, s9;
	s6 =	sadd.s32 @!p0 $0x88, s6;
	s7 =	simm.s32 @p2 $0x1082  }
0x22: {  	[simem:s7], [sflag:s8] =	dma.local @!p0 [hbm:s6], $0xF7A  }
0x23: {  	s9 =	sor.u32 $0xD0000000, s2;
	s6 =	simm.s32 $0x108;
	_ =	swait.ge @!p0 [sflag:s8], $0x0  }
0x24: {  	s3 =	sadd.s32 $0x88, s3;
	s6 =	simm.s32 @!p1 $0x1082;
	[sflag:s4] =	ssyncset.s32 $0xFFFFF086  }
0x25: {  	[simem:s6], [sflag:s4] =	dma.local [hbm:s3], $0xF7A  }
0x26: {  	[smem:$0x3F9B] =	sst s1;
	(tag) =	ssettag s2;
	_ =	strace s9  }
0x27: {  	s1 =	sld [smem:$0x3FAB]  }
0x28: {  	s2 =	sld [smem:$0x3FAC]  }
0x29: {  	s4 =	sld [smem:$0x3FAE]  }
0x2a: {  	p0 =	seq.s32 s5, $0x0;
	s5 =	sld [smem:$0x3FAF]  }
0x2b: {  	s6 =	sld [smem:$0x3FB0]  }
0x2c: {  	s7 =	sld [smem:$0x3FB1]  }
0x2d: {  	s3 =	simm.s32 $0x108;
	s8 =	sld [smem:$0x3FB2]  }
0x2e: {  	s3 =	simm.s32 @!p0 $0x1082;
	s9 =	sld [smem:$0x3FB3]  }
0x2f: {  	lr =	sadd.s32 s0, s3;
	s0 =	sld [smem:$0x3FAA]  }
0x30: {  	s3 =	sld [smem:$0x3FAD]  }
0x31: {  	[smem:$0x3FB6] =	sst s10  }
0x32: {  	s10 =	sld [smem:$0x3FB4];
	_ =	sdelay $0x3  }
0x33: {  	p0 =	seq.s32 s10, $0x1;
	s10 =	sld [smem:$0x3FB6];
	_ =	sdelay $0x3  }
0x34: {  	[smem:$0x3FB6] =	sst s10  }
0x35: {  	s10 =	sld [smem:$0x3FB5];
	_ =	sdelay $0x3  }
0x36: {  	p1 =	seq.s32 s10, $0x1;
	s10 =	sld [smem:$0x3FB6];
	_ =	sdelay $0x3  }
0x37: {  	[smem:$0x3FB6] =	sst s10  }
0x38: {  	s10 =	sld [smem:$0x3FB7]  }
0x39: {  	_ = 	snop;
	(pc) =	sbr.ind lr, $3  }
0x3a: {  	_ = 	snop  }
0x3b: {  	_ = 	snop  }
0x3c: {  	p2 =	seq.s32 s10, $0x1;
	s10 =	sld [smem:$0x3FB6]  }
0x3d: {  	_ =	shalt  }
0x3e: {  	_ =	shalt  }
0x3f: {  	_ =	shalt  }
0x40: {  	_ =	shalt  }
0x41: {  	_ =	shalt  }
0x42: {  	_ =	shalt  }
0x43: {  	_ =	shalt  }
0x44: {  	_ =	shalt  }
0x45: {  	_ =	shalt  }
0x46: {  	_ =	shalt  }
0x47: {  	_ =	shalt  }
0x48: {  	_ =	shalt  }
0x49: {  	_ =	shalt  }
0x4a: {  	_ =	shalt  }
0x4b: {  	_ =	shalt  }
0x4c: {  	_ =	shalt  }
0x4d: {  	_ =	shalt  }
0x4e: {  	_ =	shalt  }
0x4f: {  	_ =	shalt  }
0x50: {  	_ =	shalt  }
0x51: {  	_ =	shalt  }
0x52: {  	_ =	shalt  }
0x53: {  	_ =	shalt  }
0x54: {  	_ =	shalt  }
0x55: {  	_ =	shalt  }
0x56: {  	_ =	shalt  }
0x57: {  	_ =	shalt  }
0x58: {  	_ =	shalt  }
0x59: {  	_ =	shalt  }
0x5a: {  	_ =	shalt  }
0x5b: {  	_ =	shalt  }
0x5c: {  	_ =	shalt  }
0x5d: {  	_ =	shalt  }
0x5e: {  	_ =	shalt  }
0x5f: {  	_ =	shalt  }
0x60: {  	_ =	shalt  }
0x61: {  	_ =	shalt  }
0x62: {  	_ =	shalt  }
0x63: {  	_ =	shalt  }
0x64: {  	_ =	shalt  }
0x65: {  	_ =	shalt  }
0x66: {  	_ =	shalt  }
0x67: {  	_ =	shalt  }
0x68: {  	_ =	shalt  }
0x69: {  	_ =	shalt  }
0x6a: {  	_ =	shalt  }
0x6b: {  	_ =	shalt  }
0x6c: {  	_ =	shalt  }
0x6d: {  	_ =	shalt  }
0x6e: {  	_ =	shalt  }
0x6f: {  	_ =	shalt  }
0x70: {  	_ =	shalt  }
0x71: {  	_ =	shalt  }
0x72: {  	_ =	shalt  }
0x73: {  	_ =	shalt  }
0x74: {  	_ =	shalt  }
0x75: {  	_ =	shalt  }
0x76: {  	_ =	shalt  }
0x77: {  	_ =	shalt  }
0x78: {  	_ =	shalt  }
0x79: {  	_ =	shalt  }
0x7a: {  	_ =	shalt  }
0x7b: {  	_ =	shalt  }
0x7c: {  	_ =	shalt  }
0x7d: {  	_ =	shalt  }
0x7e: {  	_ =	shalt  }
0x7f: {  	_ =	shalt  }
0x80: {  	_ =	shalt  }
0x81: {  	_ =	shalt  }
0x82: {  	_ =	shalt  }
0x83: {  	_ =	shalt  }
0x84: {  	_ =	shalt  }
0x85: {  	_ =	shalt  }
0x86: {  	_ =	shalt  }
0x87: {  	_ =	shalt  }
.Lfunc_end0:
.L_simem_size_0:
called_computation_lowered:
.L_overlay_start_0:
0x88: {  	s2 =	sld [smem:$0x3FD9]  }
0x89: {  	s3 =	sld [smem:$0x3FFE];
	_ =	sdelay $0x1  }
0x8a: {  	s1 =	srdreg.scid  }
0x8b: {  	s0 =	sand.u32 $0x1, s1  }
0x8c: {  	s17 =	sshll.u32 s0, $0xA;
	s2 =	sadd.s32 s3, s2  }
0x8d: {  	s2 =	sadd.s32 s2, s17  }
0x8e: {  	[smem:$0x3FC2] =	sst s2  }
0x8f: {  	_ = 	snop  }
0x90: {  	s2 =	sld [smem:$0x3FC8]  }
0x91: {  	s18 =	sld [smem:$0x3FD0];
	(tm) =	ssettm $0x1  }
0x92: {  	s4 =	sld [smem:$0x3FFB];
	_ =	sdelay $0x3  }
0x93: {  	_ =	strace s4  }
0x94: {  	s4 =	sld [smem:$0x3FFC];
	_ =	sdelay $0x3  }
0x95: {  	_ =	strace s4  }
0x96: {  	s4 =	sld [smem:$0x3FFD];
	_ =	sdelay $0x3  }
0x97: {  	_ =	strace s4  }
0x98: {  	_ =	strace $0x8FFFFFFF  }
0x99: {  	s19 =	sld [smem:$0x3FDB];
	_ =	sdelay $0x1  }
0x9a: {  	s5 =	simm.s32 $_scs_section_size  }
0x9b: {  	s6 =	simm.s32 $_size__tile_overlayer_lowered;
	s7 =	simm.s32 $_tile_overlayer_lowered  }
0x9c: {  	s22 =	simm.s32 $0x1BFF;
	s21 =	sshll.u32 s7, $0x1;
	s4 =	sadd.s32 s5, s19  }
0x9d: {  	s8 =	simm.s32 $0x0;
	s20 =	sshll.u32 s6, $0x1;
	s6 =	sadd.s32 s21, s4  }
0x9e: {  	[timem:s8], [sflag:s22] =	dma.local [hbm:s6], s20  }
0x9f: {  	_ =	swait.ge [sflag:s22], s20  }
0xa0: {  	s5 =	ssub.s32 $0x0, s20;
	[sflag:s22] =	ssyncset.done $0x0  }
0xa1: {  	[sflag:s22] =	ssyncadd.s32 s5;
	_ =	sdelay $0x1  }
0xa2: {  	s23 =	simm.s32 $0x1B8B  }
0xa3: {  	_ =	swait.ge [sflag:s23], $0x1  }
0xa4: {  	[sflag:s23] =	ssyncset.done $0x0  }
0xa5: {  	s25 =	simm.s32 $0x1B8E;
	s24 =	sld [smem:$0x3FFE];
	[sflag:s23] =	ssyncadd.s32 $0xFFFFFFFF  }
0xa6: {  	s26 =	simm.s32 $execute0_lowered;
	[smem:$0x3FD2] =	sst s25  }
0xa7: {  	s6 =	sshll.u32 s26, $0x1;
	_ =	strace $0x80000046;
	[dreg:$0x1] =	wrdreg $0xFFFFFFFF  }
0xa8: {  	s28 =	simm.s32 $_size_execute0_lowered;
	s4 =	sadd.s32 s4, s6;
	[dreg:$0x0] =	wrdreg $0x0  }
0xa9: {  	s6 =	sshll.u32 s28, $0x1;
	[dreg:$0x2] =	wrdreg s4  }
0xaa: {  	[dreg:$0x3] =	wrdreg s6  }
0xab: {  	[dreg:$0x4] =	wrdreg $0xC0  }
0xac: {  	_ =	task [dreg:s8], $0x5FFFF  }
0xad: {  	[dreg:$0x1] =	wrdreg $0xFFFFFFFF  }
0xae: {  	[dreg:$0x0] =	wrdreg $0x60  }
0xaf: {  	[dreg:$0x2] =	wrdreg s24  }
0xb0: {  	[dreg:$0x3] =	wrdreg s2  }
0xb1: {  	[dreg:$0x4] =	wrdreg s18  }
0xb2: {  	[dreg:$0x5] =	wrdreg $0x9  }
0xb3: {  	_ =	task.clear_ibuf [dreg:s8], $0x6FFFF;
	_ =	strace $0x90000046  }
0xb4: {  	s29 =	simm.s32 $0x9;
	_ =	strace $0x80000048  }
0xb5: {  	_ =	swait.ge [sflag:s29], $0x1  }
0xb6: {  	[sflag:s29] =	ssyncadd.s32 $0xFFFFFFFF  }
0xb7: {  	_ =	strace $0x90000048  }
0xb8: {  	_ =	sfence  }
0xb9: {  	s30 =	sld [smem:$0x0];
	_ =	sdelay $0x2  }
0xba: {  	s31 =	sshll.u32 s1, $0xD;
	s1 =	sshrl.u32 s1, $0x2  }
0xbb: {  	s3 =	sand.u32 $0x4000, s31;
	s1 =	sadd.s32 s1, s30  }
0xbc: {  	s0 =	sor.u32 s3, s0;
	s1 =	sshll.u32 s1, $0x11  }
0xbd: {  	s0 =	sor.u32 s1, s0  }
0xbe: {  	s0 =	sadd.s32 $0x8F2B, s0  }
0xbf: {  	[sflag:s0] =	ssyncadd.remote.s32 $0x1  }
0xc0: {  	_ =	sfence.sel $0xFFFF  }
0xc1: {  	[dreg:$0x0] =	wrdreg $0xFFFFFFFF;
	(pc) =	sbr.abs _section_cstart, $3  }
0xc2: {  	[dreg:$0x1] =	wrdreg $0xFFFFFFFF  }
0xc3: {  	_ =	task.clear_ibuf [dreg:s8], $0x2FFFF;
	_ =	strace $0x9FFFFFFF  }
0xc4: {  	(tm) =	ssettm $0x7FFFFFFF  }
0xc5: {  	_ =	shalt  }
tec
execute0_lowered:
.L_overlay_start_1:
0x0: {  	(tag) =	ssettag $0x1  }
0x1: {  	s3 =	rddreg [dreg:$0x0]  }
0x2: {  	s5 =	rddreg [dreg:$0x1]  }
0x3: {  	s1 =	srdreg.scid;
	s6 =	rddreg [dreg:$0x2]  }
0x4: {  	s2 =	simm.s32 $0x0;
	s4 =	sand.u32 $0x1, s1;
	s1 =	rddreg [dreg:$0x3]  }
0x5: {  	s25 =	simm.s32 $0x400;
	[smem:$0x7FF] =	sst s2  }
0x6: {  	s26 =	simm.s32 $0x800;
	_ =	strace $0x80000047;
	[dreg:$0xa] =	wrdreg s25  }
0x7: {  	s28 =	simm.s32 $0xC00;
	[dreg:$0xb] =	wrdreg s26  }
0x8: {  	s29 =	simm.s32 $0x80;
	[dreg:$0xc] =	wrdreg s28  }
0x9: {  	s31 =	simm.s32 $0x480;
	[dreg:$0xd] =	wrdreg s29  }
0xa: {  	s10 =	simm.s32 $0xC80;
	[dreg:$0xf] =	wrdreg s31  }
0xb: {  	s11 =	simm.s32 $0x100;
	[dreg:$0x13] =	wrdreg s10  }
0xc: {  	s12 =	simm.s32 $0x500;
	[dreg:$0x14] =	wrdreg s11  }
0xd: {  	s13 =	simm.s32 $0x900;
	[dreg:$0x15] =	wrdreg s12  }
0xe: {  	s14 =	simm.s32 $0xD00;
	[dreg:$0x16] =	wrdreg s13  }
0xf: {  	s15 =	simm.s32 $0x180;
	[dreg:$0x17] =	wrdreg s14  }
0x10: {  	s16 =	simm.s32 $0x580;
	[dreg:$0x18] =	wrdreg s15  }
0x11: {  	s17 =	simm.s32 $0x980;
	[dreg:$0x19] =	wrdreg s16  }
0x12: {  	s18 =	simm.s32 $0xD80;
	[dreg:$0x1a] =	wrdreg s17  }
0x13: {  	s19 =	simm.s32 $0x200;
	[dreg:$0x1b] =	wrdreg s18  }
0x14: {  	[dreg:$0x1c] =	wrdreg s19;
	s25 =	simm.s32 $0x680  }
0x15: {  	s26 =	simm.s32 $0xA80;
	[smem:$0x7F6] =	sst s25  }
0x16: {  	s0 =	stileid.u32;
	s28 =	simm.s32 $0xE80;
	[smem:$0x7F7] =	sst s26  }
0x17: {  	s7 =	sshll.u32 s0, $0xA;
	s11 =	simm.s32 $0x300;
	[smem:$0x7F8] =	sst s28  }
0x18: {  	s8 =	sshll.u32 s4, $0x9;
	s29 =	simm.s32 $0x700;
	[smem:$0x7F9] =	sst s11  }
0x19: {  	s12 =	simm.s32 $0xF00;
	s7 =	sor.u32 s8, s7;
	[smem:$0x7FA] =	sst s29  }
0x1a: {  	s31 =	simm.s32 $0x380;
	[smem:$0x7FC] =	sst s12;
	s9 =	sadd.s32 s7, s3  }
0x1b: {  	[smem:$0x7FD] =	sst s31;
	s7 =	sshrl.u32 s7, $0x3;
	s3 =	sadd.s32 $0xA00, s9  }
0x1c: {  	s20 =	sadd.s32 s5, s7;
	[dreg:$0x6] =	wrdreg s3  }
0x1d: {  	s21 =	sadd.s32 s6, s7;
	[dreg:$0x4] =	wrdreg s20  }
0x1e: {  	s4 =	ssub.s32 $0x2, s4;
	s22 =	sadd.s32 $0xA80, s9;
	[dreg:$0x5] =	wrdreg s21  }
0x1f: {  	s13 =	simm.s32 $0xB80;
	s23 =	sadd.s32 $0xB00, s9;
	[dreg:$0x7] =	wrdreg s22  }
0x20: {  	s14 =	simm.s32 $0xF80;
	s24 =	sadd.s32 $0xB80, s9;
	[dreg:$0x8] =	wrdreg s23  }
0x21: {  	s15 =	simm.s32 $0x1000;
	s7 =	simm.s32 $0x880;
	[dreg:$0x9] =	wrdreg s24  }
0x22: {  	s16 =	simm.s32 $0x1200;
	[dreg:$0x11] =	wrdreg s7;
	s20 =	simm.s32 $0x600  }
0x23: {  	s11 =	simm.s32 $0x1;
	s21 =	simm.s32 $0xA00;
	[dreg:$0x1d] =	wrdreg s20  }
0x24: {  	s12 =	simm.s32 $0x780;
	s23 =	simm.s32 $0xE00;
	[dreg:$0x1e] =	wrdreg s21  }
0x25: {  	s3 =	sadd.s32 $0xA10, s9;
	s24 =	simm.s32 $0x280;
	[dreg:$0x1f] =	wrdreg s23  }
0x26: {  	s5 =	sadd.s32 $0xA30, s9;
	s30 =	sadd.s32 $0x80, s3;
	[smem:$0x7F5] =	sst s24  }
0x27: {  	s22 =	sshrl.u32 s4, $0x1;
	s6 =	sadd.s32 $0x100, s3;
	[dreg:$0xe] =	wrdreg s30  }
0x28: {  	s7 =	sadd.s32 $0xA50, s9;
	s8 =	sadd.s32 $0x180, s3;
	[dreg:$0x10] =	wrdreg s6  }
0x29: {  	s10 =	ssub.s32 s4, s22;
	s4 =	sadd.s32 $0xA20, s9;
	[dreg:$0x12] =	wrdreg s8  }
0x2a: {  	s6 =	sadd.s32 $0xA40, s9;
	s8 =	sadd.s32 $0xA60, s9;
	s30 =	simm.s32 $0xB00  }
0x2b: {  	v0 =	vimm.f32 $0.0e+00;
	s9 =	sadd.s32 $0xA70, s9;
	s10 =	smax.u32 s10, $0x1;
	[smem:$0x7FB] =	sst s30  }
.LBB2_1:
0x2c: {  	s17 =	rddreg [dreg:$0x6]  }
0x2d: {  	s18 =	rddreg [dreg:$0x7]  }
0x2e: {  	s19 =	rddreg [dreg:$0xa]  }
0x2f: {  	s29 =	rddreg [dreg:$0x8]  }
0x30: {  	[tilespmem:s2], [sflag:$0x1] =	stream.linear.gather [hbm4b:s17+s2], $0x80, $0x38;
	[tilespmem:$0x1400] =	vst v63  }
0x31: {  	s30 =	rddreg [dreg:$0xb]  }
0x32: {  	[tilespmem:s19], [sflag:$0x1] =	stream.linear.gather [hbm4b:s18+s2], $0x80, $0x38;
	[tilespmem:$0x1400] =	vst v63  }
0x33: {  	s31 =	rddreg [dreg:$0x9]  }
0x34: {  	[tilespmem:s30], [sflag:$0x1] =	stream.linear.gather [hbm4b:s29+s2], $0x80, $0x38;
	[tilespmem:$0x1400] =	vst v63  }
0x35: {  	s20 =	rddreg [dreg:$0xc]  }
0x36: {  	[tilespmem:s20], [sflag:$0x1] =	stream.linear.gather [hbm4b:s31+s2], $0x80, $0x38;
	[tilespmem:$0x1400] =	vst v63  }
0x37: {  	_ =	swait.ge [sflag:s11], $0x200  }
0x38: {  	s20 =	rddreg [dreg:$0xd]  }
0x39: {  	s21 =	rddreg [dreg:$0xe]  }
0x3a: {  	[sflag:s11] =	ssyncset.done $0x0;
	s22 =	rddreg [dreg:$0xf]  }
0x3b: {  	s23 =	rddreg [dreg:$0x10];
	[sflag:s11] =	ssyncadd.s32 $0xFFFFFE00  }
0x3c: {  	[tilespmem:s20], [sflag:$0x1] =	stream.linear.gather [hbm4b:s3+s2], $0x80, $0x38;
	[tilespmem:$0x1400] =	vst v63  }
0x3d: {  	s24 =	rddreg [dreg:$0x11]  }
0x3e: {  	[tilespmem:s22], [sflag:$0x1] =	stream.linear.gather [hbm4b:s21+s2], $0x80, $0x38;
	[tilespmem:$0x1400] =	vst v63  }
0x3f: {  	s25 =	rddreg [dreg:$0x12]  }
0x40: {  	[tilespmem:s24], [sflag:$0x1] =	stream.linear.gather [hbm4b:s23+s2], $0x80, $0x38;
	[tilespmem:$0x1400] =	vst v63  }
0x41: {  	s26 =	rddreg [dreg:$0x13]  }
0x42: {  	[tilespmem:s26], [sflag:$0x1] =	stream.linear.gather [hbm4b:s25+s2], $0x80, $0x38;
	[tilespmem:$0x1400] =	vst v63  }
0x43: {  	_ =	swait.ge [sflag:s11], $0x200  }
0x44: {  	[sflag:s11] =	ssyncset.done $0x0  }
0x45: {  	s28 =	rddreg [dreg:$0x14];
	[sflag:s11] =	ssyncadd.s32 $0xFFFFFE00  }
0x46: {  	[tilespmem:s28], [sflag:$0x1] =	stream.linear.gather [hbm4b:s4+s2], $0x80, $0x38;
	[tilespmem:$0x1400] =	vst v63  }
0x47: {  	s30 =	sadd.s32 $0x80, s4;
	s29 =	rddreg [dreg:$0x15]  }
0x48: {  	[tilespmem:s29], [sflag:$0x1] =	stream.linear.gather [hbm4b:s30+s2], $0x80, $0x38;
	[tilespmem:$0x1400] =	vst v63  }
0x49: {  	s18 =	sadd.s32 $0x100, s4;
	s31 =	rddreg [dreg:$0x16]  }
0x4a: {  	[tilespmem:s31], [sflag:$0x1] =	stream.linear.gather [hbm4b:s18+s2], $0x80, $0x38;
	[tilespmem:$0x1400] =	vst v63  }
0x4b: {  	s21 =	sadd.s32 $0x180, s4;
	s20 =	rddreg [dreg:$0x17]  }
0x4c: {  	[tilespmem:s20], [sflag:$0x1] =	stream.linear.gather [hbm4b:s21+s2], $0x80, $0x38;
	[tilespmem:$0x1400] =	vst v63  }
0x4d: {  	_ =	swait.ge [sflag:s11], $0x200  }
0x4e: {  	[sflag:s11] =	ssyncset.done $0x0  }
0x4f: {  	s22 =	rddreg [dreg:$0x18];
	[sflag:s11] =	ssyncadd.s32 $0xFFFFFE00  }
0x50: {  	[tilespmem:s22], [sflag:$0x1] =	stream.linear.gather [hbm4b:s5+s2], $0x80, $0x38;
	[tilespmem:$0x1400] =	vst v63  }
0x51: {  	s24 =	sadd.s32 $0x80, s5;
	s23 =	rddreg [dreg:$0x19]  }
0x52: {  	[tilespmem:s23], [sflag:$0x1] =	stream.linear.gather [hbm4b:s24+s2], $0x80, $0x38;
	[tilespmem:$0x1400] =	vst v63  }
0x53: {  	s26 =	sadd.s32 $0x100, s5;
	s25 =	rddreg [dreg:$0x1a]  }
0x54: {  	[tilespmem:s25], [sflag:$0x1] =	stream.linear.gather [hbm4b:s26+s2], $0x80, $0x38;
	[tilespmem:$0x1400] =	vst v63  }
0x55: {  	s29 =	sadd.s32 $0x180, s5;
	s28 =	rddreg [dreg:$0x1b]  }
0x56: {  	[tilespmem:s28], [sflag:$0x1] =	stream.linear.gather [hbm4b:s29+s2], $0x80, $0x38;
	[tilespmem:$0x1400] =	vst v63  }
0x57: {  	_ =	swait.ge [sflag:s11], $0x200  }
0x58: {  	[sflag:s11] =	ssyncset.done $0x0  }
0x59: {  	s30 =	rddreg [dreg:$0x1c];
	[sflag:s11] =	ssyncadd.s32 $0xFFFFFE00  }
0x5a: {  	[tilespmem:s30], [sflag:$0x1] =	stream.linear.gather [hbm4b:s6+s2], $0x80, $0x38;
	[tilespmem:$0x1400] =	vst v63  }
0x5b: {  	s19 =	sadd.s32 $0x80, s6;
	s31 =	rddreg [dreg:$0x1d]  }
0x5c: {  	[tilespmem:s31], [sflag:$0x1] =	stream.linear.gather [hbm4b:s19+s2], $0x80, $0x38;
	[tilespmem:$0x1400] =	vst v63  }
0x5d: {  	s21 =	sadd.s32 $0x100, s6;
	s20 =	rddreg [dreg:$0x1e]  }
0x5e: {  	[tilespmem:s20], [sflag:$0x1] =	stream.linear.gather [hbm4b:s21+s2], $0x80, $0x38;
	[tilespmem:$0x1400] =	vst v63  }
0x5f: {  	s23 =	sadd.s32 $0x180, s6;
	s22 =	rddreg [dreg:$0x1f]  }
0x60: {  	[tilespmem:s22], [sflag:$0x1] =	stream.linear.gather [hbm4b:s23+s2], $0x80, $0x38;
	[tilespmem:$0x1400] =	vst v63  }
0x61: {  	_ =	swait.ge [sflag:s11], $0x200  }
0x62: {  	s24 =	sld [smem:$0x7F5]  }
0x63: {  	[sflag:s11] =	ssyncset.done $0x0  }
0x64: {  	s25 =	sld [smem:$0x7F6];
	[sflag:s11] =	ssyncadd.s32 $0xFFFFFE00  }
0x65: {  	[tilespmem:s24], [sflag:$0x1] =	stream.linear.gather [hbm4b:s7+s2], $0x80, $0x38;
	[tilespmem:$0x1400] =	vst v63  }
0x66: {  	s26 =	sadd.s32 $0x80, s7;
	s28 =	sld [smem:$0x7F7]  }
0x67: {  	[tilespmem:s25], [sflag:$0x1] =	stream.linear.gather [hbm4b:s26+s2], $0x80, $0x38;
	[tilespmem:$0x1400] =	vst v63  }
0x68: {  	s29 =	sadd.s32 $0x100, s7;
	s30 =	sld [smem:$0x7F8]  }
0x69: {  	[tilespmem:s28], [sflag:$0x1] =	stream.linear.gather [hbm4b:s29+s2], $0x80, $0x38;
	[tilespmem:$0x1400] =	vst v63  }
0x6a: {  	s31 =	sadd.s32 $0x180, s7  }
0x6b: {  	[tilespmem:s30], [sflag:$0x1] =	stream.linear.gather [hbm4b:s31+s2], $0x80, $0x38;
	[tilespmem:$0x1400] =	vst v63  }
0x6c: {  	_ =	swait.ge [sflag:s11], $0x200  }
0x6d: {  	s18 =	sld [smem:$0x7F9]  }
0x6e: {  	[sflag:s11] =	ssyncset.done $0x0  }
0x6f: {  	s19 =	sld [smem:$0x7FA];
	[sflag:s11] =	ssyncadd.s32 $0xFFFFFE00  }
0x70: {  	[tilespmem:s18], [sflag:$0x1] =	stream.linear.gather [hbm4b:s8+s2], $0x80, $0x38;
	[tilespmem:$0x1400] =	vst v63  }
0x71: {  	s20 =	sadd.s32 $0x80, s8;
	s21 =	sld [smem:$0x7FB]  }
0x72: {  	[tilespmem:s19], [sflag:$0x1] =	stream.linear.gather [hbm4b:s20+s2], $0x80, $0x38;
	[tilespmem:$0x1400] =	vst v63  }
0x73: {  	s22 =	sadd.s32 $0x100, s8;
	s23 =	sld [smem:$0x7FC]  }
0x74: {  	[tilespmem:s21], [sflag:$0x1] =	stream.linear.gather [hbm4b:s22+s2], $0x80, $0x38;
	[tilespmem:$0x1400] =	vst v63  }
0x75: {  	s24 =	sadd.s32 $0x180, s8  }
0x76: {  	[tilespmem:s23], [sflag:$0x1] =	stream.linear.gather [hbm4b:s24+s2], $0x80, $0x38;
	[tilespmem:$0x1400] =	vst v63  }
0x77: {  	_ =	swait.ge [sflag:s11], $0x200  }
0x78: {  	s25 =	sld [smem:$0x7FD]  }
0x79: {  	[sflag:s11] =	ssyncset.done $0x0  }
0x7a: {  	[sflag:s11] =	ssyncadd.s32 $0xFFFFFE00  }
0x7b: {  	[tilespmem:s25], [sflag:$0x1] =	stream.linear.gather [hbm4b:s9+s2], $0x80, $0x38;
	[tilespmem:$0x1400] =	vst v63  }
0x7c: {  	s26 =	sadd.s32 $0x80, s9  }
0x7d: {  	[tilespmem:s12], [sflag:$0x1] =	stream.linear.gather [hbm4b:s26+s2], $0x80, $0x38;
	[tilespmem:$0x1400] =	vst v63  }
0x7e: {  	s28 =	sadd.s32 $0x100, s9  }
0x7f: {  	[tilespmem:s13], [sflag:$0x1] =	stream.linear.gather [hbm4b:s28+s2], $0x80, $0x38;
	[tilespmem:$0x1400] =	vst v63  }
0x80: {  	s29 =	sadd.s32 $0x180, s9  }
0x81: {  	[tilespmem:s14], [sflag:$0x1] =	stream.linear.gather [hbm4b:s29+s2], $0x80, $0x38;
	[tilespmem:$0x1400] =	vst v63  }
0x82: {  	_ =	swait.ge [sflag:s11], $0x200  }
0x83: {  	[sflag:s11] =	ssyncset.done $0x0  }
0x84: {  	s30 =	rddreg [dreg:$0x4];
	[sflag:s11] =	ssyncadd.s32 $0xFFFFFE00  }
0x85: {  	[tilespmem:s15], [sflag:$0x1] =	stream.linear.gather [hbm4b:s30+s2], $0x200, $0x38;
	[tilespmem:$0x1400] =	vst v63  }
0x86: {  	_ =	swait.ge [sflag:s11], $0x200  }
0x87: {  	[sflag:s11] =	ssyncset.done $0x0  }
0x88: {  	[sflag:s11] =	ssyncadd.s32 $0xFFFFFE00  }
0x89: {  	v1 =	vld [tilespmem:$0x0]  }
0x8a: {  	v2 =	vld [tilespmem:$0x80]  }
0x8b: {  	v3 =	vld [tilespmem:$0x100]  }
0x8c: {  	v4 =	vld [tilespmem:$0x180]  }
0x8d: {  	v5 =	vld [tilespmem:$0x200]  }
0x8e: {  	v6 =	vld [tilespmem:$0x280]  }
0x8f: {  	v7 =	vld [tilespmem:$0x300]  }
0x90: {  	v8 =	vld [tilespmem:$0x10]  }
0x91: {  	v9 =	vld [tilespmem:$0x90]  }
0x92: {  	v10 =	vld [tilespmem:$0x380]  }
0x93: {  	v11 =	vld [tilespmem:$0x110];
	v2 =	vadd.f32 v2, v1  }
0x94: {  	v12 =	vld [tilespmem:$0x1000]  }
0x95: {  	v13 =	vld [tilespmem:$0x190];
	v3 =	vadd.f32 v3, v2  }
0x96: {  	v14 =	vld [tilespmem:$0x210]  }
0x97: {  	v15 =	vld [tilespmem:$0x290];
	v4 =	vadd.f32 v4, v3  }
0x98: {  	v16 =	vld [tilespmem:$0x310]  }
0x99: {  	v18 =	vld [tilespmem:$0xA0];
	v5 =	vadd.f32 v5, v4  }
0x9a: {  	v21 =	vld [tilespmem:$0x30]  }
0x9b: {  	v28 =	vld [tilespmem:$0xB0];
	v9 =	vadd.f32 v9, v8;
	v6 =	vadd.f32 v6, v5  }
0x9c: {  	v43 =	vld [tilespmem:$0x40]  }
0x9d: {  	v44 =	vld [tilespmem:$0xC0];
	v11 =	vadd.f32 v11, v9;
	v7 =	vadd.f32 v7, v6  }
0x9e: {  	v22 =	vld [tilespmem:$0x130]  }
0x9f: {  	v25 =	vld [tilespmem:$0x140];
	v13 =	vadd.f32 v13, v11;
	v10 =	vadd.f32 v10, v7  }
0xa0: {  	v31 =	vld [tilespmem:$0x1B0]  }
0xa1: {  	v19 =	vld [tilespmem:$0x120];
	v33 =	vadd.f32 v28, v21;
	v14 =	vadd.f32 v14, v13;
	v12 =	vmul.f32 v10, v12  }
0xa2: {  	v35 =	vld [tilespmem:$0x230];
	v49 =	vadd.f32 v44, v43  }
0xa3: {  	v36 =	vadd.f32 v22, v33;
	v15 =	vadd.f32 v15, v14;
	vm1 =	vle.f32 v2, v12;
	v2 =	vld [tilespmem:$0x20]  }
0xa4: {  	v52 =	vadd.f32 v25, v49;
	vm7 =	vle.f32 v3, v12;
	v3 =	vld [tilespmem:$0x390]  }
0xa5: {  	v55 =	vld [tilespmem:$0x1010];
	v40 =	vadd.f32 v31, v36;
	v16 =	vadd.f32 v16, v15;
	vm0 =	vle.f32 v1, v12  }
0xa6: {  	v20 =	vld [tilespmem:$0x1A0];
	vm8 =	vle.f32 v4, v12;
	vm9 =	vle.f32 v5, v12;
	vm10 =	vle.f32 v6, v12  }
0xa7: {  	v39 =	vld [tilespmem:$0x2B0];
	vm11 =	vle.f32 v7, v12;
	vm15 =	vle.f32 v10, v12;
	v12 =	vadd.f32 v35, v40  }
0xa8: {  	v1 =	vsel vm0, $0x3F800000, v0;
	v17 =	vsel vm1, $0x3F800000, v0;
	v57 =	vadd.f32 v18, v2  }
0xa9: {  	v59 =	vld [tilespmem:$0x220];
	v54 =	vsel vm7, $0x3F800000, v0;
	v56 =	vsel vm8, $0x3F800000, v0;
	v3 =	vadd.f32 v3, v16  }
0xaa: {  	v41 =	vld [tilespmem:$0x330];
	v58 =	vsel vm9, $0x3F800000, v0;
	v62 =	vsel vm10, $0x3F800000, v0;
	v60 =	vadd.f32 v19, v57  }
0xab: {  	v61 =	vld [tilespmem:$0x2A0];
	v23 =	vsel vm11, $0x3F800000, v0;
	v1 =	vadd.f32 v17, v1;
	v4 =	vmul.f32 v3, v55  }
0xac: {  	v48 =	vld [tilespmem:$0x1C0];
	v37 =	vsel vm15, $0x3F800000, v0;
	v22 =	vadd.f32 v39, v12;
	v63 =	vadd.f32 v20, v60  }
0xad: {  	v29 =	vld [tilespmem:$0x320];
	v1 =	vadd.f32 v1, v54;
	vm12 =	vle.f32 v8, v4;
	vm2 =	vle.f32 v9, v4  }
0xae: {  	v8 =	vsel vm12, $0x3F800000, v0;
	v9 =	vsel vm2, $0x3F800000, v0;
	v18 =	vadd.f32 v59, v63  }
0xaf: {  	v30 =	vld [tilespmem:$0x3A0];
	v47 =	vadd.f32 v41, v22;
	vm13 =	vle.f32 v11, v4;
	v8 =	vadd.f32 v9, v8  }
0xb0: {  	v1 =	vadd.f32 v1, v56;
	v11 =	vsel vm13, $0x3F800000, v0;
	v17 =	vadd.f32 v61, v18  }
0xb1: {  	v32 =	vld [tilespmem:$0x1020];
	v56 =	vadd.f32 v48, v52;
	vm14 =	vle.f32 v13, v4;
	v8 =	vadd.f32 v8, v11  }
0xb2: {  	v1 =	vadd.f32 v1, v58;
	v34 =	vsel vm14, $0x3F800000, v0;
	v7 =	vadd.f32 v29, v17  }
0xb3: {  	vm4 =	vle.f32 v14, v4;
	vm5 =	vle.f32 v15, v4;
	v8 =	vadd.f32 v8, v34  }
0xb4: {  	v1 =	vadd.f32 v1, v62;
	v38 =	vsel vm4, $0x3F800000, v0;
	v9 =	vadd.f32 v30, v7  }
0xb5: {  	v46 =	vld [tilespmem:$0x1030];
	vm6 =	vle.f32 v16, v4;
	vm10 =	vle.f32 v3, v4;
	v8 =	vadd.f32 v8, v38  }
0xb6: {  	v51 =	vld [tilespmem:$0x240];
	v42 =	vsel vm5, $0x3F800000, v0;
	v1 =	vadd.f32 v1, v23;
	v11 =	vmul.f32 v9, v32  }
0xb7: {  	v58 =	vld [tilespmem:$0xD0];
	v16 =	vsel vm6, $0x3F800000, v0;
	v50 =	vsel vm10, $0x3F800000, v0;
	v8 =	vadd.f32 v8, v42  }
0xb8: {  	v1 =	vadd.f32 v1, v37;
	vm7 =	vle.f32 v2, v11;
	vm8 =	vle.f32 v57, v11;
	v2 =	vld [tilespmem:$0x3B0]  }
0xb9: {  	v8 =	vadd.f32 v8, v16;
	vm9 =	vle.f32 v60, v11;
	vm11 =	vle.f32 v63, v11;
	v57 =	vld [tilespmem:$0x50]  }
0xba: {  	v53 =	vld [tilespmem:$0x2C0];
	vm12 =	vle.f32 v18, v11;
	v45 =	vsel vm7, $0x3F800000, v0;
	v24 =	vsel vm8, $0x3F800000, v0  }
0xbb: {  	v61 =	vld [tilespmem:$0x150];
	vm13 =	vle.f32 v17, v11;
	vm5 =	vle.f32 v7, v11;
	v5 =	vadd.f32 v24, v45  }
0xbc: {  	v55 =	vld [tilespmem:$0x340];
	v3 =	vsel vm9, $0x3F800000, v0;
	v19 =	vsel vm11, $0x3F800000, v0;
	v54 =	vsel vm12, $0x3F800000, v0  }
0xbd: {  	v17 =	vsel vm13, $0x3F800000, v0;
	v24 =	vadd.f32 v51, v56;
	v3 =	vadd.f32 v5, v3  }
0xbe: {  	v28 =	vsel vm5, $0x3F800000, v0;
	v20 =	vadd.f32 v2, v47;
	v13 =	vadd.f32 v58, v57  }
0xbf: {  	v29 =	vld [tilespmem:$0x1D0];
	vm8 =	vle.f32 v9, v11;
	v3 =	vadd.f32 v3, v19;
	v19 =	vadd.f32 v53, v24  }
0xc0: {  	[tilespmem:$0x1FF70] =	vst v1;
	v1 =	vadd.f32 v8, v50;
	v6 =	vmul.f32 v20, v46;
	v10 =	vadd.f32 v61, v13  }
0xc1: {  	v26 =	vld [tilespmem:$0x3C0];
	v2 =	vimm.s32 $0x0;
	v3 =	vadd.f32 v3, v54;
	v14 =	vadd.f32 v55, v19  }
0xc2: {  	v31 =	vld [tilespmem:$0x250];
	vm14 =	vle.f32 v21, v6;
	vm15 =	vle.f32 v33, v6;
	vm4 =	vle.f32 v36, v6  }
0xc3: {  	v63 =	vld [tilespmem:$0x1040];
	vm6 =	vle.f32 v40, v6;
	vm7 =	vle.f32 v12, v6;
	vm9 =	vle.f32 v22, v6  }
0xc4: {  	v15 =	vadd.f32 v29, v10;
	vm10 =	vle.f32 v47, v6;
	v21 =	vsel vm14, $0x3F800000, v0  }
0xc5: {  	v27 =	vld [tilespmem:$0x3D0];
	v59 =	vsel vm15, $0x3F800000, v0;
	v3 =	vadd.f32 v3, v17;
	v62 =	vsel vm4, $0x3F800000, v0  }
0xc6: {  	v35 =	vld [tilespmem:$0xE0];
	v30 =	vsel vm6, $0x3F800000, v0;
	v32 =	vsel vm7, $0x3F800000, v0;
	v33 =	vadd.f32 v26, v14  }
0xc7: {  	v38 =	vld [tilespmem:$0x160];
	v36 =	vsel vm10, $0x3F800000, v0;
	vm15 =	vle.f32 v20, v6;
	v60 =	vadd.f32 v59, v21  }
0xc8: {  	v59 =	vld [tilespmem:$0x2D0];
	v34 =	vadd.f32 v31, v15;
	v47 =	vsel vm15, $0x3F800000, v0;
	v61 =	vmul.f32 v33, v63  }
0xc9: {  	v42 =	vld [tilespmem:$0x1E0];
	v3 =	vadd.f32 v3, v28;
	v63 =	vsel vm8, $0x3F800000, v0;
	v7 =	vadd.f32 v60, v62  }
0xca: {  	v60 =	vsel vm9, $0x3F800000, v0;
	v62 =	vld [tilespmem:$0x350];
	vm11 =	vle.f32 v43, v61;
	vm12 =	vle.f32 v49, v61  }
0xcb: {  	[tilespmem:$0x1FF80] =	vst v1;
	vm13 =	vle.f32 v52, v61;
	v1 =	vadd.f32 v3, v63;
	v7 =	vadd.f32 v7, v30;
	v30 =	vld [tilespmem:$0x60]  }
0xcc: {  	v51 =	vld [tilespmem:$0x360];
	vm14 =	vle.f32 v56, v61;
	v23 =	vsel vm11, $0x3F800000, v0;
	v37 =	vsel vm12, $0x3F800000, v0  }
0xcd: {  	v58 =	vld [tilespmem:$0x170];
	vm4 =	vle.f32 v24, v61;
	v23 =	vadd.f32 v37, v23;
	v9 =	vadd.f32 v59, v34  }
0xce: {  	v40 =	vld [tilespmem:$0x1050];
	vm5 =	vle.f32 v19, v61;
	v39 =	vsel vm13, $0x3F800000, v0;
	v7 =	vadd.f32 v7, v32  }
0xcf: {  	v53 =	vld [tilespmem:$0xF0];
	vm8 =	vle.f32 v14, v61;
	v12 =	vadd.f32 v23, v39;
	v41 =	vadd.f32 v62, v9  }
0xd0: {  	v46 =	vld [tilespmem:$0x260];
	v43 =	vsel vm14, $0x3F800000, v0;
	v7 =	vadd.f32 v7, v60;
	v44 =	vadd.f32 v35, v30  }
0xd1: {  	v55 =	vld [tilespmem:$0x3E0];
	v24 =	vsel vm4, $0x3F800000, v0;
	v45 =	vadd.f32 v12, v43;
	v6 =	vadd.f32 v27, v41  }
0xd2: {  	v26 =	vld [tilespmem:$0x400];
	v50 =	vsel vm5, $0x3F800000, v0;
	v7 =	vadd.f32 v7, v36;
	v18 =	vadd.f32 v38, v44  }
0xd3: {  	v49 =	vld [tilespmem:$0x2E0];
	v56 =	vsel vm8, $0x3F800000, v0;
	v24 =	vadd.f32 v45, v24;
	v48 =	vmul.f32 v6, v40  }
0xd4: {  	vm11 =	vle.f32 v33, v61;
	[tilespmem:$0x1FF90] =	vst v1;
	v38 =	vld [tilespmem:$0x480];
	v1 =	vadd.f32 v7, v47;
	v21 =	vadd.f32 v42, v18  }
0xd5: {  	v40 =	vld [tilespmem:$0x500];
	v7 =	vadd.f32 v24, v50;
	vm6 =	vle.f32 v57, v48;
	vm7 =	vle.f32 v13, v48  }
0xd6: {  	v13 =	vld [tilespmem:$0x70];
	vm9 =	vle.f32 v10, v48;
	vm10 =	vle.f32 v15, v48;
	vm12 =	vle.f32 v34, v48  }
0xd7: {  	v33 =	vld [tilespmem:$0x270];
	vm13 =	vle.f32 v9, v48;
	v16 =	vsel vm6, $0x3F800000, v0;
	v52 =	vsel vm7, $0x3F800000, v0  }
0xd8: {  	v43 =	vld [tilespmem:$0x580];
	vm14 =	vle.f32 v41, v48;
	v12 =	vadd.f32 v46, v21;
	v54 =	vadd.f32 v52, v16  }
0xd9: {  	v62 =	vld [tilespmem:$0x1F0];
	v57 =	vsel vm9, $0x3F800000, v0;
	v7 =	vadd.f32 v7, v56;
	v45 =	vadd.f32 v38, v26  }
0xda: {  	v47 =	vld [tilespmem:$0x600];
	v60 =	vsel vm10, $0x3F800000, v0;
	v22 =	vadd.f32 v49, v12;
	v14 =	vadd.f32 v54, v57  }
0xdb: {  	v59 =	vld [tilespmem:$0x1060];
	vm7 =	vle.f32 v6, v48;
	v63 =	vadd.f32 v53, v13;
	v48 =	vadd.f32 v40, v45  }
0xdc: {  	v31 =	vsel vm11, $0x3F800000, v0;
	v61 =	vadd.f32 v51, v22;
	v14 =	vadd.f32 v14, v60;
	v51 =	vld [tilespmem:$0x680]  }
0xdd: {  	v32 =	vsel vm12, $0x3F800000, v0;
	v34 =	vadd.f32 v58, v63;
	v52 =	vadd.f32 v43, v48  }
0xde: {  	v35 =	vld [tilespmem:$0x2F0];
	v36 =	vsel vm13, $0x3F800000, v0;
	v10 =	vadd.f32 v55, v61;
	v14 =	vadd.f32 v14, v32  }
0xdf: {  	v28 =	vsel vm14, $0x3F800000, v0;
	v37 =	vadd.f32 v62, v34;
	v56 =	vadd.f32 v47, v52  }
0xe0: {  	v39 =	vld [tilespmem:$0x370];
	[tilespmem:$0x1FFA0] =	vst v1;
	v1 =	vadd.f32 v7, v31;
	v15 =	vmul.f32 v10, v59;
	v7 =	vadd.f32 v14, v36  }
0xe1: {  	v49 =	vsel vm7, $0x3F800000, v0;
	v25 =	vadd.f32 v33, v37;
	v27 =	vadd.f32 v51, v56  }
0xe2: {  	v41 =	vld [tilespmem:$0x3F0];
	vm15 =	vle.f32 v30, v15;
	vm4 =	vle.f32 v44, v15;
	vm5 =	vle.f32 v18, v15  }
0xe3: {  	v57 =	vld [tilespmem:$0x490];
	v11 =	vsel vm15, $0x3F800000, v0;
	v20 =	vsel vm4, $0x3F800000, v0;
	v24 =	vadd.f32 v35, v25  }
0xe4: {  	v7 =	vadd.f32 v7, v28;
	vm6 =	vle.f32 v21, v15;
	v44 =	vld [tilespmem:$0x1070];
	v11 =	vadd.f32 v20, v11  }
0xe5: {  	vm8 =	vle.f32 v12, v15;
	v42 =	vsel vm5, $0x3F800000, v0;
	v20 =	vld [tilespmem:$0x410];
	v8 =	vadd.f32 v39, v24  }
0xe6: {  	vm9 =	vle.f32 v22, v15;
	vm10 =	vle.f32 v61, v15;
	v11 =	vadd.f32 v11, v42  }
0xe7: {  	v53 =	vld [tilespmem:$0x700];
	vm14 =	vle.f32 v10, v15;
	v46 =	vsel vm6, $0x3F800000, v0;
	v18 =	vadd.f32 v41, v8  }
0xe8: {  	v30 =	vld [tilespmem:$0x510];
	v50 =	vsel vm8, $0x3F800000, v0;
	v54 =	vsel vm9, $0x3F800000, v0;
	v6 =	vadd.f32 v11, v46  }
0xe9: {  	[tilespmem:$0x1FFB0] =	vst v1;
	v58 =	vsel vm10, $0x3F800000, v0;
	v1 =	vadd.f32 v7, v49;
	v55 =	vmul.f32 v18, v44  }
0xea: {  	v4 =	vld [tilespmem:$0x590];
	v33 =	vsel vm14, $0x3F800000, v0;
	v5 =	vadd.f32 v57, v20;
	v23 =	vadd.f32 v6, v50  }
0xeb: {  	v59 =	vld [tilespmem:$0x780];
	vm11 =	vle.f32 v13, v55;
	vm12 =	vle.f32 v63, v55;
	vm13 =	vle.f32 v34, v55  }
0xec: {  	v31 =	vld [tilespmem:$0x790];
	v63 =	vadd.f32 v53, v27;
	vm15 =	vle.f32 v37, v55;
	vm4 =	vle.f32 v25, v55  }
0xed: {  	v61 =	vld [tilespmem:$0x1080];
	v36 =	vadd.f32 v30, v5;
	vm5 =	vle.f32 v24, v55;
	vm9 =	vle.f32 v8, v55  }
0xee: {  	v35 =	vld [tilespmem:$0x610];
	v7 =	vadd.f32 v23, v54;
	v60 =	vsel vm11, $0x3F800000, v0;
	v29 =	vsel vm12, $0x3F800000, v0  }
0xef: {  	v41 =	vld [tilespmem:$0x4A0];
	v62 =	vsel vm13, $0x3F800000, v0;
	v34 =	vsel vm15, $0x3F800000, v0;
	v38 =	vsel vm4, $0x3F800000, v0  }
0xf0: {  	v37 =	vld [tilespmem:$0x690];
	v24 =	vsel vm5, $0x3F800000, v0;
	v16 =	vadd.f32 v29, v60;
	v13 =	vadd.f32 v59, v63  }
0xf1: {  	v23 =	vld [tilespmem:$0x420];
	v47 =	vsel vm9, $0x3F800000, v0;
	v40 =	vadd.f32 v4, v36;
	v7 =	vadd.f32 v7, v58  }
0xf2: {  	v15 =	vld [tilespmem:$0x430];
	vm12 =	vle.f32 v18, v55;
	v10 =	vadd.f32 v16, v62;
	v9 =	vmul.f32 v13, v61  }
0xf3: {  	v39 =	vld [tilespmem:$0x710];
	[tilespmem:$0x1FFC0] =	vst v1;
	v57 =	vsel vm12, $0x3F800000, v0;
	v28 =	vadd.f32 v35, v40;
	v1 =	vadd.f32 v7, v33  }
0xf4: {  	v44 =	vld [tilespmem:$0x520];
	v10 =	vadd.f32 v10, v34;
	vm6 =	vle.f32 v26, v9;
	vm7 =	vle.f32 v45, v9  }
0xf5: {  	v59 =	vld [tilespmem:$0x4B0];
	vm8 =	vle.f32 v48, v9;
	v25 =	vadd.f32 v37, v28;
	vm10 =	vle.f32 v52, v9  }
0xf6: {  	v46 =	vld [tilespmem:$0x1090];
	v21 =	vadd.f32 v41, v23;
	vm11 =	vle.f32 v56, v9;
	vm13 =	vle.f32 v27, v9  }
0xf7: {  	v48 =	vld [tilespmem:$0x5A0];
	vm14 =	vle.f32 v63, v9;
	v26 =	vsel vm6, $0x3F800000, v0;
	v42 =	vsel vm7, $0x3F800000, v0  }
0xf8: {  	v63 =	vld [tilespmem:$0x530];
	v45 =	vsel vm8, $0x3F800000, v0;
	v10 =	vadd.f32 v10, v38;
	v43 =	vadd.f32 v42, v26  }
0xf9: {  	v50 =	vld [tilespmem:$0x620];
	v49 =	vsel vm10, $0x3F800000, v0;
	v29 =	vadd.f32 v39, v25;
	v11 =	vadd.f32 v44, v21  }
0xfa: {  	v51 =	vsel vm11, $0x3F800000, v0;
	v38 =	vadd.f32 v59, v15;
	v8 =	vadd.f32 v43, v45  }
0xfb: {  	v54 =	vsel vm13, $0x3F800000, v0;
	v10 =	vadd.f32 v10, v24;
	v52 =	vadd.f32 v31, v29  }
0xfc: {  	v53 =	vld [tilespmem:$0x6A0];
	v60 =	vsel vm14, $0x3F800000, v0;
	v22 =	vadd.f32 v48, v11;
	v8 =	vadd.f32 v8, v49  }
0xfd: {  	v19 =	vadd.f32 v63, v38;
	v10 =	vadd.f32 v10, v47;
	v55 =	vmul.f32 v52, v46  }
0xfe: {  	v56 =	vld [tilespmem:$0x720];
	vm7 =	vle.f32 v13, v9;
	v58 =	vadd.f32 v50, v22;
	v8 =	vadd.f32 v8, v51  }
0xff: {  	v32 =	vld [tilespmem:$0x7A0];
	vm15 =	vle.f32 v20, v55;
	vm4 =	vle.f32 v5, v55;
	vm5 =	vle.f32 v36, v55  }
0x100: {  	v6 =	vld [tilespmem:$0x10A0];
	[tilespmem:$0x1FFD0] =	vst v1;
	v1 =	vadd.f32 v10, v57;
	vm6 =	vle.f32 v40, v55;
	vm8 =	vle.f32 v28, v55  }
0x101: {  	v36 =	vld [tilespmem:$0x5B0];
	v40 =	vsel vm7, $0x3F800000, v0;
	vm9 =	vle.f32 v25, v55;
	v12 =	vadd.f32 v53, v58  }
0x102: {  	v41 =	vld [tilespmem:$0x6B0];
	v61 =	vsel vm15, $0x3F800000, v0;
	v62 =	vsel vm4, $0x3F800000, v0;
	v18 =	vadd.f32 v8, v54  }
0x103: {  	v39 =	vld [tilespmem:$0x630];
	vm12 =	vle.f32 v29, v55;
	v31 =	vadd.f32 v62, v61;
	v7 =	vadd.f32 v56, v12  }
0x104: {  	v59 =	vld [tilespmem:$0x6C0];
	v5 =	vsel vm5, $0x3F800000, v0;
	v37 =	vsel vm6, $0x3F800000, v0;
	v4 =	vadd.f32 v18, v60  }
0x105: {  	v43 =	vld [tilespmem:$0x730];
	v28 =	vsel vm8, $0x3F800000, v0;
	v18 =	vadd.f32 v31, v5;
	v17 =	vadd.f32 v32, v7  }
0x106: {  	v42 =	vsel vm9, $0x3F800000, v0;
	v47 =	vsel vm12, $0x3F800000, v0;
	v62 =	vld [tilespmem:$0x4D0];
	v26 =	vadd.f32 v36, v19  }
0x107: {  	vm15 =	vle.f32 v52, v55;
	v31 =	vld [tilespmem:$0x450];
	v9 =	vadd.f32 v18, v37;
	v20 =	vmul.f32 v17, v6  }
0x108: {  	v45 =	vld [tilespmem:$0x4C0];
	[tilespmem:$0x1FFE0] =	vst v1;
	v54 =	vsel vm15, $0x3F800000, v0;
	v1 =	vadd.f32 v4, v40;
	v18 =	vadd.f32 v39, v26  }
0x109: {  	v46 =	vld [tilespmem:$0x7B0];
	v28 =	vadd.f32 v9, v28;
	vm10 =	vle.f32 v23, v20;
	vm11 =	vle.f32 v21, v20  }
0x10a: {  	v50 =	vld [tilespmem:$0x10B0];
	vm13 =	vle.f32 v11, v20;
	v25 =	vadd.f32 v41, v18;
	vm14 =	vle.f32 v22, v20  }
0x10b: {  	v21 =	vld [tilespmem:$0x440];
	vm4 =	vle.f32 v58, v20;
	vm5 =	vle.f32 v12, v20;
	vm6 =	vle.f32 v7, v20  }
0x10c: {  	v6 =	vld [tilespmem:$0x550];
	v40 =	vadd.f32 v62, v31;
	v10 =	vadd.f32 v28, v42;
	v23 =	vsel vm10, $0x3F800000, v0  }
0x10d: {  	v49 =	vld [tilespmem:$0x540];
	v44 =	vsel vm11, $0x3F800000, v0;
	v48 =	vsel vm13, $0x3F800000, v0;
	v27 =	vadd.f32 v43, v25  }
0x10e: {  	v63 =	vld [tilespmem:$0x740];
	v51 =	vsel vm14, $0x3F800000, v0;
	v55 =	vsel vm4, $0x3F800000, v0;
	v60 =	vsel vm5, $0x3F800000, v0  }
0x10f: {  	v52 =	vld [tilespmem:$0x5C0];
	v33 =	vsel vm6, $0x3F800000, v0;
	v23 =	vadd.f32 v44, v23;
	v56 =	vadd.f32 v46, v27  }
0x110: {  	v57 =	vld [tilespmem:$0x640];
	vm11 =	vle.f32 v17, v20;
	v10 =	vadd.f32 v10, v47;
	v53 =	vadd.f32 v45, v21  }
0x111: {  	v39 =	vld [tilespmem:$0x10C0];
	v43 =	vadd.f32 v6, v40;
	v23 =	vadd.f32 v23, v48;
	v22 =	vmul.f32 v56, v50  }
0x112: {  	v7 =	vld [tilespmem:$0x7C0];
	v44 =	vsel vm11, $0x3F800000, v0;
	v10 =	vadd.f32 v10, v54;
	v58 =	vadd.f32 v49, v53  }
0x113: {  	v42 =	vld [tilespmem:$0x650];
	v23 =	vadd.f32 v23, v51;
	vm7 =	vle.f32 v15, v22;
	vm8 =	vle.f32 v38, v22  }
0x114: {  	v38 =	vld [tilespmem:$0x5D0];
	v61 =	vadd.f32 v52, v58;
	v15 =	vsel vm7, $0x3F800000, v0;
	v4 =	vsel vm8, $0x3F800000, v0  }
0x115: {  	v45 =	vld [tilespmem:$0x6D0];
	v23 =	vadd.f32 v23, v55;
	vm9 =	vle.f32 v19, v22;
	v15 =	vadd.f32 v4, v15  }
0x116: {  	v51 =	vld [tilespmem:$0x4E0];
	vm10 =	vle.f32 v26, v22;
	v37 =	vsel vm9, $0x3F800000, v0;
	v5 =	vadd.f32 v57, v61  }
0x117: {  	v49 =	vld [tilespmem:$0x460];
	vm12 =	vle.f32 v18, v22;
	vm13 =	vle.f32 v25, v22;
	v15 =	vadd.f32 v15, v37  }
0x118: {  	v25 =	vld [tilespmem:$0x470];
	v41 =	vsel vm10, $0x3F800000, v0;
	v23 =	vadd.f32 v23, v60;
	v29 =	vadd.f32 v59, v5  }
0x119: {  	vm14 =	vle.f32 v27, v22;
	v4 =	vld [tilespmem:$0x4F0];
	v46 =	vadd.f32 v38, v43;
	v15 =	vadd.f32 v15, v41  }
0x11a: {  	v47 =	vld [tilespmem:$0x750];
	v18 =	vsel vm12, $0x3F800000, v0;
	v36 =	vadd.f32 v23, v33;
	v13 =	vadd.f32 v63, v29  }
0x11b: {  	vm6 =	vle.f32 v56, v22;
	v50 =	vadd.f32 v42, v46;
	v15 =	vadd.f32 v15, v18  }
0x11c: {  	v48 =	vsel vm13, $0x3F800000, v0;
	v52 =	vld [tilespmem:$0x7D0];
	v20 =	vadd.f32 v51, v49;
	v16 =	vadd.f32 v7, v13  }
0x11d: {  	v35 =	vld [tilespmem:$0x560];
	v27 =	vsel vm14, $0x3F800000, v0;
	v28 =	vadd.f32 v45, v50;
	v15 =	vadd.f32 v15, v48  }
0x11e: {  	v55 =	vld [tilespmem:$0x5E0];
	v11 =	vadd.f32 v36, v44;
	v26 =	vadd.f32 v4, v25;
	v23 =	vmul.f32 v16, v39  }
0x11f: {  	v56 =	vsel vm6, $0x3F800000, v0;
	v7 =	vld [tilespmem:$0x570];
	v54 =	vadd.f32 v47, v28;
	v15 =	vadd.f32 v15, v27  }
0x120: {  	v57 =	vld [tilespmem:$0x660];
	vm15 =	vle.f32 v21, v23;
	vm4 =	vle.f32 v53, v23;
	vm5 =	vle.f32 v58, v23  }
0x121: {  	v39 =	vld [tilespmem:$0x5F0];
	vm7 =	vle.f32 v61, v23;
	v14 =	vadd.f32 v52, v54;
	vm8 =	vle.f32 v5, v23  }
0x122: {  	v53 =	vld [tilespmem:$0x10D0];
	v58 =	vadd.f32 v35, v20;
	vm9 =	vle.f32 v29, v23;
	vm13 =	vle.f32 v13, v23  }
0x123: {  	v41 =	vld [tilespmem:$0x670];
	v21 =	vsel vm15, $0x3F800000, v0;
	v34 =	vsel vm4, $0x3F800000, v0;
	v12 =	vsel vm5, $0x3F800000, v0  }
0x124: {  	v59 =	vld [tilespmem:$0x6E0];
	v24 =	vsel vm7, $0x3F800000, v0;
	v17 =	vadd.f32 v7, v26;
	v21 =	vadd.f32 v34, v21  }
0x125: {  	v60 =	vsel vm8, $0x3F800000, v0;
	v29 =	vsel vm9, $0x3F800000, v0;
	v63 =	vadd.f32 v55, v58  }
0x126: {  	v38 =	vsel vm13, $0x3F800000, v0;
	v18 =	vadd.f32 v39, v17;
	v12 =	vadd.f32 v21, v12  }
0x127: {  	v62 =	vld [tilespmem:$0x760];
	vm4 =	vle.f32 v16, v23;
	v30 =	vadd.f32 v57, v63;
	v61 =	vmul.f32 v14, v53  }
0x128: {  	v47 =	vsel vm4, $0x3F800000, v0;
	v19 =	vadd.f32 v41, v18;
	v24 =	vadd.f32 v12, v24  }
0x129: {  	v36 =	vld [tilespmem:$0x7E0];
	v12 =	vadd.f32 v15, v56;
	v9 =	vadd.f32 v59, v30;
	vm10 =	vle.f32 v31, v61  }
0x12a: {  	vm11 =	vle.f32 v40, v61;
	vm12 =	vle.f32 v43, v61;
	vm14 =	vle.f32 v46, v61  }
0x12b: {  	v37 =	vld [tilespmem:$0x10E0];
	vm15 =	vle.f32 v50, v61;
	vm5 =	vle.f32 v28, v61;
	v15 =	vadd.f32 v24, v60  }
0x12c: {  	v43 =	vld [tilespmem:$0x6F0];
	v31 =	vsel vm10, $0x3F800000, v0;
	v5 =	vsel vm11, $0x3F800000, v0;
	v27 =	vadd.f32 v62, v9  }
0x12d: {  	v22 =	vld [tilespmem:$0x800];
	vm6 =	vle.f32 v54, v61;
	v8 =	vsel vm12, $0x3F800000, v0;
	v6 =	vadd.f32 v5, v31  }
0x12e: {  	v46 =	vld [tilespmem:$0x770];
	v40 =	vsel vm14, $0x3F800000, v0;
	v15 =	vadd.f32 v15, v29;
	v35 =	vadd.f32 v36, v27  }
0x12f: {  	v48 =	vld [tilespmem:$0x880];
	v42 =	vsel vm15, $0x3F800000, v0;
	v44 =	vsel vm5, $0x3F800000, v0;
	v13 =	vadd.f32 v6, v8  }
0x130: {  	vm11 =	vle.f32 v14, v61;
	v15 =	vadd.f32 v15, v38;
	v45 =	vmul.f32 v35, v37  }
0x131: {  	v61 =	vsel vm11, $0x3F800000, v0;
	v16 =	vadd.f32 v43, v19;
	v13 =	vadd.f32 v13, v40  }
0x132: {  	v37 =	vld [tilespmem:$0x7F0];
	vm7 =	vle.f32 v49, v45;
	vm8 =	vle.f32 v20, v45;
	v49 =	vsel vm6, $0x3F800000, v0  }
0x133: {  	v52 =	vld [tilespmem:$0x900];
	vm9 =	vle.f32 v58, v45;
	vm10 =	vle.f32 v63, v45;
	v56 =	vadd.f32 v46, v16  }
0x134: {  	v55 =	vld [tilespmem:$0x10F0];
	v20 =	vadd.f32 v48, v22;
	vm12 =	vle.f32 v30, v45;
	vm13 =	vle.f32 v9, v45  }
0x135: {  	v57 =	vld [tilespmem:$0x980];
	v13 =	vadd.f32 v13, v42;
	v50 =	vsel vm7, $0x3F800000, v0;
	v51 =	vsel vm8, $0x3F800000, v0  }
0x136: {  	vm4 =	vle.f32 v27, v45;
	v54 =	vsel vm9, $0x3F800000, v0;
	v36 =	vadd.f32 v51, v50  }
0x137: {  	v60 =	vld [tilespmem:$0xA00];
	v58 =	vsel vm10, $0x3F800000, v0;
	v23 =	vadd.f32 v13, v44;
	v59 =	vadd.f32 v37, v56  }
0x138: {  	v4 =	vld [tilespmem:$0xA80];
	v62 =	vsel vm12, $0x3F800000, v0;
	v5 =	vsel vm13, $0x3F800000, v0;
	v32 =	vadd.f32 v52, v20  }
0x139: {  	v6 =	vld [tilespmem:$0xB00];
	v53 =	vadd.f32 v23, v49;
	v23 =	vadd.f32 v36, v54;
	v63 =	vmul.f32 v59, v55  }
0x13a: {  	v43 =	vld [tilespmem:$0x1100];
	v27 =	vsel vm4, $0x3F800000, v0;
	vm7 =	vle.f32 v35, v45;
	v29 =	vadd.f32 v57, v32  }
0x13b: {  	v40 =	vld [tilespmem:$0xB80];
	v13 =	vadd.f32 v15, v47;
	v14 =	vadd.f32 v23, v58;
	vm14 =	vle.f32 v25, v63  }
0x13c: {  	v9 =	vld [tilespmem:$0x890];
	vm15 =	vle.f32 v26, v63;
	v23 =	vadd.f32 v60, v29;
	vm5 =	vle.f32 v17, v63  }
0x13d: {  	v50 =	vld [tilespmem:$0x8A0];
	vm6 =	vle.f32 v18, v63;
	vm8 =	vle.f32 v19, v63;
	vm9 =	vle.f32 v16, v63  }
0x13e: {  	v25 =	vld [tilespmem:$0x810];
	vm10 =	vle.f32 v56, v63;
	v7 =	vsel vm14, $0x3F800000, v0;
	v8 =	vsel vm15, $0x3F800000, v0  }
0x13f: {  	v36 =	vld [tilespmem:$0x820];
	v41 =	vsel vm5, $0x3F800000, v0;
	v44 =	vsel vm6, $0x3F800000, v0;
	v33 =	vadd.f32 v4, v23  }
0x140: {  	v42 =	vld [tilespmem:$0x910];
	v47 =	vsel vm9, $0x3F800000, v0;
	v34 =	vadd.f32 v14, v62;
	v26 =	vadd.f32 v8, v7  }
0x141: {  	v38 =	vsel vm10, $0x3F800000, v0;
	v14 =	vadd.f32 v53, v61;
	v53 =	vld [tilespmem:$0x920];
	v45 =	vadd.f32 v6, v33  }
0x142: {  	v48 =	vld [tilespmem:$0x990];
	vm15 =	vle.f32 v59, v63;
	v15 =	vadd.f32 v34, v5;
	v26 =	vadd.f32 v26, v41  }
0x143: {  	v46 =	vld [tilespmem:$0xA90];
	v60 =	vsel vm15, $0x3F800000, v0;
	v49 =	vadd.f32 v9, v25;
	v17 =	vadd.f32 v40, v45  }
0x144: {  	v7 =	vld [tilespmem:$0xA10];
	v30 =	vadd.f32 v50, v36;
	v6 =	vsel vm8, $0x3F800000, v0;
	v26 =	vadd.f32 v26, v44  }
0x145: {  	v51 =	vld [tilespmem:$0xB10];
	v15 =	vadd.f32 v15, v27;
	v8 =	vadd.f32 v42, v49;
	v18 =	vmul.f32 v17, v43  }
0x146: {  	v54 =	vld [tilespmem:$0xB90];
	v5 =	vsel vm7, $0x3F800000, v0;
	v59 =	vadd.f32 v53, v30;
	v26 =	vadd.f32 v26, v6  }
0x147: {  	v55 =	vld [tilespmem:$0x9A0];
	v48 =	vadd.f32 v48, v8;
	vm11 =	vle.f32 v22, v18;
	vm12 =	vle.f32 v20, v18  }
0x148: {  	v56 =	vld [tilespmem:$0x1110];
	v26 =	vadd.f32 v26, v47;
	v22 =	vsel vm11, $0x3F800000, v0;
	v52 =	vsel vm12, $0x3F800000, v0  }
0x149: {  	v58 =	vld [tilespmem:$0xA20];
	vm13 =	vle.f32 v32, v18;
	v35 =	vadd.f32 v7, v48;
	v22 =	vadd.f32 v52, v22  }
0x14a: {  	v62 =	vld [tilespmem:$0xAA0];
	v15 =	vadd.f32 v15, v5;
	v32 =	vsel vm13, $0x3F800000, v0;
	v26 =	vadd.f32 v26, v38  }
0x14b: {  	v9 =	vld [tilespmem:$0x8B0];
	vm14 =	vle.f32 v29, v18;
	v38 =	vadd.f32 v46, v35;
	v22 =	vadd.f32 v22, v32  }
0x14c: {  	v63 =	vadd.f32 v55, v59;
	vm4 =	vle.f32 v23, v18;
	v29 =	vld [tilespmem:$0x830];
	v57 =	vsel vm14, $0x3F800000, v0  }
0x14d: {  	vm5 =	vle.f32 v33, v18;
	v20 =	vadd.f32 v51, v38;
	v51 =	vld [tilespmem:$0xB20];
	v21 =	vadd.f32 v22, v57  }
0x14e: {  	vm6 =	vle.f32 v45, v18;
	v61 =	vsel vm4, $0x3F800000, v0;
	v4 =	vadd.f32 v58, v63  }
0x14f: {  	vm10 =	vle.f32 v17, v18;
	v24 =	vadd.f32 v54, v20;
	v21 =	vadd.f32 v21, v61  }
0x150: {  	v44 =	vsel vm6, $0x3F800000, v0;
	v52 =	vsel vm5, $0x3F800000, v0;
	v37 =	vadd.f32 v62, v4  }
0x151: {  	v40 =	vld [tilespmem:$0x930];
	v16 =	vadd.f32 v26, v60;
	v53 =	vmul.f32 v24, v56;
	v21 =	vadd.f32 v21, v52  }
0x152: {  	v45 =	vld [tilespmem:$0xBA0];
	v6 =	vsel vm10, $0x3F800000, v0;
	v50 =	vadd.f32 v51, v37;
	v52 =	vadd.f32 v9, v29  }
0x153: {  	v46 =	vld [tilespmem:$0x1120];
	vm7 =	vle.f32 v25, v53;
	vm8 =	vle.f32 v49, v53;
	vm9 =	vle.f32 v8, v53  }
0x154: {  	v51 =	vld [tilespmem:$0x9B0];
	vm11 =	vle.f32 v48, v53;
	vm12 =	vle.f32 v35, v53;
	vm13 =	vle.f32 v38, v53  }
0x155: {  	vm5 =	vle.f32 v20, v53;
	v25 =	vsel vm7, $0x3F800000, v0;
	v39 =	vsel vm8, $0x3F800000, v0  }
0x156: {  	v5 =	vld [tilespmem:$0xA30];
	v21 =	vadd.f32 v21, v44;
	v49 =	vsel vm9, $0x3F800000, v0;
	v25 =	vadd.f32 v39, v25  }
0x157: {  	[tilespmem:$0x1FFF0] =	vst v1;
	v1 =	vld [tilespmem:$0x11B0];
	v7 =	vsel vm11, $0x3F800000, v0;
	v19 =	vadd.f32 v45, v50;
	v9 =	vadd.f32 v40, v52  }
0x158: {  	v8 =	vld [tilespmem:$0xAB0];
	v48 =	vsel vm12, $0x3F800000, v0;
	v38 =	vsel vm13, $0x3F800000, v0;
	v17 =	vadd.f32 v25, v49  }
0x159: {  	v55 =	vld [tilespmem:$0x8C0];
	v60 =	vsel vm5, $0x3F800000, v0;
	v49 =	vmul.f32 v19, v46;
	v33 =	vadd.f32 v51, v9  }
0x15a: {  	v47 =	vld [tilespmem:$0xB30];
	vm8 =	vle.f32 v24, v53;
	v34 =	vadd.f32 v17, v7;
	v17 =	vadd.f32 v21, v6  }
0x15b: {  	v54 =	vld [tilespmem:$0xBB0];
	vm14 =	vle.f32 v36, v49;
	vm15 =	vle.f32 v30, v49;
	v27 =	vadd.f32 v5, v33  }
0x15c: {  	vm4 =	vle.f32 v59, v49;
	vm6 =	vle.f32 v63, v49;
	v21 =	vadd.f32 v34, v48;
	v34 =	vld [tilespmem:$0x840]  }
0x15d: {  	v42 =	vld [tilespmem:$0x1130];
	v36 =	vsel vm14, $0x3F800000, v0;
	v41 =	vsel vm15, $0x3F800000, v0;
	v58 =	vadd.f32 v8, v27  }
0x15e: {  	v56 =	vld [tilespmem:$0x940];
	vm7 =	vle.f32 v4, v49;
	vm9 =	vle.f32 v37, v49;
	v36 =	vadd.f32 v41, v36  }
0x15f: {  	v43 =	vld [tilespmem:$0xAC0];
	vm10 =	vle.f32 v50, v49;
	v57 =	vsel vm4, $0x3F800000, v0;
	v40 =	vadd.f32 v47, v58  }
0x160: {  	v59 =	vld [tilespmem:$0x9C0];
	v62 =	vsel vm6, $0x3F800000, v0;
	v21 =	vadd.f32 v21, v38;
	v20 =	vadd.f32 v36, v57  }
0x161: {  	v61 =	vld [tilespmem:$0xA40];
	v4 =	vsel vm7, $0x3F800000, v0;
	v31 =	vadd.f32 v54, v40;
	v30 =	vadd.f32 v55, v34  }
0x162: {  	v53 =	vld [tilespmem:$0x1140];
	v50 =	vsel vm10, $0x3F800000, v0;
	vm15 =	vle.f32 v19, v49;
	v20 =	vadd.f32 v20, v62  }
0x163: {  	v45 =	vld [tilespmem:$0x9D0];
	v21 =	vadd.f32 v21, v60;
	v36 =	vmul.f32 v31, v42;
	v22 =	vadd.f32 v56, v30  }
0x164: {  	v39 =	vld [tilespmem:$0x850];
	v54 =	vsel vm9, $0x3F800000, v0;
	v55 =	vsel vm8, $0x3F800000, v0;
	v20 =	vadd.f32 v20, v4  }
0x165: {  	v56 =	vld [tilespmem:$0x8D0];
	vm11 =	vle.f32 v29, v36;
	vm12 =	vle.f32 v52, v36;
	v37 =	vadd.f32 v59, v22  }
0x166: {  	v63 =	vld [tilespmem:$0xB40];
	v18 =	vadd.f32 v21, v55;
	v51 =	vsel vm11, $0x3F800000, v0;
	v44 =	vsel vm12, $0x3F800000, v0  }
0x167: {  	v6 =	vld [tilespmem:$0x950];
	vm13 =	vle.f32 v9, v36;
	v44 =	vadd.f32 v44, v51;
	v57 =	vadd.f32 v61, v37  }
0x168: {  	v5 =	vld [tilespmem:$0xBC0];
	v20 =	vadd.f32 v20, v54;
	vm14 =	vle.f32 v33, v36;
	v8 =	vsel vm13, $0x3F800000, v0  }
0x169: {  	v46 =	vld [tilespmem:$0xA60];
	vm4 =	vle.f32 v27, v36;
	v21 =	vadd.f32 v44, v8;
	v52 =	vadd.f32 v43, v57  }
0x16a: {  	v25 =	vld [tilespmem:$0xF80];
	vm5 =	vle.f32 v58, v36;
	v49 =	vsel vm14, $0x3F800000, v0;
	v26 =	vadd.f32 v56, v39  }
0x16b: {  	v7 =	vld [tilespmem:$0xA50];
	vm8 =	vle.f32 v40, v36;
	v19 =	vadd.f32 v21, v49;
	v23 =	vadd.f32 v63, v52  }
0x16c: {  	v48 =	vld [tilespmem:$0xB50];
	v62 =	vsel vm4, $0x3F800000, v0;
	v20 =	vadd.f32 v20, v50;
	v29 =	vadd.f32 v6, v26  }
0x16d: {  	v9 =	vld [tilespmem:$0xAD0];
	v4 =	vsel vm5, $0x3F800000, v0;
	v42 =	vadd.f32 v19, v62;
	v21 =	vadd.f32 v5, v23  }
0x16e: {  	vm11 =	vle.f32 v31, v36;
	v61 =	vsel vm15, $0x3F800000, v0;
	v44 =	vld [tilespmem:$0x860];
	v5 =	vadd.f32 v45, v29  }
0x16f: {  	v63 =	vld [tilespmem:$0x8E0];
	v19 =	vadd.f32 v20, v61;
	v20 =	vadd.f32 v42, v4;
	v24 =	vmul.f32 v21, v53  }
0x170: {  	v41 =	vld [tilespmem:$0xC00];
	v40 =	vsel vm8, $0x3F800000, v0;
	v6 =	vsel vm11, $0x3F800000, v0;
	v43 =	vadd.f32 v7, v5  }
0x171: {  	v53 =	vld [tilespmem:$0x960];
	v20 =	vadd.f32 v20, v40;
	vm6 =	vle.f32 v34, v24;
	vm7 =	vle.f32 v30, v24  }
0x172: {  	v50 =	vld [tilespmem:$0xBD0];
	vm9 =	vle.f32 v22, v24;
	v32 =	vadd.f32 v9, v43;
	vm10 =	vle.f32 v37, v24  }
0x173: {  	v54 =	vld [tilespmem:$0x9E0];
	vm12 =	vle.f32 v57, v24;
	v34 =	vsel vm6, $0x3F800000, v0;
	v58 =	vsel vm7, $0x3F800000, v0  }
0x174: {  	v51 =	vld [tilespmem:$0x1150];
	v57 =	vadd.f32 v63, v44;
	vm13 =	vle.f32 v52, v24;
	v34 =	vadd.f32 v58, v34  }
0x175: {  	v47 =	vld [tilespmem:$0xB60];
	vm14 =	vle.f32 v23, v24;
	v60 =	vsel vm9, $0x3F800000, v0;
	v33 =	vadd.f32 v48, v32  }
0x176: {  	v59 =	vld [tilespmem:$0xAE0];
	v55 =	vsel vm10, $0x3F800000, v0;
	v35 =	vadd.f32 v53, v57;
	v34 =	vadd.f32 v34, v60  }
0x177: {  	v8 =	vld [tilespmem:$0x8F0];
	v7 =	vsel vm12, $0x3F800000, v0;
	v20 =	vadd.f32 v20, v6;
	v28 =	vadd.f32 v50, v33  }
0x178: {  	v52 =	vsel vm13, $0x3F800000, v0;
	v30 =	vadd.f32 v54, v35;
	v31 =	vadd.f32 v34, v55;
	v34 =	vld [tilespmem:$0x870]  }
0x179: {  	v56 =	vld [tilespmem:$0x1160];
	v49 =	vsel vm14, $0x3F800000, v0;
	vm7 =	vle.f32 v21, v24;
	v27 =	vmul.f32 v28, v51  }
0x17a: {  	v9 =	vld [tilespmem:$0x970];
	v58 =	vsel vm7, $0x3F800000, v0;
	v46 =	vadd.f32 v46, v30;
	v31 =	vadd.f32 v31, v7  }
0x17b: {  	v61 =	vld [tilespmem:$0xBE0];
	vm15 =	vle.f32 v39, v27;
	vm4 =	vle.f32 v26, v27;
	vm5 =	vle.f32 v29, v27  }
0x17c: {  	v53 =	vld [tilespmem:$0x9F0];
	v62 =	vsel vm15, $0x3F800000, v0;
	v63 =	vsel vm4, $0x3F800000, v0;
	v31 =	vadd.f32 v31, v52  }
0x17d: {  	v45 =	vld [tilespmem:$0xC20];
	vm6 =	vle.f32 v5, v27;
	v26 =	vadd.f32 v63, v62;
	v5 =	vadd.f32 v8, v34  }
0x17e: {  	v54 =	vld [tilespmem:$0xA70];
	v4 =	vsel vm5, $0x3F800000, v0;
	v31 =	vadd.f32 v31, v49;
	v49 =	vadd.f32 v59, v46  }
0x17f: {  	v42 =	vld [tilespmem:$0xD90];
	vm8 =	vle.f32 v43, v27;
	v26 =	vadd.f32 v26, v4;
	v8 =	vadd.f32 v9, v5  }
0x180: {  	v55 =	vld [tilespmem:$0xAF0];
	vm9 =	vle.f32 v32, v27;
	v6 =	vsel vm6, $0x3F800000, v0;
	v24 =	vadd.f32 v47, v49  }
0x181: {  	v22 =	vld [tilespmem:$0x1170];
	vm10 =	vle.f32 v33, v27;
	v21 =	vadd.f32 v26, v6;
	v32 =	vadd.f32 v53, v8  }
0x182: {  	v48 =	vld [tilespmem:$0xB70];
	vm14 =	vle.f32 v28, v27;
	v59 =	vsel vm8, $0x3F800000, v0;
	v37 =	vadd.f32 v61, v24  }
0x183: {  	v50 =	vld [tilespmem:$0xD80];
	v52 =	vsel vm10, $0x3F800000, v0;
	v47 =	vadd.f32 v21, v59;
	v38 =	vadd.f32 v54, v32  }
0x184: {  	v29 =	vld [tilespmem:$0xBF0];
	v21 =	vadd.f32 v31, v58;
	v61 =	vsel vm9, $0x3F800000, v0;
	v36 =	vmul.f32 v37, v56  }
0x185: {  	v7 =	vld [tilespmem:$0xC80];
	v4 =	vsel vm14, $0x3F800000, v0;
	v31 =	vadd.f32 v47, v61;
	v23 =	vadd.f32 v55, v38  }
0x186: {  	v9 =	vld [tilespmem:$0xD00];
	vm11 =	vle.f32 v44, v36;
	vm12 =	vle.f32 v57, v36;
	vm13 =	vle.f32 v35, v36  }
0x187: {  	v59 =	vld [tilespmem:$0xC90];
	v31 =	vadd.f32 v31, v52;
	vm15 =	vle.f32 v30, v36;
	vm4 =	vle.f32 v46, v36  }
0x188: {  	v35 =	vld [tilespmem:$0xC10];
	v56 =	vsel vm11, $0x3F800000, v0;
	v57 =	vsel vm12, $0x3F800000, v0;
	v48 =	vadd.f32 v48, v23  }
0x189: {  	v60 =	vld [tilespmem:$0xE00];
	vm5 =	vle.f32 v49, v36;
	vm9 =	vle.f32 v24, v36;
	v33 =	vadd.f32 v57, v56  }
0x18a: {  	v51 =	vld [tilespmem:$0x1180];
	v58 =	vsel vm13, $0x3F800000, v0;
	v30 =	vsel vm15, $0x3F800000, v0;
	v29 =	vadd.f32 v29, v48  }
0x18b: {  	v28 =	vld [tilespmem:$0xD10];
	v46 =	vsel vm4, $0x3F800000, v0;
	v63 =	vadd.f32 v33, v58;
	v33 =	vadd.f32 v7, v41  }
0x18c: {  	v39 =	vld [tilespmem:$0xF90];
	v61 =	vsel vm9, $0x3F800000, v0;
	v53 =	vmul.f32 v29, v22;
	v22 =	vadd.f32 v31, v4  }
0x18d: {  	v43 =	vld [tilespmem:$0xEC0];
	vm13 =	vle.f32 v37, v36;
	v52 =	vadd.f32 v59, v35;
	v40 =	vadd.f32 v9, v33  }
0x18e: {  	v62 =	vld [tilespmem:$0xE80];
	v27 =	vadd.f32 v63, v30;
	vm6 =	vle.f32 v34, v53;
	vm7 =	vle.f32 v5, v53  }
0x18f: {  	v54 =	vld [tilespmem:$0xE90];
	v34 =	vadd.f32 v50, v40;
	v6 =	vsel vm6, $0x3F800000, v0;
	v7 =	vsel vm7, $0x3F800000, v0  }
0x190: {  	v47 =	vld [tilespmem:$0xF00];
	vm8 =	vle.f32 v8, v53;
	v27 =	vadd.f32 v27, v46;
	v46 =	vadd.f32 v7, v6  }
0x191: {  	v30 =	vld [tilespmem:$0xE10];
	v5 =	vsel vm5, $0x3F800000, v0;
	v8 =	vsel vm8, $0x3F800000, v0;
	v26 =	vadd.f32 v60, v34  }
0x192: {  	v55 =	vld [tilespmem:$0xDA0];
	vm10 =	vle.f32 v32, v53;
	v24 =	vadd.f32 v46, v8;
	v46 =	vadd.f32 v28, v52  }
0x193: {  	v56 =	vld [tilespmem:$0xE20];
	v27 =	vadd.f32 v27, v5;
	v32 =	vadd.f32 v62, v26;
	v62 =	vsel vm10, $0x3F800000, v0  }
0x194: {  	v57 =	vld [tilespmem:$0xC30];
	vm11 =	vle.f32 v38, v53;
	v49 =	vadd.f32 v24, v62;
	v36 =	vadd.f32 v42, v46  }
0x195: {  	v31 =	vld [tilespmem:$0xF10];
	v63 =	vsel vm11, $0x3F800000, v0;
	v24 =	vadd.f32 v27, v61;
	v47 =	vadd.f32 v47, v32  }
0x196: {  	v9 =	vld [tilespmem:$0xCA0];
	vm12 =	vle.f32 v23, v53;
	v27 =	vadd.f32 v49, v63;
	v30 =	vadd.f32 v30, v36  }
0x197: {  	v59 =	vld [tilespmem:$0xEB0];
	vm14 =	vle.f32 v48, v53;
	v4 =	vsel vm12, $0x3F800000, v0;
	v23 =	vadd.f32 v25, v47  }
0x198: {  	vm15 =	vle.f32 v29, v53;
	v60 =	vld [tilespmem:$0xD20];
	v27 =	vadd.f32 v27, v4;
	v29 =	vadd.f32 v54, v30  }
0x199: {  	v50 =	vld [tilespmem:$0x1190];
	v38 =	vsel vm15, $0x3F800000, v0;
	v5 =	vsel vm14, $0x3F800000, v0;
	v48 =	vmul.f32 v23, v51  }
0x19a: {  	v6 =	vld [tilespmem:$0xD30];
	v25 =	vsel vm13, $0x3F800000, v0;
	v37 =	vadd.f32 v27, v5;
	v31 =	vadd.f32 v31, v29  }
0x19b: {  	v28 =	vld [tilespmem:$0xEA0];
	vm4 =	vle.f32 v41, v48;
	vm5 =	vle.f32 v33, v48;
	v41 =	vadd.f32 v9, v45  }
0x19c: {  	v27 =	vld [tilespmem:$0xCB0];
	vm6 =	vle.f32 v40, v48;
	vm7 =	vle.f32 v34, v48;
	vm8 =	vle.f32 v26, v48  }
0x19d: {  	v62 =	vld [tilespmem:$0xC40];
	vm9 =	vle.f32 v32, v48;
	vm10 =	vle.f32 v47, v48;
	v40 =	vadd.f32 v60, v41  }
0x19e: {  	v49 =	vld [tilespmem:$0xF20];
	vm11 =	vle.f32 v23, v48;
	v7 =	vsel vm4, $0x3F800000, v0;
	v39 =	vadd.f32 v39, v31  }
0x19f: {  	v63 =	vld [tilespmem:$0xCC0];
	v8 =	vsel vm5, $0x3F800000, v0;
	v58 =	vsel vm6, $0x3F800000, v0;
	v55 =	vadd.f32 v55, v40  }
0x1a0: {  	v9 =	vld [tilespmem:$0xDB0];
	v61 =	vsel vm7, $0x3F800000, v0;
	v33 =	vsel vm8, $0x3F800000, v0;
	v5 =	vmul.f32 v39, v50  }
0x1a1: {  	v42 =	vld [tilespmem:$0xFA0];
	v26 =	vsel vm10, $0x3F800000, v0;
	v50 =	vadd.f32 v56, v55;
	v56 =	vadd.f32 v27, v57  }
0x1a2: {  	v4 =	vld [tilespmem:$0xE30];
	v23 =	vsel vm11, $0x3F800000, v0;
	v53 =	vadd.f32 v8, v7;
	vm12 =	vle.f32 v35, v5  }
0x1a3: {  	vm13 =	vle.f32 v52, v5;
	v35 =	vadd.f32 v28, v50;
	v44 =	vadd.f32 v6, v56;
	v6 =	vld [tilespmem:$0xD40]  }
0x1a4: {  	v51 =	vld [tilespmem:$0x11A0];
	vm14 =	vle.f32 v46, v5;
	v46 =	vadd.f32 v63, v62;
	vm15 =	vle.f32 v36, v5  }
0x1a5: {  	v7 =	vld [tilespmem:$0xDC0];
	vm4 =	vle.f32 v30, v5;
	v49 =	vadd.f32 v49, v35;
	v52 =	vadd.f32 v9, v44  }
0x1a6: {  	v60 =	vld [tilespmem:$0xF30];
	vm7 =	vle.f32 v29, v5;
	vm8 =	vle.f32 v31, v5;
	vm3 =	vle.f32 v39, v5  }
0x1a7: {  	v63 =	vld [tilespmem:$0xE40];
	v27 =	vsel vm9, $0x3F800000, v0;
	v36 =	vadd.f32 v42, v49;
	v42 =	vadd.f32 v4, v52  }
0x1a8: {  	v47 =	vld [tilespmem:$0xFB0];
	v34 =	vsel vm13, $0x3F800000, v0;
	v30 =	vsel vm14, $0x3F800000, v0;
	v48 =	vadd.f32 v6, v46  }
0x1a9: {  	v8 =	vld [tilespmem:$0xF40];
	v39 =	vsel vm15, $0x3F800000, v0;
	v51 =	vmul.f32 v36, v51;
	v59 =	vadd.f32 v59, v42  }
0x1aa: {  	v32 =	vsel vm7, $0x3F800000, v0;
	v28 =	vsel vm12, $0x3F800000, v0;
	v9 =	vld [tilespmem:$0xCD0];
	v54 =	vadd.f32 v7, v48  }
0x1ab: {  	v4 =	vld [tilespmem:$0xC50];
	vm2 =	vle.f32 v45, v51;
	v45 =	vadd.f32 v60, v59;
	vm1 =	vle.f32 v41, v51  }
0x1ac: {  	v31 =	vld [tilespmem:$0xFC0];
	vm0 =	vle.f32 v40, v51;
	v40 =	vsel vm4, $0x3F800000, v0;
	v41 =	vadd.f32 v63, v54  }
0x1ad: {  	v5 =	vld [tilespmem:$0xD50];
	vm5 =	vle.f32 v55, v51;
	vm6 =	vle.f32 v50, v51;
	v47 =	vadd.f32 v47, v45  }
0x1ae: {  	v6 =	vld [tilespmem:$0xDD0];
	vm10 =	vle.f32 v35, v51;
	vm11 =	vle.f32 v49, v51;
	v43 =	vadd.f32 v43, v41  }
0x1af: {  	vm14 =	vle.f32 v36, v51;
	v35 =	vsel vm8, $0x3F800000, v0;
	v63 =	vld [tilespmem:$0x11C0];
	v1 =	vmul.f32 v47, v1  }
0x1b0: {  	v7 =	vld [tilespmem:$0xE50];
	v36 =	vsel vm3, $0x3F800000, v0;
	v51 =	vadd.f32 v9, v4;
	v29 =	vadd.f32 v8, v43  }
0x1b1: {  	v55 =	vld [tilespmem:$0xC60];
	vm15 =	vle.f32 v57, v1;
	vm13 =	vle.f32 v56, v1;
	vm9 =	vle.f32 v44, v1  }
0x1b2: {  	v49 =	vld [tilespmem:$0x11D0];
	v44 =	vadd.f32 v5, v51;
	vm12 =	vle.f32 v52, v1;
	v31 =	vadd.f32 v31, v29  }
0x1b3: {  	vm7 =	vle.f32 v42, v1;
	v5 =	vld [tilespmem:$0xCE0];
	vm4 =	vle.f32 v59, v1;
	v59 =	vsel vm2, $0x3F800000, v0  }
0x1b4: {  	v8 =	vld [tilespmem:$0xED0];
	vm8 =	vle.f32 v45, v1;
	v50 =	vadd.f32 v6, v44;
	v52 =	vmul.f32 v31, v63  }
0x1b5: {  	v9 =	vld [tilespmem:$0xF50];
	vm2 =	vle.f32 v47, v1;
	v45 =	vsel vm1, $0x3F800000, v0;
	v6 =	vadd.f32 v53, v58  }
0x1b6: {  	v1 =	vld [tilespmem:$0xD60];
	v47 =	vadd.f32 v7, v50;
	vm1 =	vle.f32 v62, v52;
	v62 =	vsel vm0, $0x3F800000, v0  }
0x1b7: {  	v57 =	vld [tilespmem:$0xFD0];
	vm3 =	vle.f32 v46, v52;
	vm0 =	vle.f32 v48, v52;
	v48 =	vsel vm5, $0x3F800000, v0  }
0x1b8: {  	v46 =	vld [tilespmem:$0xDE0];
	v42 =	vadd.f32 v5, v55;
	vm5 =	vle.f32 v54, v52;
	v54 =	vsel vm6, $0x3F800000, v0  }
0x1b9: {  	v63 =	vld [tilespmem:$0xE60];
	vm6 =	vle.f32 v41, v52;
	v2 =	vsel vm0, $0xFFFFFFFF, v2;
	v60 =	vadd.f32 v8, v47  }
0x1ba: {  	v41 =	vld [tilespmem:$0xC70];
	v8 =	vsel vm10, $0x3F800000, v0;
	vm10 =	vle.f32 v43, v52;
	v43 =	vsel vm11, $0x3F800000, v0  }
0x1bb: {  	vm11 =	vle.f32 v29, v52;
	v7 =	vadd.f32 v1, v42;
	v1 =	vld [tilespmem:$0xCF0];
	v56 =	vadd.f32 v9, v60  }
0x1bc: {  	v29 =	vld [tilespmem:$0xEE0];
	v9 =	vsel vm14, $0x3F800000, v0;
	vm14 =	vle.f32 v31, v52;
	v31 =	vadd.f32 v6, v61  }
0x1bd: {  	v10 =	vtrunc.f32 v10;
	[tilespmem:$0x1FF60] =	vst v2;
	v2 =	vld [tilespmem:$0xD70];
	v57 =	vadd.f32 v57, v56;
	v46 =	vadd.f32 v46, v7  }
0x1be: {  	v10 =	vcvt.f32.s32 v10;
	v24 =	vadd.f32 v24, v25;
	v25 =	vadd.f32 v37, v38  }
0x1bf: {  	v31 =	vadd.f32 v31, v33;
	v37 =	vmul.f32 v57, v49;
	v38 =	vadd.f32 v63, v46  }
0x1c0: {  	v28 =	vadd.f32 v34, v28;
	v53 =	vsel vm15, $0x3F800000, v0;
	v52 =	vld [tilespmem:$0xF60];
	v6 =	vadd.f32 v1, v41  }
0x1c1: {  	v49 =	vld [tilespmem:$0xDF0];
	v27 =	vadd.f32 v31, v27;
	vm15 =	vle.f32 v4, v37;
	v4 =	vadd.f32 v29, v38  }
0x1c2: {  	v58 =	vld [tilespmem:$0xFE0];
	v29 =	vsel vm13, $0x3F800000, v0;
	vm13 =	vle.f32 v51, v37;
	v5 =	vadd.f32 v2, v6  }
0x1c3: {  	v61 =	vld [tilespmem:$0xE70];
	v51 =	vsel vm9, $0x3F800000, v0;
	vm9 =	vle.f32 v44, v37;
	vm0 =	vle.f32 v60, v37  }
0x1c4: {  	v63 =	vld [tilespmem:$0x11E0];
	v31 =	vsel vm15, $0x3F800000, v0;
	v34 =	vsel vm13, $0x3F800000, v0;
	v29 =	vadd.f32 v29, v53  }
0x1c5: {  	v44 =	vadd.f32 v52, v4;
	v52 =	vsel vm12, $0x3F800000, v0;
	vm12 =	vle.f32 v50, v37  }
0x1c6: {  	v3 =	vld [tilespmem:$0xEF0];
	v50 =	vsel vm7, $0x3F800000, v0;
	v49 =	vadd.f32 v49, v5;
	v29 =	vadd.f32 v29, v51  }
0x1c7: {  	v53 =	vld [tilespmem:$0x1FFE0];
	vm7 =	vle.f32 v47, v37;
	v47 =	vadd.f32 v58, v44;
	v58 =	vsel vm4, $0x3F800000, v0  }
0x1c8: {  	v1 =	vld [tilespmem:$0xF70];
	vm4 =	vle.f32 v56, v37;
	v60 =	vadd.f32 v61, v49;
	v29 =	vadd.f32 v29, v52  }
0x1c9: {  	v56 =	vmul.f32 v47, v63;
	v63 =	vsel vm2, $0x3F800000, v0;
	vm2 =	vle.f32 v57, v37;
	v57 =	vld [tilespmem:$0x1FF60]  }
0x1ca: {  	v45 =	vadd.f32 v45, v59;
	v33 =	vsel vm1, $0x3F800000, v0;
	v2 =	vld [tilespmem:$0xFF0];
	v59 =	vadd.f32 v34, v31  }
0x1cb: {  	v37 =	vsel vm3, $0x3F800000, v0;
	v3 =	vadd.f32 v3, v60;
	v29 =	vadd.f32 v29, v50  }
0x1cc: {  	v61 =	vsel vm8, $0x3F800000, v0;
	v34 =	vtrunc.f32 v53;
	v33 =	vadd.f32 v37, v33  }
0x1cd: {  	v53 =	vtrunc.f32 v24;
	v1 =	vadd.f32 v1, v3;
	v29 =	vadd.f32 v29, v58  }
0x1ce: {  	vm8 =	vle.f32 v55, v56;
	v55 =	vld [tilespmem:$0x11F0];
	vm3 =	vle.f32 v42, v56;
	vm1 =	vnez.u8 v57  }
0x1cf: {  	v2 =	vadd.f32 v2, v1;
	v29 =	vadd.f32 v29, v61;
	v42 =	vsel vm1, $0x3F800000, v0  }
0x1d0: {  	vm1 =	vle.f32 v7, v56;
	v7 =	vsel vm5, $0x3F800000, v0;
	vm5 =	vle.f32 v46, v56  }
0x1d1: {  	v46 =	vsel vm6, $0x3F800000, v0;
	vm6 =	vle.f32 v38, v56;
	v38 =	vsel vm10, $0x3F800000, v0  }
0x1d2: {  	vm10 =	vle.f32 v4, v56;
	v4 =	vsel vm11, $0x3F800000, v0;
	vm11 =	vle.f32 v44, v56  }
0x1d3: {  	v57 =	vmul.f32 v2, v55;
	v55 =	vsel vm14, $0x3F800000, v0;
	vm14 =	vle.f32 v47, v56  }
0x1d4: {  	v47 =	vsel vm0, $0x3F800000, v0;
	v44 =	vsel vm1, $0x3F800000, v0;
	v29 =	vadd.f32 v29, v63  }
0x1d5: {  	v33 =	vadd.f32 v33, v42;
	vm15 =	vle.f32 v41, v57;
	vm13 =	vle.f32 v6, v57  }
0x1d6: {  	v6 =	vsel vm9, $0x3F800000, v0;
	vm9 =	vle.f32 v5, v57;
	v5 =	vsel vm12, $0x3F800000, v0  }
0x1d7: {  	vm12 =	vle.f32 v49, v57;
	v41 =	vsel vm7, $0x3F800000, v0;
	vm7 =	vle.f32 v60, v57  }
0x1d8: {  	vm0 =	vle.f32 v3, v57;
	v3 =	vsel vm4, $0x3F800000, v0;
	vm4 =	vle.f32 v1, v57  }
0x1d9: {  	v1 =	vsel vm2, $0x3F800000, v0;
	vm2 =	vle.f32 v2, v57;
	v2 =	vadd.f32 v27, v26  }
0x1da: {  	v49 =	vadd.f32 v28, v30;
	v28 =	vsel vm8, $0x3F800000, v0;
	v30 =	vsel vm3, $0x3F800000, v0  }
0x1db: {  	v26 =	vadd.f32 v45, v62;
	v45 =	vsel vm6, $0x3F800000, v0;
	v7 =	vadd.f32 v33, v7  }
0x1dc: {  	v57 =	vld [tilespmem:$0x1FF90];
	v51 =	vsel vm15, $0x3F800000, v0;
	v50 =	vsel vm9, $0x3F800000, v0;
	v6 =	vadd.f32 v59, v6  }
0x1dd: {  	v52 =	vsel vm0, $0x3F800000, v0;
	v27 =	vadd.f32 v49, v39;
	v48 =	vadd.f32 v26, v48  }
0x1de: {  	v63 =	vld [tilespmem:$0x1FFC0];
	v59 =	vtrunc.f32 v11;
	v2 =	vadd.f32 v2, v23;
	v7 =	vadd.f32 v7, v46  }
0x1df: {  	v39 =	vsel vm5, $0x3F800000, v0;
	v5 =	vadd.f32 v6, v5;
	v27 =	vadd.f32 v27, v40  }
0x1e0: {  	v58 =	vld [tilespmem:$0x1FFA0];
	v49 =	vsel vm10, $0x3F800000, v0;
	v48 =	vadd.f32 v48, v54;
	v7 =	vadd.f32 v7, v38  }
0x1e1: {  	v2 =	vtrunc.f32 v2;
	v37 =	vtrunc.f32 v57;
	v5 =	vadd.f32 v5, v41  }
0x1e2: {  	v2 =	vcvt.f32.s32 v2;
	v27 =	vadd.f32 v27, v32;
	v60 =	vcvt.f32.s32 v37  }
0x1e3: {  	[tilespmem:$0x1290] =	vst v10;
	v8 =	vadd.f32 v48, v8;
	v37 =	vtrunc.f32 v63;
	v63 =	vtrunc.f32 v13  }
0x1e4: {  	v54 =	vld [tilespmem:$0x1FF70];
	v4 =	vadd.f32 v7, v4;
	v42 =	vcvt.f32.s32 v37;
	v13 =	vcvt.f32.s32 v63;
	[tilespmem:$0x1380] =	vst v2  }
0x1e5: {  	v56 =	vld [tilespmem:$0x1FF80];
	v37 =	vtrunc.f32 v17;
	v8 =	vadd.f32 v8, v43;
	v43 =	vtrunc.f32 v58;
	[tilespmem:$0x1220] =	vst v60  }
0x1e6: {  	v57 =	vld [tilespmem:$0x1FFF0];
	v5 =	vadd.f32 v5, v47;
	v60 =	vtrunc.f32 v12;
	v7 =	vcvt.f32.s32 v37;
	[tilespmem:$0x1250] =	vst v42  }
0x1e7: {  	v12 =	vtrunc.f32 v14;
	v4 =	vadd.f32 v4, v55;
	v55 =	vcvt.f32.s32 v53;
	[tilespmem:$0x12C0] =	vst v13  }
0x1e8: {  	v27 =	vadd.f32 v27, v35;
	v61 =	vcvt.f32.s32 v43;
	v14 =	vcvt.f32.s32 v12;
	[tilespmem:$0x1300] =	vst v7  }
0x1e9: {  	v62 =	vld [tilespmem:$0x1FFB0];
	v42 =	vtrunc.f32 v19;
	v8 =	vadd.f32 v8, v9;
	v9 =	vtrunc.f32 v54;
	[tilespmem:$0x1360] =	vst v55  }
0x1ea: {  	v27 =	vadd.f32 v27, v36;
	v36 =	vtrunc.f32 v56;
	v56 =	vcvt.f32.s32 v34;
	[tilespmem:$0x1230] =	vst v61  }
0x1eb: {  	v26 =	vsel vm14, $0x3F800000, v0;
	v31 =	vtrunc.f32 v57;
	v6 =	vcvt.f32.s32 v42;
	[tilespmem:$0x12D0] =	vst v14  }
0x1ec: {  	v3 =	vadd.f32 v5, v3;
	v9 =	vcvt.f32.s32 v9;
	v36 =	vcvt.f32.s32 v36;
	[tilespmem:$0x1270] =	vst v56  }
0x1ed: {  	v23 =	vsel vm4, $0x3F800000, v0;
	v58 =	vcvt.f32.s32 v31;
	v31 =	vtrunc.f32 v15;
	[tilespmem:$0x1320] =	vst v6  }
0x1ee: {  	v1 =	vadd.f32 v3, v1;
	v3 =	vcvt.f32.s32 v31;
	[tilespmem:$0x1210] =	vst v36;
	v36 =	vtrunc.f32 v62  }
0x1ef: {  	v46 =	vtrunc.f32 v21;
	v32 =	vsel vm13, $0x3F800000, v0;
	[tilespmem:$0x1200] =	vst v9;
	v36 =	vcvt.f32.s32 v36  }
0x1f0: {  	v40 =	vsel vm11, $0x3F800000, v0;
	v38 =	vtrunc.f32 v18;
	[tilespmem:$0x12E0] =	vst v3;
	v3 =	vadd.f32 v32, v51  }
0x1f1: {  	v48 =	vsel vm12, $0x3F800000, v0;
	v61 =	vcvt.f32.s32 v59;
	[tilespmem:$0x1240] =	vst v36;
	v36 =	vadd.f32 v30, v28  }
0x1f2: {  	v47 =	vtrunc.f32 v22;
	v43 =	vld [tilespmem:$0x1FFD0];
	[tilespmem:$0x1280] =	vst v58;
	v62 =	vcvt.f32.s32 v60;
	v3 =	vadd.f32 v3, v50  }
0x1f3: {  	v57 =	vtrunc.f32 v27;
	[tilespmem:$0x12A0] =	vst v61;
	v9 =	vcvt.f32.s32 v38;
	v41 =	vadd.f32 v36, v44  }
0x1f4: {  	v35 =	vsel vm7, $0x3F800000, v0;
	v58 =	vcvt.f32.s32 v57;
	[tilespmem:$0x12B0] =	vst v62;
	v3 =	vadd.f32 v3, v48  }
0x1f5: {  	v60 =	vtrunc.f32 v29;
	v51 =	vcvt.f32.s32 v47;
	[tilespmem:$0x1310] =	vst v9;
	v5 =	vadd.f32 v41, v39  }
0x1f6: {  	v1 =	vtrunc.f32 v1;
	v61 =	vcvt.f32.s32 v60;
	[tilespmem:$0x1390] =	vst v58;
	v3 =	vadd.f32 v3, v35  }
0x1f7: {  	v33 =	vtrunc.f32 v43;
	v1 =	vcvt.f32.s32 v1;
	[tilespmem:$0x1350] =	vst v51;
	v5 =	vadd.f32 v5, v45  }
0x1f8: {  	v54 =	vcvt.f32.s32 v33;
	v33 =	vtrunc.f32 v16;
	[tilespmem:$0x13B0] =	vst v61;
	v3 =	vadd.f32 v3, v52  }
0x1f9: {  	v59 =	vtrunc.f32 v8;
	v34 =	vcvt.f32.s32 v33;
	[tilespmem:$0x13D0] =	vst v1;
	v5 =	vadd.f32 v5, v49  }
0x1fa: {  	v43 =	vtrunc.f32 v20;
	v50 =	vcvt.f32.s32 v46;
	[tilespmem:$0x1260] =	vst v54;
	v2 =	vadd.f32 v3, v23  }
0x1fb: {  	v62 =	vsel vm2, $0x3F800000, v0;
	[tilespmem:$0x12F0] =	vst v34;
	v44 =	vcvt.f32.s32 v43;
	v5 =	vadd.f32 v5, v40  }
0x1fc: {  	v54 =	vtrunc.f32 v25;
	[tilespmem:$0x1340] =	vst v50;
	v3 =	vcvt.f32.s32 v59;
	v2 =	vadd.f32 v2, v62  }
0x1fd: {  	v4 =	vtrunc.f32 v4;
	v56 =	vcvt.f32.s32 v54;
	[tilespmem:$0x1330] =	vst v44;
	v5 =	vadd.f32 v5, v26  }
0x1fe: {  	[tilespmem:$0x13A0] =	vst v3;
	v3 =	vcvt.f32.s32 v4;
	v2 =	vtrunc.f32 v2  }
0x1ff: {  	[tilespmem:$0x1370] =	vst v56;
	v1 =	vcvt.f32.s32 v2;
	v63 =	vtrunc.f32 v5  }
0x200: {  	[tilespmem:$0x13C0] =	vst v3;
	v3 =	vcvt.f32.s32 v63  }
0x201: {  	p0 =	sne.s32 s10, $0x1;
	[tilespmem:$0x13F0] =	vst v1  }
.Ltmp0:
0x202: {  	s31 =	rddreg [dreg:$0x5];
	[tilespmem:$0x13E0] =	vst v3;
	(pc) =	sbr.rel @p0 .LBB2_1-.Ltmp0, $4  }
0x203: {  	[hbm4b:s31+s2] =	stream.linear.scatter [tilespmem:s16], [sflag:$0x1], $0x200, $0x38;
	[tilespmem:$0x1400] =	vst v63  }
0x204: {  	_ =	swait.ge [sflag:s11], $0x200  }
0x205: {  	[sflag:s11] =	ssyncset.done $0x0  }
0x206: {  	s10 =	sadd.s32 $0xFFFFFFFF, s10;
	[sflag:s11] =	ssyncadd.s32 $0xFFFFFE00  }
0x207: {  	_ =	sfence.sel $0x180000  }
0x208: {  	[bflag:$0x0] =	sbarrier.arrive $0xFFFF  }
0x209: {  	p0 =	sne.s32 s0, $0x0;
	_ =	strace $0x90000047  }
0x20a: {  	s0 =	sadd.s32 @!p0 $0x100000, s1;
	[bflag:$0x2] =	sbarrier.arrive $0xFFFF  }
0x20b: {  	[sflag:s0] =	ssyncadd.tile.s32 @!p0 $0x1;
	_ =	shalt  }
.Lfunc_end2:
_tile_overlayer_lowered:
.L_overlay_start_2:
0x20c: {  	(tag) =	ssettag $0x2  }
0x20d: {  	s0 =	rddreg [dreg:$0x0];
	s2 =	stileid.u32  }
0x20e: {  	s1 =	rddreg [dreg:$0x1];
	p0 =	sne.s32 s2, $0x0  }
0x20f: {  	s3 =	rddreg [dreg:$0x2];
	[bflag:$0x3] =	sbarrier.arrive $0xFFFF;
	s2 =	simm.s32 @!p0 $0x1C01  }
0x210: {  	[timem:s3], [sflag:s2] =	dma.local @!p0 [hbm:s0], s1  }
0x211: {  	s0 =	simm.s32 @!p0 $0x1  }
0x212: {  	_ =	swait.ge @!p0 [sflag:s0], s1  }
0x213: {  	s1 =	ssub.s32 @!p0 $0x0, s1;
	[sflag:s0] =	ssyncset.done @!p0 $0x0  }
0x214: {  	[sflag:s0] =	ssyncadd.s32 @!p0 s1  }
0x215: {  	[bflag:$0x3] =	sbarrier.arrive $0xFFFF  }
0x216: {  	_ =	shalt  }

</sc_bundles>
